<compile_context>
chip_gen: v7x
topology: tpu7x:2x2x1
jax: 0.10.2.dev20260603
libtpu: 0.0.44.dev20260713+nightly
codegen_flags: <defaults>
</compile_context>

<pallas_src>
import functools

import jax
import jax.numpy as jnp
from jax import lax
from jax.experimental import pallas as pl
from jax.experimental.pallas import tpu as pltpu
from jax.experimental.pallas import tpu_sc as plsc

N_NODES = 10000
N_EDGES = 160000
IN_FEATS = 256
N_HIDDEN = 512
N_CLASSES = 64

NC = 2
NS = 16
NB = 125
N_PAD = 10240
STRIPE = N_PAD // NS

ROW_BLK = 1024
N_BLKS = N_PAD // ROW_BLK

_SC_MESH = dict(core_axis_name="c", subcore_axis_name="s")


def _deg_kernel_body(src_t, dst_t, zeros_hbm, out_ref, idx_v, ones_v, hist_sp):
    c = lax.axis_index("c")
    s = lax.axis_index("s")

    @pl.when(c == 0)
    def _():
        pltpu.sync_copy(src_t.at[s], idx_v)

    @pl.when(c == 1)
    def _():
        pltpu.sync_copy(dst_t.at[s], idx_v)

    def fill_ones(i, _):
        ones_v[pl.ds(16 * i, 16)] = jnp.full((16,), 1.0, dtype=jnp.float32)
        return 0

    lax.fori_loop(0, 80 // 16, fill_ones, 0)

    pltpu.sync_copy(zeros_hbm, hist_sp.at[pl.ds(STRIPE * s, STRIPE)])
    plsc.subcore_barrier()

    def add_block(j, _):
        pltpu.sync_copy(ones_v, hist_sp.at[idx_v.at[j]], add=True)
        return 0

    lax.fori_loop(0, NB, add_block, 0)
    plsc.subcore_barrier()
    pltpu.sync_copy(hist_sp.at[pl.ds(STRIPE * s, STRIPE)],
                    out_ref.at[c].at[pl.ds(STRIPE * s, STRIPE)])


_deg_kernel = functools.partial(
    pl.kernel,
    out_type=jax.ShapeDtypeStruct((NC, N_PAD), jnp.float32),
    mesh=plsc.VectorSubcoreMesh(**_SC_MESH),
    scratch_types=[
        pltpu.VMEM((NB, 80), jnp.int32),
        pltpu.VMEM((80,), jnp.float32),
        pltpu.VMEM_SHARED((N_PAD,), jnp.float32),
    ],
)(_deg_kernel_body)


def _make_agg(P, split, dtype=jnp.float32):
    W = 128
    R = 1 if split else P // NC
    BB = 40
    NBK = 125 if split else 250
    K = 9
    G = 5
    S = 2
    I = 7

    def body(h_ref, sd_ref, zeros_hbm, out_ref, idx_v, gbuf, acc,
             isem, gsem, ssem):
        c = lax.axis_index("c")
        s = lax.axis_index("s")
        sd_me = sd_ref.at[c].at[s] if split else sd_ref.at[s]

        def idx_start(j, buf):
            pltpu.make_async_copy(sd_me.at[j], idx_v.at[buf],
                                  isem.at[buf]).start()

        def idx_wait(j, buf):
            pltpu.make_async_copy(sd_me.at[j], idx_v.at[buf],
                                  isem.at[buf]).wait()

        for r in range(R):
            slab = 0 if split else NC * r + c
            h_slab = h_ref.at[slab]

            def gather_start(j, buf):
                pltpu.make_async_copy(
                    h_slab.at[idx_v.at[buf].at[0]],
                    gbuf.at[buf], gsem.at[buf]).start()

            def gather_wait(j, buf):
                pltpu.make_async_copy(
                    h_slab.at[idx_v.at[buf].at[0]],
                    gbuf.at[buf], gsem.at[buf]).wait()

            def scatter_start(j, buf):
                pltpu.async_copy(gbuf.at[buf], acc.at[idx_v.at[buf].at[1]],
                                 ssem.at[buf], add=True)

            def scatter_wait(j, buf):
                pltpu.make_async_copy(gbuf.at[buf], acc.at[idx_v.at[buf].at[1]],
                                      ssem.at[buf]).wait()

            for t in range(I):
                idx_start(t, t)
            pltpu.sync_copy(zeros_hbm, acc.at[pl.ds(STRIPE * s, STRIPE)])
            for t in range(G):
                idx_wait(t, t)
                gather_start(t, t)
            plsc.subcore_barrier()

            def step(j, _):
                buf = lax.rem(j, K)
                gather_wait(j, buf)
                scatter_start(j, buf)

                @pl.when(j >= S)
                def _():
                    scatter_wait(j - S, lax.rem(j + K - S, K))

                @pl.when(j + G < NBK)
                def _():
                    bg = lax.rem(j + G, K)
                    idx_wait(j + G, bg)
                    gather_start(j + G, bg)

                @pl.when(j + I < NBK)
                def _():
                    idx_start(j + I, lax.rem(j + I, K))

                return 0

            lax.fori_loop(0, NBK, step, 0)
            for t in range(S):
                scatter_wait(NBK - S + t, (NBK - S + t) % K)
            plsc.subcore_barrier()
            dst_slab = out_ref.at[c] if split else out_ref.at[slab]
            pltpu.sync_copy(acc.at[pl.ds(STRIPE * s, STRIPE)],
                            dst_slab.at[pl.ds(STRIPE * s, STRIPE)])
            if r + 1 < R:
                plsc.subcore_barrier()

    out_slabs = NC if split else P
    return functools.partial(
        pl.kernel,
        out_type=jax.ShapeDtypeStruct((out_slabs, N_PAD, W), dtype),
        mesh=plsc.VectorSubcoreMesh(**_SC_MESH),
        scratch_types=[
            pltpu.VMEM((K, 2, BB), jnp.int32),
            pltpu.VMEM((K, BB, W), dtype),
            pltpu.VMEM_SHARED((N_PAD, W), dtype),
            pltpu.SemaphoreType.DMA((K,)),
            pltpu.SemaphoreType.DMA((K,)),
            pltpu.SemaphoreType.DMA((K,)),
        ],
    )(body)


_agg_256 = _make_agg(2, split=False)
_agg_512 = _make_agg(4, split=False)
_agg_64 = _make_agg(1, split=True)


def _norms(deg_ref):
    dsrc = deg_ref[0, :]
    ddst = deg_ref[1, :]
    ns = jnp.where(dsrc > 0, lax.rsqrt(jnp.maximum(dsrc, 1.0)), 0.0)
    nd = jnp.where(ddst > 0, lax.rsqrt(jnp.maximum(ddst, 1.0)), 0.0)
    return ns, nd


def _tc_a_body(deg_ref, feat_ref, out_ref):
    ns, _ = _norms(deg_ref)
    x = feat_ref[...] * ns[:, None]
    out_ref[0] = x[:, 0:128]
    out_ref[1] = x[:, 128:256]


def _tc_b_body(deg_ref, agg_ref, w0_ref, b0_ref, out_ref):
    ns, nd = _norms(deg_ref)
    acc = jnp.dot(agg_ref[0], w0_ref[0:128, :], preferred_element_type=jnp.float32)
    acc += jnp.dot(agg_ref[1], w0_ref[128:256, :], preferred_element_type=jnp.float32)
    h1 = jnp.maximum(acc * nd[:, None] + b0_ref[...], 0.0) * ns[:, None]
    for q in range(4):
        out_ref[q] = h1[:, 128 * q:128 * (q + 1)]


def _tc_c_body(deg_ref, agg_ref, w1_ref, b1_ref, w2_ref, out_ref):
    ns, nd = _norms(deg_ref)
    acc = jnp.dot(agg_ref[0], w1_ref[0:128, :], preferred_element_type=jnp.float32)
    for p in range(1, 4):
        acc += jnp.dot(agg_ref[p], w1_ref[128 * p:128 * (p + 1), :],
                       preferred_element_type=jnp.float32)
    t = jnp.maximum(acc * nd[:, None] + b1_ref[...], 0.0) * ns[:, None]
    z = jnp.dot(t, w2_ref[...], preferred_element_type=jnp.float32)
    out_ref[0] = jnp.concatenate([z, jnp.zeros_like(z)], axis=1)


def _tc_d_body(deg_ref, agg_ref, b2_ref, out_ref):
    _, nd = _norms(deg_ref)
    y = agg_ref[0, :, 0:N_CLASSES] + agg_ref[1, :, 0:N_CLASSES]
    out_ref[...] = y * nd[:, None] + b2_ref[...]


def _deg_spec():
    return pl.BlockSpec((NC, ROW_BLK), lambda i: (0, i))


def _slab_spec(p, w=128):
    return pl.BlockSpec((p, ROW_BLK, w), lambda i: (0, i, 0))


def _full_spec(shape):
    nd = len(shape)
    return pl.BlockSpec(shape, lambda i: (0,) * nd)


def kernel(features, edge_index, W0, b0, W1, b1, W2, b2):
    ei = edge_index.astype(jnp.int32)
    src = ei[0]
    dst = ei[1]
    src_t = src.reshape(NS, NB, 80)
    dst_t = dst.reshape(NS, NB, 80)
    sd_a = jnp.stack([src.reshape(NS, 250, 40), dst.reshape(NS, 250, 40)],
                     axis=2)
    sd_s = jnp.stack([src.reshape(NC, NS, 125, 40),
                      dst.reshape(NC, NS, 125, 40)], axis=3)
    z1 = jnp.zeros((STRIPE,), jnp.float32)
    z128 = jnp.zeros((STRIPE, 128), jnp.float32)
    b0r = b0.reshape(1, N_HIDDEN)
    b1r = b1.reshape(1, N_HIDDEN)
    b2r = b2.reshape(1, N_CLASSES)
    featp = jnp.pad(features, ((0, N_PAD - N_NODES), (0, 0)))

    deg = _deg_kernel(src_t, dst_t, z1)

    h0s = pl.pallas_call(
        _tc_a_body,
        grid=(N_BLKS,),
        in_specs=[_deg_spec(), pl.BlockSpec((ROW_BLK, IN_FEATS), lambda i: (i, 0))],
        out_specs=_slab_spec(2),
        out_shape=jax.ShapeDtypeStruct((2, N_PAD, 128), jnp.float32),
    )(deg, featp)

    agg0 = _agg_256(h0s, sd_a, z128)

    h1s = pl.pallas_call(
        _tc_b_body,
        grid=(N_BLKS,),
        in_specs=[_deg_spec(), _slab_spec(2),
                  _full_spec((IN_FEATS, N_HIDDEN)), _full_spec((1, N_HIDDEN))],
        out_specs=_slab_spec(4),
        out_shape=jax.ShapeDtypeStruct((4, N_PAD, 128), jnp.float32),
    )(deg, agg0, W0, b0r)

    agg1 = _agg_512(h1s, sd_a, z128)

    z2 = pl.pallas_call(
        _tc_c_body,
        grid=(N_BLKS,),
        in_specs=[_deg_spec(), _slab_spec(4),
                  _full_spec((N_HIDDEN, N_HIDDEN)), _full_spec((1, N_HIDDEN)),
                  _full_spec((N_HIDDEN, N_CLASSES))],
        out_specs=_slab_spec(1),
        out_shape=jax.ShapeDtypeStruct((1, N_PAD, 128), jnp.float32),
    )(deg, agg1, W1, b1r, W2)

    agg2 = _agg_64(z2, sd_s, z128)

    out = pl.pallas_call(
        _tc_d_body,
        grid=(N_BLKS,),
        in_specs=[_deg_spec(), _slab_spec(2), _full_spec((1, N_CLASSES))],
        out_specs=pl.BlockSpec((ROW_BLK, N_CLASSES), lambda i: (i, 0)),
        out_shape=jax.ShapeDtypeStruct((N_PAD, N_CLASSES), jnp.float32),
    )(deg, agg2, b2r)

    return out[:N_NODES]

# --- scband reference (transcript-rebuilt; emitter-appended) ---
"""Pipeline reference for scband-gcn-23210003268288 (READ-ONLY COPY).

The authoritative reference and input builder live on the scoring server;
editing this copy changes nothing except your own understanding.
"""

import jax, jax.numpy as jnp
import numpy as np

N_NODES = 10000
N_EDGES = 160000
IN_FEATS = 256
N_HIDDEN = 512
N_CLASSES = 64


def setup_inputs(seed: int = 0) -> dict:
    key = jax.random.key(seed)
    k1, k2, k3, k4, k5 = jax.random.split(key, 5)
    features = jax.random.normal(k1, (N_NODES, IN_FEATS), dtype=jnp.float32)
    edge_index = jax.random.randint(k2, (2, N_EDGES), 0, N_NODES, dtype=jnp.int64)
    # GraphConv weights (glorot-like scale) for layers: in->hidden, hidden->hidden, hidden->classes
    W0 = jax.random.normal(k3, (IN_FEATS, N_HIDDEN), dtype=jnp.float32) * (1.0 / np.sqrt(IN_FEATS))
    b0 = jnp.zeros((N_HIDDEN,), dtype=jnp.float32)
    W1 = jax.random.normal(k4, (N_HIDDEN, N_HIDDEN), dtype=jnp.float32) * (1.0 / np.sqrt(N_HIDDEN))
    b1 = jnp.zeros((N_HIDDEN,), dtype=jnp.float32)
    W2 = jax.random.normal(k5, (N_HIDDEN, N_CLASSES), dtype=jnp.float32) * (1.0 / np.sqrt(N_HIDDEN))
    b2 = jnp.zeros((N_CLASSES,), dtype=jnp.float32)
    return {"features": features, "edge_index": edge_index,
            "W0": W0, "b0": b0, "W1": W1, "b1": b1, "W2": W2, "b2": b2}


def _graph_conv(h, W, b, src, dst, norm_src, norm_dst, activation):
    # DGL GraphConv with norm='both', allow_zero_in_degree=True
    h = h * norm_src[:, None]
    h = h @ W
    m = jnp.take(h, src, axis=0)                       # gather along edges (src)
    out = jax.ops.segment_sum(m, dst, num_segments=N_NODES)  # scatter-add to dst
    out = out * norm_dst[:, None]
    out = out + b
    if activation:
        out = jax.nn.relu(out)
    return out


def reference(features, edge_index, W0, b0, W1, b1, W2, b2):
    src = edge_index[0]
    dst = edge_index[1]
    out_deg = jnp.bincount(src, length=N_NODES).astype(jnp.float32)
    in_deg = jnp.bincount(dst, length=N_NODES).astype(jnp.float32)
    norm_src = jnp.where(out_deg > 0, jax.lax.rsqrt(jnp.maximum(out_deg, 1.0)), 0.0)
    norm_dst = jnp.where(in_deg > 0, jax.lax.rsqrt(jnp.maximum(in_deg, 1.0)), 0.0)
    h = features
    # dropout is identity in eval mode
    h = _graph_conv(h, W0, b0, src, dst, norm_src, norm_dst, activation=True)
    h = _graph_conv(h, W1, b1, src, dst, norm_src, norm_dst, activation=True)
    h = _graph_conv(h, W2, b2, src, dst, norm_src, norm_dst, activation=False)
    return h

if __name__ == "__main__":
    import jax
    _d = setup_inputs()
    print(jax.jit(kernel)(*tuple(_d.values())))

</pallas_src>

<mosaic_0001>
#map = affine_map<(d0, d1) -> (0, 0, 0)>
#map1 = affine_map<(d0, d1) -> (0, 0, 0, 0)>
#map2 = affine_map<(d0, d1) -> (0, 0)>
module attributes {stable_mosaic.version = 14 : i64} {
  func.func @body(%arg0: i32, %arg1: i32, %arg2: memref<4x10240x128xf32, #tpu.memory_space<hbm>>, %arg3: memref<16x250x2x40xi32, #tpu.memory_space<hbm>>, %arg4: memref<640x128xf32, #tpu.memory_space<hbm>>, %arg5: memref<4x10240x128xf32, #tpu.memory_space<hbm>>, %arg6: memref<9x2x40xi32, #tpu.memory_space<vmem>>, %arg7: memref<9x40x128xf32, #tpu.memory_space<vmem>>, %arg8: memref<10240x128xf32, #tpu.memory_space<vmem_shared>>, %arg9: memref<9x!tpu.dma_semaphore, #tpu.memory_space<semaphore_mem>>, %arg10: memref<9x!tpu.dma_semaphore, #tpu.memory_space<semaphore_mem>>, %arg11: memref<9x!tpu.dma_semaphore, #tpu.memory_space<semaphore_mem>>) attributes {dimension_semantics = [#tpu.dimension_semantics<core_parallel>, #tpu.dimension_semantics<subcore_parallel>], iteration_bounds = array<i64: 2, 16>, scalar_prefetch = 0 : i64, scratch_operands = 6 : i64, tpu.core_type = #tpu.core_type<sc_vector_subcore>, window_params = [{transform_indices = #map}, {transform_indices = #map1}, {transform_indices = #map2}, {transform_indices = #map}]} {
    %add3A = arith.constant 0 : i32
    %add3A_0 = arith.addi %add3A, %arg0 : i32
    %dma_start3A = arith.constant 0 : i32
    %dma_start3A_1 = arith.constant 0 : i32
    %dma_start3A_2 = arith.constant 0 : i32
    %dma_start3A_3 = arith.constant 0 : i32
    %dma_start3A_4 = arith.constant 0 : i32
    %dma_start3A_5 = tpu.memref_slice %arg6[%dma_start3A_1, %dma_start3A_3, %dma_start3A_4] : memref<9x2x40xi32, #tpu.memory_space<vmem>> -> memref<1x2x40xi32, #tpu.memory_space<vmem>>
    %dma_start3A_6 = tpu.memref_squeeze %dma_start3A_5 : memref<1x2x40xi32, #tpu.memory_space<vmem>> -> memref<2x40xi32, #tpu.memory_space<vmem>>
    %dma_start3A_7 = arith.constant 0 : i32
    %dma_start3A_8 = arith.constant 0 : i32
    %dma_start3A_9 = arith.constant 0 : i32
    %dma_start3A_10 = tpu.memref_slice %arg3[%arg1, %dma_start3A_7, %dma_start3A_8, %dma_start3A_9] : memref<16x250x2x40xi32, #tpu.memory_space<hbm>> -> memref<1x250x2x40xi32, #tpu.memory_space<hbm>>
    %dma_start3A_11 = tpu.memref_squeeze %dma_start3A_10 : memref<1x250x2x40xi32, #tpu.memory_space<hbm>> -> memref<250x2x40xi32, #tpu.memory_space<hbm>>
    %dma_start3A_12 = arith.constant 0 : i32
    %dma_start3A_13 = arith.constant 0 : i32
    %dma_start3A_14 = tpu.memref_slice %dma_start3A_11[%dma_start3A, %dma_start3A_12, %dma_start3A_13] : memref<250x2x40xi32, #tpu.memory_space<hbm>> -> memref<1x2x40xi32, #tpu.memory_space<hbm>>
    %dma_start3A_15 = tpu.memref_squeeze %dma_start3A_14 : memref<1x2x40xi32, #tpu.memory_space<hbm>> -> memref<2x40xi32, #tpu.memory_space<hbm>>
    %dma_start3A_16 = tpu.memref_slice %arg9[%dma_start3A_2] : memref<9x!tpu.dma_semaphore, #tpu.memory_space<semaphore_mem>> -> memref<1x!tpu.dma_semaphore, #tpu.memory_space<semaphore_mem>>
    %dma_start3A_17 = tpu.memref_squeeze %dma_start3A_16 : memref<1x!tpu.dma_semaphore, #tpu.memory_space<semaphore_mem>> -> memref<!tpu.dma_semaphore, #tpu.memory_space<semaphore_mem>>
    %dma_start3A_18 = arith.constant 0 : i32
    %dma_start3A_19 = arith.constant 0 : i32
    %dma_start3A_20 = tpu.memref_slice %arg6[%dma_start3A_1, %dma_start3A_18, %dma_start3A_19] : memref<9x2x40xi32, #tpu.memory_space<vmem>> -> memref<1x2x40xi32, #tpu.memory_space<vmem>>
    %dma_start3A_21 = tpu.memref_squeeze %dma_start3A_20 : memref<1x2x40xi32, #tpu.memory_space<vmem>> -> memref<2x40xi32, #tpu.memory_space<vmem>>
    %dma_start3A_22 = arith.constant 0 : i32
    %dma_start3A_23 = arith.constant 0 : i32
    %dma_start3A_24 = arith.constant 0 : i32
    %dma_start3A_25 = tpu.memref_slice %arg3[%arg1, %dma_start3A_22, %dma_start3A_23, %dma_start3A_24] : memref<16x250x2x40xi32, #tpu.memory_space<hbm>> -> memref<1x250x2x40xi32, #tpu.memory_space<hbm>>
    %dma_start3A_26 = tpu.memref_squeeze %dma_start3A_25 : memref<1x250x2x40xi32, #tpu.memory_space<hbm>> -> memref<250x2x40xi32, #tpu.memory_space<hbm>>
    %dma_start3A_27 = arith.constant 0 : i32
    %dma_start3A_28 = arith.constant 0 : i32
    %dma_start3A_29 = tpu.memref_slice %dma_start3A_26[%dma_start3A, %dma_start3A_27, %dma_start3A_28] : memref<250x2x40xi32, #tpu.memory_space<hbm>> -> memref<1x2x40xi32, #tpu.memory_space<hbm>>
    %dma_start3A_30 = tpu.memref_squeeze %dma_start3A_29 : memref<1x2x40xi32, #tpu.memory_space<hbm>> -> memref<2x40xi32, #tpu.memory_space<hbm>>
    tpu.enqueue_dma source(%dma_start3A_30 : memref<2x40xi32, #tpu.memory_space<hbm>>) target(%dma_start3A_21 : memref<2x40xi32, #tpu.memory_space<vmem>>) target_semaphore(%dma_start3A_17 : memref<!tpu.dma_semaphore, #tpu.memory_space<semaphore_mem>>)
    %dma_start3A_31 = arith.constant 1 : i32
    %dma_start3A_32 = arith.constant 1 : i32
    %dma_start3A_33 = arith.constant 1 : i32
    %dma_start3A_34 = arith.constant 0 : i32
    %dma_start3A_35 = arith.constant 0 : i32
    %dma_start3A_36 = tpu.memref_slice %arg6[%dma_start3A_32, %dma_start3A_34, %dma_start3A_35] : memref<9x2x40xi32, #tpu.memory_space<vmem>> -> memref<1x2x40xi32, #tpu.memory_space<vmem>>
    %dma_start3A_37 = tpu.memref_squeeze %dma_start3A_36 : memref<1x2x40xi32, #tpu.memory_space<vmem>> -> memref<2x40xi32, #tpu.memory_space<vmem>>
    %dma_start3A_38 = arith.constant 0 : i32
    %dma_start3A_39 = arith.constant 0 : i32
    %dma_start3A_40 = arith.constant 0 : i32
    %dma_start3A_41 = tpu.memref_slice %arg3[%arg1, %dma_start3A_38, %dma_start3A_39, %dma_start3A_40] : memref<16x250x2x40xi32, #tpu.memory_space<hbm>> -> memref<1x250x2x40xi32, #tpu.memory_space<hbm>>
    %dma_start3A_42 = tpu.memref_squeeze %dma_start3A_41 : memref<1x250x2x40xi32, #tpu.memory_space<hbm>> -> memref<250x2x40xi32, #tpu.memory_space<hbm>>
    %dma_start3A_43 = arith.constant 0 : i32
    %dma_start3A_44 = arith.constant 0 : i32
    %dma_start3A_45 = tpu.memref_slice %dma_start3A_42[%dma_start3A_31, %dma_start3A_43, %dma_start3A_44] : memref<250x2x40xi32, #tpu.memory_space<hbm>> -> memref<1x2x40xi32, #tpu.memory_space<hbm>>
    %dma_start3A_46 = tpu.memref_squeeze %dma_start3A_45 : memref<1x2x40xi32, #tpu.memory_space<hbm>> -> memref<2x40xi32, #tpu.memory_space<hbm>>
    %dma_start3A_47 = tpu.memref_slice %arg9[%dma_start3A_33] : memref<9x!tpu.dma_semaphore, #tpu.memory_space<semaphore_mem>> -> memref<1x!tpu.dma_semaphore, #tpu.memory_space<semaphore_mem>>
    %dma_start3A_48 = tpu.memref_squeeze %dma_start3A_47 : memref<1x!tpu.dma_semaphore, #tpu.memory_space<semaphore_mem>> -> memref<!tpu.dma_semaphore, #tpu.memory_space<semaphore_mem>>
    %dma_start3A_49 = arith.constant 0 : i32
    %dma_start3A_50 = arith.constant 0 : i32
    %dma_start3A_51 = tpu.memref_slice %arg6[%dma_start3A_32, %dma_start3A_49, %dma_start3A_50] : memref<9x2x40xi32, #tpu.memory_space<vmem>> -> memref<1x2x40xi32, #tpu.memory_space<vmem>>
    %dma_start3A_52 = tpu.memref_squeeze %dma_start3A_51 : memref<1x2x40xi32, #tpu.memory_space<vmem>> -> memref<2x40xi32, #tpu.memory_space<vmem>>
    %dma_start3A_53 = arith.constant 0 : i32
    %dma_start3A_54 = arith.constant 0 : i32
    %dma_start3A_55 = arith.constant 0 : i32
    %dma_start3A_56 = tpu.memref_slice %arg3[%arg1, %dma_start3A_53, %dma_start3A_54, %dma_start3A_55] : memref<16x250x2x40xi32, #tpu.memory_space<hbm>> -> memref<1x250x2x40xi32, #tpu.memory_space<hbm>>
    %dma_start3A_57 = tpu.memref_squeeze %dma_start3A_56 : memref<1x250x2x40xi32, #tpu.memory_space<hbm>> -> memref<250x2x40xi32, #tpu.memory_space<hbm>>
    %dma_start3A_58 = arith.constant 0 : i32
    %dma_start3A_59 = arith.constant 0 : i32
    %dma_start3A_60 = tpu.memref_slice %dma_start3A_57[%dma_start3A_31, %dma_start3A_58, %dma_start3A_59] : memref<250x2x40xi32, #tpu.memory_space<hbm>> -> memref<1x2x40xi32, #tpu.memory_space<hbm>>
    %dma_start3A_61 = tpu.memref_squeeze %dma_start3A_60 : memref<1x2x40xi32, #tpu.memory_space<hbm>> -> memref<2x40xi32, #tpu.memory_space<hbm>>
    tpu.enqueue_dma source(%dma_start3A_61 : memref<2x40xi32, #tpu.memory_space<hbm>>) target(%dma_start3A_52 : memref<2x40xi32, #tpu.memory_space<vmem>>) target_semaphore(%dma_start3A_48 : memref<!tpu.dma_semaphore, #tpu.memory_space<semaphore_mem>>)
    %dma_start3A_62 = arith.constant 2 : i32
    %dma_start3A_63 = arith.constant 2 : i32
    %dma_start3A_64 = arith.constant 2 : i32
    %dma_start3A_65 = arith.constant 0 : i32
    %dma_start3A_66 = arith.constant 0 : i32
    %dma_start3A_67 = tpu.memref_slice %arg6[%dma_start3A_63, %dma_start3A_65, %dma_start3A_66] : memref<9x2x40xi32, #tpu.memory_space<vmem>> -> memref<1x2x40xi32, #tpu.memory_space<vmem>>
    %dma_start3A_68 = tpu.memref_squeeze %dma_start3A_67 : memref<1x2x40xi32, #tpu.memory_space<vmem>> -> memref<2x40xi32, #tpu.memory_space<vmem>>
    %dma_start3A_69 = arith.constant 0 : i32
    %dma_start3A_70 = arith.constant 0 : i32
    %dma_start3A_71 = arith.constant 0 : i32
    %dma_start3A_72 = tpu.memref_slice %arg3[%arg1, %dma_start3A_69, %dma_start3A_70, %dma_start3A_71] : memref<16x250x2x40xi32, #tpu.memory_space<hbm>> -> memref<1x250x2x40xi32, #tpu.memory_space<hbm>>
    %dma_start3A_73 = tpu.memref_squeeze %dma_start3A_72 : memref<1x250x2x40xi32, #tpu.memory_space<hbm>> -> memref<250x2x40xi32, #tpu.memory_space<hbm>>
    %dma_start3A_74 = arith.constant 0 : i32
    %dma_start3A_75 = arith.constant 0 : i32
    %dma_start3A_76 = tpu.memref_slice %dma_start3A_73[%dma_start3A_62, %dma_start3A_74, %dma_start3A_75] : memref<250x2x40xi32, #tpu.memory_space<hbm>> -> memref<1x2x40xi32, #tpu.memory_space<hbm>>
    %dma_start3A_77 = tpu.memref_squeeze %dma_start3A_76 : memref<1x2x40xi32, #tpu.memory_space<hbm>> -> memref<2x40xi32, #tpu.memory_space<hbm>>
    %dma_start3A_78 = tpu.memref_slice %arg9[%dma_start3A_64] : memref<9x!tpu.dma_semaphore, #tpu.memory_space<semaphore_mem>> -> memref<1x!tpu.dma_semaphore, #tpu.memory_space<semaphore_mem>>
    %dma_start3A_79 = tpu.memref_squeeze %dma_start3A_78 : memref<1x!tpu.dma_semaphore, #tpu.memory_space<semaphore_mem>> -> memref<!tpu.dma_semaphore, #tpu.memory_space<semaphore_mem>>
    %dma_start3A_80 = arith.constant 0 : i32
    %dma_start3A_81 = arith.constant 0 : i32
    %dma_start3A_82 = tpu.memref_slice %arg6[%dma_start3A_63, %dma_start3A_80, %dma_start3A_81] : memref<9x2x40xi32, #tpu.memory_space<vmem>> -> memref<1x2x40xi32, #tpu.memory_space<vmem>>
    %dma_start3A_83 = tpu.memref_squeeze %dma_start3A_82 : memref<1x2x40xi32, #tpu.memory_space<vmem>> -> memref<2x40xi32, #tpu.memory_space<vmem>>
    %dma_start3A_84 = arith.constant 0 : i32
    %dma_start3A_85 = arith.constant 0 : i32
    %dma_start3A_86 = arith.constant 0 : i32
    %dma_start3A_87 = tpu.memref_slice %arg3[%arg1, %dma_start3A_84, %dma_start3A_85, %dma_start3A_86] : memref<16x250x2x40xi32, #tpu.memory_space<hbm>> -> memref<1x250x2x40xi32, #tpu.memory_space<hbm>>
    %dma_start3A_88 = tpu.memref_squeeze %dma_start3A_87 : memref<1x250x2x40xi32, #tpu.memory_space<hbm>> -> memref<250x2x40xi32, #tpu.memory_space<hbm>>
    %dma_start3A_89 = arith.constant 0 : i32
    %dma_start3A_90 = arith.constant 0 : i32
    %dma_start3A_91 = tpu.memref_slice %dma_start3A_88[%dma_start3A_62, %dma_start3A_89, %dma_start3A_90] : memref<250x2x40xi32, #tpu.memory_space<hbm>> -> memref<1x2x40xi32, #tpu.memory_space<hbm>>
    %dma_start3A_92 = tpu.memref_squeeze %dma_start3A_91 : memref<1x2x40xi32, #tpu.memory_space<hbm>> -> memref<2x40xi32, #tpu.memory_space<hbm>>
    tpu.enqueue_dma source(%dma_start3A_92 : memref<2x40xi32, #tpu.memory_space<hbm>>) target(%dma_start3A_83 : memref<2x40xi32, #tpu.memory_space<vmem>>) target_semaphore(%dma_start3A_79 : memref<!tpu.dma_semaphore, #tpu.memory_space<semaphore_mem>>)
    %dma_start3A_93 = arith.constant 3 : i32
    %dma_start3A_94 = arith.constant 3 : i32
    %dma_start3A_95 = arith.constant 3 : i32
    %dma_start3A_96 = arith.constant 0 : i32
    %dma_start3A_97 = arith.constant 0 : i32
    %dma_start3A_98 = tpu.memref_slice %arg6[%dma_start3A_94, %dma_start3A_96, %dma_start3A_97] : memref<9x2x40xi32, #tpu.memory_space<vmem>> -> memref<1x2x40xi32, #tpu.memory_space<vmem>>
    %dma_start3A_99 = tpu.memref_squeeze %dma_start3A_98 : memref<1x2x40xi32, #tpu.memory_space<vmem>> -> memref<2x40xi32, #tpu.memory_space<vmem>>
    %dma_start3A_100 = arith.constant 0 : i32
    %dma_start3A_101 = arith.constant 0 : i32
    %dma_start3A_102 = arith.constant 0 : i32
    %dma_start3A_103 = tpu.memref_slice %arg3[%arg1, %dma_start3A_100, %dma_start3A_101, %dma_start3A_102] : memref<16x250x2x40xi32, #tpu.memory_space<hbm>> -> memref<1x250x2x40xi32, #tpu.memory_space<hbm>>
    %dma_start3A_104 = tpu.memref_squeeze %dma_start3A_103 : memref<1x250x2x40xi32, #tpu.memory_space<hbm>> -> memref<250x2x40xi32, #tpu.memory_space<hbm>>
    %dma_start3A_105 = arith.constant 0 : i32
    %dma_start3A_106 = arith.constant 0 : i32
    %dma_start3A_107 = tpu.memref_slice %dma_start3A_104[%dma_start3A_93, %dma_start3A_105, %dma_start3A_106] : memref<250x2x40xi32, #tpu.memory_space<hbm>> -> memref<1x2x40xi32, #tpu.memory_space<hbm>>
    %dma_start3A_108 = tpu.memref_squeeze %dma_start3A_107 : memref<1x2x40xi32, #tpu.memory_space<hbm>> -> memref<2x40xi32, #tpu.memory_space<hbm>>
    %dma_start3A_109 = tpu.memref_slice %arg9[%dma_start3A_95] : memref<9x!tpu.dma_semaphore, #tpu.memory_space<semaphore_mem>> -> memref<1x!tpu.dma_semaphore, #tpu.memory_space<semaphore_mem>>
    %dma_start3A_110 = tpu.memref_squeeze %dma_start3A_109 : memref<1x!tpu.dma_semaphore, #tpu.memory_space<semaphore_mem>> -> memref<!tpu.dma_semaphore, #tpu.memory_space<semaphore_mem>>
    %dma_start3A_111 = arith.constant 0 : i32
    %dma_start3A_112 = arith.constant 0 : i32
    %dma_start3A_113 = tpu.memref_slice %arg6[%dma_start3A_94, %dma_start3A_111, %dma_start3A_112] : memref<9x2x40xi32, #tpu.memory_space<vmem>> -> memref<1x2x40xi32, #tpu.memory_space<vmem>>
    %dma_start3A_114 = tpu.memref_squeeze %dma_start3A_113 : memref<1x2x40xi32, #tpu.memory_space<vmem>> -> memref<2x40xi32, #tpu.memory_space<vmem>>
    %dma_start3A_115 = arith.constant 0 : i32
    %dma_start3A_116 = arith.constant 0 : i32
    %dma_start3A_117 = arith.constant 0 : i32
    %dma_start3A_118 = tpu.memref_slice %arg3[%arg1, %dma_start3A_115, %dma_start3A_116, %dma_start3A_117] : memref<16x250x2x40xi32, #tpu.memory_space<hbm>> -> memref<1x250x2x40xi32, #tpu.memory_space<hbm>>
    %dma_start3A_119 = tpu.memref_squeeze %dma_start3A_118 : memref<1x250x2x40xi32, #tpu.memory_space<hbm>> -> memref<250x2x40xi32, #tpu.memory_space<hbm>>
    %dma_start3A_120 = arith.constant 0 : i32
    %dma_start3A_121 = arith.constant 0 : i32
    %dma_start3A_122 = tpu.memref_slice %dma_start3A_119[%dma_start3A_93, %dma_start3A_120, %dma_start3A_121] : memref<250x2x40xi32, #tpu.memory_space<hbm>> -> memref<1x2x40xi32, #tpu.memory_space<hbm>>
    %dma_start3A_123 = tpu.memref_squeeze %dma_start3A_122 : memref<1x2x40xi32, #tpu.memory_space<hbm>> -> memref<2x40xi32, #tpu.memory_space<hbm>>
    tpu.enqueue_dma source(%dma_start3A_123 : memref<2x40xi32, #tpu.memory_space<hbm>>) target(%dma_start3A_114 : memref<2x40xi32, #tpu.memory_space<vmem>>) target_semaphore(%dma_start3A_110 : memref<!tpu.dma_semaphore, #tpu.memory_space<semaphore_mem>>)
    %dma_start3A_124 = arith.constant 4 : i32
    %dma_start3A_125 = arith.constant 4 : i32
    %dma_start3A_126 = arith.constant 4 : i32
    %dma_start3A_127 = arith.constant 0 : i32
    %dma_start3A_128 = arith.constant 0 : i32
    %dma_start3A_129 = tpu.memref_slice %arg6[%dma_start3A_125, %dma_start3A_127, %dma_start3A_128] : memref<9x2x40xi32, #tpu.memory_space<vmem>> -> memref<1x2x40xi32, #tpu.memory_space<vmem>>
    %dma_start3A_130 = tpu.memref_squeeze %dma_start3A_129 : memref<1x2x40xi32, #tpu.memory_space<vmem>> -> memref<2x40xi32, #tpu.memory_space<vmem>>
    %dma_start3A_131 = arith.constant 0 : i32
    %dma_start3A_132 = arith.constant 0 : i32
    %dma_start3A_133 = arith.constant 0 : i32
    %dma_start3A_134 = tpu.memref_slice %arg3[%arg1, %dma_start3A_131, %dma_start3A_132, %dma_start3A_133] : memref<16x250x2x40xi32, #tpu.memory_space<hbm>> -> memref<1x250x2x40xi32, #tpu.memory_space<hbm>>
    %dma_start3A_135 = tpu.memref_squeeze %dma_start3A_134 : memref<1x250x2x40xi32, #tpu.memory_space<hbm>> -> memref<250x2x40xi32, #tpu.memory_space<hbm>>
    %dma_start3A_136 = arith.constant 0 : i32
    %dma_start3A_137 = arith.constant 0 : i32
    %dma_start3A_138 = tpu.memref_slice %dma_start3A_135[%dma_start3A_124, %dma_start3A_136, %dma_start3A_137] : memref<250x2x40xi32, #tpu.memory_space<hbm>> -> memref<1x2x40xi32, #tpu.memory_space<hbm>>
    %dma_start3A_139 = tpu.memref_squeeze %dma_start3A_138 : memref<1x2x40xi32, #tpu.memory_space<hbm>> -> memref<2x40xi32, #tpu.memory_space<hbm>>
    %dma_start3A_140 = tpu.memref_slice %arg9[%dma_start3A_126] : memref<9x!tpu.dma_semaphore, #tpu.memory_space<semaphore_mem>> -> memref<1x!tpu.dma_semaphore, #tpu.memory_space<semaphore_mem>>
    %dma_start3A_141 = tpu.memref_squeeze %dma_start3A_140 : memref<1x!tpu.dma_semaphore, #tpu.memory_space<semaphore_mem>> -> memref<!tpu.dma_semaphore, #tpu.memory_space<semaphore_mem>>
    %dma_start3A_142 = arith.constant 0 : i32
    %dma_start3A_143 = arith.constant 0 : i32
    %dma_start3A_144 = tpu.memref_slice %arg6[%dma_start3A_125, %dma_start3A_142, %dma_start3A_143] : memref<9x2x40xi32, #tpu.memory_space<vmem>> -> memref<1x2x40xi32, #tpu.memory_space<vmem>>
    %dma_start3A_145 = tpu.memref_squeeze %dma_start3A_144 : memref<1x2x40xi32, #tpu.memory_space<vmem>> -> memref<2x40xi32, #tpu.memory_space<vmem>>
    %dma_start3A_146 = arith.constant 0 : i32
    %dma_start3A_147 = arith.constant 0 : i32
    %dma_start3A_148 = arith.constant 0 : i32
    %dma_start3A_149 = tpu.memref_slice %arg3[%arg1, %dma_start3A_146, %dma_start3A_147, %dma_start3A_148] : memref<16x250x2x40xi32, #tpu.memory_space<hbm>> -> memref<1x250x2x40xi32, #tpu.memory_space<hbm>>
    %dma_start3A_150 = tpu.memref_squeeze %dma_start3A_149 : memref<1x250x2x40xi32, #tpu.memory_space<hbm>> -> memref<250x2x40xi32, #tpu.memory_space<hbm>>
    %dma_start3A_151 = arith.constant 0 : i32
    %dma_start3A_152 = arith.constant 0 : i32
    %dma_start3A_153 = tpu.memref_slice %dma_start3A_150[%dma_start3A_124, %dma_start3A_151, %dma_start3A_152] : memref<250x2x40xi32, #tpu.memory_space<hbm>> -> memref<1x2x40xi32, #tpu.memory_space<hbm>>
    %dma_start3A_154 = tpu.memref_squeeze %dma_start3A_153 : memref<1x2x40xi32, #tpu.memory_space<hbm>> -> memref<2x40xi32, #tpu.memory_space<hbm>>
    tpu.enqueue_dma source(%dma_start3A_154 : memref<2x40xi32, #tpu.memory_space<hbm>>) target(%dma_start3A_145 : memref<2x40xi32, #tpu.memory_space<vmem>>) target_semaphore(%dma_start3A_141 : memref<!tpu.dma_semaphore, #tpu.memory_space<semaphore_mem>>)
    %dma_start3A_155 = arith.constant 5 : i32
    %dma_start3A_156 = arith.constant 5 : i32
    %dma_start3A_157 = arith.constant 5 : i32
    %dma_start3A_158 = arith.constant 0 : i32
    %dma_start3A_159 = arith.constant 0 : i32
    %dma_start3A_160 = tpu.memref_slice %arg6[%dma_start3A_156, %dma_start3A_158, %dma_start3A_159] : memref<9x2x40xi32, #tpu.memory_space<vmem>> -> memref<1x2x40xi32, #tpu.memory_space<vmem>>
    %dma_start3A_161 = tpu.memref_squeeze %dma_start3A_160 : memref<1x2x40xi32, #tpu.memory_space<vmem>> -> memref<2x40xi32, #tpu.memory_space<vmem>>
    %dma_start3A_162 = arith.constant 0 : i32
    %dma_start3A_163 = arith.constant 0 : i32
    %dma_start3A_164 = arith.constant 0 : i32
    %dma_start3A_165 = tpu.memref_slice %arg3[%arg1, %dma_start3A_162, %dma_start3A_163, %dma_start3A_164] : memref<16x250x2x40xi32, #tpu.memory_space<hbm>> -> memref<1x250x2x40xi32, #tpu.memory_space<hbm>>
    %dma_start3A_166 = tpu.memref_squeeze %dma_start3A_165 : memref<1x250x2x40xi32, #tpu.memory_space<hbm>> -> memref<250x2x40xi32, #tpu.memory_space<hbm>>
    %dma_start3A_167 = arith.constant 0 : i32
    %dma_start3A_168 = arith.constant 0 : i32
    %dma_start3A_169 = tpu.memref_slice %dma_start3A_166[%dma_start3A_155, %dma_start3A_167, %dma_start3A_168] : memref<250x2x40xi32, #tpu.memory_space<hbm>> -> memref<1x2x40xi32, #tpu.memory_space<hbm>>
    %dma_start3A_170 = tpu.memref_squeeze %dma_start3A_169 : memref<1x2x40xi32, #tpu.memory_space<hbm>> -> memref<2x40xi32, #tpu.memory_space<hbm>>
    %dma_start3A_171 = tpu.memref_slice %arg9[%dma_start3A_157] : memref<9x!tpu.dma_semaphore, #tpu.memory_space<semaphore_mem>> -> memref<1x!tpu.dma_semaphore, #tpu.memory_space<semaphore_mem>>
    %dma_start3A_172 = tpu.memref_squeeze %dma_start3A_171 : memref<1x!tpu.dma_semaphore, #tpu.memory_space<semaphore_mem>> -> memref<!tpu.dma_semaphore, #tpu.memory_space<semaphore_mem>>
    %dma_start3A_173 = arith.constant 0 : i32
    %dma_start3A_174 = arith.constant 0 : i32
    %dma_start3A_175 = tpu.memref_slice %arg6[%dma_start3A_156, %dma_start3A_173, %dma_start3A_174] : memref<9x2x40xi32, #tpu.memory_space<vmem>> -> memref<1x2x40xi32, #tpu.memory_space<vmem>>
    %dma_start3A_176 = tpu.memref_squeeze %dma_start3A_175 : memref<1x2x40xi32, #tpu.memory_space<vmem>> -> memref<2x40xi32, #tpu.memory_space<vmem>>
    %dma_start3A_177 = arith.constant 0 : i32
    %dma_start3A_178 = arith.constant 0 : i32
    %dma_start3A_179 = arith.constant 0 : i32
    %dma_start3A_180 = tpu.memref_slice %arg3[%arg1, %dma_start3A_177, %dma_start3A_178, %dma_start3A_179] : memref<16x250x2x40xi32, #tpu.memory_space<hbm>> -> memref<1x250x2x40xi32, #tpu.memory_space<hbm>>
    %dma_start3A_181 = tpu.memref_squeeze %dma_start3A_180 : memref<1x250x2x40xi32, #tpu.memory_space<hbm>> -> memref<250x2x40xi32, #tpu.memory_space<hbm>>
    %dma_start3A_182 = arith.constant 0 : i32
    %dma_start3A_183 = arith.constant 0 : i32
    %dma_start3A_184 = tpu.memref_slice %dma_start3A_181[%dma_start3A_155, %dma_start3A_182, %dma_start3A_183] : memref<250x2x40xi32, #tpu.memory_space<hbm>> -> memref<1x2x40xi32, #tpu.memory_space<hbm>>
    %dma_start3A_185 = tpu.memref_squeeze %dma_start3A_184 : memref<1x2x40xi32, #tpu.memory_space<hbm>> -> memref<2x40xi32, #tpu.memory_space<hbm>>
    tpu.enqueue_dma source(%dma_start3A_185 : memref<2x40xi32, #tpu.memory_space<hbm>>) target(%dma_start3A_176 : memref<2x40xi32, #tpu.memory_space<vmem>>) target_semaphore(%dma_start3A_172 : memref<!tpu.dma_semaphore, #tpu.memory_space<semaphore_mem>>)
    %dma_start3A_186 = arith.constant 6 : i32
    %dma_start3A_187 = arith.constant 6 : i32
    %dma_start3A_188 = arith.constant 6 : i32
    %dma_start3A_189 = arith.constant 0 : i32
    %dma_start3A_190 = arith.constant 0 : i32
    %dma_start3A_191 = tpu.memref_slice %arg6[%dma_start3A_187, %dma_start3A_189, %dma_start3A_190] : memref<9x2x40xi32, #tpu.memory_space<vmem>> -> memref<1x2x40xi32, #tpu.memory_space<vmem>>
    %dma_start3A_192 = tpu.memref_squeeze %dma_start3A_191 : memref<1x2x40xi32, #tpu.memory_space<vmem>> -> memref<2x40xi32, #tpu.memory_space<vmem>>
    %dma_start3A_193 = arith.constant 0 : i32
    %dma_start3A_194 = arith.constant 0 : i32
    %dma_start3A_195 = arith.constant 0 : i32
    %dma_start3A_196 = tpu.memref_slice %arg3[%arg1, %dma_start3A_193, %dma_start3A_194, %dma_start3A_195] : memref<16x250x2x40xi32, #tpu.memory_space<hbm>> -> memref<1x250x2x40xi32, #tpu.memory_space<hbm>>
    %dma_start3A_197 = tpu.memref_squeeze %dma_start3A_196 : memref<1x250x2x40xi32, #tpu.memory_space<hbm>> -> memref<250x2x40xi32, #tpu.memory_space<hbm>>
    %dma_start3A_198 = arith.constant 0 : i32
    %dma_start3A_199 = arith.constant 0 : i32
    %dma_start3A_200 = tpu.memref_slice %dma_start3A_197[%dma_start3A_186, %dma_start3A_198, %dma_start3A_199] : memref<250x2x40xi32, #tpu.memory_space<hbm>> -> memref<1x2x40xi32, #tpu.memory_space<hbm>>
    %dma_start3A_201 = tpu.memref_squeeze %dma_start3A_200 : memref<1x2x40xi32, #tpu.memory_space<hbm>> -> memref<2x40xi32, #tpu.memory_space<hbm>>
    %dma_start3A_202 = tpu.memref_slice %arg9[%dma_start3A_188] : memref<9x!tpu.dma_semaphore, #tpu.memory_space<semaphore_mem>> -> memref<1x!tpu.dma_semaphore, #tpu.memory_space<semaphore_mem>>
    %dma_start3A_203 = tpu.memref_squeeze %dma_start3A_202 : memref<1x!tpu.dma_semaphore, #tpu.memory_space<semaphore_mem>> -> memref<!tpu.dma_semaphore, #tpu.memory_space<semaphore_mem>>
    %dma_start3A_204 = arith.constant 0 : i32
    %dma_start3A_205 = arith.constant 0 : i32
    %dma_start3A_206 = tpu.memref_slice %arg6[%dma_start3A_187, %dma_start3A_204, %dma_start3A_205] : memref<9x2x40xi32, #tpu.memory_space<vmem>> -> memref<1x2x40xi32, #tpu.memory_space<vmem>>
    %dma_start3A_207 = tpu.memref_squeeze %dma_start3A_206 : memref<1x2x40xi32, #tpu.memory_space<vmem>> -> memref<2x40xi32, #tpu.memory_space<vmem>>
    %dma_start3A_208 = arith.constant 0 : i32
    %dma_start3A_209 = arith.constant 0 : i32
    %dma_start3A_210 = arith.constant 0 : i32
    %dma_start3A_211 = tpu.memref_slice %arg3[%arg1, %dma_start3A_208, %dma_start3A_209, %dma_start3A_210] : memref<16x250x2x40xi32, #tpu.memory_space<hbm>> -> memref<1x250x2x40xi32, #tpu.memory_space<hbm>>
    %dma_start3A_212 = tpu.memref_squeeze %dma_start3A_211 : memref<1x250x2x40xi32, #tpu.memory_space<hbm>> -> memref<250x2x40xi32, #tpu.memory_space<hbm>>
    %dma_start3A_213 = arith.constant 0 : i32
    %dma_start3A_214 = arith.constant 0 : i32
    %dma_start3A_215 = tpu.memref_slice %dma_start3A_212[%dma_start3A_186, %dma_start3A_213, %dma_start3A_214] : memref<250x2x40xi32, #tpu.memory_space<hbm>> -> memref<1x2x40xi32, #tpu.memory_space<hbm>>
    %dma_start3A_216 = tpu.memref_squeeze %dma_start3A_215 : memref<1x2x40xi32, #tpu.memory_space<hbm>> -> memref<2x40xi32, #tpu.memory_space<hbm>>
    tpu.enqueue_dma source(%dma_start3A_216 : memref<2x40xi32, #tpu.memory_space<hbm>>) target(%dma_start3A_207 : memref<2x40xi32, #tpu.memory_space<vmem>>) target_semaphore(%dma_start3A_203 : memref<!tpu.dma_semaphore, #tpu.memory_space<semaphore_mem>>)
    %mul3A = arith.constant 640 : i32
    %mul3A_217 = arith.muli %mul3A, %arg1 : i32
    "tpu.region"() ({
      %run_scoped3A = tpu.sem_alloc : memref<!tpu.dma_semaphore, #tpu.memory_space<semaphore_mem>>
      %dma_start3A_1093 = arith.constant 0 : i32
      %dma_start3A_1094 = tpu.memref_slice %arg8[%mul3A_217, %dma_start3A_1093] : memref<10240x128xf32, #tpu.memory_space<vmem_shared>> -> memref<640x128xf32, #tpu.memory_space<vmem_shared>>
      tpu.enqueue_dma source(%arg4 : memref<640x128xf32, #tpu.memory_space<hbm>>) target(%dma_start3A_1094 : memref<640x128xf32, #tpu.memory_space<vmem_shared>>) target_semaphore(%run_scoped3A : memref<!tpu.dma_semaphore, #tpu.memory_space<semaphore_mem>>)
      %dma_wait3A_1095 = arith.constant 0 : i32
      %dma_wait3A_1096 = tpu.memref_slice %arg8[%mul3A_217, %dma_wait3A_1095] : memref<10240x128xf32, #tpu.memory_space<vmem_shared>> -> memref<640x128xf32, #tpu.memory_space<vmem_shared>>
      tpu.wait_dma2 semaphore(%run_scoped3A : memref<!tpu.dma_semaphore, #tpu.memory_space<semaphore_mem>>) src(%arg4 : memref<640x128xf32, #tpu.memory_space<hbm>>) dst(%dma_wait3A_1096 : memref<640x128xf32, #tpu.memory_space<vmem_shared>>)
      tpu.yield
    }) : () -> ()
    %dma_wait3A = arith.constant 0 : i32
    %dma_wait3A_218 = arith.constant 0 : i32
    %dma_wait3A_219 = arith.constant 0 : i32
    %dma_wait3A_220 = arith.constant 0 : i32
    %dma_wait3A_221 = arith.constant 0 : i32
    %dma_wait3A_222 = tpu.memref_slice %arg6[%dma_wait3A_218, %dma_wait3A_220, %dma_wait3A_221] : memref<9x2x40xi32, #tpu.memory_space<vmem>> -> memref<1x2x40xi32, #tpu.memory_space<vmem>>
    %dma_wait3A_223 = tpu.memref_squeeze %dma_wait3A_222 : memref<1x2x40xi32, #tpu.memory_space<vmem>> -> memref<2x40xi32, #tpu.memory_space<vmem>>
    %dma_wait3A_224 = arith.constant 0 : i32
    %dma_wait3A_225 = arith.constant 0 : i32
    %dma_wait3A_226 = arith.constant 0 : i32
    %dma_wait3A_227 = tpu.memref_slice %arg3[%arg1, %dma_wait3A_224, %dma_wait3A_225, %dma_wait3A_226] : memref<16x250x2x40xi32, #tpu.memory_space<hbm>> -> memref<1x250x2x40xi32, #tpu.memory_space<hbm>>
    %dma_wait3A_228 = tpu.memref_squeeze %dma_wait3A_227 : memref<1x250x2x40xi32, #tpu.memory_space<hbm>> -> memref<250x2x40xi32, #tpu.memory_space<hbm>>
    %dma_wait3A_229 = arith.constant 0 : i32
    %dma_wait3A_230 = arith.constant 0 : i32
    %dma_wait3A_231 = tpu.memref_slice %dma_wait3A_228[%dma_wait3A, %dma_wait3A_229, %dma_wait3A_230] : memref<250x2x40xi32, #tpu.memory_space<hbm>> -> memref<1x2x40xi32, #tpu.memory_space<hbm>>
    %dma_wait3A_232 = tpu.memref_squeeze %dma_wait3A_231 : memref<1x2x40xi32, #tpu.memory_space<hbm>> -> memref<2x40xi32, #tpu.memory_space<hbm>>
    %dma_wait3A_233 = tpu.memref_slice %arg9[%dma_wait3A_219] : memref<9x!tpu.dma_semaphore, #tpu.memory_space<semaphore_mem>> -> memref<1x!tpu.dma_semaphore, #tpu.memory_space<semaphore_mem>>
    %dma_wait3A_234 = tpu.memref_squeeze %dma_wait3A_233 : memref<1x!tpu.dma_semaphore, #tpu.memory_space<semaphore_mem>> -> memref<!tpu.dma_semaphore, #tpu.memory_space<semaphore_mem>>
    %dma_wait3A_235 = arith.constant 0 : i32
    %dma_wait3A_236 = arith.constant 0 : i32
    %dma_wait3A_237 = tpu.memref_slice %arg6[%dma_wait3A_218, %dma_wait3A_235, %dma_wait3A_236] : memref<9x2x40xi32, #tpu.memory_space<vmem>> -> memref<1x2x40xi32, #tpu.memory_space<vmem>>
    %dma_wait3A_238 = tpu.memref_squeeze %dma_wait3A_237 : memref<1x2x40xi32, #tpu.memory_space<vmem>> -> memref<2x40xi32, #tpu.memory_space<vmem>>
    %dma_wait3A_239 = arith.constant 0 : i32
    %dma_wait3A_240 = arith.constant 0 : i32
    %dma_wait3A_241 = arith.constant 0 : i32
    %dma_wait3A_242 = tpu.memref_slice %arg3[%arg1, %dma_wait3A_239, %dma_wait3A_240, %dma_wait3A_241] : memref<16x250x2x40xi32, #tpu.memory_space<hbm>> -> memref<1x250x2x40xi32, #tpu.memory_space<hbm>>
    %dma_wait3A_243 = tpu.memref_squeeze %dma_wait3A_242 : memref<1x250x2x40xi32, #tpu.memory_space<hbm>> -> memref<250x2x40xi32, #tpu.memory_space<hbm>>
    %dma_wait3A_244 = arith.constant 0 : i32
    %dma_wait3A_245 = arith.constant 0 : i32
    %dma_wait3A_246 = tpu.memref_slice %dma_wait3A_243[%dma_wait3A, %dma_wait3A_244, %dma_wait3A_245] : memref<250x2x40xi32, #tpu.memory_space<hbm>> -> memref<1x2x40xi32, #tpu.memory_space<hbm>>
    %dma_wait3A_247 = tpu.memref_squeeze %dma_wait3A_246 : memref<1x2x40xi32, #tpu.memory_space<hbm>> -> memref<2x40xi32, #tpu.memory_space<hbm>>
    tpu.wait_dma2 semaphore(%dma_wait3A_234 : memref<!tpu.dma_semaphore, #tpu.memory_space<semaphore_mem>>) src(%dma_wait3A_247 : memref<2x40xi32, #tpu.memory_space<hbm>>) dst(%dma_wait3A_238 : memref<2x40xi32, #tpu.memory_space<vmem>>)
    %dma_start3A_248 = arith.constant 0 : i32
    %dma_start3A_249 = arith.constant 0 : i32
    %dma_start3A_250 = arith.constant 0 : i32
    %dma_start3A_251 = arith.constant 0 : i32
    %dma_start3A_252 = arith.constant 0 : i32
    %dma_start3A_253 = arith.constant 0 : i32
    %dma_start3A_254 = tpu.memref_slice %arg7[%dma_start3A_250, %dma_start3A_252, %dma_start3A_253] : memref<9x40x128xf32, #tpu.memory_space<vmem>> -> memref<1x40x128xf32, #tpu.memory_space<vmem>>
    %dma_start3A_255 = tpu.memref_squeeze %dma_start3A_254 : memref<1x40x128xf32, #tpu.memory_space<vmem>> -> memref<40x128xf32, #tpu.memory_space<vmem>>
    %dma_start3A_256 = arith.constant 0 : i32
    %dma_start3A_257 = arith.constant 0 : i32
    %dma_start3A_258 = tpu.memref_slice %arg6[%dma_start3A_248, %dma_start3A_256, %dma_start3A_257] : memref<9x2x40xi32, #tpu.memory_space<vmem>> -> memref<1x2x40xi32, #tpu.memory_space<vmem>>
    %dma_start3A_259 = tpu.memref_squeeze %dma_start3A_258 : memref<1x2x40xi32, #tpu.memory_space<vmem>> -> memref<2x40xi32, #tpu.memory_space<vmem>>
    %dma_start3A_260 = arith.constant 0 : i32
    %dma_start3A_261 = tpu.memref_slice %dma_start3A_259[%dma_start3A_249, %dma_start3A_260] : memref<2x40xi32, #tpu.memory_space<vmem>> -> memref<1x40xi32, #tpu.memory_space<vmem>>
    %dma_start3A_262 = tpu.memref_squeeze %dma_start3A_261 : memref<1x40xi32, #tpu.memory_space<vmem>> -> memref<40xi32, #tpu.memory_space<vmem>>
    %dma_start3A_263 = arith.constant 0 : i32
    %dma_start3A_264 = arith.constant 0 : i32
    %dma_start3A_265 = tpu.memref_slice %arg2[%add3A_0, %dma_start3A_263, %dma_start3A_264] : memref<4x10240x128xf32, #tpu.memory_space<hbm>> -> memref<1x10240x128xf32, #tpu.memory_space<hbm>>
    %dma_start3A_266 = tpu.memref_squeeze %dma_start3A_265 : memref<1x10240x128xf32, #tpu.memory_space<hbm>> -> memref<10240x128xf32, #tpu.memory_space<hbm>>
    %dma_start3A_267 = arith.constant 0 : i32
    %dma_start3A_268 = arith.constant 0 : i32
    %dma_start3A_269 = tpu.memref_slice %dma_start3A_266[%dma_start3A_267, %dma_start3A_268] : memref<10240x128xf32, #tpu.memory_space<hbm>> -> memref<10240x128xf32, #tpu.memory_space<hbm>>
    %dma_start3A_270 = tpu.memref_slice %arg10[%dma_start3A_251] : memref<9x!tpu.dma_semaphore, #tpu.memory_space<semaphore_mem>> -> memref<1x!tpu.dma_semaphore, #tpu.memory_space<semaphore_mem>>
    %dma_start3A_271 = tpu.memref_squeeze %dma_start3A_270 : memref<1x!tpu.dma_semaphore, #tpu.memory_space<semaphore_mem>> -> memref<!tpu.dma_semaphore, #tpu.memory_space<semaphore_mem>>
    tpu.enqueue_indirect_dma source(%dma_start3A_269 : memref<10240x128xf32, #tpu.memory_space<hbm>>) target(%dma_start3A_255 : memref<40x128xf32, #tpu.memory_space<vmem>>) offsets(%dma_start3A_262 : memref<40xi32, #tpu.memory_space<vmem>>) semaphore(%dma_start3A_271 : memref<!tpu.dma_semaphore, #tpu.memory_space<semaphore_mem>>)
    %dma_wait3A_272 = arith.constant 1 : i32
    %dma_wait3A_273 = arith.constant 1 : i32
    %dma_wait3A_274 = arith.constant 1 : i32
    %dma_wait3A_275 = arith.constant 0 : i32
    %dma_wait3A_276 = arith.constant 0 : i32
    %dma_wait3A_277 = tpu.memref_slice %arg6[%dma_wait3A_273, %dma_wait3A_275, %dma_wait3A_276] : memref<9x2x40xi32, #tpu.memory_space<vmem>> -> memref<1x2x40xi32, #tpu.memory_space<vmem>>
    %dma_wait3A_278 = tpu.memref_squeeze %dma_wait3A_277 : memref<1x2x40xi32, #tpu.memory_space<vmem>> -> memref<2x40xi32, #tpu.memory_space<vmem>>
    %dma_wait3A_279 = arith.constant 0 : i32
    %dma_wait3A_280 = arith.constant 0 : i32
    %dma_wait3A_281 = arith.constant 0 : i32
    %dma_wait3A_282 = tpu.memref_slice %arg3[%arg1, %dma_wait3A_279, %dma_wait3A_280, %dma_wait3A_281] : memref<16x250x2x40xi32, #tpu.memory_space<hbm>> -> memref<1x250x2x40xi32, #tpu.memory_space<hbm>>
    %dma_wait3A_283 = tpu.memref_squeeze %dma_wait3A_282 : memref<1x250x2x40xi32, #tpu.memory_space<hbm>> -> memref<250x2x40xi32, #tpu.memory_space<hbm>>
    %dma_wait3A_284 = arith.constant 0 : i32
    %dma_wait3A_285 = arith.constant 0 : i32
    %dma_wait3A_286 = tpu.memref_slice %dma_wait3A_283[%dma_wait3A_272, %dma_wait3A_284, %dma_wait3A_285] : memref<250x2x40xi32, #tpu.memory_space<hbm>> -> memref<1x2x40xi32, #tpu.memory_space<hbm>>
    %dma_wait3A_287 = tpu.memref_squeeze %dma_wait3A_286 : memref<1x2x40xi32, #tpu.memory_space<hbm>> -> memref<2x40xi32, #tpu.memory_space<hbm>>
    %dma_wait3A_288 = tpu.memref_slice %arg9[%dma_wait3A_274] : memref<9x!tpu.dma_semaphore, #tpu.memory_space<semaphore_mem>> -> memref<1x!tpu.dma_semaphore, #tpu.memory_space<semaphore_mem>>
    %dma_wait3A_289 = tpu.memref_squeeze %dma_wait3A_288 : memref<1x!tpu.dma_semaphore, #tpu.memory_space<semaphore_mem>> -> memref<!tpu.dma_semaphore, #tpu.memory_space<semaphore_mem>>
    %dma_wait3A_290 = arith.constant 0 : i32
    %dma_wait3A_291 = arith.constant 0 : i32
    %dma_wait3A_292 = tpu.memref_slice %arg6[%dma_wait3A_273, %dma_wait3A_290, %dma_wait3A_291] : memref<9x2x40xi32, #tpu.memory_space<vmem>> -> memref<1x2x40xi32, #tpu.memory_space<vmem>>
    %dma_wait3A_293 = tpu.memref_squeeze %dma_wait3A_292 : memref<1x2x40xi32, #tpu.memory_space<vmem>> -> memref<2x40xi32, #tpu.memory_space<vmem>>
    %dma_wait3A_294 = arith.constant 0 : i32
    %dma_wait3A_295 = arith.constant 0 : i32
    %dma_wait3A_296 = arith.constant 0 : i32
    %dma_wait3A_297 = tpu.memref_slice %arg3[%arg1, %dma_wait3A_294, %dma_wait3A_295, %dma_wait3A_296] : memref<16x250x2x40xi32, #tpu.memory_space<hbm>> -> memref<1x250x2x40xi32, #tpu.memory_space<hbm>>
    %dma_wait3A_298 = tpu.memref_squeeze %dma_wait3A_297 : memref<1x250x2x40xi32, #tpu.memory_space<hbm>> -> memref<250x2x40xi32, #tpu.memory_space<hbm>>
    %dma_wait3A_299 = arith.constant 0 : i32
    %dma_wait3A_300 = arith.constant 0 : i32
    %dma_wait3A_301 = tpu.memref_slice %dma_wait3A_298[%dma_wait3A_272, %dma_wait3A_299, %dma_wait3A_300] : memref<250x2x40xi32, #tpu.memory_space<hbm>> -> memref<1x2x40xi32, #tpu.memory_space<hbm>>
    %dma_wait3A_302 = tpu.memref_squeeze %dma_wait3A_301 : memref<1x2x40xi32, #tpu.memory_space<hbm>> -> memref<2x40xi32, #tpu.memory_space<hbm>>
    tpu.wait_dma2 semaphore(%dma_wait3A_289 : memref<!tpu.dma_semaphore, #tpu.memory_space<semaphore_mem>>) src(%dma_wait3A_302 : memref<2x40xi32, #tpu.memory_space<hbm>>) dst(%dma_wait3A_293 : memref<2x40xi32, #tpu.memory_space<vmem>>)
    %dma_start3A_303 = arith.constant 1 : i32
    %dma_start3A_304 = arith.constant 0 : i32
    %dma_start3A_305 = arith.constant 1 : i32
    %dma_start3A_306 = arith.constant 1 : i32
    %dma_start3A_307 = arith.constant 0 : i32
    %dma_start3A_308 = arith.constant 0 : i32
    %dma_start3A_309 = tpu.memref_slice %arg7[%dma_start3A_305, %dma_start3A_307, %dma_start3A_308] : memref<9x40x128xf32, #tpu.memory_space<vmem>> -> memref<1x40x128xf32, #tpu.memory_space<vmem>>
    %dma_start3A_310 = tpu.memref_squeeze %dma_start3A_309 : memref<1x40x128xf32, #tpu.memory_space<vmem>> -> memref<40x128xf32, #tpu.memory_space<vmem>>
    %dma_start3A_311 = arith.constant 0 : i32
    %dma_start3A_312 = arith.constant 0 : i32
    %dma_start3A_313 = tpu.memref_slice %arg6[%dma_start3A_303, %dma_start3A_311, %dma_start3A_312] : memref<9x2x40xi32, #tpu.memory_space<vmem>> -> memref<1x2x40xi32, #tpu.memory_space<vmem>>
    %dma_start3A_314 = tpu.memref_squeeze %dma_start3A_313 : memref<1x2x40xi32, #tpu.memory_space<vmem>> -> memref<2x40xi32, #tpu.memory_space<vmem>>
    %dma_start3A_315 = arith.constant 0 : i32
    %dma_start3A_316 = tpu.memref_slice %dma_start3A_314[%dma_start3A_304, %dma_start3A_315] : memref<2x40xi32, #tpu.memory_space<vmem>> -> memref<1x40xi32, #tpu.memory_space<vmem>>
    %dma_start3A_317 = tpu.memref_squeeze %dma_start3A_316 : memref<1x40xi32, #tpu.memory_space<vmem>> -> memref<40xi32, #tpu.memory_space<vmem>>
    %dma_start3A_318 = arith.constant 0 : i32
    %dma_start3A_319 = arith.constant 0 : i32
    %dma_start3A_320 = tpu.memref_slice %arg2[%add3A_0, %dma_start3A_318, %dma_start3A_319] : memref<4x10240x128xf32, #tpu.memory_space<hbm>> -> memref<1x10240x128xf32, #tpu.memory_space<hbm>>
    %dma_start3A_321 = tpu.memref_squeeze %dma_start3A_320 : memref<1x10240x128xf32, #tpu.memory_space<hbm>> -> memref<10240x128xf32, #tpu.memory_space<hbm>>
    %dma_start3A_322 = arith.constant 0 : i32
    %dma_start3A_323 = arith.constant 0 : i32
    %dma_start3A_324 = tpu.memref_slice %dma_start3A_321[%dma_start3A_322, %dma_start3A_323] : memref<10240x128xf32, #tpu.memory_space<hbm>> -> memref<10240x128xf32, #tpu.memory_space<hbm>>
    %dma_start3A_325 = tpu.memref_slice %arg10[%dma_start3A_306] : memref<9x!tpu.dma_semaphore, #tpu.memory_space<semaphore_mem>> -> memref<1x!tpu.dma_semaphore, #tpu.memory_space<semaphore_mem>>
    %dma_start3A_326 = tpu.memref_squeeze %dma_start3A_325 : memref<1x!tpu.dma_semaphore, #tpu.memory_space<semaphore_mem>> -> memref<!tpu.dma_semaphore, #tpu.memory_space<semaphore_mem>>
    tpu.enqueue_indirect_dma source(%dma_start3A_324 : memref<10240x128xf32, #tpu.memory_space<hbm>>) target(%dma_start3A_310 : memref<40x128xf32, #tpu.memory_space<vmem>>) offsets(%dma_start3A_317 : memref<40xi32, #tpu.memory_space<vmem>>) semaphore(%dma_start3A_326 : memref<!tpu.dma_semaphore, #tpu.memory_space<semaphore_mem>>)
    %dma_wait3A_327 = arith.constant 2 : i32
    %dma_wait3A_328 = arith.constant 2 : i32
    %dma_wait3A_329 = arith.constant 2 : i32
    %dma_wait3A_330 = arith.constant 0 : i32
    %dma_wait3A_331 = arith.constant 0 : i32
    %dma_wait3A_332 = tpu.memref_slice %arg6[%dma_wait3A_328, %dma_wait3A_330, %dma_wait3A_331] : memref<9x2x40xi32, #tpu.memory_space<vmem>> -> memref<1x2x40xi32, #tpu.memory_space<vmem>>
    %dma_wait3A_333 = tpu.memref_squeeze %dma_wait3A_332 : memref<1x2x40xi32, #tpu.memory_space<vmem>> -> memref<2x40xi32, #tpu.memory_space<vmem>>
    %dma_wait3A_334 = arith.constant 0 : i32
    %dma_wait3A_335 = arith.constant 0 : i32
    %dma_wait3A_336 = arith.constant 0 : i32
    %dma_wait3A_337 = tpu.memref_slice %arg3[%arg1, %dma_wait3A_334, %dma_wait3A_335, %dma_wait3A_336] : memref<16x250x2x40xi32, #tpu.memory_space<hbm>> -> memref<1x250x2x40xi32, #tpu.memory_space<hbm>>
    %dma_wait3A_338 = tpu.memref_squeeze %dma_wait3A_337 : memref<1x250x2x40xi32, #tpu.memory_space<hbm>> -> memref<250x2x40xi32, #tpu.memory_space<hbm>>
    %dma_wait3A_339 = arith.constant 0 : i32
    %dma_wait3A_340 = arith.constant 0 : i32
    %dma_wait3A_341 = tpu.memref_slice %dma_wait3A_338[%dma_wait3A_327, %dma_wait3A_339, %dma_wait3A_340] : memref<250x2x40xi32, #tpu.memory_space<hbm>> -> memref<1x2x40xi32, #tpu.memory_space<hbm>>
    %dma_wait3A_342 = tpu.memref_squeeze %dma_wait3A_341 : memref<1x2x40xi32, #tpu.memory_space<hbm>> -> memref<2x40xi32, #tpu.memory_space<hbm>>
    %dma_wait3A_343 = tpu.memref_slice %arg9[%dma_wait3A_329] : memref<9x!tpu.dma_semaphore, #tpu.memory_space<semaphore_mem>> -> memref<1x!tpu.dma_semaphore, #tpu.memory_space<semaphore_mem>>
    %dma_wait3A_344 = tpu.memref_squeeze %dma_wait3A_343 : memref<1x!tpu.dma_semaphore, #tpu.memory_space<semaphore_mem>> -> memref<!tpu.dma_semaphore, #tpu.memory_space<semaphore_mem>>
    %dma_wait3A_345 = arith.constant 0 : i32
    %dma_wait3A_346 = arith.constant 0 : i32
    %dma_wait3A_347 = tpu.memref_slice %arg6[%dma_wait3A_328, %dma_wait3A_345, %dma_wait3A_346] : memref<9x2x40xi32, #tpu.memory_space<vmem>> -> memref<1x2x40xi32, #tpu.memory_space<vmem>>
    %dma_wait3A_348 = tpu.memref_squeeze %dma_wait3A_347 : memref<1x2x40xi32, #tpu.memory_space<vmem>> -> memref<2x40xi32, #tpu.memory_space<vmem>>
    %dma_wait3A_349 = arith.constant 0 : i32
    %dma_wait3A_350 = arith.constant 0 : i32
    %dma_wait3A_351 = arith.constant 0 : i32
    %dma_wait3A_352 = tpu.memref_slice %arg3[%arg1, %dma_wait3A_349, %dma_wait3A_350, %dma_wait3A_351] : memref<16x250x2x40xi32, #tpu.memory_space<hbm>> -> memref<1x250x2x40xi32, #tpu.memory_space<hbm>>
    %dma_wait3A_353 = tpu.memref_squeeze %dma_wait3A_352 : memref<1x250x2x40xi32, #tpu.memory_space<hbm>> -> memref<250x2x40xi32, #tpu.memory_space<hbm>>
    %dma_wait3A_354 = arith.constant 0 : i32
    %dma_wait3A_355 = arith.constant 0 : i32
    %dma_wait3A_356 = tpu.memref_slice %dma_wait3A_353[%dma_wait3A_327, %dma_wait3A_354, %dma_wait3A_355] : memref<250x2x40xi32, #tpu.memory_space<hbm>> -> memref<1x2x40xi32, #tpu.memory_space<hbm>>
    %dma_wait3A_357 = tpu.memref_squeeze %dma_wait3A_356 : memref<1x2x40xi32, #tpu.memory_space<hbm>> -> memref<2x40xi32, #tpu.memory_space<hbm>>
    tpu.wait_dma2 semaphore(%dma_wait3A_344 : memref<!tpu.dma_semaphore, #tpu.memory_space<semaphore_mem>>) src(%dma_wait3A_357 : memref<2x40xi32, #tpu.memory_space<hbm>>) dst(%dma_wait3A_348 : memref<2x40xi32, #tpu.memory_space<vmem>>)
    %dma_start3A_358 = arith.constant 2 : i32
    %dma_start3A_359 = arith.constant 0 : i32
    %dma_start3A_360 = arith.constant 2 : i32
    %dma_start3A_361 = arith.constant 2 : i32
    %dma_start3A_362 = arith.constant 0 : i32
    %dma_start3A_363 = arith.constant 0 : i32
    %dma_start3A_364 = tpu.memref_slice %arg7[%dma_start3A_360, %dma_start3A_362, %dma_start3A_363] : memref<9x40x128xf32, #tpu.memory_space<vmem>> -> memref<1x40x128xf32, #tpu.memory_space<vmem>>
    %dma_start3A_365 = tpu.memref_squeeze %dma_start3A_364 : memref<1x40x128xf32, #tpu.memory_space<vmem>> -> memref<40x128xf32, #tpu.memory_space<vmem>>
    %dma_start3A_366 = arith.constant 0 : i32
    %dma_start3A_367 = arith.constant 0 : i32
    %dma_start3A_368 = tpu.memref_slice %arg6[%dma_start3A_358, %dma_start3A_366, %dma_start3A_367] : memref<9x2x40xi32, #tpu.memory_space<vmem>> -> memref<1x2x40xi32, #tpu.memory_space<vmem>>
    %dma_start3A_369 = tpu.memref_squeeze %dma_start3A_368 : memref<1x2x40xi32, #tpu.memory_space<vmem>> -> memref<2x40xi32, #tpu.memory_space<vmem>>
    %dma_start3A_370 = arith.constant 0 : i32
    %dma_start3A_371 = tpu.memref_slice %dma_start3A_369[%dma_start3A_359, %dma_start3A_370] : memref<2x40xi32, #tpu.memory_space<vmem>> -> memref<1x40xi32, #tpu.memory_space<vmem>>
    %dma_start3A_372 = tpu.memref_squeeze %dma_start3A_371 : memref<1x40xi32, #tpu.memory_space<vmem>> -> memref<40xi32, #tpu.memory_space<vmem>>
    %dma_start3A_373 = arith.constant 0 : i32
    %dma_start3A_374 = arith.constant 0 : i32
    %dma_start3A_375 = tpu.memref_slice %arg2[%add3A_0, %dma_start3A_373, %dma_start3A_374] : memref<4x10240x128xf32, #tpu.memory_space<hbm>> -> memref<1x10240x128xf32, #tpu.memory_space<hbm>>
    %dma_start3A_376 = tpu.memref_squeeze %dma_start3A_375 : memref<1x10240x128xf32, #tpu.memory_space<hbm>> -> memref<10240x128xf32, #tpu.memory_space<hbm>>
    %dma_start3A_377 = arith.constant 0 : i32
    %dma_start3A_378 = arith.constant 0 : i32
    %dma_start3A_379 = tpu.memref_slice %dma_start3A_376[%dma_start3A_377, %dma_start3A_378] : memref<10240x128xf32, #tpu.memory_space<hbm>> -> memref<10240x128xf32, #tpu.memory_space<hbm>>
    %dma_start3A_380 = tpu.memref_slice %arg10[%dma_start3A_361] : memref<9x!tpu.dma_semaphore, #tpu.memory_space<semaphore_mem>> -> memref<1x!tpu.dma_semaphore, #tpu.memory_space<semaphore_mem>>
    %dma_start3A_381 = tpu.memref_squeeze %dma_start3A_380 : memref<1x!tpu.dma_semaphore, #tpu.memory_space<semaphore_mem>> -> memref<!tpu.dma_semaphore, #tpu.memory_space<semaphore_mem>>
    tpu.enqueue_indirect_dma source(%dma_start3A_379 : memref<10240x128xf32, #tpu.memory_space<hbm>>) target(%dma_start3A_365 : memref<40x128xf32, #tpu.memory_space<vmem>>) offsets(%dma_start3A_372 : memref<40xi32, #tpu.memory_space<vmem>>) semaphore(%dma_start3A_381 : memref<!tpu.dma_semaphore, #tpu.memory_space<semaphore_mem>>)
    %dma_wait3A_382 = arith.constant 3 : i32
    %dma_wait3A_383 = arith.constant 3 : i32
    %dma_wait3A_384 = arith.constant 3 : i32
    %dma_wait3A_385 = arith.constant 0 : i32
    %dma_wait3A_386 = arith.constant 0 : i32
    %dma_wait3A_387 = tpu.memref_slice %arg6[%dma_wait3A_383, %dma_wait3A_385, %dma_wait3A_386] : memref<9x2x40xi32, #tpu.memory_space<vmem>> -> memref<1x2x40xi32, #tpu.memory_space<vmem>>
    %dma_wait3A_388 = tpu.memref_squeeze %dma_wait3A_387 : memref<1x2x40xi32, #tpu.memory_space<vmem>> -> memref<2x40xi32, #tpu.memory_space<vmem>>
    %dma_wait3A_389 = arith.constant 0 : i32
    %dma_wait3A_390 = arith.constant 0 : i32
    %dma_wait3A_391 = arith.constant 0 : i32
    %dma_wait3A_392 = tpu.memref_slice %arg3[%arg1, %dma_wait3A_389, %dma_wait3A_390, %dma_wait3A_391] : memref<16x250x2x40xi32, #tpu.memory_space<hbm>> -> memref<1x250x2x40xi32, #tpu.memory_space<hbm>>
    %dma_wait3A_393 = tpu.memref_squeeze %dma_wait3A_392 : memref<1x250x2x40xi32, #tpu.memory_space<hbm>> -> memref<250x2x40xi32, #tpu.memory_space<hbm>>
    %dma_wait3A_394 = arith.constant 0 : i32
    %dma_wait3A_395 = arith.constant 0 : i32
    %dma_wait3A_396 = tpu.memref_slice %dma_wait3A_393[%dma_wait3A_382, %dma_wait3A_394, %dma_wait3A_395] : memref<250x2x40xi32, #tpu.memory_space<hbm>> -> memref<1x2x40xi32, #tpu.memory_space<hbm>>
    %dma_wait3A_397 = tpu.memref_squeeze %dma_wait3A_396 : memref<1x2x40xi32, #tpu.memory_space<hbm>> -> memref<2x40xi32, #tpu.memory_space<hbm>>
    %dma_wait3A_398 = tpu.memref_slice %arg9[%dma_wait3A_384] : memref<9x!tpu.dma_semaphore, #tpu.memory_space<semaphore_mem>> -> memref<1x!tpu.dma_semaphore, #tpu.memory_space<semaphore_mem>>
    %dma_wait3A_399 = tpu.memref_squeeze %dma_wait3A_398 : memref<1x!tpu.dma_semaphore, #tpu.memory_space<semaphore_mem>> -> memref<!tpu.dma_semaphore, #tpu.memory_space<semaphore_mem>>
    %dma_wait3A_400 = arith.constant 0 : i32
    %dma_wait3A_401 = arith.constant 0 : i32
    %dma_wait3A_402 = tpu.memref_slice %arg6[%dma_wait3A_383, %dma_wait3A_400, %dma_wait3A_401] : memref<9x2x40xi32, #tpu.memory_space<vmem>> -> memref<1x2x40xi32, #tpu.memory_space<vmem>>
    %dma_wait3A_403 = tpu.memref_squeeze %dma_wait3A_402 : memref<1x2x40xi32, #tpu.memory_space<vmem>> -> memref<2x40xi32, #tpu.memory_space<vmem>>
    %dma_wait3A_404 = arith.constant 0 : i32
    %dma_wait3A_405 = arith.constant 0 : i32
    %dma_wait3A_406 = arith.constant 0 : i32
    %dma_wait3A_407 = tpu.memref_slice %arg3[%arg1, %dma_wait3A_404, %dma_wait3A_405, %dma_wait3A_406] : memref<16x250x2x40xi32, #tpu.memory_space<hbm>> -> memref<1x250x2x40xi32, #tpu.memory_space<hbm>>
    %dma_wait3A_408 = tpu.memref_squeeze %dma_wait3A_407 : memref<1x250x2x40xi32, #tpu.memory_space<hbm>> -> memref<250x2x40xi32, #tpu.memory_space<hbm>>
    %dma_wait3A_409 = arith.constant 0 : i32
    %dma_wait3A_410 = arith.constant 0 : i32
    %dma_wait3A_411 = tpu.memref_slice %dma_wait3A_408[%dma_wait3A_382, %dma_wait3A_409, %dma_wait3A_410] : memref<250x2x40xi32, #tpu.memory_space<hbm>> -> memref<1x2x40xi32, #tpu.memory_space<hbm>>
    %dma_wait3A_412 = tpu.memref_squeeze %dma_wait3A_411 : memref<1x2x40xi32, #tpu.memory_space<hbm>> -> memref<2x40xi32, #tpu.memory_space<hbm>>
    tpu.wait_dma2 semaphore(%dma_wait3A_399 : memref<!tpu.dma_semaphore, #tpu.memory_space<semaphore_mem>>) src(%dma_wait3A_412 : memref<2x40xi32, #tpu.memory_space<hbm>>) dst(%dma_wait3A_403 : memref<2x40xi32, #tpu.memory_space<vmem>>)
    %dma_start3A_413 = arith.constant 3 : i32
    %dma_start3A_414 = arith.constant 0 : i32
    %dma_start3A_415 = arith.constant 3 : i32
    %dma_start3A_416 = arith.constant 3 : i32
    %dma_start3A_417 = arith.constant 0 : i32
    %dma_start3A_418 = arith.constant 0 : i32
    %dma_start3A_419 = tpu.memref_slice %arg7[%dma_start3A_415, %dma_start3A_417, %dma_start3A_418] : memref<9x40x128xf32, #tpu.memory_space<vmem>> -> memref<1x40x128xf32, #tpu.memory_space<vmem>>
    %dma_start3A_420 = tpu.memref_squeeze %dma_start3A_419 : memref<1x40x128xf32, #tpu.memory_space<vmem>> -> memref<40x128xf32, #tpu.memory_space<vmem>>
    %dma_start3A_421 = arith.constant 0 : i32
    %dma_start3A_422 = arith.constant 0 : i32
    %dma_start3A_423 = tpu.memref_slice %arg6[%dma_start3A_413, %dma_start3A_421, %dma_start3A_422] : memref<9x2x40xi32, #tpu.memory_space<vmem>> -> memref<1x2x40xi32, #tpu.memory_space<vmem>>
    %dma_start3A_424 = tpu.memref_squeeze %dma_start3A_423 : memref<1x2x40xi32, #tpu.memory_space<vmem>> -> memref<2x40xi32, #tpu.memory_space<vmem>>
    %dma_start3A_425 = arith.constant 0 : i32
    %dma_start3A_426 = tpu.memref_slice %dma_start3A_424[%dma_start3A_414, %dma_start3A_425] : memref<2x40xi32, #tpu.memory_space<vmem>> -> memref<1x40xi32, #tpu.memory_space<vmem>>
    %dma_start3A_427 = tpu.memref_squeeze %dma_start3A_426 : memref<1x40xi32, #tpu.memory_space<vmem>> -> memref<40xi32, #tpu.memory_space<vmem>>
    %dma_start3A_428 = arith.constant 0 : i32
    %dma_start3A_429 = arith.constant 0 : i32
    %dma_start3A_430 = tpu.memref_slice %arg2[%add3A_0, %dma_start3A_428, %dma_start3A_429] : memref<4x10240x128xf32, #tpu.memory_space<hbm>> -> memref<1x10240x128xf32, #tpu.memory_space<hbm>>
    %dma_start3A_431 = tpu.memref_squeeze %dma_start3A_430 : memref<1x10240x128xf32, #tpu.memory_space<hbm>> -> memref<10240x128xf32, #tpu.memory_space<hbm>>
    %dma_start3A_432 = arith.constant 0 : i32
    %dma_start3A_433 = arith.constant 0 : i32
    %dma_start3A_434 = tpu.memref_slice %dma_start3A_431[%dma_start3A_432, %dma_start3A_433] : memref<10240x128xf32, #tpu.memory_space<hbm>> -> memref<10240x128xf32, #tpu.memory_space<hbm>>
    %dma_start3A_435 = tpu.memref_slice %arg10[%dma_start3A_416] : memref<9x!tpu.dma_semaphore, #tpu.memory_space<semaphore_mem>> -> memref<1x!tpu.dma_semaphore, #tpu.memory_space<semaphore_mem>>
    %dma_start3A_436 = tpu.memref_squeeze %dma_start3A_435 : memref<1x!tpu.dma_semaphore, #tpu.memory_space<semaphore_mem>> -> memref<!tpu.dma_semaphore, #tpu.memory_space<semaphore_mem>>
    tpu.enqueue_indirect_dma source(%dma_start3A_434 : memref<10240x128xf32, #tpu.memory_space<hbm>>) target(%dma_start3A_420 : memref<40x128xf32, #tpu.memory_space<vmem>>) offsets(%dma_start3A_427 : memref<40xi32, #tpu.memory_space<vmem>>) semaphore(%dma_start3A_436 : memref<!tpu.dma_semaphore, #tpu.memory_space<semaphore_mem>>)
    %dma_wait3A_437 = arith.constant 4 : i32
    %dma_wait3A_438 = arith.constant 4 : i32
    %dma_wait3A_439 = arith.constant 4 : i32
    %dma_wait3A_440 = arith.constant 0 : i32
    %dma_wait3A_441 = arith.constant 0 : i32
    %dma_wait3A_442 = tpu.memref_slice %arg6[%dma_wait3A_438, %dma_wait3A_440, %dma_wait3A_441] : memref<9x2x40xi32, #tpu.memory_space<vmem>> -> memref<1x2x40xi32, #tpu.memory_space<vmem>>
    %dma_wait3A_443 = tpu.memref_squeeze %dma_wait3A_442 : memref<1x2x40xi32, #tpu.memory_space<vmem>> -> memref<2x40xi32, #tpu.memory_space<vmem>>
    %dma_wait3A_444 = arith.constant 0 : i32
    %dma_wait3A_445 = arith.constant 0 : i32
    %dma_wait3A_446 = arith.constant 0 : i32
    %dma_wait3A_447 = tpu.memref_slice %arg3[%arg1, %dma_wait3A_444, %dma_wait3A_445, %dma_wait3A_446] : memref<16x250x2x40xi32, #tpu.memory_space<hbm>> -> memref<1x250x2x40xi32, #tpu.memory_space<hbm>>
    %dma_wait3A_448 = tpu.memref_squeeze %dma_wait3A_447 : memref<1x250x2x40xi32, #tpu.memory_space<hbm>> -> memref<250x2x40xi32, #tpu.memory_space<hbm>>
    %dma_wait3A_449 = arith.constant 0 : i32
    %dma_wait3A_450 = arith.constant 0 : i32
    %dma_wait3A_451 = tpu.memref_slice %dma_wait3A_448[%dma_wait3A_437, %dma_wait3A_449, %dma_wait3A_450] : memref<250x2x40xi32, #tpu.memory_space<hbm>> -> memref<1x2x40xi32, #tpu.memory_space<hbm>>
    %dma_wait3A_452 = tpu.memref_squeeze %dma_wait3A_451 : memref<1x2x40xi32, #tpu.memory_space<hbm>> -> memref<2x40xi32, #tpu.memory_space<hbm>>
    %dma_wait3A_453 = tpu.memref_slice %arg9[%dma_wait3A_439] : memref<9x!tpu.dma_semaphore, #tpu.memory_space<semaphore_mem>> -> memref<1x!tpu.dma_semaphore, #tpu.memory_space<semaphore_mem>>
    %dma_wait3A_454 = tpu.memref_squeeze %dma_wait3A_453 : memref<1x!tpu.dma_semaphore, #tpu.memory_space<semaphore_mem>> -> memref<!tpu.dma_semaphore, #tpu.memory_space<semaphore_mem>>
    %dma_wait3A_455 = arith.constant 0 : i32
    %dma_wait3A_456 = arith.constant 0 : i32
    %dma_wait3A_457 = tpu.memref_slice %arg6[%dma_wait3A_438, %dma_wait3A_455, %dma_wait3A_456] : memref<9x2x40xi32, #tpu.memory_space<vmem>> -> memref<1x2x40xi32, #tpu.memory_space<vmem>>
    %dma_wait3A_458 = tpu.memref_squeeze %dma_wait3A_457 : memref<1x2x40xi32, #tpu.memory_space<vmem>> -> memref<2x40xi32, #tpu.memory_space<vmem>>
    %dma_wait3A_459 = arith.constant 0 : i32
    %dma_wait3A_460 = arith.constant 0 : i32
    %dma_wait3A_461 = arith.constant 0 : i32
    %dma_wait3A_462 = tpu.memref_slice %arg3[%arg1, %dma_wait3A_459, %dma_wait3A_460, %dma_wait3A_461] : memref<16x250x2x40xi32, #tpu.memory_space<hbm>> -> memref<1x250x2x40xi32, #tpu.memory_space<hbm>>
    %dma_wait3A_463 = tpu.memref_squeeze %dma_wait3A_462 : memref<1x250x2x40xi32, #tpu.memory_space<hbm>> -> memref<250x2x40xi32, #tpu.memory_space<hbm>>
    %dma_wait3A_464 = arith.constant 0 : i32
    %dma_wait3A_465 = arith.constant 0 : i32
    %dma_wait3A_466 = tpu.memref_slice %dma_wait3A_463[%dma_wait3A_437, %dma_wait3A_464, %dma_wait3A_465] : memref<250x2x40xi32, #tpu.memory_space<hbm>> -> memref<1x2x40xi32, #tpu.memory_space<hbm>>
    %dma_wait3A_467 = tpu.memref_squeeze %dma_wait3A_466 : memref<1x2x40xi32, #tpu.memory_space<hbm>> -> memref<2x40xi32, #tpu.memory_space<hbm>>
    tpu.wait_dma2 semaphore(%dma_wait3A_454 : memref<!tpu.dma_semaphore, #tpu.memory_space<semaphore_mem>>) src(%dma_wait3A_467 : memref<2x40xi32, #tpu.memory_space<hbm>>) dst(%dma_wait3A_458 : memref<2x40xi32, #tpu.memory_space<vmem>>)
    %dma_start3A_468 = arith.constant 4 : i32
    %dma_start3A_469 = arith.constant 0 : i32
    %dma_start3A_470 = arith.constant 4 : i32
    %dma_start3A_471 = arith.constant 4 : i32
    %dma_start3A_472 = arith.constant 0 : i32
    %dma_start3A_473 = arith.constant 0 : i32
    %dma_start3A_474 = tpu.memref_slice %arg7[%dma_start3A_470, %dma_start3A_472, %dma_start3A_473] : memref<9x40x128xf32, #tpu.memory_space<vmem>> -> memref<1x40x128xf32, #tpu.memory_space<vmem>>
    %dma_start3A_475 = tpu.memref_squeeze %dma_start3A_474 : memref<1x40x128xf32, #tpu.memory_space<vmem>> -> memref<40x128xf32, #tpu.memory_space<vmem>>
    %dma_start3A_476 = arith.constant 0 : i32
    %dma_start3A_477 = arith.constant 0 : i32
    %dma_start3A_478 = tpu.memref_slice %arg6[%dma_start3A_468, %dma_start3A_476, %dma_start3A_477] : memref<9x2x40xi32, #tpu.memory_space<vmem>> -> memref<1x2x40xi32, #tpu.memory_space<vmem>>
    %dma_start3A_479 = tpu.memref_squeeze %dma_start3A_478 : memref<1x2x40xi32, #tpu.memory_space<vmem>> -> memref<2x40xi32, #tpu.memory_space<vmem>>
    %dma_start3A_480 = arith.constant 0 : i32
    %dma_start3A_481 = tpu.memref_slice %dma_start3A_479[%dma_start3A_469, %dma_start3A_480] : memref<2x40xi32, #tpu.memory_space<vmem>> -> memref<1x40xi32, #tpu.memory_space<vmem>>
    %dma_start3A_482 = tpu.memref_squeeze %dma_start3A_481 : memref<1x40xi32, #tpu.memory_space<vmem>> -> memref<40xi32, #tpu.memory_space<vmem>>
    %dma_start3A_483 = arith.constant 0 : i32
    %dma_start3A_484 = arith.constant 0 : i32
    %dma_start3A_485 = tpu.memref_slice %arg2[%add3A_0, %dma_start3A_483, %dma_start3A_484] : memref<4x10240x128xf32, #tpu.memory_space<hbm>> -> memref<1x10240x128xf32, #tpu.memory_space<hbm>>
    %dma_start3A_486 = tpu.memref_squeeze %dma_start3A_485 : memref<1x10240x128xf32, #tpu.memory_space<hbm>> -> memref<10240x128xf32, #tpu.memory_space<hbm>>
    %dma_start3A_487 = arith.constant 0 : i32
    %dma_start3A_488 = arith.constant 0 : i32
    %dma_start3A_489 = tpu.memref_slice %dma_start3A_486[%dma_start3A_487, %dma_start3A_488] : memref<10240x128xf32, #tpu.memory_space<hbm>> -> memref<10240x128xf32, #tpu.memory_space<hbm>>
    %dma_start3A_490 = tpu.memref_slice %arg10[%dma_start3A_471] : memref<9x!tpu.dma_semaphore, #tpu.memory_space<semaphore_mem>> -> memref<1x!tpu.dma_semaphore, #tpu.memory_space<semaphore_mem>>
    %dma_start3A_491 = tpu.memref_squeeze %dma_start3A_490 : memref<1x!tpu.dma_semaphore, #tpu.memory_space<semaphore_mem>> -> memref<!tpu.dma_semaphore, #tpu.memory_space<semaphore_mem>>
    tpu.enqueue_indirect_dma source(%dma_start3A_489 : memref<10240x128xf32, #tpu.memory_space<hbm>>) target(%dma_start3A_475 : memref<40x128xf32, #tpu.memory_space<vmem>>) offsets(%dma_start3A_482 : memref<40xi32, #tpu.memory_space<vmem>>) semaphore(%dma_start3A_491 : memref<!tpu.dma_semaphore, #tpu.memory_space<semaphore_mem>>)
    %barrier3A = arith.constant 0 : index
    tpu.barrier barrier_id(%barrier3A)
    %scan3A = arith.constant 0 : i32
    %scan3A_492 = arith.constant 0 : i32
    %scan3A_493 = arith.constant 250 : i32
    %scan3A_494 = arith.addi %scan3A_492, %scan3A_493 : i32
    %scan3A_495 = arith.constant 1 : i32
    %scan3A_496 = scf.for %scan3A_1093 = %scan3A_492 to %scan3A_494 step %scan3A_495 iter_args(%scan3A_1094 = %scan3A) -> (i32)  : i32 {
      %rem3A = arith.constant 9 : i32
      %rem3A_1095 = arith.remsi %scan3A_1093, %rem3A : i32
      %dma_wait3A_1096 = arith.constant 0 : i32
      %dma_wait3A_1097 = arith.constant 0 : i32
      %dma_wait3A_1098 = arith.constant 0 : i32
      %dma_wait3A_1099 = tpu.memref_slice %arg7[%rem3A_1095, %dma_wait3A_1097, %dma_wait3A_1098] : memref<9x40x128xf32, #tpu.memory_space<vmem>> -> memref<1x40x128xf32, #tpu.memory_space<vmem>>
      %dma_wait3A_1100 = tpu.memref_squeeze %dma_wait3A_1099 : memref<1x40x128xf32, #tpu.memory_space<vmem>> -> memref<40x128xf32, #tpu.memory_space<vmem>>
      %dma_wait3A_1101 = arith.constant 0 : i32
      %dma_wait3A_1102 = arith.constant 0 : i32
      %dma_wait3A_1103 = tpu.memref_slice %arg6[%rem3A_1095, %dma_wait3A_1101, %dma_wait3A_1102] : memref<9x2x40xi32, #tpu.memory_space<vmem>> -> memref<1x2x40xi32, #tpu.memory_space<vmem>>
      %dma_wait3A_1104 = tpu.memref_squeeze %dma_wait3A_1103 : memref<1x2x40xi32, #tpu.memory_space<vmem>> -> memref<2x40xi32, #tpu.memory_space<vmem>>
      %dma_wait3A_1105 = arith.constant 0 : i32
      %dma_wait3A_1106 = tpu.memref_slice %dma_wait3A_1104[%dma_wait3A_1096, %dma_wait3A_1105] : memref<2x40xi32, #tpu.memory_space<vmem>> -> memref<1x40xi32, #tpu.memory_space<vmem>>
      %dma_wait3A_1107 = tpu.memref_squeeze %dma_wait3A_1106 : memref<1x40xi32, #tpu.memory_space<vmem>> -> memref<40xi32, #tpu.memory_space<vmem>>
      %dma_wait3A_1108 = arith.constant 0 : i32
      %dma_wait3A_1109 = arith.constant 0 : i32
      %dma_wait3A_1110 = tpu.memref_slice %arg2[%add3A_0, %dma_wait3A_1108, %dma_wait3A_1109] : memref<4x10240x128xf32, #tpu.memory_space<hbm>> -> memref<1x10240x128xf32, #tpu.memory_space<hbm>>
      %dma_wait3A_1111 = tpu.memref_squeeze %dma_wait3A_1110 : memref<1x10240x128xf32, #tpu.memory_space<hbm>> -> memref<10240x128xf32, #tpu.memory_space<hbm>>
      %dma_wait3A_1112 = arith.constant 0 : i32
      %dma_wait3A_1113 = arith.constant 0 : i32
      %dma_wait3A_1114 = tpu.memref_slice %dma_wait3A_1111[%dma_wait3A_1112, %dma_wait3A_1113] : memref<10240x128xf32, #tpu.memory_space<hbm>> -> memref<10240x128xf32, #tpu.memory_space<hbm>>
      %dma_wait3A_1115 = tpu.memref_slice %arg10[%rem3A_1095] : memref<9x!tpu.dma_semaphore, #tpu.memory_space<semaphore_mem>> -> memref<1x!tpu.dma_semaphore, #tpu.memory_space<semaphore_mem>>
      %dma_wait3A_1116 = tpu.memref_squeeze %dma_wait3A_1115 : memref<1x!tpu.dma_semaphore, #tpu.memory_space<semaphore_mem>> -> memref<!tpu.dma_semaphore, #tpu.memory_space<semaphore_mem>>
      tpu.wait_indirect_dma semaphore(%dma_wait3A_1116 : memref<!tpu.dma_semaphore, #tpu.memory_space<semaphore_mem>>) src(%dma_wait3A_1114 : memref<10240x128xf32, #tpu.memory_space<hbm>>) dst(%dma_wait3A_1100 : memref<40x128xf32, #tpu.memory_space<vmem>>)
      %dma_start3A_1117 = arith.constant 1 : i32
      %dma_start3A_1118 = arith.constant 0 : i32
      %dma_start3A_1119 = arith.constant 0 : i32
      %dma_start3A_1120 = tpu.memref_slice %arg7[%rem3A_1095, %dma_start3A_1118, %dma_start3A_1119] : memref<9x40x128xf32, #tpu.memory_space<vmem>> -> memref<1x40x128xf32, #tpu.memory_space<vmem>>
      %dma_start3A_1121 = tpu.memref_squeeze %dma_start3A_1120 : memref<1x40x128xf32, #tpu.memory_space<vmem>> -> memref<40x128xf32, #tpu.memory_space<vmem>>
      %dma_start3A_1122 = arith.constant 0 : i32
      %dma_start3A_1123 = arith.constant 0 : i32
      %dma_start3A_1124 = tpu.memref_slice %arg6[%rem3A_1095, %dma_start3A_1122, %dma_start3A_1123] : memref<9x2x40xi32, #tpu.memory_space<vmem>> -> memref<1x2x40xi32, #tpu.memory_space<vmem>>
      %dma_start3A_1125 = tpu.memref_squeeze %dma_start3A_1124 : memref<1x2x40xi32, #tpu.memory_space<vmem>> -> memref<2x40xi32, #tpu.memory_space<vmem>>
      %dma_start3A_1126 = arith.constant 0 : i32
      %dma_start3A_1127 = tpu.memref_slice %dma_start3A_1125[%dma_start3A_1117, %dma_start3A_1126] : memref<2x40xi32, #tpu.memory_space<vmem>> -> memref<1x40xi32, #tpu.memory_space<vmem>>
      %dma_start3A_1128 = tpu.memref_squeeze %dma_start3A_1127 : memref<1x40xi32, #tpu.memory_space<vmem>> -> memref<40xi32, #tpu.memory_space<vmem>>
      %dma_start3A_1129 = arith.constant 0 : i32
      %dma_start3A_1130 = arith.constant 0 : i32
      %dma_start3A_1131 = tpu.memref_slice %arg8[%dma_start3A_1129, %dma_start3A_1130] : memref<10240x128xf32, #tpu.memory_space<vmem_shared>> -> memref<10240x128xf32, #tpu.memory_space<vmem_shared>>
      %dma_start3A_1132 = tpu.memref_slice %arg11[%rem3A_1095] : memref<9x!tpu.dma_semaphore, #tpu.memory_space<semaphore_mem>> -> memref<1x!tpu.dma_semaphore, #tpu.memory_space<semaphore_mem>>
      %dma_start3A_1133 = tpu.memref_squeeze %dma_start3A_1132 : memref<1x!tpu.dma_semaphore, #tpu.memory_space<semaphore_mem>> -> memref<!tpu.dma_semaphore, #tpu.memory_space<semaphore_mem>>
      tpu.enqueue_indirect_dma source(%dma_start3A_1121 : memref<40x128xf32, #tpu.memory_space<vmem>>) target(%dma_start3A_1131 : memref<10240x128xf32, #tpu.memory_space<vmem_shared>>) offsets(%dma_start3A_1128 : memref<40xi32, #tpu.memory_space<vmem>>) semaphore(%dma_start3A_1133 : memref<!tpu.dma_semaphore, #tpu.memory_space<semaphore_mem>>) {add = true}
      %ge3A = arith.constant 2 : i32
      %ge3A_1134 = arith.cmpi sge, %scan3A_1093, %ge3A : i32
      %convert_element_type3A = arith.extui %ge3A_1134 : i1 to i32
      %cond3A = arith.constant 0 : i32
      %cond3A_1135 = arith.cmpi ne, %convert_element_type3A, %cond3A : i32
      scf.if %cond3A_1135 {
        %sub3A = arith.constant 2 : i32
        %sub3A_1150 = arith.subi %scan3A_1093, %sub3A : i32
        %add3A_1151 = arith.constant 9 : i32
        %add3A_1152 = arith.addi %scan3A_1093, %add3A_1151 : i32
        %sub3A_1153 = arith.constant 2 : i32
        %sub3A_1154 = arith.subi %add3A_1152, %sub3A_1153 : i32
        %rem3A_1155 = arith.constant 9 : i32
        %rem3A_1156 = arith.remsi %sub3A_1154, %rem3A_1155 : i32
        %dma_wait3A_1157 = arith.constant 1 : i32
        %dma_wait3A_1158 = arith.constant 0 : i32
        %dma_wait3A_1159 = arith.constant 0 : i32
        %dma_wait3A_1160 = tpu.memref_slice %arg7[%rem3A_1156, %dma_wait3A_1158, %dma_wait3A_1159] : memref<9x40x128xf32, #tpu.memory_space<vmem>> -> memref<1x40x128xf32, #tpu.memory_space<vmem>>
        %dma_wait3A_1161 = tpu.memref_squeeze %dma_wait3A_1160 : memref<1x40x128xf32, #tpu.memory_space<vmem>> -> memref<40x128xf32, #tpu.memory_space<vmem>>
        %dma_wait3A_1162 = arith.constant 0 : i32
        %dma_wait3A_1163 = arith.constant 0 : i32
        %dma_wait3A_1164 = tpu.memref_slice %arg6[%rem3A_1156, %dma_wait3A_1162, %dma_wait3A_1163] : memref<9x2x40xi32, #tpu.memory_space<vmem>> -> memref<1x2x40xi32, #tpu.memory_space<vmem>>
        %dma_wait3A_1165 = tpu.memref_squeeze %dma_wait3A_1164 : memref<1x2x40xi32, #tpu.memory_space<vmem>> -> memref<2x40xi32, #tpu.memory_space<vmem>>
        %dma_wait3A_1166 = arith.constant 0 : i32
        %dma_wait3A_1167 = tpu.memref_slice %dma_wait3A_1165[%dma_wait3A_1157, %dma_wait3A_1166] : memref<2x40xi32, #tpu.memory_space<vmem>> -> memref<1x40xi32, #tpu.memory_space<vmem>>
        %dma_wait3A_1168 = tpu.memref_squeeze %dma_wait3A_1167 : memref<1x40xi32, #tpu.memory_space<vmem>> -> memref<40xi32, #tpu.memory_space<vmem>>
        %dma_wait3A_1169 = arith.constant 0 : i32
        %dma_wait3A_1170 = arith.constant 0 : i32
        %dma_wait3A_1171 = tpu.memref_slice %arg8[%dma_wait3A_1169, %dma_wait3A_1170] : memref<10240x128xf32, #tpu.memory_space<vmem_shared>> -> memref<10240x128xf32, #tpu.memory_space<vmem_shared>>
        %dma_wait3A_1172 = tpu.memref_slice %arg11[%rem3A_1156] : memref<9x!tpu.dma_semaphore, #tpu.memory_space<semaphore_mem>> -> memref<1x!tpu.dma_semaphore, #tpu.memory_space<semaphore_mem>>
        %dma_wait3A_1173 = tpu.memref_squeeze %dma_wait3A_1172 : memref<1x!tpu.dma_semaphore, #tpu.memory_space<semaphore_mem>> -> memref<!tpu.dma_semaphore, #tpu.memory_space<semaphore_mem>>
        tpu.wait_indirect_dma semaphore(%dma_wait3A_1173 : memref<!tpu.dma_semaphore, #tpu.memory_space<semaphore_mem>>) src(%dma_wait3A_1161 : memref<40x128xf32, #tpu.memory_space<vmem>>) dst(%dma_wait3A_1171 : memref<10240x128xf32, #tpu.memory_space<vmem_shared>>)
      } else {
      }
      %add3A_1136 = arith.constant 5 : i32
      %add3A_1137 = arith.addi %scan3A_1093, %add3A_1136 : i32
      %lt3A = arith.constant 250 : i32
      %lt3A_1138 = arith.cmpi slt, %add3A_1137, %lt3A : i32
      %convert_element_type3A_1139 = arith.extui %lt3A_1138 : i1 to i32
      %cond3A_1140 = arith.constant 0 : i32
      %cond3A_1141 = arith.cmpi ne, %convert_element_type3A_1139, %cond3A_1140 : i32
      scf.if %cond3A_1141 {
        %add3A_1150 = arith.constant 5 : i32
        %add3A_1151 = arith.addi %scan3A_1093, %add3A_1150 : i32
        %rem3A_1152 = arith.constant 9 : i32
        %rem3A_1153 = arith.remsi %add3A_1151, %rem3A_1152 : i32
        %add3A_1154 = arith.constant 5 : i32
        %add3A_1155 = arith.addi %scan3A_1093, %add3A_1154 : i32
        %dma_wait3A_1156 = arith.constant 0 : i32
        %dma_wait3A_1157 = arith.constant 0 : i32
        %dma_wait3A_1158 = tpu.memref_slice %arg6[%rem3A_1153, %dma_wait3A_1156, %dma_wait3A_1157] : memref<9x2x40xi32, #tpu.memory_space<vmem>> -> memref<1x2x40xi32, #tpu.memory_space<vmem>>
        %dma_wait3A_1159 = tpu.memref_squeeze %dma_wait3A_1158 : memref<1x2x40xi32, #tpu.memory_space<vmem>> -> memref<2x40xi32, #tpu.memory_space<vmem>>
        %dma_wait3A_1160 = arith.constant 0 : i32
        %dma_wait3A_1161 = arith.constant 0 : i32
        %dma_wait3A_1162 = arith.constant 0 : i32
        %dma_wait3A_1163 = tpu.memref_slice %arg3[%arg1, %dma_wait3A_1160, %dma_wait3A_1161, %dma_wait3A_1162] : memref<16x250x2x40xi32, #tpu.memory_space<hbm>> -> memref<1x250x2x40xi32, #tpu.memory_space<hbm>>
        %dma_wait3A_1164 = tpu.memref_squeeze %dma_wait3A_1163 : memref<1x250x2x40xi32, #tpu.memory_space<hbm>> -> memref<250x2x40xi32, #tpu.memory_space<hbm>>
        %dma_wait3A_1165 = arith.constant 0 : i32
        %dma_wait3A_1166 = arith.constant 0 : i32
        %dma_wait3A_1167 = tpu.memref_slice %dma_wait3A_1164[%add3A_1155, %dma_wait3A_1165, %dma_wait3A_1166] : memref<250x2x40xi32, #tpu.memory_space<hbm>> -> memref<1x2x40xi32, #tpu.memory_space<hbm>>
        %dma_wait3A_1168 = tpu.memref_squeeze %dma_wait3A_1167 : memref<1x2x40xi32, #tpu.memory_space<hbm>> -> memref<2x40xi32, #tpu.memory_space<hbm>>
        %dma_wait3A_1169 = tpu.memref_slice %arg9[%rem3A_1153] : memref<9x!tpu.dma_semaphore, #tpu.memory_space<semaphore_mem>> -> memref<1x!tpu.dma_semaphore, #tpu.memory_space<semaphore_mem>>
        %dma_wait3A_1170 = tpu.memref_squeeze %dma_wait3A_1169 : memref<1x!tpu.dma_semaphore, #tpu.memory_space<semaphore_mem>> -> memref<!tpu.dma_semaphore, #tpu.memory_space<semaphore_mem>>
        %dma_wait3A_1171 = arith.constant 0 : i32
        %dma_wait3A_1172 = arith.constant 0 : i32
        %dma_wait3A_1173 = tpu.memref_slice %arg6[%rem3A_1153, %dma_wait3A_1171, %dma_wait3A_1172] : memref<9x2x40xi32, #tpu.memory_space<vmem>> -> memref<1x2x40xi32, #tpu.memory_space<vmem>>
        %dma_wait3A_1174 = tpu.memref_squeeze %dma_wait3A_1173 : memref<1x2x40xi32, #tpu.memory_space<vmem>> -> memref<2x40xi32, #tpu.memory_space<vmem>>
        %dma_wait3A_1175 = arith.constant 0 : i32
        %dma_wait3A_1176 = arith.constant 0 : i32
        %dma_wait3A_1177 = arith.constant 0 : i32
        %dma_wait3A_1178 = tpu.memref_slice %arg3[%arg1, %dma_wait3A_1175, %dma_wait3A_1176, %dma_wait3A_1177] : memref<16x250x2x40xi32, #tpu.memory_space<hbm>> -> memref<1x250x2x40xi32, #tpu.memory_space<hbm>>
        %dma_wait3A_1179 = tpu.memref_squeeze %dma_wait3A_1178 : memref<1x250x2x40xi32, #tpu.memory_space<hbm>> -> memref<250x2x40xi32, #tpu.memory_space<hbm>>
        %dma_wait3A_1180 = arith.constant 0 : i32
        %dma_wait3A_1181 = arith.constant 0 : i32
        %dma_wait3A_1182 = tpu.memref_slice %dma_wait3A_1179[%add3A_1155, %dma_wait3A_1180, %dma_wait3A_1181] : memref<250x2x40xi32, #tpu.memory_space<hbm>> -> memref<1x2x40xi32, #tpu.memory_space<hbm>>
        %dma_wait3A_1183 = tpu.memref_squeeze %dma_wait3A_1182 : memref<1x2x40xi32, #tpu.memory_space<hbm>> -> memref<2x40xi32, #tpu.memory_space<hbm>>
        tpu.wait_dma2 semaphore(%dma_wait3A_1170 : memref<!tpu.dma_semaphore, #tpu.memory_space<semaphore_mem>>) src(%dma_wait3A_1183 : memref<2x40xi32, #tpu.memory_space<hbm>>) dst(%dma_wait3A_1174 : memref<2x40xi32, #tpu.memory_space<vmem>>)
        %add3A_1184 = arith.constant 5 : i32
        %add3A_1185 = arith.addi %scan3A_1093, %add3A_1184 : i32
        %dma_start3A_1186 = arith.constant 0 : i32
        %dma_start3A_1187 = arith.constant 0 : i32
        %dma_start3A_1188 = arith.constant 0 : i32
        %dma_start3A_1189 = tpu.memref_slice %arg7[%rem3A_1153, %dma_start3A_1187, %dma_start3A_1188] : memref<9x40x128xf32, #tpu.memory_space<vmem>> -> memref<1x40x128xf32, #tpu.memory_space<vmem>>
        %dma_start3A_1190 = tpu.memref_squeeze %dma_start3A_1189 : memref<1x40x128xf32, #tpu.memory_space<vmem>> -> memref<40x128xf32, #tpu.memory_space<vmem>>
        %dma_start3A_1191 = arith.constant 0 : i32
        %dma_start3A_1192 = arith.constant 0 : i32
        %dma_start3A_1193 = tpu.memref_slice %arg6[%rem3A_1153, %dma_start3A_1191, %dma_start3A_1192] : memref<9x2x40xi32, #tpu.memory_space<vmem>> -> memref<1x2x40xi32, #tpu.memory_space<vmem>>
        %dma_start3A_1194 = tpu.memref_squeeze %dma_start3A_1193 : memref<1x2x40xi32, #tpu.memory_space<vmem>> -> memref<2x40xi32, #tpu.memory_space<vmem>>
        %dma_start3A_1195 = arith.constant 0 : i32
        %dma_start3A_1196 = tpu.memref_slice %dma_start3A_1194[%dma_start3A_1186, %dma_start3A_1195] : memref<2x40xi32, #tpu.memory_space<vmem>> -> memref<1x40xi32, #tpu.memory_space<vmem>>
        %dma_start3A_1197 = tpu.memref_squeeze %dma_start3A_1196 : memref<1x40xi32, #tpu.memory_space<vmem>> -> memref<40xi32, #tpu.memory_space<vmem>>
        %dma_start3A_1198 = arith.constant 0 : i32
        %dma_start3A_1199 = arith.constant 0 : i32
        %dma_start3A_1200 = tpu.memref_slice %arg2[%add3A_0, %dma_start3A_1198, %dma_start3A_1199] : memref<4x10240x128xf32, #tpu.memory_space<hbm>> -> memref<1x10240x128xf32, #tpu.memory_space<hbm>>
        %dma_start3A_1201 = tpu.memref_squeeze %dma_start3A_1200 : memref<1x10240x128xf32, #tpu.memory_space<hbm>> -> memref<10240x128xf32, #tpu.memory_space<hbm>>
        %dma_start3A_1202 = arith.constant 0 : i32
        %dma_start3A_1203 = arith.constant 0 : i32
        %dma_start3A_1204 = tpu.memref_slice %dma_start3A_1201[%dma_start3A_1202, %dma_start3A_1203] : memref<10240x128xf32, #tpu.memory_space<hbm>> -> memref<10240x128xf32, #tpu.memory_space<hbm>>
        %dma_start3A_1205 = tpu.memref_slice %arg10[%rem3A_1153] : memref<9x!tpu.dma_semaphore, #tpu.memory_space<semaphore_mem>> -> memref<1x!tpu.dma_semaphore, #tpu.memory_space<semaphore_mem>>
        %dma_start3A_1206 = tpu.memref_squeeze %dma_start3A_1205 : memref<1x!tpu.dma_semaphore, #tpu.memory_space<semaphore_mem>> -> memref<!tpu.dma_semaphore, #tpu.memory_space<semaphore_mem>>
        tpu.enqueue_indirect_dma source(%dma_start3A_1204 : memref<10240x128xf32, #tpu.memory_space<hbm>>) target(%dma_start3A_1190 : memref<40x128xf32, #tpu.memory_space<vmem>>) offsets(%dma_start3A_1197 : memref<40xi32, #tpu.memory_space<vmem>>) semaphore(%dma_start3A_1206 : memref<!tpu.dma_semaphore, #tpu.memory_space<semaphore_mem>>)
      } else {
      }
      %add3A_1142 = arith.constant 7 : i32
      %add3A_1143 = arith.addi %scan3A_1093, %add3A_1142 : i32
      %lt3A_1144 = arith.constant 250 : i32
      %lt3A_1145 = arith.cmpi slt, %add3A_1143, %lt3A_1144 : i32
      %convert_element_type3A_1146 = arith.extui %lt3A_1145 : i1 to i32
      %cond3A_1147 = arith.constant 0 : i32
      %cond3A_1148 = arith.cmpi ne, %convert_element_type3A_1146, %cond3A_1147 : i32
      scf.if %cond3A_1148 {
        %add3A_1150 = arith.constant 7 : i32
        %add3A_1151 = arith.addi %scan3A_1093, %add3A_1150 : i32
        %add3A_1152 = arith.constant 7 : i32
        %add3A_1153 = arith.addi %scan3A_1093, %add3A_1152 : i32
        %rem3A_1154 = arith.constant 9 : i32
        %rem3A_1155 = arith.remsi %add3A_1153, %rem3A_1154 : i32
        %dma_start3A_1156 = arith.constant 0 : i32
        %dma_start3A_1157 = arith.constant 0 : i32
        %dma_start3A_1158 = tpu.memref_slice %arg6[%rem3A_1155, %dma_start3A_1156, %dma_start3A_1157] : memref<9x2x40xi32, #tpu.memory_space<vmem>> -> memref<1x2x40xi32, #tpu.memory_space<vmem>>
        %dma_start3A_1159 = tpu.memref_squeeze %dma_start3A_1158 : memref<1x2x40xi32, #tpu.memory_space<vmem>> -> memref<2x40xi32, #tpu.memory_space<vmem>>
        %dma_start3A_1160 = arith.constant 0 : i32
        %dma_start3A_1161 = arith.constant 0 : i32
        %dma_start3A_1162 = arith.constant 0 : i32
        %dma_start3A_1163 = tpu.memref_slice %arg3[%arg1, %dma_start3A_1160, %dma_start3A_1161, %dma_start3A_1162] : memref<16x250x2x40xi32, #tpu.memory_space<hbm>> -> memref<1x250x2x40xi32, #tpu.memory_space<hbm>>
        %dma_start3A_1164 = tpu.memref_squeeze %dma_start3A_1163 : memref<1x250x2x40xi32, #tpu.memory_space<hbm>> -> memref<250x2x40xi32, #tpu.memory_space<hbm>>
        %dma_start3A_1165 = arith.constant 0 : i32
        %dma_start3A_1166 = arith.constant 0 : i32
        %dma_start3A_1167 = tpu.memref_slice %dma_start3A_1164[%add3A_1151, %dma_start3A_1165, %dma_start3A_1166] : memref<250x2x40xi32, #tpu.memory_space<hbm>> -> memref<1x2x40xi32, #tpu.memory_space<hbm>>
        %dma_start3A_1168 = tpu.memref_squeeze %dma_start3A_1167 : memref<1x2x40xi32, #tpu.memory_space<hbm>> -> memref<2x40xi32, #tpu.memory_space<hbm>>
        %dma_start3A_1169 = tpu.memref_slice %arg9[%rem3A_1155] : memref<9x!tpu.dma_semaphore, #tpu.memory_space<semaphore_mem>> -> memref<1x!tpu.dma_semaphore, #tpu.memory_space<semaphore_mem>>
        %dma_start3A_1170 = tpu.memref_squeeze %dma_start3A_1169 : memref<1x!tpu.dma_semaphore, #tpu.memory_space<semaphore_mem>> -> memref<!tpu.dma_semaphore, #tpu.memory_space<semaphore_mem>>
        %dma_start3A_1171 = arith.constant 0 : i32
        %dma_start3A_1172 = arith.constant 0 : i32
        %dma_start3A_1173 = tpu.memref_slice %arg6[%rem3A_1155, %dma_start3A_1171, %dma_start3A_1172] : memref<9x2x40xi32, #tpu.memory_space<vmem>> -> memref<1x2x40xi32, #tpu.memory_space<vmem>>
        %dma_start3A_1174 = tpu.memref_squeeze %dma_start3A_1173 : memref<1x2x40xi32, #tpu.memory_space<vmem>> -> memref<2x40xi32, #tpu.memory_space<vmem>>
        %dma_start3A_1175 = arith.constant 0 : i32
        %dma_start3A_1176 = arith.constant 0 : i32
        %dma_start3A_1177 = arith.constant 0 : i32
        %dma_start3A_1178 = tpu.memref_slice %arg3[%arg1, %dma_start3A_1175, %dma_start3A_1176, %dma_start3A_1177] : memref<16x250x2x40xi32, #tpu.memory_space<hbm>> -> memref<1x250x2x40xi32, #tpu.memory_space<hbm>>
        %dma_start3A_1179 = tpu.memref_squeeze %dma_start3A_1178 : memref<1x250x2x40xi32, #tpu.memory_space<hbm>> -> memref<250x2x40xi32, #tpu.memory_space<hbm>>
        %dma_start3A_1180 = arith.constant 0 : i32
        %dma_start3A_1181 = arith.constant 0 : i32
        %dma_start3A_1182 = tpu.memref_slice %dma_start3A_1179[%add3A_1151, %dma_start3A_1180, %dma_start3A_1181] : memref<250x2x40xi32, #tpu.memory_space<hbm>> -> memref<1x2x40xi32, #tpu.memory_space<hbm>>
        %dma_start3A_1183 = tpu.memref_squeeze %dma_start3A_1182 : memref<1x2x40xi32, #tpu.memory_space<hbm>> -> memref<2x40xi32, #tpu.memory_space<hbm>>
        tpu.enqueue_dma source(%dma_start3A_1183 : memref<2x40xi32, #tpu.memory_space<hbm>>) target(%dma_start3A_1174 : memref<2x40xi32, #tpu.memory_space<vmem>>) target_semaphore(%dma_start3A_1170 : memref<!tpu.dma_semaphore, #tpu.memory_space<semaphore_mem>>)
      } else {
      }
      %scan3A_1149 = arith.constant 0 : i32
      scf.yield %scan3A_1149 : i32
    }
    %scan3A_497 = arith.constant 250 : i32
    %dma_wait3A_498 = arith.constant 5 : i32
    %dma_wait3A_499 = arith.constant 5 : i32
    %dma_wait3A_500 = arith.constant 1 : i32
    %dma_wait3A_501 = arith.constant 5 : i32
    %dma_wait3A_502 = arith.constant 0 : i32
    %dma_wait3A_503 = arith.constant 0 : i32
    %dma_wait3A_504 = tpu.memref_slice %arg7[%dma_wait3A_498, %dma_wait3A_502, %dma_wait3A_503] : memref<9x40x128xf32, #tpu.memory_space<vmem>> -> memref<1x40x128xf32, #tpu.memory_space<vmem>>
    %dma_wait3A_505 = tpu.memref_squeeze %dma_wait3A_504 : memref<1x40x128xf32, #tpu.memory_space<vmem>> -> memref<40x128xf32, #tpu.memory_space<vmem>>
    %dma_wait3A_506 = arith.constant 0 : i32
    %dma_wait3A_507 = arith.constant 0 : i32
    %dma_wait3A_508 = tpu.memref_slice %arg6[%dma_wait3A_499, %dma_wait3A_506, %dma_wait3A_507] : memref<9x2x40xi32, #tpu.memory_space<vmem>> -> memref<1x2x40xi32, #tpu.memory_space<vmem>>
    %dma_wait3A_509 = tpu.memref_squeeze %dma_wait3A_508 : memref<1x2x40xi32, #tpu.memory_space<vmem>> -> memref<2x40xi32, #tpu.memory_space<vmem>>
    %dma_wait3A_510 = arith.constant 0 : i32
    %dma_wait3A_511 = tpu.memref_slice %dma_wait3A_509[%dma_wait3A_500, %dma_wait3A_510] : memref<2x40xi32, #tpu.memory_space<vmem>> -> memref<1x40xi32, #tpu.memory_space<vmem>>
    %dma_wait3A_512 = tpu.memref_squeeze %dma_wait3A_511 : memref<1x40xi32, #tpu.memory_space<vmem>> -> memref<40xi32, #tpu.memory_space<vmem>>
    %dma_wait3A_513 = arith.constant 0 : i32
    %dma_wait3A_514 = arith.constant 0 : i32
    %dma_wait3A_515 = tpu.memref_slice %arg8[%dma_wait3A_513, %dma_wait3A_514] : memref<10240x128xf32, #tpu.memory_space<vmem_shared>> -> memref<10240x128xf32, #tpu.memory_space<vmem_shared>>
    %dma_wait3A_516 = tpu.memref_slice %arg11[%dma_wait3A_501] : memref<9x!tpu.dma_semaphore, #tpu.memory_space<semaphore_mem>> -> memref<1x!tpu.dma_semaphore, #tpu.memory_space<semaphore_mem>>
    %dma_wait3A_517 = tpu.memref_squeeze %dma_wait3A_516 : memref<1x!tpu.dma_semaphore, #tpu.memory_space<semaphore_mem>> -> memref<!tpu.dma_semaphore, #tpu.memory_space<semaphore_mem>>
    tpu.wait_indirect_dma semaphore(%dma_wait3A_517 : memref<!tpu.dma_semaphore, #tpu.memory_space<semaphore_mem>>) src(%dma_wait3A_505 : memref<40x128xf32, #tpu.memory_space<vmem>>) dst(%dma_wait3A_515 : memref<10240x128xf32, #tpu.memory_space<vmem_shared>>)
    %dma_wait3A_518 = arith.constant 6 : i32
    %dma_wait3A_519 = arith.constant 6 : i32
    %dma_wait3A_520 = arith.constant 1 : i32
    %dma_wait3A_521 = arith.constant 6 : i32
    %dma_wait3A_522 = arith.constant 0 : i32
    %dma_wait3A_523 = arith.constant 0 : i32
    %dma_wait3A_524 = tpu.memref_slice %arg7[%dma_wait3A_518, %dma_wait3A_522, %dma_wait3A_523] : memref<9x40x128xf32, #tpu.memory_space<vmem>> -> memref<1x40x128xf32, #tpu.memory_space<vmem>>
    %dma_wait3A_525 = tpu.memref_squeeze %dma_wait3A_524 : memref<1x40x128xf32, #tpu.memory_space<vmem>> -> memref<40x128xf32, #tpu.memory_space<vmem>>
    %dma_wait3A_526 = arith.constant 0 : i32
    %dma_wait3A_527 = arith.constant 0 : i32
    %dma_wait3A_528 = tpu.memref_slice %arg6[%dma_wait3A_519, %dma_wait3A_526, %dma_wait3A_527] : memref<9x2x40xi32, #tpu.memory_space<vmem>> -> memref<1x2x40xi32, #tpu.memory_space<vmem>>
    %dma_wait3A_529 = tpu.memref_squeeze %dma_wait3A_528 : memref<1x2x40xi32, #tpu.memory_space<vmem>> -> memref<2x40xi32, #tpu.memory_space<vmem>>
    %dma_wait3A_530 = arith.constant 0 : i32
    %dma_wait3A_531 = tpu.memref_slice %dma_wait3A_529[%dma_wait3A_520, %dma_wait3A_530] : memref<2x40xi32, #tpu.memory_space<vmem>> -> memref<1x40xi32, #tpu.memory_space<vmem>>
    %dma_wait3A_532 = tpu.memref_squeeze %dma_wait3A_531 : memref<1x40xi32, #tpu.memory_space<vmem>> -> memref<40xi32, #tpu.memory_space<vmem>>
    %dma_wait3A_533 = arith.constant 0 : i32
    %dma_wait3A_534 = arith.constant 0 : i32
    %dma_wait3A_535 = tpu.memref_slice %arg8[%dma_wait3A_533, %dma_wait3A_534] : memref<10240x128xf32, #tpu.memory_space<vmem_shared>> -> memref<10240x128xf32, #tpu.memory_space<vmem_shared>>
    %dma_wait3A_536 = tpu.memref_slice %arg11[%dma_wait3A_521] : memref<9x!tpu.dma_semaphore, #tpu.memory_space<semaphore_mem>> -> memref<1x!tpu.dma_semaphore, #tpu.memory_space<semaphore_mem>>
    %dma_wait3A_537 = tpu.memref_squeeze %dma_wait3A_536 : memref<1x!tpu.dma_semaphore, #tpu.memory_space<semaphore_mem>> -> memref<!tpu.dma_semaphore, #tpu.memory_space<semaphore_mem>>
    tpu.wait_indirect_dma semaphore(%dma_wait3A_537 : memref<!tpu.dma_semaphore, #tpu.memory_space<semaphore_mem>>) src(%dma_wait3A_525 : memref<40x128xf32, #tpu.memory_space<vmem>>) dst(%dma_wait3A_535 : memref<10240x128xf32, #tpu.memory_space<vmem_shared>>)
    %barrier3A_538 = arith.constant 0 : index
    tpu.barrier barrier_id(%barrier3A_538)
    %mul3A_539 = arith.constant 640 : i32
    %mul3A_540 = arith.muli %mul3A_539, %arg1 : i32
    %mul3A_541 = arith.constant 640 : i32
    %mul3A_542 = arith.muli %mul3A_541, %arg1 : i32
    "tpu.region"() ({
      %run_scoped3A = tpu.sem_alloc : memref<!tpu.dma_semaphore, #tpu.memory_space<semaphore_mem>>
      %dma_start3A_1093 = arith.constant 0 : i32
      %dma_start3A_1094 = arith.constant 0 : i32
      %dma_start3A_1095 = tpu.memref_slice %arg5[%add3A_0, %dma_start3A_1093, %dma_start3A_1094] : memref<4x10240x128xf32, #tpu.memory_space<hbm>> -> memref<1x10240x128xf32, #tpu.memory_space<hbm>>
      %dma_start3A_1096 = tpu.memref_squeeze %dma_start3A_1095 : memref<1x10240x128xf32, #tpu.memory_space<hbm>> -> memref<10240x128xf32, #tpu.memory_space<hbm>>
      %dma_start3A_1097 = arith.constant 0 : i32
      %dma_start3A_1098 = tpu.memref_slice %dma_start3A_1096[%mul3A_542, %dma_start3A_1097] : memref<10240x128xf32, #tpu.memory_space<hbm>> -> memref<640x128xf32, #tpu.memory_space<hbm>>
      %dma_start3A_1099 = arith.constant 0 : i32
      %dma_start3A_1100 = tpu.memref_slice %arg8[%mul3A_540, %dma_start3A_1099] : memref<10240x128xf32, #tpu.memory_space<vmem_shared>> -> memref<640x128xf32, #tpu.memory_space<vmem_shared>>
      tpu.enqueue_dma source(%dma_start3A_1100 : memref<640x128xf32, #tpu.memory_space<vmem_shared>>) target(%dma_start3A_1098 : memref<640x128xf32, #tpu.memory_space<hbm>>) target_semaphore(%run_scoped3A : memref<!tpu.dma_semaphore, #tpu.memory_space<semaphore_mem>>)
      %dma_wait3A_1101 = arith.constant 0 : i32
      %dma_wait3A_1102 = arith.constant 0 : i32
      %dma_wait3A_1103 = tpu.memref_slice %arg5[%add3A_0, %dma_wait3A_1101, %dma_wait3A_1102] : memref<4x10240x128xf32, #tpu.memory_space<hbm>> -> memref<1x10240x128xf32, #tpu.memory_space<hbm>>
      %dma_wait3A_1104 = tpu.memref_squeeze %dma_wait3A_1103 : memref<1x10240x128xf32, #tpu.memory_space<hbm>> -> memref<10240x128xf32, #tpu.memory_space<hbm>>
      %dma_wait3A_1105 = arith.constant 0 : i32
      %dma_wait3A_1106 = tpu.memref_slice %dma_wait3A_1104[%mul3A_542, %dma_wait3A_1105] : memref<10240x128xf32, #tpu.memory_space<hbm>> -> memref<640x128xf32, #tpu.memory_space<hbm>>
      %dma_wait3A_1107 = arith.constant 0 : i32
      %dma_wait3A_1108 = tpu.memref_slice %arg8[%mul3A_540, %dma_wait3A_1107] : memref<10240x128xf32, #tpu.memory_space<vmem_shared>> -> memref<640x128xf32, #tpu.memory_space<vmem_shared>>
      tpu.wait_dma2 semaphore(%run_scoped3A : memref<!tpu.dma_semaphore, #tpu.memory_space<semaphore_mem>>) src(%dma_wait3A_1108 : memref<640x128xf32, #tpu.memory_space<vmem_shared>>) dst(%dma_wait3A_1106 : memref<640x128xf32, #tpu.memory_space<hbm>>)
      tpu.yield
    }) : () -> ()
    %barrier3A_543 = arith.constant 0 : index
    tpu.barrier barrier_id(%barrier3A_543)
    %add3A_544 = arith.constant 2 : i32
    %add3A_545 = arith.addi %add3A_544, %arg0 : i32
    %dma_start3A_546 = arith.constant 0 : i32
    %dma_start3A_547 = arith.constant 0 : i32
    %dma_start3A_548 = arith.constant 0 : i32
    %dma_start3A_549 = arith.constant 0 : i32
    %dma_start3A_550 = arith.constant 0 : i32
    %dma_start3A_551 = tpu.memref_slice %arg6[%dma_start3A_547, %dma_start3A_549, %dma_start3A_550] : memref<9x2x40xi32, #tpu.memory_space<vmem>> -> memref<1x2x40xi32, #tpu.memory_space<vmem>>
    %dma_start3A_552 = tpu.memref_squeeze %dma_start3A_551 : memref<1x2x40xi32, #tpu.memory_space<vmem>> -> memref<2x40xi32, #tpu.memory_space<vmem>>
    %dma_start3A_553 = arith.constant 0 : i32
    %dma_start3A_554 = arith.constant 0 : i32
    %dma_start3A_555 = arith.constant 0 : i32
    %dma_start3A_556 = tpu.memref_slice %arg3[%arg1, %dma_start3A_553, %dma_start3A_554, %dma_start3A_555] : memref<16x250x2x40xi32, #tpu.memory_space<hbm>> -> memref<1x250x2x40xi32, #tpu.memory_space<hbm>>
    %dma_start3A_557 = tpu.memref_squeeze %dma_start3A_556 : memref<1x250x2x40xi32, #tpu.memory_space<hbm>> -> memref<250x2x40xi32, #tpu.memory_space<hbm>>
    %dma_start3A_558 = arith.constant 0 : i32
    %dma_start3A_559 = arith.constant 0 : i32
    %dma_start3A_560 = tpu.memref_slice %dma_start3A_557[%dma_start3A_546, %dma_start3A_558, %dma_start3A_559] : memref<250x2x40xi32, #tpu.memory_space<hbm>> -> memref<1x2x40xi32, #tpu.memory_space<hbm>>
    %dma_start3A_561 = tpu.memref_squeeze %dma_start3A_560 : memref<1x2x40xi32, #tpu.memory_space<hbm>> -> memref<2x40xi32, #tpu.memory_space<hbm>>
    %dma_start3A_562 = tpu.memref_slice %arg9[%dma_start3A_548] : memref<9x!tpu.dma_semaphore, #tpu.memory_space<semaphore_mem>> -> memref<1x!tpu.dma_semaphore, #tpu.memory_space<semaphore_mem>>
    %dma_start3A_563 = tpu.memref_squeeze %dma_start3A_562 : memref<1x!tpu.dma_semaphore, #tpu.memory_space<semaphore_mem>> -> memref<!tpu.dma_semaphore, #tpu.memory_space<semaphore_mem>>
    %dma_start3A_564 = arith.constant 0 : i32
    %dma_start3A_565 = arith.constant 0 : i32
    %dma_start3A_566 = tpu.memref_slice %arg6[%dma_start3A_547, %dma_start3A_564, %dma_start3A_565] : memref<9x2x40xi32, #tpu.memory_space<vmem>> -> memref<1x2x40xi32, #tpu.memory_space<vmem>>
    %dma_start3A_567 = tpu.memref_squeeze %dma_start3A_566 : memref<1x2x40xi32, #tpu.memory_space<vmem>> -> memref<2x40xi32, #tpu.memory_space<vmem>>
    %dma_start3A_568 = arith.constant 0 : i32
    %dma_start3A_569 = arith.constant 0 : i32
    %dma_start3A_570 = arith.constant 0 : i32
    %dma_start3A_571 = tpu.memref_slice %arg3[%arg1, %dma_start3A_568, %dma_start3A_569, %dma_start3A_570] : memref<16x250x2x40xi32, #tpu.memory_space<hbm>> -> memref<1x250x2x40xi32, #tpu.memory_space<hbm>>
    %dma_start3A_572 = tpu.memref_squeeze %dma_start3A_571 : memref<1x250x2x40xi32, #tpu.memory_space<hbm>> -> memref<250x2x40xi32, #tpu.memory_space<hbm>>
    %dma_start3A_573 = arith.constant 0 : i32
    %dma_start3A_574 = arith.constant 0 : i32
    %dma_start3A_575 = tpu.memref_slice %dma_start3A_572[%dma_start3A_546, %dma_start3A_573, %dma_start3A_574] : memref<250x2x40xi32, #tpu.memory_space<hbm>> -> memref<1x2x40xi32, #tpu.memory_space<hbm>>
    %dma_start3A_576 = tpu.memref_squeeze %dma_start3A_575 : memref<1x2x40xi32, #tpu.memory_space<hbm>> -> memref<2x40xi32, #tpu.memory_space<hbm>>
    tpu.enqueue_dma source(%dma_start3A_576 : memref<2x40xi32, #tpu.memory_space<hbm>>) target(%dma_start3A_567 : memref<2x40xi32, #tpu.memory_space<vmem>>) target_semaphore(%dma_start3A_563 : memref<!tpu.dma_semaphore, #tpu.memory_space<semaphore_mem>>)
    %dma_start3A_577 = arith.constant 1 : i32
    %dma_start3A_578 = arith.constant 1 : i32
    %dma_start3A_579 = arith.constant 1 : i32
    %dma_start3A_580 = arith.constant 0 : i32
    %dma_start3A_581 = arith.constant 0 : i32
    %dma_start3A_582 = tpu.memref_slice %arg6[%dma_start3A_578, %dma_start3A_580, %dma_start3A_581] : memref<9x2x40xi32, #tpu.memory_space<vmem>> -> memref<1x2x40xi32, #tpu.memory_space<vmem>>
    %dma_start3A_583 = tpu.memref_squeeze %dma_start3A_582 : memref<1x2x40xi32, #tpu.memory_space<vmem>> -> memref<2x40xi32, #tpu.memory_space<vmem>>
    %dma_start3A_584 = arith.constant 0 : i32
    %dma_start3A_585 = arith.constant 0 : i32
    %dma_start3A_586 = arith.constant 0 : i32
    %dma_start3A_587 = tpu.memref_slice %arg3[%arg1, %dma_start3A_584, %dma_start3A_585, %dma_start3A_586] : memref<16x250x2x40xi32, #tpu.memory_space<hbm>> -> memref<1x250x2x40xi32, #tpu.memory_space<hbm>>
    %dma_start3A_588 = tpu.memref_squeeze %dma_start3A_587 : memref<1x250x2x40xi32, #tpu.memory_space<hbm>> -> memref<250x2x40xi32, #tpu.memory_space<hbm>>
    %dma_start3A_589 = arith.constant 0 : i32
    %dma_start3A_590 = arith.constant 0 : i32
    %dma_start3A_591 = tpu.memref_slice %dma_start3A_588[%dma_start3A_577, %dma_start3A_589, %dma_start3A_590] : memref<250x2x40xi32, #tpu.memory_space<hbm>> -> memref<1x2x40xi32, #tpu.memory_space<hbm>>
    %dma_start3A_592 = tpu.memref_squeeze %dma_start3A_591 : memref<1x2x40xi32, #tpu.memory_space<hbm>> -> memref<2x40xi32, #tpu.memory_space<hbm>>
    %dma_start3A_593 = tpu.memref_slice %arg9[%dma_start3A_579] : memref<9x!tpu.dma_semaphore, #tpu.memory_space<semaphore_mem>> -> memref<1x!tpu.dma_semaphore, #tpu.memory_space<semaphore_mem>>
    %dma_start3A_594 = tpu.memref_squeeze %dma_start3A_593 : memref<1x!tpu.dma_semaphore, #tpu.memory_space<semaphore_mem>> -> memref<!tpu.dma_semaphore, #tpu.memory_space<semaphore_mem>>
    %dma_start3A_595 = arith.constant 0 : i32
    %dma_start3A_596 = arith.constant 0 : i32
    %dma_start3A_597 = tpu.memref_slice %arg6[%dma_start3A_578, %dma_start3A_595, %dma_start3A_596] : memref<9x2x40xi32, #tpu.memory_space<vmem>> -> memref<1x2x40xi32, #tpu.memory_space<vmem>>
    %dma_start3A_598 = tpu.memref_squeeze %dma_start3A_597 : memref<1x2x40xi32, #tpu.memory_space<vmem>> -> memref<2x40xi32, #tpu.memory_space<vmem>>
    %dma_start3A_599 = arith.constant 0 : i32
    %dma_start3A_600 = arith.constant 0 : i32
    %dma_start3A_601 = arith.constant 0 : i32
    %dma_start3A_602 = tpu.memref_slice %arg3[%arg1, %dma_start3A_599, %dma_start3A_600, %dma_start3A_601] : memref<16x250x2x40xi32, #tpu.memory_space<hbm>> -> memref<1x250x2x40xi32, #tpu.memory_space<hbm>>
    %dma_start3A_603 = tpu.memref_squeeze %dma_start3A_602 : memref<1x250x2x40xi32, #tpu.memory_space<hbm>> -> memref<250x2x40xi32, #tpu.memory_space<hbm>>
    %dma_start3A_604 = arith.constant 0 : i32
    %dma_start3A_605 = arith.constant 0 : i32
    %dma_start3A_606 = tpu.memref_slice %dma_start3A_603[%dma_start3A_577, %dma_start3A_604, %dma_start3A_605] : memref<250x2x40xi32, #tpu.memory_space<hbm>> -> memref<1x2x40xi32, #tpu.memory_space<hbm>>
    %dma_start3A_607 = tpu.memref_squeeze %dma_start3A_606 : memref<1x2x40xi32, #tpu.memory_space<hbm>> -> memref<2x40xi32, #tpu.memory_space<hbm>>
    tpu.enqueue_dma source(%dma_start3A_607 : memref<2x40xi32, #tpu.memory_space<hbm>>) target(%dma_start3A_598 : memref<2x40xi32, #tpu.memory_space<vmem>>) target_semaphore(%dma_start3A_594 : memref<!tpu.dma_semaphore, #tpu.memory_space<semaphore_mem>>)
    %dma_start3A_608 = arith.constant 2 : i32
    %dma_start3A_609 = arith.constant 2 : i32
    %dma_start3A_610 = arith.constant 2 : i32
    %dma_start3A_611 = arith.constant 0 : i32
    %dma_start3A_612 = arith.constant 0 : i32
    %dma_start3A_613 = tpu.memref_slice %arg6[%dma_start3A_609, %dma_start3A_611, %dma_start3A_612] : memref<9x2x40xi32, #tpu.memory_space<vmem>> -> memref<1x2x40xi32, #tpu.memory_space<vmem>>
    %dma_start3A_614 = tpu.memref_squeeze %dma_start3A_613 : memref<1x2x40xi32, #tpu.memory_space<vmem>> -> memref<2x40xi32, #tpu.memory_space<vmem>>
    %dma_start3A_615 = arith.constant 0 : i32
    %dma_start3A_616 = arith.constant 0 : i32
    %dma_start3A_617 = arith.constant 0 : i32
    %dma_start3A_618 = tpu.memref_slice %arg3[%arg1, %dma_start3A_615, %dma_start3A_616, %dma_start3A_617] : memref<16x250x2x40xi32, #tpu.memory_space<hbm>> -> memref<1x250x2x40xi32, #tpu.memory_space<hbm>>
    %dma_start3A_619 = tpu.memref_squeeze %dma_start3A_618 : memref<1x250x2x40xi32, #tpu.memory_space<hbm>> -> memref<250x2x40xi32, #tpu.memory_space<hbm>>
    %dma_start3A_620 = arith.constant 0 : i32
    %dma_start3A_621 = arith.constant 0 : i32
    %dma_start3A_622 = tpu.memref_slice %dma_start3A_619[%dma_start3A_608, %dma_start3A_620, %dma_start3A_621] : memref<250x2x40xi32, #tpu.memory_space<hbm>> -> memref<1x2x40xi32, #tpu.memory_space<hbm>>
    %dma_start3A_623 = tpu.memref_squeeze %dma_start3A_622 : memref<1x2x40xi32, #tpu.memory_space<hbm>> -> memref<2x40xi32, #tpu.memory_space<hbm>>
    %dma_start3A_624 = tpu.memref_slice %arg9[%dma_start3A_610] : memref<9x!tpu.dma_semaphore, #tpu.memory_space<semaphore_mem>> -> memref<1x!tpu.dma_semaphore, #tpu.memory_space<semaphore_mem>>
    %dma_start3A_625 = tpu.memref_squeeze %dma_start3A_624 : memref<1x!tpu.dma_semaphore, #tpu.memory_space<semaphore_mem>> -> memref<!tpu.dma_semaphore, #tpu.memory_space<semaphore_mem>>
    %dma_start3A_626 = arith.constant 0 : i32
    %dma_start3A_627 = arith.constant 0 : i32
    %dma_start3A_628 = tpu.memref_slice %arg6[%dma_start3A_609, %dma_start3A_626, %dma_start3A_627] : memref<9x2x40xi32, #tpu.memory_space<vmem>> -> memref<1x2x40xi32, #tpu.memory_space<vmem>>
    %dma_start3A_629 = tpu.memref_squeeze %dma_start3A_628 : memref<1x2x40xi32, #tpu.memory_space<vmem>> -> memref<2x40xi32, #tpu.memory_space<vmem>>
    %dma_start3A_630 = arith.constant 0 : i32
    %dma_start3A_631 = arith.constant 0 : i32
    %dma_start3A_632 = arith.constant 0 : i32
    %dma_start3A_633 = tpu.memref_slice %arg3[%arg1, %dma_start3A_630, %dma_start3A_631, %dma_start3A_632] : memref<16x250x2x40xi32, #tpu.memory_space<hbm>> -> memref<1x250x2x40xi32, #tpu.memory_space<hbm>>
    %dma_start3A_634 = tpu.memref_squeeze %dma_start3A_633 : memref<1x250x2x40xi32, #tpu.memory_space<hbm>> -> memref<250x2x40xi32, #tpu.memory_space<hbm>>
    %dma_start3A_635 = arith.constant 0 : i32
    %dma_start3A_636 = arith.constant 0 : i32
    %dma_start3A_637 = tpu.memref_slice %dma_start3A_634[%dma_start3A_608, %dma_start3A_635, %dma_start3A_636] : memref<250x2x40xi32, #tpu.memory_space<hbm>> -> memref<1x2x40xi32, #tpu.memory_space<hbm>>
    %dma_start3A_638 = tpu.memref_squeeze %dma_start3A_637 : memref<1x2x40xi32, #tpu.memory_space<hbm>> -> memref<2x40xi32, #tpu.memory_space<hbm>>
    tpu.enqueue_dma source(%dma_start3A_638 : memref<2x40xi32, #tpu.memory_space<hbm>>) target(%dma_start3A_629 : memref<2x40xi32, #tpu.memory_space<vmem>>) target_semaphore(%dma_start3A_625 : memref<!tpu.dma_semaphore, #tpu.memory_space<semaphore_mem>>)
    %dma_start3A_639 = arith.constant 3 : i32
    %dma_start3A_640 = arith.constant 3 : i32
    %dma_start3A_641 = arith.constant 3 : i32
    %dma_start3A_642 = arith.constant 0 : i32
    %dma_start3A_643 = arith.constant 0 : i32
    %dma_start3A_644 = tpu.memref_slice %arg6[%dma_start3A_640, %dma_start3A_642, %dma_start3A_643] : memref<9x2x40xi32, #tpu.memory_space<vmem>> -> memref<1x2x40xi32, #tpu.memory_space<vmem>>
    %dma_start3A_645 = tpu.memref_squeeze %dma_start3A_644 : memref<1x2x40xi32, #tpu.memory_space<vmem>> -> memref<2x40xi32, #tpu.memory_space<vmem>>
    %dma_start3A_646 = arith.constant 0 : i32
    %dma_start3A_647 = arith.constant 0 : i32
    %dma_start3A_648 = arith.constant 0 : i32
    %dma_start3A_649 = tpu.memref_slice %arg3[%arg1, %dma_start3A_646, %dma_start3A_647, %dma_start3A_648] : memref<16x250x2x40xi32, #tpu.memory_space<hbm>> -> memref<1x250x2x40xi32, #tpu.memory_space<hbm>>
    %dma_start3A_650 = tpu.memref_squeeze %dma_start3A_649 : memref<1x250x2x40xi32, #tpu.memory_space<hbm>> -> memref<250x2x40xi32, #tpu.memory_space<hbm>>
    %dma_start3A_651 = arith.constant 0 : i32
    %dma_start3A_652 = arith.constant 0 : i32
    %dma_start3A_653 = tpu.memref_slice %dma_start3A_650[%dma_start3A_639, %dma_start3A_651, %dma_start3A_652] : memref<250x2x40xi32, #tpu.memory_space<hbm>> -> memref<1x2x40xi32, #tpu.memory_space<hbm>>
    %dma_start3A_654 = tpu.memref_squeeze %dma_start3A_653 : memref<1x2x40xi32, #tpu.memory_space<hbm>> -> memref<2x40xi32, #tpu.memory_space<hbm>>
    %dma_start3A_655 = tpu.memref_slice %arg9[%dma_start3A_641] : memref<9x!tpu.dma_semaphore, #tpu.memory_space<semaphore_mem>> -> memref<1x!tpu.dma_semaphore, #tpu.memory_space<semaphore_mem>>
    %dma_start3A_656 = tpu.memref_squeeze %dma_start3A_655 : memref<1x!tpu.dma_semaphore, #tpu.memory_space<semaphore_mem>> -> memref<!tpu.dma_semaphore, #tpu.memory_space<semaphore_mem>>
    %dma_start3A_657 = arith.constant 0 : i32
    %dma_start3A_658 = arith.constant 0 : i32
    %dma_start3A_659 = tpu.memref_slice %arg6[%dma_start3A_640, %dma_start3A_657, %dma_start3A_658] : memref<9x2x40xi32, #tpu.memory_space<vmem>> -> memref<1x2x40xi32, #tpu.memory_space<vmem>>
    %dma_start3A_660 = tpu.memref_squeeze %dma_start3A_659 : memref<1x2x40xi32, #tpu.memory_space<vmem>> -> memref<2x40xi32, #tpu.memory_space<vmem>>
    %dma_start3A_661 = arith.constant 0 : i32
    %dma_start3A_662 = arith.constant 0 : i32
    %dma_start3A_663 = arith.constant 0 : i32
    %dma_start3A_664 = tpu.memref_slice %arg3[%arg1, %dma_start3A_661, %dma_start3A_662, %dma_start3A_663] : memref<16x250x2x40xi32, #tpu.memory_space<hbm>> -> memref<1x250x2x40xi32, #tpu.memory_space<hbm>>
    %dma_start3A_665 = tpu.memref_squeeze %dma_start3A_664 : memref<1x250x2x40xi32, #tpu.memory_space<hbm>> -> memref<250x2x40xi32, #tpu.memory_space<hbm>>
    %dma_start3A_666 = arith.constant 0 : i32
    %dma_start3A_667 = arith.constant 0 : i32
    %dma_start3A_668 = tpu.memref_slice %dma_start3A_665[%dma_start3A_639, %dma_start3A_666, %dma_start3A_667] : memref<250x2x40xi32, #tpu.memory_space<hbm>> -> memref<1x2x40xi32, #tpu.memory_space<hbm>>
    %dma_start3A_669 = tpu.memref_squeeze %dma_start3A_668 : memref<1x2x40xi32, #tpu.memory_space<hbm>> -> memref<2x40xi32, #tpu.memory_space<hbm>>
    tpu.enqueue_dma source(%dma_start3A_669 : memref<2x40xi32, #tpu.memory_space<hbm>>) target(%dma_start3A_660 : memref<2x40xi32, #tpu.memory_space<vmem>>) target_semaphore(%dma_start3A_656 : memref<!tpu.dma_semaphore, #tpu.memory_space<semaphore_mem>>)
    %dma_start3A_670 = arith.constant 4 : i32
    %dma_start3A_671 = arith.constant 4 : i32
    %dma_start3A_672 = arith.constant 4 : i32
    %dma_start3A_673 = arith.constant 0 : i32
    %dma_start3A_674 = arith.constant 0 : i32
    %dma_start3A_675 = tpu.memref_slice %arg6[%dma_start3A_671, %dma_start3A_673, %dma_start3A_674] : memref<9x2x40xi32, #tpu.memory_space<vmem>> -> memref<1x2x40xi32, #tpu.memory_space<vmem>>
    %dma_start3A_676 = tpu.memref_squeeze %dma_start3A_675 : memref<1x2x40xi32, #tpu.memory_space<vmem>> -> memref<2x40xi32, #tpu.memory_space<vmem>>
    %dma_start3A_677 = arith.constant 0 : i32
    %dma_start3A_678 = arith.constant 0 : i32
    %dma_start3A_679 = arith.constant 0 : i32
    %dma_start3A_680 = tpu.memref_slice %arg3[%arg1, %dma_start3A_677, %dma_start3A_678, %dma_start3A_679] : memref<16x250x2x40xi32, #tpu.memory_space<hbm>> -> memref<1x250x2x40xi32, #tpu.memory_space<hbm>>
    %dma_start3A_681 = tpu.memref_squeeze %dma_start3A_680 : memref<1x250x2x40xi32, #tpu.memory_space<hbm>> -> memref<250x2x40xi32, #tpu.memory_space<hbm>>
    %dma_start3A_682 = arith.constant 0 : i32
    %dma_start3A_683 = arith.constant 0 : i32
    %dma_start3A_684 = tpu.memref_slice %dma_start3A_681[%dma_start3A_670, %dma_start3A_682, %dma_start3A_683] : memref<250x2x40xi32, #tpu.memory_space<hbm>> -> memref<1x2x40xi32, #tpu.memory_space<hbm>>
    %dma_start3A_685 = tpu.memref_squeeze %dma_start3A_684 : memref<1x2x40xi32, #tpu.memory_space<hbm>> -> memref<2x40xi32, #tpu.memory_space<hbm>>
    %dma_start3A_686 = tpu.memref_slice %arg9[%dma_start3A_672] : memref<9x!tpu.dma_semaphore, #tpu.memory_space<semaphore_mem>> -> memref<1x!tpu.dma_semaphore, #tpu.memory_space<semaphore_mem>>
    %dma_start3A_687 = tpu.memref_squeeze %dma_start3A_686 : memref<1x!tpu.dma_semaphore, #tpu.memory_space<semaphore_mem>> -> memref<!tpu.dma_semaphore, #tpu.memory_space<semaphore_mem>>
    %dma_start3A_688 = arith.constant 0 : i32
    %dma_start3A_689 = arith.constant 0 : i32
    %dma_start3A_690 = tpu.memref_slice %arg6[%dma_start3A_671, %dma_start3A_688, %dma_start3A_689] : memref<9x2x40xi32, #tpu.memory_space<vmem>> -> memref<1x2x40xi32, #tpu.memory_space<vmem>>
    %dma_start3A_691 = tpu.memref_squeeze %dma_start3A_690 : memref<1x2x40xi32, #tpu.memory_space<vmem>> -> memref<2x40xi32, #tpu.memory_space<vmem>>
    %dma_start3A_692 = arith.constant 0 : i32
    %dma_start3A_693 = arith.constant 0 : i32
    %dma_start3A_694 = arith.constant 0 : i32
    %dma_start3A_695 = tpu.memref_slice %arg3[%arg1, %dma_start3A_692, %dma_start3A_693, %dma_start3A_694] : memref<16x250x2x40xi32, #tpu.memory_space<hbm>> -> memref<1x250x2x40xi32, #tpu.memory_space<hbm>>
    %dma_start3A_696 = tpu.memref_squeeze %dma_start3A_695 : memref<1x250x2x40xi32, #tpu.memory_space<hbm>> -> memref<250x2x40xi32, #tpu.memory_space<hbm>>
    %dma_start3A_697 = arith.constant 0 : i32
    %dma_start3A_698 = arith.constant 0 : i32
    %dma_start3A_699 = tpu.memref_slice %dma_start3A_696[%dma_start3A_670, %dma_start3A_697, %dma_start3A_698] : memref<250x2x40xi32, #tpu.memory_space<hbm>> -> memref<1x2x40xi32, #tpu.memory_space<hbm>>
    %dma_start3A_700 = tpu.memref_squeeze %dma_start3A_699 : memref<1x2x40xi32, #tpu.memory_space<hbm>> -> memref<2x40xi32, #tpu.memory_space<hbm>>
    tpu.enqueue_dma source(%dma_start3A_700 : memref<2x40xi32, #tpu.memory_space<hbm>>) target(%dma_start3A_691 : memref<2x40xi32, #tpu.memory_space<vmem>>) target_semaphore(%dma_start3A_687 : memref<!tpu.dma_semaphore, #tpu.memory_space<semaphore_mem>>)
    %dma_start3A_701 = arith.constant 5 : i32
    %dma_start3A_702 = arith.constant 5 : i32
    %dma_start3A_703 = arith.constant 5 : i32
    %dma_start3A_704 = arith.constant 0 : i32
    %dma_start3A_705 = arith.constant 0 : i32
    %dma_start3A_706 = tpu.memref_slice %arg6[%dma_start3A_702, %dma_start3A_704, %dma_start3A_705] : memref<9x2x40xi32, #tpu.memory_space<vmem>> -> memref<1x2x40xi32, #tpu.memory_space<vmem>>
    %dma_start3A_707 = tpu.memref_squeeze %dma_start3A_706 : memref<1x2x40xi32, #tpu.memory_space<vmem>> -> memref<2x40xi32, #tpu.memory_space<vmem>>
    %dma_start3A_708 = arith.constant 0 : i32
    %dma_start3A_709 = arith.constant 0 : i32
    %dma_start3A_710 = arith.constant 0 : i32
    %dma_start3A_711 = tpu.memref_slice %arg3[%arg1, %dma_start3A_708, %dma_start3A_709, %dma_start3A_710] : memref<16x250x2x40xi32, #tpu.memory_space<hbm>> -> memref<1x250x2x40xi32, #tpu.memory_space<hbm>>
    %dma_start3A_712 = tpu.memref_squeeze %dma_start3A_711 : memref<1x250x2x40xi32, #tpu.memory_space<hbm>> -> memref<250x2x40xi32, #tpu.memory_space<hbm>>
    %dma_start3A_713 = arith.constant 0 : i32
    %dma_start3A_714 = arith.constant 0 : i32
    %dma_start3A_715 = tpu.memref_slice %dma_start3A_712[%dma_start3A_701, %dma_start3A_713, %dma_start3A_714] : memref<250x2x40xi32, #tpu.memory_space<hbm>> -> memref<1x2x40xi32, #tpu.memory_space<hbm>>
    %dma_start3A_716 = tpu.memref_squeeze %dma_start3A_715 : memref<1x2x40xi32, #tpu.memory_space<hbm>> -> memref<2x40xi32, #tpu.memory_space<hbm>>
    %dma_start3A_717 = tpu.memref_slice %arg9[%dma_start3A_703] : memref<9x!tpu.dma_semaphore, #tpu.memory_space<semaphore_mem>> -> memref<1x!tpu.dma_semaphore, #tpu.memory_space<semaphore_mem>>
    %dma_start3A_718 = tpu.memref_squeeze %dma_start3A_717 : memref<1x!tpu.dma_semaphore, #tpu.memory_space<semaphore_mem>> -> memref<!tpu.dma_semaphore, #tpu.memory_space<semaphore_mem>>
    %dma_start3A_719 = arith.constant 0 : i32
    %dma_start3A_720 = arith.constant 0 : i32
    %dma_start3A_721 = tpu.memref_slice %arg6[%dma_start3A_702, %dma_start3A_719, %dma_start3A_720] : memref<9x2x40xi32, #tpu.memory_space<vmem>> -> memref<1x2x40xi32, #tpu.memory_space<vmem>>
    %dma_start3A_722 = tpu.memref_squeeze %dma_start3A_721 : memref<1x2x40xi32, #tpu.memory_space<vmem>> -> memref<2x40xi32, #tpu.memory_space<vmem>>
    %dma_start3A_723 = arith.constant 0 : i32
    %dma_start3A_724 = arith.constant 0 : i32
    %dma_start3A_725 = arith.constant 0 : i32
    %dma_start3A_726 = tpu.memref_slice %arg3[%arg1, %dma_start3A_723, %dma_start3A_724, %dma_start3A_725] : memref<16x250x2x40xi32, #tpu.memory_space<hbm>> -> memref<1x250x2x40xi32, #tpu.memory_space<hbm>>
    %dma_start3A_727 = tpu.memref_squeeze %dma_start3A_726 : memref<1x250x2x40xi32, #tpu.memory_space<hbm>> -> memref<250x2x40xi32, #tpu.memory_space<hbm>>
    %dma_start3A_728 = arith.constant 0 : i32
    %dma_start3A_729 = arith.constant 0 : i32
    %dma_start3A_730 = tpu.memref_slice %dma_start3A_727[%dma_start3A_701, %dma_start3A_728, %dma_start3A_729] : memref<250x2x40xi32, #tpu.memory_space<hbm>> -> memref<1x2x40xi32, #tpu.memory_space<hbm>>
    %dma_start3A_731 = tpu.memref_squeeze %dma_start3A_730 : memref<1x2x40xi32, #tpu.memory_space<hbm>> -> memref<2x40xi32, #tpu.memory_space<hbm>>
    tpu.enqueue_dma source(%dma_start3A_731 : memref<2x40xi32, #tpu.memory_space<hbm>>) target(%dma_start3A_722 : memref<2x40xi32, #tpu.memory_space<vmem>>) target_semaphore(%dma_start3A_718 : memref<!tpu.dma_semaphore, #tpu.memory_space<semaphore_mem>>)
    %dma_start3A_732 = arith.constant 6 : i32
    %dma_start3A_733 = arith.constant 6 : i32
    %dma_start3A_734 = arith.constant 6 : i32
    %dma_start3A_735 = arith.constant 0 : i32
    %dma_start3A_736 = arith.constant 0 : i32
    %dma_start3A_737 = tpu.memref_slice %arg6[%dma_start3A_733, %dma_start3A_735, %dma_start3A_736] : memref<9x2x40xi32, #tpu.memory_space<vmem>> -> memref<1x2x40xi32, #tpu.memory_space<vmem>>
    %dma_start3A_738 = tpu.memref_squeeze %dma_start3A_737 : memref<1x2x40xi32, #tpu.memory_space<vmem>> -> memref<2x40xi32, #tpu.memory_space<vmem>>
    %dma_start3A_739 = arith.constant 0 : i32
    %dma_start3A_740 = arith.constant 0 : i32
    %dma_start3A_741 = arith.constant 0 : i32
    %dma_start3A_742 = tpu.memref_slice %arg3[%arg1, %dma_start3A_739, %dma_start3A_740, %dma_start3A_741] : memref<16x250x2x40xi32, #tpu.memory_space<hbm>> -> memref<1x250x2x40xi32, #tpu.memory_space<hbm>>
    %dma_start3A_743 = tpu.memref_squeeze %dma_start3A_742 : memref<1x250x2x40xi32, #tpu.memory_space<hbm>> -> memref<250x2x40xi32, #tpu.memory_space<hbm>>
    %dma_start3A_744 = arith.constant 0 : i32
    %dma_start3A_745 = arith.constant 0 : i32
    %dma_start3A_746 = tpu.memref_slice %dma_start3A_743[%dma_start3A_732, %dma_start3A_744, %dma_start3A_745] : memref<250x2x40xi32, #tpu.memory_space<hbm>> -> memref<1x2x40xi32, #tpu.memory_space<hbm>>
    %dma_start3A_747 = tpu.memref_squeeze %dma_start3A_746 : memref<1x2x40xi32, #tpu.memory_space<hbm>> -> memref<2x40xi32, #tpu.memory_space<hbm>>
    %dma_start3A_748 = tpu.memref_slice %arg9[%dma_start3A_734] : memref<9x!tpu.dma_semaphore, #tpu.memory_space<semaphore_mem>> -> memref<1x!tpu.dma_semaphore, #tpu.memory_space<semaphore_mem>>
    %dma_start3A_749 = tpu.memref_squeeze %dma_start3A_748 : memref<1x!tpu.dma_semaphore, #tpu.memory_space<semaphore_mem>> -> memref<!tpu.dma_semaphore, #tpu.memory_space<semaphore_mem>>
    %dma_start3A_750 = arith.constant 0 : i32
    %dma_start3A_751 = arith.constant 0 : i32
    %dma_start3A_752 = tpu.memref_slice %arg6[%dma_start3A_733, %dma_start3A_750, %dma_start3A_751] : memref<9x2x40xi32, #tpu.memory_space<vmem>> -> memref<1x2x40xi32, #tpu.memory_space<vmem>>
    %dma_start3A_753 = tpu.memref_squeeze %dma_start3A_752 : memref<1x2x40xi32, #tpu.memory_space<vmem>> -> memref<2x40xi32, #tpu.memory_space<vmem>>
    %dma_start3A_754 = arith.constant 0 : i32
    %dma_start3A_755 = arith.constant 0 : i32
    %dma_start3A_756 = arith.constant 0 : i32
    %dma_start3A_757 = tpu.memref_slice %arg3[%arg1, %dma_start3A_754, %dma_start3A_755, %dma_start3A_756] : memref<16x250x2x40xi32, #tpu.memory_space<hbm>> -> memref<1x250x2x40xi32, #tpu.memory_space<hbm>>
    %dma_start3A_758 = tpu.memref_squeeze %dma_start3A_757 : memref<1x250x2x40xi32, #tpu.memory_space<hbm>> -> memref<250x2x40xi32, #tpu.memory_space<hbm>>
    %dma_start3A_759 = arith.constant 0 : i32
    %dma_start3A_760 = arith.constant 0 : i32
    %dma_start3A_761 = tpu.memref_slice %dma_start3A_758[%dma_start3A_732, %dma_start3A_759, %dma_start3A_760] : memref<250x2x40xi32, #tpu.memory_space<hbm>> -> memref<1x2x40xi32, #tpu.memory_space<hbm>>
    %dma_start3A_762 = tpu.memref_squeeze %dma_start3A_761 : memref<1x2x40xi32, #tpu.memory_space<hbm>> -> memref<2x40xi32, #tpu.memory_space<hbm>>
    tpu.enqueue_dma source(%dma_start3A_762 : memref<2x40xi32, #tpu.memory_space<hbm>>) target(%dma_start3A_753 : memref<2x40xi32, #tpu.memory_space<vmem>>) target_semaphore(%dma_start3A_749 : memref<!tpu.dma_semaphore, #tpu.memory_space<semaphore_mem>>)
    %mul3A_763 = arith.constant 640 : i32
    %mul3A_764 = arith.muli %mul3A_763, %arg1 : i32
    "tpu.region"() ({
      %run_scoped3A = tpu.sem_alloc : memref<!tpu.dma_semaphore, #tpu.memory_space<semaphore_mem>>
      %dma_start3A_1093 = arith.constant 0 : i32
      %dma_start3A_1094 = tpu.memref_slice %arg8[%mul3A_764, %dma_start3A_1093] : memref<10240x128xf32, #tpu.memory_space<vmem_shared>> -> memref<640x128xf32, #tpu.memory_space<vmem_shared>>
      tpu.enqueue_dma source(%arg4 : memref<640x128xf32, #tpu.memory_space<hbm>>) target(%dma_start3A_1094 : memref<640x128xf32, #tpu.memory_space<vmem_shared>>) target_semaphore(%run_scoped3A : memref<!tpu.dma_semaphore, #tpu.memory_space<semaphore_mem>>)
      %dma_wait3A_1095 = arith.constant 0 : i32
      %dma_wait3A_1096 = tpu.memref_slice %arg8[%mul3A_764, %dma_wait3A_1095] : memref<10240x128xf32, #tpu.memory_space<vmem_shared>> -> memref<640x128xf32, #tpu.memory_space<vmem_shared>>
      tpu.wait_dma2 semaphore(%run_scoped3A : memref<!tpu.dma_semaphore, #tpu.memory_space<semaphore_mem>>) src(%arg4 : memref<640x128xf32, #tpu.memory_space<hbm>>) dst(%dma_wait3A_1096 : memref<640x128xf32, #tpu.memory_space<vmem_shared>>)
      tpu.yield
    }) : () -> ()
    %dma_wait3A_765 = arith.constant 0 : i32
    %dma_wait3A_766 = arith.constant 0 : i32
    %dma_wait3A_767 = arith.constant 0 : i32
    %dma_wait3A_768 = arith.constant 0 : i32
    %dma_wait3A_769 = arith.constant 0 : i32
    %dma_wait3A_770 = tpu.memref_slice %arg6[%dma_wait3A_766, %dma_wait3A_768, %dma_wait3A_769] : memref<9x2x40xi32, #tpu.memory_space<vmem>> -> memref<1x2x40xi32, #tpu.memory_space<vmem>>
    %dma_wait3A_771 = tpu.memref_squeeze %dma_wait3A_770 : memref<1x2x40xi32, #tpu.memory_space<vmem>> -> memref<2x40xi32, #tpu.memory_space<vmem>>
    %dma_wait3A_772 = arith.constant 0 : i32
    %dma_wait3A_773 = arith.constant 0 : i32
    %dma_wait3A_774 = arith.constant 0 : i32
    %dma_wait3A_775 = tpu.memref_slice %arg3[%arg1, %dma_wait3A_772, %dma_wait3A_773, %dma_wait3A_774] : memref<16x250x2x40xi32, #tpu.memory_space<hbm>> -> memref<1x250x2x40xi32, #tpu.memory_space<hbm>>
    %dma_wait3A_776 = tpu.memref_squeeze %dma_wait3A_775 : memref<1x250x2x40xi32, #tpu.memory_space<hbm>> -> memref<250x2x40xi32, #tpu.memory_space<hbm>>
    %dma_wait3A_777 = arith.constant 0 : i32
    %dma_wait3A_778 = arith.constant 0 : i32
    %dma_wait3A_779 = tpu.memref_slice %dma_wait3A_776[%dma_wait3A_765, %dma_wait3A_777, %dma_wait3A_778] : memref<250x2x40xi32, #tpu.memory_space<hbm>> -> memref<1x2x40xi32, #tpu.memory_space<hbm>>
    %dma_wait3A_780 = tpu.memref_squeeze %dma_wait3A_779 : memref<1x2x40xi32, #tpu.memory_space<hbm>> -> memref<2x40xi32, #tpu.memory_space<hbm>>
    %dma_wait3A_781 = tpu.memref_slice %arg9[%dma_wait3A_767] : memref<9x!tpu.dma_semaphore, #tpu.memory_space<semaphore_mem>> -> memref<1x!tpu.dma_semaphore, #tpu.memory_space<semaphore_mem>>
    %dma_wait3A_782 = tpu.memref_squeeze %dma_wait3A_781 : memref<1x!tpu.dma_semaphore, #tpu.memory_space<semaphore_mem>> -> memref<!tpu.dma_semaphore, #tpu.memory_space<semaphore_mem>>
    %dma_wait3A_783 = arith.constant 0 : i32
    %dma_wait3A_784 = arith.constant 0 : i32
    %dma_wait3A_785 = tpu.memref_slice %arg6[%dma_wait3A_766, %dma_wait3A_783, %dma_wait3A_784] : memref<9x2x40xi32, #tpu.memory_space<vmem>> -> memref<1x2x40xi32, #tpu.memory_space<vmem>>
    %dma_wait3A_786 = tpu.memref_squeeze %dma_wait3A_785 : memref<1x2x40xi32, #tpu.memory_space<vmem>> -> memref<2x40xi32, #tpu.memory_space<vmem>>
    %dma_wait3A_787 = arith.constant 0 : i32
    %dma_wait3A_788 = arith.constant 0 : i32
    %dma_wait3A_789 = arith.constant 0 : i32
    %dma_wait3A_790 = tpu.memref_slice %arg3[%arg1, %dma_wait3A_787, %dma_wait3A_788, %dma_wait3A_789] : memref<16x250x2x40xi32, #tpu.memory_space<hbm>> -> memref<1x250x2x40xi32, #tpu.memory_space<hbm>>
    %dma_wait3A_791 = tpu.memref_squeeze %dma_wait3A_790 : memref<1x250x2x40xi32, #tpu.memory_space<hbm>> -> memref<250x2x40xi32, #tpu.memory_space<hbm>>
    %dma_wait3A_792 = arith.constant 0 : i32
    %dma_wait3A_793 = arith.constant 0 : i32
    %dma_wait3A_794 = tpu.memref_slice %dma_wait3A_791[%dma_wait3A_765, %dma_wait3A_792, %dma_wait3A_793] : memref<250x2x40xi32, #tpu.memory_space<hbm>> -> memref<1x2x40xi32, #tpu.memory_space<hbm>>
    %dma_wait3A_795 = tpu.memref_squeeze %dma_wait3A_794 : memref<1x2x40xi32, #tpu.memory_space<hbm>> -> memref<2x40xi32, #tpu.memory_space<hbm>>
    tpu.wait_dma2 semaphore(%dma_wait3A_782 : memref<!tpu.dma_semaphore, #tpu.memory_space<semaphore_mem>>) src(%dma_wait3A_795 : memref<2x40xi32, #tpu.memory_space<hbm>>) dst(%dma_wait3A_786 : memref<2x40xi32, #tpu.memory_space<vmem>>)
    %dma_start3A_796 = arith.constant 0 : i32
    %dma_start3A_797 = arith.constant 0 : i32
    %dma_start3A_798 = arith.constant 0 : i32
    %dma_start3A_799 = arith.constant 0 : i32
    %dma_start3A_800 = arith.constant 0 : i32
    %dma_start3A_801 = arith.constant 0 : i32
    %dma_start3A_802 = tpu.memref_slice %arg7[%dma_start3A_798, %dma_start3A_800, %dma_start3A_801] : memref<9x40x128xf32, #tpu.memory_space<vmem>> -> memref<1x40x128xf32, #tpu.memory_space<vmem>>
    %dma_start3A_803 = tpu.memref_squeeze %dma_start3A_802 : memref<1x40x128xf32, #tpu.memory_space<vmem>> -> memref<40x128xf32, #tpu.memory_space<vmem>>
    %dma_start3A_804 = arith.constant 0 : i32
    %dma_start3A_805 = arith.constant 0 : i32
    %dma_start3A_806 = tpu.memref_slice %arg6[%dma_start3A_796, %dma_start3A_804, %dma_start3A_805] : memref<9x2x40xi32, #tpu.memory_space<vmem>> -> memref<1x2x40xi32, #tpu.memory_space<vmem>>
    %dma_start3A_807 = tpu.memref_squeeze %dma_start3A_806 : memref<1x2x40xi32, #tpu.memory_space<vmem>> -> memref<2x40xi32, #tpu.memory_space<vmem>>
    %dma_start3A_808 = arith.constant 0 : i32
    %dma_start3A_809 = tpu.memref_slice %dma_start3A_807[%dma_start3A_797, %dma_start3A_808] : memref<2x40xi32, #tpu.memory_space<vmem>> -> memref<1x40xi32, #tpu.memory_space<vmem>>
    %dma_start3A_810 = tpu.memref_squeeze %dma_start3A_809 : memref<1x40xi32, #tpu.memory_space<vmem>> -> memref<40xi32, #tpu.memory_space<vmem>>
    %dma_start3A_811 = arith.constant 0 : i32
    %dma_start3A_812 = arith.constant 0 : i32
    %dma_start3A_813 = tpu.memref_slice %arg2[%add3A_545, %dma_start3A_811, %dma_start3A_812] : memref<4x10240x128xf32, #tpu.memory_space<hbm>> -> memref<1x10240x128xf32, #tpu.memory_space<hbm>>
    %dma_start3A_814 = tpu.memref_squeeze %dma_start3A_813 : memref<1x10240x128xf32, #tpu.memory_space<hbm>> -> memref<10240x128xf32, #tpu.memory_space<hbm>>
    %dma_start3A_815 = arith.constant 0 : i32
    %dma_start3A_816 = arith.constant 0 : i32
    %dma_start3A_817 = tpu.memref_slice %dma_start3A_814[%dma_start3A_815, %dma_start3A_816] : memref<10240x128xf32, #tpu.memory_space<hbm>> -> memref<10240x128xf32, #tpu.memory_space<hbm>>
    %dma_start3A_818 = tpu.memref_slice %arg10[%dma_start3A_799] : memref<9x!tpu.dma_semaphore, #tpu.memory_space<semaphore_mem>> -> memref<1x!tpu.dma_semaphore, #tpu.memory_space<semaphore_mem>>
    %dma_start3A_819 = tpu.memref_squeeze %dma_start3A_818 : memref<1x!tpu.dma_semaphore, #tpu.memory_space<semaphore_mem>> -> memref<!tpu.dma_semaphore, #tpu.memory_space<semaphore_mem>>
    tpu.enqueue_indirect_dma source(%dma_start3A_817 : memref<10240x128xf32, #tpu.memory_space<hbm>>) target(%dma_start3A_803 : memref<40x128xf32, #tpu.memory_space<vmem>>) offsets(%dma_start3A_810 : memref<40xi32, #tpu.memory_space<vmem>>) semaphore(%dma_start3A_819 : memref<!tpu.dma_semaphore, #tpu.memory_space<semaphore_mem>>)
    %dma_wait3A_820 = arith.constant 1 : i32
    %dma_wait3A_821 = arith.constant 1 : i32
    %dma_wait3A_822 = arith.constant 1 : i32
    %dma_wait3A_823 = arith.constant 0 : i32
    %dma_wait3A_824 = arith.constant 0 : i32
    %dma_wait3A_825 = tpu.memref_slice %arg6[%dma_wait3A_821, %dma_wait3A_823, %dma_wait3A_824] : memref<9x2x40xi32, #tpu.memory_space<vmem>> -> memref<1x2x40xi32, #tpu.memory_space<vmem>>
    %dma_wait3A_826 = tpu.memref_squeeze %dma_wait3A_825 : memref<1x2x40xi32, #tpu.memory_space<vmem>> -> memref<2x40xi32, #tpu.memory_space<vmem>>
    %dma_wait3A_827 = arith.constant 0 : i32
    %dma_wait3A_828 = arith.constant 0 : i32
    %dma_wait3A_829 = arith.constant 0 : i32
    %dma_wait3A_830 = tpu.memref_slice %arg3[%arg1, %dma_wait3A_827, %dma_wait3A_828, %dma_wait3A_829] : memref<16x250x2x40xi32, #tpu.memory_space<hbm>> -> memref<1x250x2x40xi32, #tpu.memory_space<hbm>>
    %dma_wait3A_831 = tpu.memref_squeeze %dma_wait3A_830 : memref<1x250x2x40xi32, #tpu.memory_space<hbm>> -> memref<250x2x40xi32, #tpu.memory_space<hbm>>
    %dma_wait3A_832 = arith.constant 0 : i32
    %dma_wait3A_833 = arith.constant 0 : i32
    %dma_wait3A_834 = tpu.memref_slice %dma_wait3A_831[%dma_wait3A_820, %dma_wait3A_832, %dma_wait3A_833] : memref<250x2x40xi32, #tpu.memory_space<hbm>> -> memref<1x2x40xi32, #tpu.memory_space<hbm>>
    %dma_wait3A_835 = tpu.memref_squeeze %dma_wait3A_834 : memref<1x2x40xi32, #tpu.memory_space<hbm>> -> memref<2x40xi32, #tpu.memory_space<hbm>>
    %dma_wait3A_836 = tpu.memref_slice %arg9[%dma_wait3A_822] : memref<9x!tpu.dma_semaphore, #tpu.memory_space<semaphore_mem>> -> memref<1x!tpu.dma_semaphore, #tpu.memory_space<semaphore_mem>>
    %dma_wait3A_837 = tpu.memref_squeeze %dma_wait3A_836 : memref<1x!tpu.dma_semaphore, #tpu.memory_space<semaphore_mem>> -> memref<!tpu.dma_semaphore, #tpu.memory_space<semaphore_mem>>
    %dma_wait3A_838 = arith.constant 0 : i32
    %dma_wait3A_839 = arith.constant 0 : i32
    %dma_wait3A_840 = tpu.memref_slice %arg6[%dma_wait3A_821, %dma_wait3A_838, %dma_wait3A_839] : memref<9x2x40xi32, #tpu.memory_space<vmem>> -> memref<1x2x40xi32, #tpu.memory_space<vmem>>
    %dma_wait3A_841 = tpu.memref_squeeze %dma_wait3A_840 : memref<1x2x40xi32, #tpu.memory_space<vmem>> -> memref<2x40xi32, #tpu.memory_space<vmem>>
    %dma_wait3A_842 = arith.constant 0 : i32
    %dma_wait3A_843 = arith.constant 0 : i32
    %dma_wait3A_844 = arith.constant 0 : i32
    %dma_wait3A_845 = tpu.memref_slice %arg3[%arg1, %dma_wait3A_842, %dma_wait3A_843, %dma_wait3A_844] : memref<16x250x2x40xi32, #tpu.memory_space<hbm>> -> memref<1x250x2x40xi32, #tpu.memory_space<hbm>>
    %dma_wait3A_846 = tpu.memref_squeeze %dma_wait3A_845 : memref<1x250x2x40xi32, #tpu.memory_space<hbm>> -> memref<250x2x40xi32, #tpu.memory_space<hbm>>
    %dma_wait3A_847 = arith.constant 0 : i32
    %dma_wait3A_848 = arith.constant 0 : i32
    %dma_wait3A_849 = tpu.memref_slice %dma_wait3A_846[%dma_wait3A_820, %dma_wait3A_847, %dma_wait3A_848] : memref<250x2x40xi32, #tpu.memory_space<hbm>> -> memref<1x2x40xi32, #tpu.memory_space<hbm>>
    %dma_wait3A_850 = tpu.memref_squeeze %dma_wait3A_849 : memref<1x2x40xi32, #tpu.memory_space<hbm>> -> memref<2x40xi32, #tpu.memory_space<hbm>>
    tpu.wait_dma2 semaphore(%dma_wait3A_837 : memref<!tpu.dma_semaphore, #tpu.memory_space<semaphore_mem>>) src(%dma_wait3A_850 : memref<2x40xi32, #tpu.memory_space<hbm>>) dst(%dma_wait3A_841 : memref<2x40xi32, #tpu.memory_space<vmem>>)
    %dma_start3A_851 = arith.constant 1 : i32
    %dma_start3A_852 = arith.constant 0 : i32
    %dma_start3A_853 = arith.constant 1 : i32
    %dma_start3A_854 = arith.constant 1 : i32
    %dma_start3A_855 = arith.constant 0 : i32
    %dma_start3A_856 = arith.constant 0 : i32
    %dma_start3A_857 = tpu.memref_slice %arg7[%dma_start3A_853, %dma_start3A_855, %dma_start3A_856] : memref<9x40x128xf32, #tpu.memory_space<vmem>> -> memref<1x40x128xf32, #tpu.memory_space<vmem>>
    %dma_start3A_858 = tpu.memref_squeeze %dma_start3A_857 : memref<1x40x128xf32, #tpu.memory_space<vmem>> -> memref<40x128xf32, #tpu.memory_space<vmem>>
    %dma_start3A_859 = arith.constant 0 : i32
    %dma_start3A_860 = arith.constant 0 : i32
    %dma_start3A_861 = tpu.memref_slice %arg6[%dma_start3A_851, %dma_start3A_859, %dma_start3A_860] : memref<9x2x40xi32, #tpu.memory_space<vmem>> -> memref<1x2x40xi32, #tpu.memory_space<vmem>>
    %dma_start3A_862 = tpu.memref_squeeze %dma_start3A_861 : memref<1x2x40xi32, #tpu.memory_space<vmem>> -> memref<2x40xi32, #tpu.memory_space<vmem>>
    %dma_start3A_863 = arith.constant 0 : i32
    %dma_start3A_864 = tpu.memref_slice %dma_start3A_862[%dma_start3A_852, %dma_start3A_863] : memref<2x40xi32, #tpu.memory_space<vmem>> -> memref<1x40xi32, #tpu.memory_space<vmem>>
    %dma_start3A_865 = tpu.memref_squeeze %dma_start3A_864 : memref<1x40xi32, #tpu.memory_space<vmem>> -> memref<40xi32, #tpu.memory_space<vmem>>
    %dma_start3A_866 = arith.constant 0 : i32
    %dma_start3A_867 = arith.constant 0 : i32
    %dma_start3A_868 = tpu.memref_slice %arg2[%add3A_545, %dma_start3A_866, %dma_start3A_867] : memref<4x10240x128xf32, #tpu.memory_space<hbm>> -> memref<1x10240x128xf32, #tpu.memory_space<hbm>>
    %dma_start3A_869 = tpu.memref_squeeze %dma_start3A_868 : memref<1x10240x128xf32, #tpu.memory_space<hbm>> -> memref<10240x128xf32, #tpu.memory_space<hbm>>
    %dma_start3A_870 = arith.constant 0 : i32
    %dma_start3A_871 = arith.constant 0 : i32
    %dma_start3A_872 = tpu.memref_slice %dma_start3A_869[%dma_start3A_870, %dma_start3A_871] : memref<10240x128xf32, #tpu.memory_space<hbm>> -> memref<10240x128xf32, #tpu.memory_space<hbm>>
    %dma_start3A_873 = tpu.memref_slice %arg10[%dma_start3A_854] : memref<9x!tpu.dma_semaphore, #tpu.memory_space<semaphore_mem>> -> memref<1x!tpu.dma_semaphore, #tpu.memory_space<semaphore_mem>>
    %dma_start3A_874 = tpu.memref_squeeze %dma_start3A_873 : memref<1x!tpu.dma_semaphore, #tpu.memory_space<semaphore_mem>> -> memref<!tpu.dma_semaphore, #tpu.memory_space<semaphore_mem>>
    tpu.enqueue_indirect_dma source(%dma_start3A_872 : memref<10240x128xf32, #tpu.memory_space<hbm>>) target(%dma_start3A_858 : memref<40x128xf32, #tpu.memory_space<vmem>>) offsets(%dma_start3A_865 : memref<40xi32, #tpu.memory_space<vmem>>) semaphore(%dma_start3A_874 : memref<!tpu.dma_semaphore, #tpu.memory_space<semaphore_mem>>)
    %dma_wait3A_875 = arith.constant 2 : i32
    %dma_wait3A_876 = arith.constant 2 : i32
    %dma_wait3A_877 = arith.constant 2 : i32
    %dma_wait3A_878 = arith.constant 0 : i32
    %dma_wait3A_879 = arith.constant 0 : i32
    %dma_wait3A_880 = tpu.memref_slice %arg6[%dma_wait3A_876, %dma_wait3A_878, %dma_wait3A_879] : memref<9x2x40xi32, #tpu.memory_space<vmem>> -> memref<1x2x40xi32, #tpu.memory_space<vmem>>
    %dma_wait3A_881 = tpu.memref_squeeze %dma_wait3A_880 : memref<1x2x40xi32, #tpu.memory_space<vmem>> -> memref<2x40xi32, #tpu.memory_space<vmem>>
    %dma_wait3A_882 = arith.constant 0 : i32
    %dma_wait3A_883 = arith.constant 0 : i32
    %dma_wait3A_884 = arith.constant 0 : i32
    %dma_wait3A_885 = tpu.memref_slice %arg3[%arg1, %dma_wait3A_882, %dma_wait3A_883, %dma_wait3A_884] : memref<16x250x2x40xi32, #tpu.memory_space<hbm>> -> memref<1x250x2x40xi32, #tpu.memory_space<hbm>>
    %dma_wait3A_886 = tpu.memref_squeeze %dma_wait3A_885 : memref<1x250x2x40xi32, #tpu.memory_space<hbm>> -> memref<250x2x40xi32, #tpu.memory_space<hbm>>
    %dma_wait3A_887 = arith.constant 0 : i32
    %dma_wait3A_888 = arith.constant 0 : i32
    %dma_wait3A_889 = tpu.memref_slice %dma_wait3A_886[%dma_wait3A_875, %dma_wait3A_887, %dma_wait3A_888] : memref<250x2x40xi32, #tpu.memory_space<hbm>> -> memref<1x2x40xi32, #tpu.memory_space<hbm>>
    %dma_wait3A_890 = tpu.memref_squeeze %dma_wait3A_889 : memref<1x2x40xi32, #tpu.memory_space<hbm>> -> memref<2x40xi32, #tpu.memory_space<hbm>>
    %dma_wait3A_891 = tpu.memref_slice %arg9[%dma_wait3A_877] : memref<9x!tpu.dma_semaphore, #tpu.memory_space<semaphore_mem>> -> memref<1x!tpu.dma_semaphore, #tpu.memory_space<semaphore_mem>>
    %dma_wait3A_892 = tpu.memref_squeeze %dma_wait3A_891 : memref<1x!tpu.dma_semaphore, #tpu.memory_space<semaphore_mem>> -> memref<!tpu.dma_semaphore, #tpu.memory_space<semaphore_mem>>
    %dma_wait3A_893 = arith.constant 0 : i32
    %dma_wait3A_894 = arith.constant 0 : i32
    %dma_wait3A_895 = tpu.memref_slice %arg6[%dma_wait3A_876, %dma_wait3A_893, %dma_wait3A_894] : memref<9x2x40xi32, #tpu.memory_space<vmem>> -> memref<1x2x40xi32, #tpu.memory_space<vmem>>
    %dma_wait3A_896 = tpu.memref_squeeze %dma_wait3A_895 : memref<1x2x40xi32, #tpu.memory_space<vmem>> -> memref<2x40xi32, #tpu.memory_space<vmem>>
    %dma_wait3A_897 = arith.constant 0 : i32
    %dma_wait3A_898 = arith.constant 0 : i32
    %dma_wait3A_899 = arith.constant 0 : i32
    %dma_wait3A_900 = tpu.memref_slice %arg3[%arg1, %dma_wait3A_897, %dma_wait3A_898, %dma_wait3A_899] : memref<16x250x2x40xi32, #tpu.memory_space<hbm>> -> memref<1x250x2x40xi32, #tpu.memory_space<hbm>>
    %dma_wait3A_901 = tpu.memref_squeeze %dma_wait3A_900 : memref<1x250x2x40xi32, #tpu.memory_space<hbm>> -> memref<250x2x40xi32, #tpu.memory_space<hbm>>
    %dma_wait3A_902 = arith.constant 0 : i32
    %dma_wait3A_903 = arith.constant 0 : i32
    %dma_wait3A_904 = tpu.memref_slice %dma_wait3A_901[%dma_wait3A_875, %dma_wait3A_902, %dma_wait3A_903] : memref<250x2x40xi32, #tpu.memory_space<hbm>> -> memref<1x2x40xi32, #tpu.memory_space<hbm>>
    %dma_wait3A_905 = tpu.memref_squeeze %dma_wait3A_904 : memref<1x2x40xi32, #tpu.memory_space<hbm>> -> memref<2x40xi32, #tpu.memory_space<hbm>>
    tpu.wait_dma2 semaphore(%dma_wait3A_892 : memref<!tpu.dma_semaphore, #tpu.memory_space<semaphore_mem>>) src(%dma_wait3A_905 : memref<2x40xi32, #tpu.memory_space<hbm>>) dst(%dma_wait3A_896 : memref<2x40xi32, #tpu.memory_space<vmem>>)
    %dma_start3A_906 = arith.constant 2 : i32
    %dma_start3A_907 = arith.constant 0 : i32
    %dma_start3A_908 = arith.constant 2 : i32
    %dma_start3A_909 = arith.constant 2 : i32
    %dma_start3A_910 = arith.constant 0 : i32
    %dma_start3A_911 = arith.constant 0 : i32
    %dma_start3A_912 = tpu.memref_slice %arg7[%dma_start3A_908, %dma_start3A_910, %dma_start3A_911] : memref<9x40x128xf32, #tpu.memory_space<vmem>> -> memref<1x40x128xf32, #tpu.memory_space<vmem>>
    %dma_start3A_913 = tpu.memref_squeeze %dma_start3A_912 : memref<1x40x128xf32, #tpu.memory_space<vmem>> -> memref<40x128xf32, #tpu.memory_space<vmem>>
    %dma_start3A_914 = arith.constant 0 : i32
    %dma_start3A_915 = arith.constant 0 : i32
    %dma_start3A_916 = tpu.memref_slice %arg6[%dma_start3A_906, %dma_start3A_914, %dma_start3A_915] : memref<9x2x40xi32, #tpu.memory_space<vmem>> -> memref<1x2x40xi32, #tpu.memory_space<vmem>>
    %dma_start3A_917 = tpu.memref_squeeze %dma_start3A_916 : memref<1x2x40xi32, #tpu.memory_space<vmem>> -> memref<2x40xi32, #tpu.memory_space<vmem>>
    %dma_start3A_918 = arith.constant 0 : i32
    %dma_start3A_919 = tpu.memref_slice %dma_start3A_917[%dma_start3A_907, %dma_start3A_918] : memref<2x40xi32, #tpu.memory_space<vmem>> -> memref<1x40xi32, #tpu.memory_space<vmem>>
    %dma_start3A_920 = tpu.memref_squeeze %dma_start3A_919 : memref<1x40xi32, #tpu.memory_space<vmem>> -> memref<40xi32, #tpu.memory_space<vmem>>
    %dma_start3A_921 = arith.constant 0 : i32
    %dma_start3A_922 = arith.constant 0 : i32
    %dma_start3A_923 = tpu.memref_slice %arg2[%add3A_545, %dma_start3A_921, %dma_start3A_922] : memref<4x10240x128xf32, #tpu.memory_space<hbm>> -> memref<1x10240x128xf32, #tpu.memory_space<hbm>>
    %dma_start3A_924 = tpu.memref_squeeze %dma_start3A_923 : memref<1x10240x128xf32, #tpu.memory_space<hbm>> -> memref<10240x128xf32, #tpu.memory_space<hbm>>
    %dma_start3A_925 = arith.constant 0 : i32
    %dma_start3A_926 = arith.constant 0 : i32
    %dma_start3A_927 = tpu.memref_slice %dma_start3A_924[%dma_start3A_925, %dma_start3A_926] : memref<10240x128xf32, #tpu.memory_space<hbm>> -> memref<10240x128xf32, #tpu.memory_space<hbm>>
    %dma_start3A_928 = tpu.memref_slice %arg10[%dma_start3A_909] : memref<9x!tpu.dma_semaphore, #tpu.memory_space<semaphore_mem>> -> memref<1x!tpu.dma_semaphore, #tpu.memory_space<semaphore_mem>>
    %dma_start3A_929 = tpu.memref_squeeze %dma_start3A_928 : memref<1x!tpu.dma_semaphore, #tpu.memory_space<semaphore_mem>> -> memref<!tpu.dma_semaphore, #tpu.memory_space<semaphore_mem>>
    tpu.enqueue_indirect_dma source(%dma_start3A_927 : memref<10240x128xf32, #tpu.memory_space<hbm>>) target(%dma_start3A_913 : memref<40x128xf32, #tpu.memory_space<vmem>>) offsets(%dma_start3A_920 : memref<40xi32, #tpu.memory_space<vmem>>) semaphore(%dma_start3A_929 : memref<!tpu.dma_semaphore, #tpu.memory_space<semaphore_mem>>)
    %dma_wait3A_930 = arith.constant 3 : i32
    %dma_wait3A_931 = arith.constant 3 : i32
    %dma_wait3A_932 = arith.constant 3 : i32
    %dma_wait3A_933 = arith.constant 0 : i32
    %dma_wait3A_934 = arith.constant 0 : i32
    %dma_wait3A_935 = tpu.memref_slice %arg6[%dma_wait3A_931, %dma_wait3A_933, %dma_wait3A_934] : memref<9x2x40xi32, #tpu.memory_space<vmem>> -> memref<1x2x40xi32, #tpu.memory_space<vmem>>
    %dma_wait3A_936 = tpu.memref_squeeze %dma_wait3A_935 : memref<1x2x40xi32, #tpu.memory_space<vmem>> -> memref<2x40xi32, #tpu.memory_space<vmem>>
    %dma_wait3A_937 = arith.constant 0 : i32
    %dma_wait3A_938 = arith.constant 0 : i32
    %dma_wait3A_939 = arith.constant 0 : i32
    %dma_wait3A_940 = tpu.memref_slice %arg3[%arg1, %dma_wait3A_937, %dma_wait3A_938, %dma_wait3A_939] : memref<16x250x2x40xi32, #tpu.memory_space<hbm>> -> memref<1x250x2x40xi32, #tpu.memory_space<hbm>>
    %dma_wait3A_941 = tpu.memref_squeeze %dma_wait3A_940 : memref<1x250x2x40xi32, #tpu.memory_space<hbm>> -> memref<250x2x40xi32, #tpu.memory_space<hbm>>
    %dma_wait3A_942 = arith.constant 0 : i32
    %dma_wait3A_943 = arith.constant 0 : i32
    %dma_wait3A_944 = tpu.memref_slice %dma_wait3A_941[%dma_wait3A_930, %dma_wait3A_942, %dma_wait3A_943] : memref<250x2x40xi32, #tpu.memory_space<hbm>> -> memref<1x2x40xi32, #tpu.memory_space<hbm>>
    %dma_wait3A_945 = tpu.memref_squeeze %dma_wait3A_944 : memref<1x2x40xi32, #tpu.memory_space<hbm>> -> memref<2x40xi32, #tpu.memory_space<hbm>>
    %dma_wait3A_946 = tpu.memref_slice %arg9[%dma_wait3A_932] : memref<9x!tpu.dma_semaphore, #tpu.memory_space<semaphore_mem>> -> memref<1x!tpu.dma_semaphore, #tpu.memory_space<semaphore_mem>>
    %dma_wait3A_947 = tpu.memref_squeeze %dma_wait3A_946 : memref<1x!tpu.dma_semaphore, #tpu.memory_space<semaphore_mem>> -> memref<!tpu.dma_semaphore, #tpu.memory_space<semaphore_mem>>
    %dma_wait3A_948 = arith.constant 0 : i32
    %dma_wait3A_949 = arith.constant 0 : i32
    %dma_wait3A_950 = tpu.memref_slice %arg6[%dma_wait3A_931, %dma_wait3A_948, %dma_wait3A_949] : memref<9x2x40xi32, #tpu.memory_space<vmem>> -> memref<1x2x40xi32, #tpu.memory_space<vmem>>
    %dma_wait3A_951 = tpu.memref_squeeze %dma_wait3A_950 : memref<1x2x40xi32, #tpu.memory_space<vmem>> -> memref<2x40xi32, #tpu.memory_space<vmem>>
    %dma_wait3A_952 = arith.constant 0 : i32
    %dma_wait3A_953 = arith.constant 0 : i32
    %dma_wait3A_954 = arith.constant 0 : i32
    %dma_wait3A_955 = tpu.memref_slice %arg3[%arg1, %dma_wait3A_952, %dma_wait3A_953, %dma_wait3A_954] : memref<16x250x2x40xi32, #tpu.memory_space<hbm>> -> memref<1x250x2x40xi32, #tpu.memory_space<hbm>>
    %dma_wait3A_956 = tpu.memref_squeeze %dma_wait3A_955 : memref<1x250x2x40xi32, #tpu.memory_space<hbm>> -> memref<250x2x40xi32, #tpu.memory_space<hbm>>
    %dma_wait3A_957 = arith.constant 0 : i32
    %dma_wait3A_958 = arith.constant 0 : i32
    %dma_wait3A_959 = tpu.memref_slice %dma_wait3A_956[%dma_wait3A_930, %dma_wait3A_957, %dma_wait3A_958] : memref<250x2x40xi32, #tpu.memory_space<hbm>> -> memref<1x2x40xi32, #tpu.memory_space<hbm>>
    %dma_wait3A_960 = tpu.memref_squeeze %dma_wait3A_959 : memref<1x2x40xi32, #tpu.memory_space<hbm>> -> memref<2x40xi32, #tpu.memory_space<hbm>>
    tpu.wait_dma2 semaphore(%dma_wait3A_947 : memref<!tpu.dma_semaphore, #tpu.memory_space<semaphore_mem>>) src(%dma_wait3A_960 : memref<2x40xi32, #tpu.memory_space<hbm>>) dst(%dma_wait3A_951 : memref<2x40xi32, #tpu.memory_space<vmem>>)
    %dma_start3A_961 = arith.constant 3 : i32
    %dma_start3A_962 = arith.constant 0 : i32
    %dma_start3A_963 = arith.constant 3 : i32
    %dma_start3A_964 = arith.constant 3 : i32
    %dma_start3A_965 = arith.constant 0 : i32
    %dma_start3A_966 = arith.constant 0 : i32
    %dma_start3A_967 = tpu.memref_slice %arg7[%dma_start3A_963, %dma_start3A_965, %dma_start3A_966] : memref<9x40x128xf32, #tpu.memory_space<vmem>> -> memref<1x40x128xf32, #tpu.memory_space<vmem>>
    %dma_start3A_968 = tpu.memref_squeeze %dma_start3A_967 : memref<1x40x128xf32, #tpu.memory_space<vmem>> -> memref<40x128xf32, #tpu.memory_space<vmem>>
    %dma_start3A_969 = arith.constant 0 : i32
    %dma_start3A_970 = arith.constant 0 : i32
    %dma_start3A_971 = tpu.memref_slice %arg6[%dma_start3A_961, %dma_start3A_969, %dma_start3A_970] : memref<9x2x40xi32, #tpu.memory_space<vmem>> -> memref<1x2x40xi32, #tpu.memory_space<vmem>>
    %dma_start3A_972 = tpu.memref_squeeze %dma_start3A_971 : memref<1x2x40xi32, #tpu.memory_space<vmem>> -> memref<2x40xi32, #tpu.memory_space<vmem>>
    %dma_start3A_973 = arith.constant 0 : i32
    %dma_start3A_974 = tpu.memref_slice %dma_start3A_972[%dma_start3A_962, %dma_start3A_973] : memref<2x40xi32, #tpu.memory_space<vmem>> -> memref<1x40xi32, #tpu.memory_space<vmem>>
    %dma_start3A_975 = tpu.memref_squeeze %dma_start3A_974 : memref<1x40xi32, #tpu.memory_space<vmem>> -> memref<40xi32, #tpu.memory_space<vmem>>
    %dma_start3A_976 = arith.constant 0 : i32
    %dma_start3A_977 = arith.constant 0 : i32
    %dma_start3A_978 = tpu.memref_slice %arg2[%add3A_545, %dma_start3A_976, %dma_start3A_977] : memref<4x10240x128xf32, #tpu.memory_space<hbm>> -> memref<1x10240x128xf32, #tpu.memory_space<hbm>>
    %dma_start3A_979 = tpu.memref_squeeze %dma_start3A_978 : memref<1x10240x128xf32, #tpu.memory_space<hbm>> -> memref<10240x128xf32, #tpu.memory_space<hbm>>
    %dma_start3A_980 = arith.constant 0 : i32
    %dma_start3A_981 = arith.constant 0 : i32
    %dma_start3A_982 = tpu.memref_slice %dma_start3A_979[%dma_start3A_980, %dma_start3A_981] : memref<10240x128xf32, #tpu.memory_space<hbm>> -> memref<10240x128xf32, #tpu.memory_space<hbm>>
    %dma_start3A_983 = tpu.memref_slice %arg10[%dma_start3A_964] : memref<9x!tpu.dma_semaphore, #tpu.memory_space<semaphore_mem>> -> memref<1x!tpu.dma_semaphore, #tpu.memory_space<semaphore_mem>>
    %dma_start3A_984 = tpu.memref_squeeze %dma_start3A_983 : memref<1x!tpu.dma_semaphore, #tpu.memory_space<semaphore_mem>> -> memref<!tpu.dma_semaphore, #tpu.memory_space<semaphore_mem>>
    tpu.enqueue_indirect_dma source(%dma_start3A_982 : memref<10240x128xf32, #tpu.memory_space<hbm>>) target(%dma_start3A_968 : memref<40x128xf32, #tpu.memory_space<vmem>>) offsets(%dma_start3A_975 : memref<40xi32, #tpu.memory_space<vmem>>) semaphore(%dma_start3A_984 : memref<!tpu.dma_semaphore, #tpu.memory_space<semaphore_mem>>)
    %dma_wait3A_985 = arith.constant 4 : i32
    %dma_wait3A_986 = arith.constant 4 : i32
    %dma_wait3A_987 = arith.constant 4 : i32
    %dma_wait3A_988 = arith.constant 0 : i32
    %dma_wait3A_989 = arith.constant 0 : i32
    %dma_wait3A_990 = tpu.memref_slice %arg6[%dma_wait3A_986, %dma_wait3A_988, %dma_wait3A_989] : memref<9x2x40xi32, #tpu.memory_space<vmem>> -> memref<1x2x40xi32, #tpu.memory_space<vmem>>
    %dma_wait3A_991 = tpu.memref_squeeze %dma_wait3A_990 : memref<1x2x40xi32, #tpu.memory_space<vmem>> -> memref<2x40xi32, #tpu.memory_space<vmem>>
    %dma_wait3A_992 = arith.constant 0 : i32
    %dma_wait3A_993 = arith.constant 0 : i32
    %dma_wait3A_994 = arith.constant 0 : i32
    %dma_wait3A_995 = tpu.memref_slice %arg3[%arg1, %dma_wait3A_992, %dma_wait3A_993, %dma_wait3A_994] : memref<16x250x2x40xi32, #tpu.memory_space<hbm>> -> memref<1x250x2x40xi32, #tpu.memory_space<hbm>>
    %dma_wait3A_996 = tpu.memref_squeeze %dma_wait3A_995 : memref<1x250x2x40xi32, #tpu.memory_space<hbm>> -> memref<250x2x40xi32, #tpu.memory_space<hbm>>
    %dma_wait3A_997 = arith.constant 0 : i32
    %dma_wait3A_998 = arith.constant 0 : i32
    %dma_wait3A_999 = tpu.memref_slice %dma_wait3A_996[%dma_wait3A_985, %dma_wait3A_997, %dma_wait3A_998] : memref<250x2x40xi32, #tpu.memory_space<hbm>> -> memref<1x2x40xi32, #tpu.memory_space<hbm>>
    %dma_wait3A_1000 = tpu.memref_squeeze %dma_wait3A_999 : memref<1x2x40xi32, #tpu.memory_space<hbm>> -> memref<2x40xi32, #tpu.memory_space<hbm>>
    %dma_wait3A_1001 = tpu.memref_slice %arg9[%dma_wait3A_987] : memref<9x!tpu.dma_semaphore, #tpu.memory_space<semaphore_mem>> -> memref<1x!tpu.dma_semaphore, #tpu.memory_space<semaphore_mem>>
    %dma_wait3A_1002 = tpu.memref_squeeze %dma_wait3A_1001 : memref<1x!tpu.dma_semaphore, #tpu.memory_space<semaphore_mem>> -> memref<!tpu.dma_semaphore, #tpu.memory_space<semaphore_mem>>
    %dma_wait3A_1003 = arith.constant 0 : i32
    %dma_wait3A_1004 = arith.constant 0 : i32
    %dma_wait3A_1005 = tpu.memref_slice %arg6[%dma_wait3A_986, %dma_wait3A_1003, %dma_wait3A_1004] : memref<9x2x40xi32, #tpu.memory_space<vmem>> -> memref<1x2x40xi32, #tpu.memory_space<vmem>>
    %dma_wait3A_1006 = tpu.memref_squeeze %dma_wait3A_1005 : memref<1x2x40xi32, #tpu.memory_space<vmem>> -> memref<2x40xi32, #tpu.memory_space<vmem>>
    %dma_wait3A_1007 = arith.constant 0 : i32
    %dma_wait3A_1008 = arith.constant 0 : i32
    %dma_wait3A_1009 = arith.constant 0 : i32
    %dma_wait3A_1010 = tpu.memref_slice %arg3[%arg1, %dma_wait3A_1007, %dma_wait3A_1008, %dma_wait3A_1009] : memref<16x250x2x40xi32, #tpu.memory_space<hbm>> -> memref<1x250x2x40xi32, #tpu.memory_space<hbm>>
    %dma_wait3A_1011 = tpu.memref_squeeze %dma_wait3A_1010 : memref<1x250x2x40xi32, #tpu.memory_space<hbm>> -> memref<250x2x40xi32, #tpu.memory_space<hbm>>
    %dma_wait3A_1012 = arith.constant 0 : i32
    %dma_wait3A_1013 = arith.constant 0 : i32
    %dma_wait3A_1014 = tpu.memref_slice %dma_wait3A_1011[%dma_wait3A_985, %dma_wait3A_1012, %dma_wait3A_1013] : memref<250x2x40xi32, #tpu.memory_space<hbm>> -> memref<1x2x40xi32, #tpu.memory_space<hbm>>
    %dma_wait3A_1015 = tpu.memref_squeeze %dma_wait3A_1014 : memref<1x2x40xi32, #tpu.memory_space<hbm>> -> memref<2x40xi32, #tpu.memory_space<hbm>>
    tpu.wait_dma2 semaphore(%dma_wait3A_1002 : memref<!tpu.dma_semaphore, #tpu.memory_space<semaphore_mem>>) src(%dma_wait3A_1015 : memref<2x40xi32, #tpu.memory_space<hbm>>) dst(%dma_wait3A_1006 : memref<2x40xi32, #tpu.memory_space<vmem>>)
    %dma_start3A_1016 = arith.constant 4 : i32
    %dma_start3A_1017 = arith.constant 0 : i32
    %dma_start3A_1018 = arith.constant 4 : i32
    %dma_start3A_1019 = arith.constant 4 : i32
    %dma_start3A_1020 = arith.constant 0 : i32
    %dma_start3A_1021 = arith.constant 0 : i32
    %dma_start3A_1022 = tpu.memref_slice %arg7[%dma_start3A_1018, %dma_start3A_1020, %dma_start3A_1021] : memref<9x40x128xf32, #tpu.memory_space<vmem>> -> memref<1x40x128xf32, #tpu.memory_space<vmem>>
    %dma_start3A_1023 = tpu.memref_squeeze %dma_start3A_1022 : memref<1x40x128xf32, #tpu.memory_space<vmem>> -> memref<40x128xf32, #tpu.memory_space<vmem>>
    %dma_start3A_1024 = arith.constant 0 : i32
    %dma_start3A_1025 = arith.constant 0 : i32
    %dma_start3A_1026 = tpu.memref_slice %arg6[%dma_start3A_1016, %dma_start3A_1024, %dma_start3A_1025] : memref<9x2x40xi32, #tpu.memory_space<vmem>> -> memref<1x2x40xi32, #tpu.memory_space<vmem>>
    %dma_start3A_1027 = tpu.memref_squeeze %dma_start3A_1026 : memref<1x2x40xi32, #tpu.memory_space<vmem>> -> memref<2x40xi32, #tpu.memory_space<vmem>>
    %dma_start3A_1028 = arith.constant 0 : i32
    %dma_start3A_1029 = tpu.memref_slice %dma_start3A_1027[%dma_start3A_1017, %dma_start3A_1028] : memref<2x40xi32, #tpu.memory_space<vmem>> -> memref<1x40xi32, #tpu.memory_space<vmem>>
    %dma_start3A_1030 = tpu.memref_squeeze %dma_start3A_1029 : memref<1x40xi32, #tpu.memory_space<vmem>> -> memref<40xi32, #tpu.memory_space<vmem>>
    %dma_start3A_1031 = arith.constant 0 : i32
    %dma_start3A_1032 = arith.constant 0 : i32
    %dma_start3A_1033 = tpu.memref_slice %arg2[%add3A_545, %dma_start3A_1031, %dma_start3A_1032] : memref<4x10240x128xf32, #tpu.memory_space<hbm>> -> memref<1x10240x128xf32, #tpu.memory_space<hbm>>
    %dma_start3A_1034 = tpu.memref_squeeze %dma_start3A_1033 : memref<1x10240x128xf32, #tpu.memory_space<hbm>> -> memref<10240x128xf32, #tpu.memory_space<hbm>>
    %dma_start3A_1035 = arith.constant 0 : i32
    %dma_start3A_1036 = arith.constant 0 : i32
    %dma_start3A_1037 = tpu.memref_slice %dma_start3A_1034[%dma_start3A_1035, %dma_start3A_1036] : memref<10240x128xf32, #tpu.memory_space<hbm>> -> memref<10240x128xf32, #tpu.memory_space<hbm>>
    %dma_start3A_1038 = tpu.memref_slice %arg10[%dma_start3A_1019] : memref<9x!tpu.dma_semaphore, #tpu.memory_space<semaphore_mem>> -> memref<1x!tpu.dma_semaphore, #tpu.memory_space<semaphore_mem>>
    %dma_start3A_1039 = tpu.memref_squeeze %dma_start3A_1038 : memref<1x!tpu.dma_semaphore, #tpu.memory_space<semaphore_mem>> -> memref<!tpu.dma_semaphore, #tpu.memory_space<semaphore_mem>>
    tpu.enqueue_indirect_dma source(%dma_start3A_1037 : memref<10240x128xf32, #tpu.memory_space<hbm>>) target(%dma_start3A_1023 : memref<40x128xf32, #tpu.memory_space<vmem>>) offsets(%dma_start3A_1030 : memref<40xi32, #tpu.memory_space<vmem>>) semaphore(%dma_start3A_1039 : memref<!tpu.dma_semaphore, #tpu.memory_space<semaphore_mem>>)
    %barrier3A_1040 = arith.constant 0 : index
    tpu.barrier barrier_id(%barrier3A_1040)
    %scan3A_1041 = arith.constant 0 : i32
    %scan3A_1042 = arith.constant 0 : i32
    %scan3A_1043 = arith.constant 250 : i32
    %scan3A_1044 = arith.addi %scan3A_1042, %scan3A_1043 : i32
    %scan3A_1045 = arith.constant 1 : i32
    %scan3A_1046 = scf.for %scan3A_1093 = %scan3A_1042 to %scan3A_1044 step %scan3A_1045 iter_args(%scan3A_1094 = %scan3A_1041) -> (i32)  : i32 {
      %rem3A = arith.constant 9 : i32
      %rem3A_1095 = arith.remsi %scan3A_1093, %rem3A : i32
      %dma_wait3A_1096 = arith.constant 0 : i32
      %dma_wait3A_1097 = arith.constant 0 : i32
      %dma_wait3A_1098 = arith.constant 0 : i32
      %dma_wait3A_1099 = tpu.memref_slice %arg7[%rem3A_1095, %dma_wait3A_1097, %dma_wait3A_1098] : memref<9x40x128xf32, #tpu.memory_space<vmem>> -> memref<1x40x128xf32, #tpu.memory_space<vmem>>
      %dma_wait3A_1100 = tpu.memref_squeeze %dma_wait3A_1099 : memref<1x40x128xf32, #tpu.memory_space<vmem>> -> memref<40x128xf32, #tpu.memory_space<vmem>>
      %dma_wait3A_1101 = arith.constant 0 : i32
      %dma_wait3A_1102 = arith.constant 0 : i32
      %dma_wait3A_1103 = tpu.memref_slice %arg6[%rem3A_1095, %dma_wait3A_1101, %dma_wait3A_1102] : memref<9x2x40xi32, #tpu.memory_space<vmem>> -> memref<1x2x40xi32, #tpu.memory_space<vmem>>
      %dma_wait3A_1104 = tpu.memref_squeeze %dma_wait3A_1103 : memref<1x2x40xi32, #tpu.memory_space<vmem>> -> memref<2x40xi32, #tpu.memory_space<vmem>>
      %dma_wait3A_1105 = arith.constant 0 : i32
      %dma_wait3A_1106 = tpu.memref_slice %dma_wait3A_1104[%dma_wait3A_1096, %dma_wait3A_1105] : memref<2x40xi32, #tpu.memory_space<vmem>> -> memref<1x40xi32, #tpu.memory_space<vmem>>
      %dma_wait3A_1107 = tpu.memref_squeeze %dma_wait3A_1106 : memref<1x40xi32, #tpu.memory_space<vmem>> -> memref<40xi32, #tpu.memory_space<vmem>>
      %dma_wait3A_1108 = arith.constant 0 : i32
      %dma_wait3A_1109 = arith.constant 0 : i32
      %dma_wait3A_1110 = tpu.memref_slice %arg2[%add3A_545, %dma_wait3A_1108, %dma_wait3A_1109] : memref<4x10240x128xf32, #tpu.memory_space<hbm>> -> memref<1x10240x128xf32, #tpu.memory_space<hbm>>
      %dma_wait3A_1111 = tpu.memref_squeeze %dma_wait3A_1110 : memref<1x10240x128xf32, #tpu.memory_space<hbm>> -> memref<10240x128xf32, #tpu.memory_space<hbm>>
      %dma_wait3A_1112 = arith.constant 0 : i32
      %dma_wait3A_1113 = arith.constant 0 : i32
      %dma_wait3A_1114 = tpu.memref_slice %dma_wait3A_1111[%dma_wait3A_1112, %dma_wait3A_1113] : memref<10240x128xf32, #tpu.memory_space<hbm>> -> memref<10240x128xf32, #tpu.memory_space<hbm>>
      %dma_wait3A_1115 = tpu.memref_slice %arg10[%rem3A_1095] : memref<9x!tpu.dma_semaphore, #tpu.memory_space<semaphore_mem>> -> memref<1x!tpu.dma_semaphore, #tpu.memory_space<semaphore_mem>>
      %dma_wait3A_1116 = tpu.memref_squeeze %dma_wait3A_1115 : memref<1x!tpu.dma_semaphore, #tpu.memory_space<semaphore_mem>> -> memref<!tpu.dma_semaphore, #tpu.memory_space<semaphore_mem>>
      tpu.wait_indirect_dma semaphore(%dma_wait3A_1116 : memref<!tpu.dma_semaphore, #tpu.memory_space<semaphore_mem>>) src(%dma_wait3A_1114 : memref<10240x128xf32, #tpu.memory_space<hbm>>) dst(%dma_wait3A_1100 : memref<40x128xf32, #tpu.memory_space<vmem>>)
      %dma_start3A_1117 = arith.constant 1 : i32
      %dma_start3A_1118 = arith.constant 0 : i32
      %dma_start3A_1119 = arith.constant 0 : i32
      %dma_start3A_1120 = tpu.memref_slice %arg7[%rem3A_1095, %dma_start3A_1118, %dma_start3A_1119] : memref<9x40x128xf32, #tpu.memory_space<vmem>> -> memref<1x40x128xf32, #tpu.memory_space<vmem>>
      %dma_start3A_1121 = tpu.memref_squeeze %dma_start3A_1120 : memref<1x40x128xf32, #tpu.memory_space<vmem>> -> memref<40x128xf32, #tpu.memory_space<vmem>>
      %dma_start3A_1122 = arith.constant 0 : i32
      %dma_start3A_1123 = arith.constant 0 : i32
      %dma_start3A_1124 = tpu.memref_slice %arg6[%rem3A_1095, %dma_start3A_1122, %dma_start3A_1123] : memref<9x2x40xi32, #tpu.memory_space<vmem>> -> memref<1x2x40xi32, #tpu.memory_space<vmem>>
      %dma_start3A_1125 = tpu.memref_squeeze %dma_start3A_1124 : memref<1x2x40xi32, #tpu.memory_space<vmem>> -> memref<2x40xi32, #tpu.memory_space<vmem>>
      %dma_start3A_1126 = arith.constant 0 : i32
      %dma_start3A_1127 = tpu.memref_slice %dma_start3A_1125[%dma_start3A_1117, %dma_start3A_1126] : memref<2x40xi32, #tpu.memory_space<vmem>> -> memref<1x40xi32, #tpu.memory_space<vmem>>
      %dma_start3A_1128 = tpu.memref_squeeze %dma_start3A_1127 : memref<1x40xi32, #tpu.memory_space<vmem>> -> memref<40xi32, #tpu.memory_space<vmem>>
      %dma_start3A_1129 = arith.constant 0 : i32
      %dma_start3A_1130 = arith.constant 0 : i32
      %dma_start3A_1131 = tpu.memref_slice %arg8[%dma_start3A_1129, %dma_start3A_1130] : memref<10240x128xf32, #tpu.memory_space<vmem_shared>> -> memref<10240x128xf32, #tpu.memory_space<vmem_shared>>
      %dma_start3A_1132 = tpu.memref_slice %arg11[%rem3A_1095] : memref<9x!tpu.dma_semaphore, #tpu.memory_space<semaphore_mem>> -> memref<1x!tpu.dma_semaphore, #tpu.memory_space<semaphore_mem>>
      %dma_start3A_1133 = tpu.memref_squeeze %dma_start3A_1132 : memref<1x!tpu.dma_semaphore, #tpu.memory_space<semaphore_mem>> -> memref<!tpu.dma_semaphore, #tpu.memory_space<semaphore_mem>>
      tpu.enqueue_indirect_dma source(%dma_start3A_1121 : memref<40x128xf32, #tpu.memory_space<vmem>>) target(%dma_start3A_1131 : memref<10240x128xf32, #tpu.memory_space<vmem_shared>>) offsets(%dma_start3A_1128 : memref<40xi32, #tpu.memory_space<vmem>>) semaphore(%dma_start3A_1133 : memref<!tpu.dma_semaphore, #tpu.memory_space<semaphore_mem>>) {add = true}
      %ge3A = arith.constant 2 : i32
      %ge3A_1134 = arith.cmpi sge, %scan3A_1093, %ge3A : i32
      %convert_element_type3A = arith.extui %ge3A_1134 : i1 to i32
      %cond3A = arith.constant 0 : i32
      %cond3A_1135 = arith.cmpi ne, %convert_element_type3A, %cond3A : i32
      scf.if %cond3A_1135 {
        %sub3A = arith.constant 2 : i32
        %sub3A_1150 = arith.subi %scan3A_1093, %sub3A : i32
        %add3A_1151 = arith.constant 9 : i32
        %add3A_1152 = arith.addi %scan3A_1093, %add3A_1151 : i32
        %sub3A_1153 = arith.constant 2 : i32
        %sub3A_1154 = arith.subi %add3A_1152, %sub3A_1153 : i32
        %rem3A_1155 = arith.constant 9 : i32
        %rem3A_1156 = arith.remsi %sub3A_1154, %rem3A_1155 : i32
        %dma_wait3A_1157 = arith.constant 1 : i32
        %dma_wait3A_1158 = arith.constant 0 : i32
        %dma_wait3A_1159 = arith.constant 0 : i32
        %dma_wait3A_1160 = tpu.memref_slice %arg7[%rem3A_1156, %dma_wait3A_1158, %dma_wait3A_1159] : memref<9x40x128xf32, #tpu.memory_space<vmem>> -> memref<1x40x128xf32, #tpu.memory_space<vmem>>
        %dma_wait3A_1161 = tpu.memref_squeeze %dma_wait3A_1160 : memref<1x40x128xf32, #tpu.memory_space<vmem>> -> memref<40x128xf32, #tpu.memory_space<vmem>>
        %dma_wait3A_1162 = arith.constant 0 : i32
        %dma_wait3A_1163 = arith.constant 0 : i32
        %dma_wait3A_1164 = tpu.memref_slice %arg6[%rem3A_1156, %dma_wait3A_1162, %dma_wait3A_1163] : memref<9x2x40xi32, #tpu.memory_space<vmem>> -> memref<1x2x40xi32, #tpu.memory_space<vmem>>
        %dma_wait3A_1165 = tpu.memref_squeeze %dma_wait3A_1164 : memref<1x2x40xi32, #tpu.memory_space<vmem>> -> memref<2x40xi32, #tpu.memory_space<vmem>>
        %dma_wait3A_1166 = arith.constant 0 : i32
        %dma_wait3A_1167 = tpu.memref_slice %dma_wait3A_1165[%dma_wait3A_1157, %dma_wait3A_1166] : memref<2x40xi32, #tpu.memory_space<vmem>> -> memref<1x40xi32, #tpu.memory_space<vmem>>
        %dma_wait3A_1168 = tpu.memref_squeeze %dma_wait3A_1167 : memref<1x40xi32, #tpu.memory_space<vmem>> -> memref<40xi32, #tpu.memory_space<vmem>>
        %dma_wait3A_1169 = arith.constant 0 : i32
        %dma_wait3A_1170 = arith.constant 0 : i32
        %dma_wait3A_1171 = tpu.memref_slice %arg8[%dma_wait3A_1169, %dma_wait3A_1170] : memref<10240x128xf32, #tpu.memory_space<vmem_shared>> -> memref<10240x128xf32, #tpu.memory_space<vmem_shared>>
        %dma_wait3A_1172 = tpu.memref_slice %arg11[%rem3A_1156] : memref<9x!tpu.dma_semaphore, #tpu.memory_space<semaphore_mem>> -> memref<1x!tpu.dma_semaphore, #tpu.memory_space<semaphore_mem>>
        %dma_wait3A_1173 = tpu.memref_squeeze %dma_wait3A_1172 : memref<1x!tpu.dma_semaphore, #tpu.memory_space<semaphore_mem>> -> memref<!tpu.dma_semaphore, #tpu.memory_space<semaphore_mem>>
        tpu.wait_indirect_dma semaphore(%dma_wait3A_1173 : memref<!tpu.dma_semaphore, #tpu.memory_space<semaphore_mem>>) src(%dma_wait3A_1161 : memref<40x128xf32, #tpu.memory_space<vmem>>) dst(%dma_wait3A_1171 : memref<10240x128xf32, #tpu.memory_space<vmem_shared>>)
      } else {
      }
      %add3A_1136 = arith.constant 5 : i32
      %add3A_1137 = arith.addi %scan3A_1093, %add3A_1136 : i32
      %lt3A = arith.constant 250 : i32
      %lt3A_1138 = arith.cmpi slt, %add3A_1137, %lt3A : i32
      %convert_element_type3A_1139 = arith.extui %lt3A_1138 : i1 to i32
      %cond3A_1140 = arith.constant 0 : i32
      %cond3A_1141 = arith.cmpi ne, %convert_element_type3A_1139, %cond3A_1140 : i32
      scf.if %cond3A_1141 {
        %add3A_1150 = arith.constant 5 : i32
        %add3A_1151 = arith.addi %scan3A_1093, %add3A_1150 : i32
        %rem3A_1152 = arith.constant 9 : i32
        %rem3A_1153 = arith.remsi %add3A_1151, %rem3A_1152 : i32
        %add3A_1154 = arith.constant 5 : i32
        %add3A_1155 = arith.addi %scan3A_1093, %add3A_1154 : i32
        %dma_wait3A_1156 = arith.constant 0 : i32
        %dma_wait3A_1157 = arith.constant 0 : i32
        %dma_wait3A_1158 = tpu.memref_slice %arg6[%rem3A_1153, %dma_wait3A_1156, %dma_wait3A_1157] : memref<9x2x40xi32, #tpu.memory_space<vmem>> -> memref<1x2x40xi32, #tpu.memory_space<vmem>>
        %dma_wait3A_1159 = tpu.memref_squeeze %dma_wait3A_1158 : memref<1x2x40xi32, #tpu.memory_space<vmem>> -> memref<2x40xi32, #tpu.memory_space<vmem>>
        %dma_wait3A_1160 = arith.constant 0 : i32
        %dma_wait3A_1161 = arith.constant 0 : i32
        %dma_wait3A_1162 = arith.constant 0 : i32
        %dma_wait3A_1163 = tpu.memref_slice %arg3[%arg1, %dma_wait3A_1160, %dma_wait3A_1161, %dma_wait3A_1162] : memref<16x250x2x40xi32, #tpu.memory_space<hbm>> -> memref<1x250x2x40xi32, #tpu.memory_space<hbm>>
        %dma_wait3A_1164 = tpu.memref_squeeze %dma_wait3A_1163 : memref<1x250x2x40xi32, #tpu.memory_space<hbm>> -> memref<250x2x40xi32, #tpu.memory_space<hbm>>
        %dma_wait3A_1165 = arith.constant 0 : i32
        %dma_wait3A_1166 = arith.constant 0 : i32
        %dma_wait3A_1167 = tpu.memref_slice %dma_wait3A_1164[%add3A_1155, %dma_wait3A_1165, %dma_wait3A_1166] : memref<250x2x40xi32, #tpu.memory_space<hbm>> -> memref<1x2x40xi32, #tpu.memory_space<hbm>>
        %dma_wait3A_1168 = tpu.memref_squeeze %dma_wait3A_1167 : memref<1x2x40xi32, #tpu.memory_space<hbm>> -> memref<2x40xi32, #tpu.memory_space<hbm>>
        %dma_wait3A_1169 = tpu.memref_slice %arg9[%rem3A_1153] : memref<9x!tpu.dma_semaphore, #tpu.memory_space<semaphore_mem>> -> memref<1x!tpu.dma_semaphore, #tpu.memory_space<semaphore_mem>>
        %dma_wait3A_1170 = tpu.memref_squeeze %dma_wait3A_1169 : memref<1x!tpu.dma_semaphore, #tpu.memory_space<semaphore_mem>> -> memref<!tpu.dma_semaphore, #tpu.memory_space<semaphore_mem>>
        %dma_wait3A_1171 = arith.constant 0 : i32
        %dma_wait3A_1172 = arith.constant 0 : i32
        %dma_wait3A_1173 = tpu.memref_slice %arg6[%rem3A_1153, %dma_wait3A_1171, %dma_wait3A_1172] : memref<9x2x40xi32, #tpu.memory_space<vmem>> -> memref<1x2x40xi32, #tpu.memory_space<vmem>>
        %dma_wait3A_1174 = tpu.memref_squeeze %dma_wait3A_1173 : memref<1x2x40xi32, #tpu.memory_space<vmem>> -> memref<2x40xi32, #tpu.memory_space<vmem>>
        %dma_wait3A_1175 = arith.constant 0 : i32
        %dma_wait3A_1176 = arith.constant 0 : i32
        %dma_wait3A_1177 = arith.constant 0 : i32
        %dma_wait3A_1178 = tpu.memref_slice %arg3[%arg1, %dma_wait3A_1175, %dma_wait3A_1176, %dma_wait3A_1177] : memref<16x250x2x40xi32, #tpu.memory_space<hbm>> -> memref<1x250x2x40xi32, #tpu.memory_space<hbm>>
        %dma_wait3A_1179 = tpu.memref_squeeze %dma_wait3A_1178 : memref<1x250x2x40xi32, #tpu.memory_space<hbm>> -> memref<250x2x40xi32, #tpu.memory_space<hbm>>
        %dma_wait3A_1180 = arith.constant 0 : i32
        %dma_wait3A_1181 = arith.constant 0 : i32
        %dma_wait3A_1182 = tpu.memref_slice %dma_wait3A_1179[%add3A_1155, %dma_wait3A_1180, %dma_wait3A_1181] : memref<250x2x40xi32, #tpu.memory_space<hbm>> -> memref<1x2x40xi32, #tpu.memory_space<hbm>>
        %dma_wait3A_1183 = tpu.memref_squeeze %dma_wait3A_1182 : memref<1x2x40xi32, #tpu.memory_space<hbm>> -> memref<2x40xi32, #tpu.memory_space<hbm>>
        tpu.wait_dma2 semaphore(%dma_wait3A_1170 : memref<!tpu.dma_semaphore, #tpu.memory_space<semaphore_mem>>) src(%dma_wait3A_1183 : memref<2x40xi32, #tpu.memory_space<hbm>>) dst(%dma_wait3A_1174 : memref<2x40xi32, #tpu.memory_space<vmem>>)
        %add3A_1184 = arith.constant 5 : i32
        %add3A_1185 = arith.addi %scan3A_1093, %add3A_1184 : i32
        %dma_start3A_1186 = arith.constant 0 : i32
        %dma_start3A_1187 = arith.constant 0 : i32
        %dma_start3A_1188 = arith.constant 0 : i32
        %dma_start3A_1189 = tpu.memref_slice %arg7[%rem3A_1153, %dma_start3A_1187, %dma_start3A_1188] : memref<9x40x128xf32, #tpu.memory_space<vmem>> -> memref<1x40x128xf32, #tpu.memory_space<vmem>>
        %dma_start3A_1190 = tpu.memref_squeeze %dma_start3A_1189 : memref<1x40x128xf32, #tpu.memory_space<vmem>> -> memref<40x128xf32, #tpu.memory_space<vmem>>
        %dma_start3A_1191 = arith.constant 0 : i32
        %dma_start3A_1192 = arith.constant 0 : i32
        %dma_start3A_1193 = tpu.memref_slice %arg6[%rem3A_1153, %dma_start3A_1191, %dma_start3A_1192] : memref<9x2x40xi32, #tpu.memory_space<vmem>> -> memref<1x2x40xi32, #tpu.memory_space<vmem>>
        %dma_start3A_1194 = tpu.memref_squeeze %dma_start3A_1193 : memref<1x2x40xi32, #tpu.memory_space<vmem>> -> memref<2x40xi32, #tpu.memory_space<vmem>>
        %dma_start3A_1195 = arith.constant 0 : i32
        %dma_start3A_1196 = tpu.memref_slice %dma_start3A_1194[%dma_start3A_1186, %dma_start3A_1195] : memref<2x40xi32, #tpu.memory_space<vmem>> -> memref<1x40xi32, #tpu.memory_space<vmem>>
        %dma_start3A_1197 = tpu.memref_squeeze %dma_start3A_1196 : memref<1x40xi32, #tpu.memory_space<vmem>> -> memref<40xi32, #tpu.memory_space<vmem>>
        %dma_start3A_1198 = arith.constant 0 : i32
        %dma_start3A_1199 = arith.constant 0 : i32
        %dma_start3A_1200 = tpu.memref_slice %arg2[%add3A_545, %dma_start3A_1198, %dma_start3A_1199] : memref<4x10240x128xf32, #tpu.memory_space<hbm>> -> memref<1x10240x128xf32, #tpu.memory_space<hbm>>
        %dma_start3A_1201 = tpu.memref_squeeze %dma_start3A_1200 : memref<1x10240x128xf32, #tpu.memory_space<hbm>> -> memref<10240x128xf32, #tpu.memory_space<hbm>>
        %dma_start3A_1202 = arith.constant 0 : i32
        %dma_start3A_1203 = arith.constant 0 : i32
        %dma_start3A_1204 = tpu.memref_slice %dma_start3A_1201[%dma_start3A_1202, %dma_start3A_1203] : memref<10240x128xf32, #tpu.memory_space<hbm>> -> memref<10240x128xf32, #tpu.memory_space<hbm>>
        %dma_start3A_1205 = tpu.memref_slice %arg10[%rem3A_1153] : memref<9x!tpu.dma_semaphore, #tpu.memory_space<semaphore_mem>> -> memref<1x!tpu.dma_semaphore, #tpu.memory_space<semaphore_mem>>
        %dma_start3A_1206 = tpu.memref_squeeze %dma_start3A_1205 : memref<1x!tpu.dma_semaphore, #tpu.memory_space<semaphore_mem>> -> memref<!tpu.dma_semaphore, #tpu.memory_space<semaphore_mem>>
        tpu.enqueue_indirect_dma source(%dma_start3A_1204 : memref<10240x128xf32, #tpu.memory_space<hbm>>) target(%dma_start3A_1190 : memref<40x128xf32, #tpu.memory_space<vmem>>) offsets(%dma_start3A_1197 : memref<40xi32, #tpu.memory_space<vmem>>) semaphore(%dma_start3A_1206 : memref<!tpu.dma_semaphore, #tpu.memory_space<semaphore_mem>>)
      } else {
      }
      %add3A_1142 = arith.constant 7 : i32
      %add3A_1143 = arith.addi %scan3A_1093, %add3A_1142 : i32
      %lt3A_1144 = arith.constant 250 : i32
      %lt3A_1145 = arith.cmpi slt, %add3A_1143, %lt3A_1144 : i32
      %convert_element_type3A_1146 = arith.extui %lt3A_1145 : i1 to i32
      %cond3A_1147 = arith.constant 0 : i32
      %cond3A_1148 = arith.cmpi ne, %convert_element_type3A_1146, %cond3A_1147 : i32
      scf.if %cond3A_1148 {
        %add3A_1150 = arith.constant 7 : i32
        %add3A_1151 = arith.addi %scan3A_1093, %add3A_1150 : i32
        %add3A_1152 = arith.constant 7 : i32
        %add3A_1153 = arith.addi %scan3A_1093, %add3A_1152 : i32
        %rem3A_1154 = arith.constant 9 : i32
        %rem3A_1155 = arith.remsi %add3A_1153, %rem3A_1154 : i32
        %dma_start3A_1156 = arith.constant 0 : i32
        %dma_start3A_1157 = arith.constant 0 : i32
        %dma_start3A_1158 = tpu.memref_slice %arg6[%rem3A_1155, %dma_start3A_1156, %dma_start3A_1157] : memref<9x2x40xi32, #tpu.memory_space<vmem>> -> memref<1x2x40xi32, #tpu.memory_space<vmem>>
        %dma_start3A_1159 = tpu.memref_squeeze %dma_start3A_1158 : memref<1x2x40xi32, #tpu.memory_space<vmem>> -> memref<2x40xi32, #tpu.memory_space<vmem>>
        %dma_start3A_1160 = arith.constant 0 : i32
        %dma_start3A_1161 = arith.constant 0 : i32
        %dma_start3A_1162 = arith.constant 0 : i32
        %dma_start3A_1163 = tpu.memref_slice %arg3[%arg1, %dma_start3A_1160, %dma_start3A_1161, %dma_start3A_1162] : memref<16x250x2x40xi32, #tpu.memory_space<hbm>> -> memref<1x250x2x40xi32, #tpu.memory_space<hbm>>
        %dma_start3A_1164 = tpu.memref_squeeze %dma_start3A_1163 : memref<1x250x2x40xi32, #tpu.memory_space<hbm>> -> memref<250x2x40xi32, #tpu.memory_space<hbm>>
        %dma_start3A_1165 = arith.constant 0 : i32
        %dma_start3A_1166 = arith.constant 0 : i32
        %dma_start3A_1167 = tpu.memref_slice %dma_start3A_1164[%add3A_1151, %dma_start3A_1165, %dma_start3A_1166] : memref<250x2x40xi32, #tpu.memory_space<hbm>> -> memref<1x2x40xi32, #tpu.memory_space<hbm>>
        %dma_start3A_1168 = tpu.memref_squeeze %dma_start3A_1167 : memref<1x2x40xi32, #tpu.memory_space<hbm>> -> memref<2x40xi32, #tpu.memory_space<hbm>>
        %dma_start3A_1169 = tpu.memref_slice %arg9[%rem3A_1155] : memref<9x!tpu.dma_semaphore, #tpu.memory_space<semaphore_mem>> -> memref<1x!tpu.dma_semaphore, #tpu.memory_space<semaphore_mem>>
        %dma_start3A_1170 = tpu.memref_squeeze %dma_start3A_1169 : memref<1x!tpu.dma_semaphore, #tpu.memory_space<semaphore_mem>> -> memref<!tpu.dma_semaphore, #tpu.memory_space<semaphore_mem>>
        %dma_start3A_1171 = arith.constant 0 : i32
        %dma_start3A_1172 = arith.constant 0 : i32
        %dma_start3A_1173 = tpu.memref_slice %arg6[%rem3A_1155, %dma_start3A_1171, %dma_start3A_1172] : memref<9x2x40xi32, #tpu.memory_space<vmem>> -> memref<1x2x40xi32, #tpu.memory_space<vmem>>
        %dma_start3A_1174 = tpu.memref_squeeze %dma_start3A_1173 : memref<1x2x40xi32, #tpu.memory_space<vmem>> -> memref<2x40xi32, #tpu.memory_space<vmem>>
        %dma_start3A_1175 = arith.constant 0 : i32
        %dma_start3A_1176 = arith.constant 0 : i32
        %dma_start3A_1177 = arith.constant 0 : i32
        %dma_start3A_1178 = tpu.memref_slice %arg3[%arg1, %dma_start3A_1175, %dma_start3A_1176, %dma_start3A_1177] : memref<16x250x2x40xi32, #tpu.memory_space<hbm>> -> memref<1x250x2x40xi32, #tpu.memory_space<hbm>>
        %dma_start3A_1179 = tpu.memref_squeeze %dma_start3A_1178 : memref<1x250x2x40xi32, #tpu.memory_space<hbm>> -> memref<250x2x40xi32, #tpu.memory_space<hbm>>
        %dma_start3A_1180 = arith.constant 0 : i32
        %dma_start3A_1181 = arith.constant 0 : i32
        %dma_start3A_1182 = tpu.memref_slice %dma_start3A_1179[%add3A_1151, %dma_start3A_1180, %dma_start3A_1181] : memref<250x2x40xi32, #tpu.memory_space<hbm>> -> memref<1x2x40xi32, #tpu.memory_space<hbm>>
        %dma_start3A_1183 = tpu.memref_squeeze %dma_start3A_1182 : memref<1x2x40xi32, #tpu.memory_space<hbm>> -> memref<2x40xi32, #tpu.memory_space<hbm>>
        tpu.enqueue_dma source(%dma_start3A_1183 : memref<2x40xi32, #tpu.memory_space<hbm>>) target(%dma_start3A_1174 : memref<2x40xi32, #tpu.memory_space<vmem>>) target_semaphore(%dma_start3A_1170 : memref<!tpu.dma_semaphore, #tpu.memory_space<semaphore_mem>>)
      } else {
      }
      %scan3A_1149 = arith.constant 0 : i32
      scf.yield %scan3A_1149 : i32
    }
    %scan3A_1047 = arith.constant 250 : i32
    %dma_wait3A_1048 = arith.constant 5 : i32
    %dma_wait3A_1049 = arith.constant 5 : i32
    %dma_wait3A_1050 = arith.constant 1 : i32
    %dma_wait3A_1051 = arith.constant 5 : i32
    %dma_wait3A_1052 = arith.constant 0 : i32
    %dma_wait3A_1053 = arith.constant 0 : i32
    %dma_wait3A_1054 = tpu.memref_slice %arg7[%dma_wait3A_1048, %dma_wait3A_1052, %dma_wait3A_1053] : memref<9x40x128xf32, #tpu.memory_space<vmem>> -> memref<1x40x128xf32, #tpu.memory_space<vmem>>
    %dma_wait3A_1055 = tpu.memref_squeeze %dma_wait3A_1054 : memref<1x40x128xf32, #tpu.memory_space<vmem>> -> memref<40x128xf32, #tpu.memory_space<vmem>>
    %dma_wait3A_1056 = arith.constant 0 : i32
    %dma_wait3A_1057 = arith.constant 0 : i32
    %dma_wait3A_1058 = tpu.memref_slice %arg6[%dma_wait3A_1049, %dma_wait3A_1056, %dma_wait3A_1057] : memref<9x2x40xi32, #tpu.memory_space<vmem>> -> memref<1x2x40xi32, #tpu.memory_space<vmem>>
    %dma_wait3A_1059 = tpu.memref_squeeze %dma_wait3A_1058 : memref<1x2x40xi32, #tpu.memory_space<vmem>> -> memref<2x40xi32, #tpu.memory_space<vmem>>
    %dma_wait3A_1060 = arith.constant 0 : i32
    %dma_wait3A_1061 = tpu.memref_slice %dma_wait3A_1059[%dma_wait3A_1050, %dma_wait3A_1060] : memref<2x40xi32, #tpu.memory_space<vmem>> -> memref<1x40xi32, #tpu.memory_space<vmem>>
    %dma_wait3A_1062 = tpu.memref_squeeze %dma_wait3A_1061 : memref<1x40xi32, #tpu.memory_space<vmem>> -> memref<40xi32, #tpu.memory_space<vmem>>
    %dma_wait3A_1063 = arith.constant 0 : i32
    %dma_wait3A_1064 = arith.constant 0 : i32
    %dma_wait3A_1065 = tpu.memref_slice %arg8[%dma_wait3A_1063, %dma_wait3A_1064] : memref<10240x128xf32, #tpu.memory_space<vmem_shared>> -> memref<10240x128xf32, #tpu.memory_space<vmem_shared>>
    %dma_wait3A_1066 = tpu.memref_slice %arg11[%dma_wait3A_1051] : memref<9x!tpu.dma_semaphore, #tpu.memory_space<semaphore_mem>> -> memref<1x!tpu.dma_semaphore, #tpu.memory_space<semaphore_mem>>
    %dma_wait3A_1067 = tpu.memref_squeeze %dma_wait3A_1066 : memref<1x!tpu.dma_semaphore, #tpu.memory_space<semaphore_mem>> -> memref<!tpu.dma_semaphore, #tpu.memory_space<semaphore_mem>>
    tpu.wait_indirect_dma semaphore(%dma_wait3A_1067 : memref<!tpu.dma_semaphore, #tpu.memory_space<semaphore_mem>>) src(%dma_wait3A_1055 : memref<40x128xf32, #tpu.memory_space<vmem>>) dst(%dma_wait3A_1065 : memref<10240x128xf32, #tpu.memory_space<vmem_shared>>)
    %dma_wait3A_1068 = arith.constant 6 : i32
    %dma_wait3A_1069 = arith.constant 6 : i32
    %dma_wait3A_1070 = arith.constant 1 : i32
    %dma_wait3A_1071 = arith.constant 6 : i32
    %dma_wait3A_1072 = arith.constant 0 : i32
    %dma_wait3A_1073 = arith.constant 0 : i32
    %dma_wait3A_1074 = tpu.memref_slice %arg7[%dma_wait3A_1068, %dma_wait3A_1072, %dma_wait3A_1073] : memref<9x40x128xf32, #tpu.memory_space<vmem>> -> memref<1x40x128xf32, #tpu.memory_space<vmem>>
    %dma_wait3A_1075 = tpu.memref_squeeze %dma_wait3A_1074 : memref<1x40x128xf32, #tpu.memory_space<vmem>> -> memref<40x128xf32, #tpu.memory_space<vmem>>
    %dma_wait3A_1076 = arith.constant 0 : i32
    %dma_wait3A_1077 = arith.constant 0 : i32
    %dma_wait3A_1078 = tpu.memref_slice %arg6[%dma_wait3A_1069, %dma_wait3A_1076, %dma_wait3A_1077] : memref<9x2x40xi32, #tpu.memory_space<vmem>> -> memref<1x2x40xi32, #tpu.memory_space<vmem>>
    %dma_wait3A_1079 = tpu.memref_squeeze %dma_wait3A_1078 : memref<1x2x40xi32, #tpu.memory_space<vmem>> -> memref<2x40xi32, #tpu.memory_space<vmem>>
    %dma_wait3A_1080 = arith.constant 0 : i32
    %dma_wait3A_1081 = tpu.memref_slice %dma_wait3A_1079[%dma_wait3A_1070, %dma_wait3A_1080] : memref<2x40xi32, #tpu.memory_space<vmem>> -> memref<1x40xi32, #tpu.memory_space<vmem>>
    %dma_wait3A_1082 = tpu.memref_squeeze %dma_wait3A_1081 : memref<1x40xi32, #tpu.memory_space<vmem>> -> memref<40xi32, #tpu.memory_space<vmem>>
    %dma_wait3A_1083 = arith.constant 0 : i32
    %dma_wait3A_1084 = arith.constant 0 : i32
    %dma_wait3A_1085 = tpu.memref_slice %arg8[%dma_wait3A_1083, %dma_wait3A_1084] : memref<10240x128xf32, #tpu.memory_space<vmem_shared>> -> memref<10240x128xf32, #tpu.memory_space<vmem_shared>>
    %dma_wait3A_1086 = tpu.memref_slice %arg11[%dma_wait3A_1071] : memref<9x!tpu.dma_semaphore, #tpu.memory_space<semaphore_mem>> -> memref<1x!tpu.dma_semaphore, #tpu.memory_space<semaphore_mem>>
    %dma_wait3A_1087 = tpu.memref_squeeze %dma_wait3A_1086 : memref<1x!tpu.dma_semaphore, #tpu.memory_space<semaphore_mem>> -> memref<!tpu.dma_semaphore, #tpu.memory_space<semaphore_mem>>
    tpu.wait_indirect_dma semaphore(%dma_wait3A_1087 : memref<!tpu.dma_semaphore, #tpu.memory_space<semaphore_mem>>) src(%dma_wait3A_1075 : memref<40x128xf32, #tpu.memory_space<vmem>>) dst(%dma_wait3A_1085 : memref<10240x128xf32, #tpu.memory_space<vmem_shared>>)
    %barrier3A_1088 = arith.constant 0 : index
    tpu.barrier barrier_id(%barrier3A_1088)
    %mul3A_1089 = arith.constant 640 : i32
    %mul3A_1090 = arith.muli %mul3A_1089, %arg1 : i32
    %mul3A_1091 = arith.constant 640 : i32
    %mul3A_1092 = arith.muli %mul3A_1091, %arg1 : i32
    "tpu.region"() ({
      %run_scoped3A = tpu.sem_alloc : memref<!tpu.dma_semaphore, #tpu.memory_space<semaphore_mem>>
      %dma_start3A_1093 = arith.constant 0 : i32
      %dma_start3A_1094 = arith.constant 0 : i32
      %dma_start3A_1095 = tpu.memref_slice %arg5[%add3A_545, %dma_start3A_1093, %dma_start3A_1094] : memref<4x10240x128xf32, #tpu.memory_space<hbm>> -> memref<1x10240x128xf32, #tpu.memory_space<hbm>>
      %dma_start3A_1096 = tpu.memref_squeeze %dma_start3A_1095 : memref<1x10240x128xf32, #tpu.memory_space<hbm>> -> memref<10240x128xf32, #tpu.memory_space<hbm>>
      %dma_start3A_1097 = arith.constant 0 : i32
      %dma_start3A_1098 = tpu.memref_slice %dma_start3A_1096[%mul3A_1092, %dma_start3A_1097] : memref<10240x128xf32, #tpu.memory_space<hbm>> -> memref<640x128xf32, #tpu.memory_space<hbm>>
      %dma_start3A_1099 = arith.constant 0 : i32
      %dma_start3A_1100 = tpu.memref_slice %arg8[%mul3A_1090, %dma_start3A_1099] : memref<10240x128xf32, #tpu.memory_space<vmem_shared>> -> memref<640x128xf32, #tpu.memory_space<vmem_shared>>
      tpu.enqueue_dma source(%dma_start3A_1100 : memref<640x128xf32, #tpu.memory_space<vmem_shared>>) target(%dma_start3A_1098 : memref<640x128xf32, #tpu.memory_space<hbm>>) target_semaphore(%run_scoped3A : memref<!tpu.dma_semaphore, #tpu.memory_space<semaphore_mem>>)
      %dma_wait3A_1101 = arith.constant 0 : i32
      %dma_wait3A_1102 = arith.constant 0 : i32
      %dma_wait3A_1103 = tpu.memref_slice %arg5[%add3A_545, %dma_wait3A_1101, %dma_wait3A_1102] : memref<4x10240x128xf32, #tpu.memory_space<hbm>> -> memref<1x10240x128xf32, #tpu.memory_space<hbm>>
      %dma_wait3A_1104 = tpu.memref_squeeze %dma_wait3A_1103 : memref<1x10240x128xf32, #tpu.memory_space<hbm>> -> memref<10240x128xf32, #tpu.memory_space<hbm>>
      %dma_wait3A_1105 = arith.constant 0 : i32
      %dma_wait3A_1106 = tpu.memref_slice %dma_wait3A_1104[%mul3A_1092, %dma_wait3A_1105] : memref<10240x128xf32, #tpu.memory_space<hbm>> -> memref<640x128xf32, #tpu.memory_space<hbm>>
      %dma_wait3A_1107 = arith.constant 0 : i32
      %dma_wait3A_1108 = tpu.memref_slice %arg8[%mul3A_1090, %dma_wait3A_1107] : memref<10240x128xf32, #tpu.memory_space<vmem_shared>> -> memref<640x128xf32, #tpu.memory_space<vmem_shared>>
      tpu.wait_dma2 semaphore(%run_scoped3A : memref<!tpu.dma_semaphore, #tpu.memory_space<semaphore_mem>>) src(%dma_wait3A_1108 : memref<640x128xf32, #tpu.memory_space<vmem_shared>>) dst(%dma_wait3A_1106 : memref<640x128xf32, #tpu.memory_space<hbm>>)
      tpu.yield
    }) : () -> ()
    return
  }
}

#map = affine_map<(d0, d1) -> (0, 0, 0)>
#map1 = affine_map<(d0, d1) -> (0)>
#map2 = affine_map<(d0, d1) -> (0, 0)>
module attributes {stable_mosaic.version = 14 : i64} {
  func.func @_deg_kernel_body(%arg0: i32, %arg1: i32, %arg2: memref<16x125x80xi32, #tpu.memory_space<hbm>>, %arg3: memref<16x125x80xi32, #tpu.memory_space<hbm>>, %arg4: memref<640xf32, #tpu.memory_space<hbm>>, %arg5: memref<2x10240xf32, #tpu.memory_space<hbm>>, %arg6: memref<125x80xi32, #tpu.memory_space<vmem>>, %arg7: memref<80xf32, #tpu.memory_space<vmem>>, %arg8: memref<10240xf32, #tpu.memory_space<vmem_shared>>) attributes {dimension_semantics = [#tpu.dimension_semantics<core_parallel>, #tpu.dimension_semantics<subcore_parallel>], iteration_bounds = array<i64: 2, 16>, scalar_prefetch = 0 : i64, scratch_operands = 3 : i64, tpu.core_type = #tpu.core_type<sc_vector_subcore>, window_params = [{transform_indices = #map}, {transform_indices = #map}, {transform_indices = #map1}, {transform_indices = #map2}]} {
    %eq3A = arith.constant 0 : i32
    %eq3A_0 = arith.cmpi eq, %arg0, %eq3A : i32
    %convert_element_type3A = arith.extui %eq3A_0 : i1 to i32
    %cond3A = arith.constant 0 : i32
    %cond3A_1 = arith.cmpi ne, %convert_element_type3A, %cond3A : i32
    scf.if %cond3A_1 {
      "tpu.region"() ({
        %run_scoped3A = tpu.sem_alloc : memref<!tpu.dma_semaphore, #tpu.memory_space<semaphore_mem>>
        %dma_start3A = arith.constant 0 : i32
        %dma_start3A_26 = arith.constant 0 : i32
        %dma_start3A_27 = tpu.memref_slice %arg2[%arg1, %dma_start3A, %dma_start3A_26] : memref<16x125x80xi32, #tpu.memory_space<hbm>> -> memref<1x125x80xi32, #tpu.memory_space<hbm>>
        %dma_start3A_28 = tpu.memref_squeeze %dma_start3A_27 : memref<1x125x80xi32, #tpu.memory_space<hbm>> -> memref<125x80xi32, #tpu.memory_space<hbm>>
        %dma_start3A_29 = arith.constant 0 : i32
        %dma_start3A_30 = arith.constant 0 : i32
        %dma_start3A_31 = tpu.memref_slice %arg2[%arg1, %dma_start3A_29, %dma_start3A_30] : memref<16x125x80xi32, #tpu.memory_space<hbm>> -> memref<1x125x80xi32, #tpu.memory_space<hbm>>
        %dma_start3A_32 = tpu.memref_squeeze %dma_start3A_31 : memref<1x125x80xi32, #tpu.memory_space<hbm>> -> memref<125x80xi32, #tpu.memory_space<hbm>>
        tpu.enqueue_dma source(%dma_start3A_32 : memref<125x80xi32, #tpu.memory_space<hbm>>) target(%arg6 : memref<125x80xi32, #tpu.memory_space<vmem>>) target_semaphore(%run_scoped3A : memref<!tpu.dma_semaphore, #tpu.memory_space<semaphore_mem>>)
        %dma_wait3A = arith.constant 0 : i32
        %dma_wait3A_33 = arith.constant 0 : i32
        %dma_wait3A_34 = tpu.memref_slice %arg2[%arg1, %dma_wait3A, %dma_wait3A_33] : memref<16x125x80xi32, #tpu.memory_space<hbm>> -> memref<1x125x80xi32, #tpu.memory_space<hbm>>
        %dma_wait3A_35 = tpu.memref_squeeze %dma_wait3A_34 : memref<1x125x80xi32, #tpu.memory_space<hbm>> -> memref<125x80xi32, #tpu.memory_space<hbm>>
        %dma_wait3A_36 = arith.constant 0 : i32
        %dma_wait3A_37 = arith.constant 0 : i32
        %dma_wait3A_38 = tpu.memref_slice %arg2[%arg1, %dma_wait3A_36, %dma_wait3A_37] : memref<16x125x80xi32, #tpu.memory_space<hbm>> -> memref<1x125x80xi32, #tpu.memory_space<hbm>>
        %dma_wait3A_39 = tpu.memref_squeeze %dma_wait3A_38 : memref<1x125x80xi32, #tpu.memory_space<hbm>> -> memref<125x80xi32, #tpu.memory_space<hbm>>
        tpu.wait_dma2 semaphore(%run_scoped3A : memref<!tpu.dma_semaphore, #tpu.memory_space<semaphore_mem>>) src(%dma_wait3A_39 : memref<125x80xi32, #tpu.memory_space<hbm>>) dst(%arg6 : memref<125x80xi32, #tpu.memory_space<vmem>>)
        tpu.yield
      }) : () -> ()
    } else {
    }
    %eq3A_2 = arith.constant 1 : i32
    %eq3A_3 = arith.cmpi eq, %arg0, %eq3A_2 : i32
    %convert_element_type3A_4 = arith.extui %eq3A_3 : i1 to i32
    %cond3A_5 = arith.constant 0 : i32
    %cond3A_6 = arith.cmpi ne, %convert_element_type3A_4, %cond3A_5 : i32
    scf.if %cond3A_6 {
      "tpu.region"() ({
        %run_scoped3A = tpu.sem_alloc : memref<!tpu.dma_semaphore, #tpu.memory_space<semaphore_mem>>
        %dma_start3A = arith.constant 0 : i32
        %dma_start3A_26 = arith.constant 0 : i32
        %dma_start3A_27 = tpu.memref_slice %arg3[%arg1, %dma_start3A, %dma_start3A_26] : memref<16x125x80xi32, #tpu.memory_space<hbm>> -> memref<1x125x80xi32, #tpu.memory_space<hbm>>
        %dma_start3A_28 = tpu.memref_squeeze %dma_start3A_27 : memref<1x125x80xi32, #tpu.memory_space<hbm>> -> memref<125x80xi32, #tpu.memory_space<hbm>>
        %dma_start3A_29 = arith.constant 0 : i32
        %dma_start3A_30 = arith.constant 0 : i32
        %dma_start3A_31 = tpu.memref_slice %arg3[%arg1, %dma_start3A_29, %dma_start3A_30] : memref<16x125x80xi32, #tpu.memory_space<hbm>> -> memref<1x125x80xi32, #tpu.memory_space<hbm>>
        %dma_start3A_32 = tpu.memref_squeeze %dma_start3A_31 : memref<1x125x80xi32, #tpu.memory_space<hbm>> -> memref<125x80xi32, #tpu.memory_space<hbm>>
        tpu.enqueue_dma source(%dma_start3A_32 : memref<125x80xi32, #tpu.memory_space<hbm>>) target(%arg6 : memref<125x80xi32, #tpu.memory_space<vmem>>) target_semaphore(%run_scoped3A : memref<!tpu.dma_semaphore, #tpu.memory_space<semaphore_mem>>)
        %dma_wait3A = arith.constant 0 : i32
        %dma_wait3A_33 = arith.constant 0 : i32
        %dma_wait3A_34 = tpu.memref_slice %arg3[%arg1, %dma_wait3A, %dma_wait3A_33] : memref<16x125x80xi32, #tpu.memory_space<hbm>> -> memref<1x125x80xi32, #tpu.memory_space<hbm>>
        %dma_wait3A_35 = tpu.memref_squeeze %dma_wait3A_34 : memref<1x125x80xi32, #tpu.memory_space<hbm>> -> memref<125x80xi32, #tpu.memory_space<hbm>>
        %dma_wait3A_36 = arith.constant 0 : i32
        %dma_wait3A_37 = arith.constant 0 : i32
        %dma_wait3A_38 = tpu.memref_slice %arg3[%arg1, %dma_wait3A_36, %dma_wait3A_37] : memref<16x125x80xi32, #tpu.memory_space<hbm>> -> memref<1x125x80xi32, #tpu.memory_space<hbm>>
        %dma_wait3A_39 = tpu.memref_squeeze %dma_wait3A_38 : memref<1x125x80xi32, #tpu.memory_space<hbm>> -> memref<125x80xi32, #tpu.memory_space<hbm>>
        tpu.wait_dma2 semaphore(%run_scoped3A : memref<!tpu.dma_semaphore, #tpu.memory_space<semaphore_mem>>) src(%dma_wait3A_39 : memref<125x80xi32, #tpu.memory_space<hbm>>) dst(%arg6 : memref<125x80xi32, #tpu.memory_space<vmem>>)
        tpu.yield
      }) : () -> ()
    } else {
    }
    %scan3A = arith.constant 0 : i32
    %scan3A_7 = arith.constant 0 : i32
    %scan3A_8 = arith.constant 5 : i32
    %scan3A_9 = arith.addi %scan3A_7, %scan3A_8 : i32
    %scan3A_10 = arith.constant 1 : i32
    %scan3A_11 = scf.for %scan3A_26 = %scan3A_7 to %scan3A_9 step %scan3A_10 iter_args(%scan3A_27 = %scan3A) -> (i32)  : i32 {
      %broadcast_in_dim3A = arith.constant 1.000000e+00 : f32
      %broadcast_in_dim3A_28 = vector.broadcast %broadcast_in_dim3A : f32 to vector<16xf32>
      %mul3A_29 = arith.constant 16 : i32
      %mul3A_30 = arith.muli %mul3A_29, %scan3A_26 : i32
      %swap3A = arith.index_cast %mul3A_30 : i32 to index
      %swap3A_31 = tpu.vector_load %arg7[%swap3A] {strides = array<i32>} : memref<80xf32, #tpu.memory_space<vmem>>, vector<16xf32>,
      %swap3A_32 = vector.shape_cast %swap3A_31 : vector<16xf32> to vector<16xf32>
      %swap3A_33 = vector.shape_cast %broadcast_in_dim3A_28 : vector<16xf32> to vector<16xf32>
      tpu.vector_store %arg7[%swap3A], %swap3A_33 {strides = array<i32>} : memref<80xf32, #tpu.memory_space<vmem>>, vector<16xf32>,
      %scan3A_34 = arith.constant 0 : i32
      scf.yield %scan3A_34 : i32
    }
    %scan3A_12 = arith.constant 5 : i32
    %mul3A = arith.constant 640 : i32
    %mul3A_13 = arith.muli %mul3A, %arg1 : i32
    "tpu.region"() ({
      %run_scoped3A = tpu.sem_alloc : memref<!tpu.dma_semaphore, #tpu.memory_space<semaphore_mem>>
      %dma_start3A = tpu.memref_slice %arg8[%mul3A_13] : memref<10240xf32, #tpu.memory_space<vmem_shared>> -> memref<640xf32, #tpu.memory_space<vmem_shared>>
      tpu.enqueue_dma source(%arg4 : memref<640xf32, #tpu.memory_space<hbm>>) target(%dma_start3A : memref<640xf32, #tpu.memory_space<vmem_shared>>) target_semaphore(%run_scoped3A : memref<!tpu.dma_semaphore, #tpu.memory_space<semaphore_mem>>)
      %dma_wait3A = tpu.memref_slice %arg8[%mul3A_13] : memref<10240xf32, #tpu.memory_space<vmem_shared>> -> memref<640xf32, #tpu.memory_space<vmem_shared>>
      tpu.wait_dma2 semaphore(%run_scoped3A : memref<!tpu.dma_semaphore, #tpu.memory_space<semaphore_mem>>) src(%arg4 : memref<640xf32, #tpu.memory_space<hbm>>) dst(%dma_wait3A : memref<640xf32, #tpu.memory_space<vmem_shared>>)
      tpu.yield
    }) : () -> ()
    %barrier3A = arith.constant 0 : index
    tpu.barrier barrier_id(%barrier3A)
    %scan3A_14 = arith.constant 0 : i32
    %scan3A_15 = arith.constant 0 : i32
    %scan3A_16 = arith.constant 125 : i32
    %scan3A_17 = arith.addi %scan3A_15, %scan3A_16 : i32
    %scan3A_18 = arith.constant 1 : i32
    %scan3A_19 = scf.for %scan3A_26 = %scan3A_15 to %scan3A_17 step %scan3A_18 iter_args(%scan3A_27 = %scan3A_14) -> (i32)  : i32 {
      "tpu.region"() ({
        %run_scoped3A = tpu.sem_alloc : memref<!tpu.dma_semaphore, #tpu.memory_space<semaphore_mem>>
        %dma_start3A = arith.constant 0 : i32
        %dma_start3A_29 = tpu.memref_slice %arg6[%scan3A_26, %dma_start3A] : memref<125x80xi32, #tpu.memory_space<vmem>> -> memref<1x80xi32, #tpu.memory_space<vmem>>
        %dma_start3A_30 = tpu.memref_squeeze %dma_start3A_29 : memref<1x80xi32, #tpu.memory_space<vmem>> -> memref<80xi32, #tpu.memory_space<vmem>>
        %dma_start3A_31 = arith.constant 0 : i32
        %dma_start3A_32 = tpu.memref_slice %arg8[%dma_start3A_31] : memref<10240xf32, #tpu.memory_space<vmem_shared>> -> memref<10240xf32, #tpu.memory_space<vmem_shared>>
        tpu.enqueue_indirect_dma source(%arg7 : memref<80xf32, #tpu.memory_space<vmem>>) target(%dma_start3A_32 : memref<10240xf32, #tpu.memory_space<vmem_shared>>) offsets(%dma_start3A_30 : memref<80xi32, #tpu.memory_space<vmem>>) semaphore(%run_scoped3A : memref<!tpu.dma_semaphore, #tpu.memory_space<semaphore_mem>>) {add = true}
        %dma_wait3A = arith.constant 0 : i32
        %dma_wait3A_33 = tpu.memref_slice %arg6[%scan3A_26, %dma_wait3A] : memref<125x80xi32, #tpu.memory_space<vmem>> -> memref<1x80xi32, #tpu.memory_space<vmem>>
        %dma_wait3A_34 = tpu.memref_squeeze %dma_wait3A_33 : memref<1x80xi32, #tpu.memory_space<vmem>> -> memref<80xi32, #tpu.memory_space<vmem>>
        %dma_wait3A_35 = arith.constant 0 : i32
        %dma_wait3A_36 = tpu.memref_slice %arg8[%dma_wait3A_35] : memref<10240xf32, #tpu.memory_space<vmem_shared>> -> memref<10240xf32, #tpu.memory_space<vmem_shared>>
        tpu.wait_indirect_dma semaphore(%run_scoped3A : memref<!tpu.dma_semaphore, #tpu.memory_space<semaphore_mem>>) src(%arg7 : memref<80xf32, #tpu.memory_space<vmem>>) dst(%dma_wait3A_36 : memref<10240xf32, #tpu.memory_space<vmem_shared>>)
        tpu.yield
      }) : () -> ()
      %scan3A_28 = arith.constant 0 : i32
      scf.yield %scan3A_28 : i32
    }
    %scan3A_20 = arith.constant 125 : i32
    %barrier3A_21 = arith.constant 0 : index
    tpu.barrier barrier_id(%barrier3A_21)
    %mul3A_22 = arith.constant 640 : i32
    %mul3A_23 = arith.muli %mul3A_22, %arg1 : i32
    %mul3A_24 = arith.constant 640 : i32
    %mul3A_25 = arith.muli %mul3A_24, %arg1 : i32
    "tpu.region"() ({
      %run_scoped3A = tpu.sem_alloc : memref<!tpu.dma_semaphore, #tpu.memory_space<semaphore_mem>>
      %dma_start3A = arith.constant 0 : i32
      %dma_start3A_26 = tpu.memref_slice %arg5[%arg0, %dma_start3A] : memref<2x10240xf32, #tpu.memory_space<hbm>> -> memref<1x10240xf32, #tpu.memory_space<hbm>>
      %dma_start3A_27 = tpu.memref_squeeze %dma_start3A_26 : memref<1x10240xf32, #tpu.memory_space<hbm>> -> memref<10240xf32, #tpu.memory_space<hbm>>
      %dma_start3A_28 = tpu.memref_slice %dma_start3A_27[%mul3A_25] : memref<10240xf32, #tpu.memory_space<hbm>> -> memref<640xf32, #tpu.memory_space<hbm>>
      %dma_start3A_29 = tpu.memref_slice %arg8[%mul3A_23] : memref<10240xf32, #tpu.memory_space<vmem_shared>> -> memref<640xf32, #tpu.memory_space<vmem_shared>>
      tpu.enqueue_dma source(%dma_start3A_29 : memref<640xf32, #tpu.memory_space<vmem_shared>>) target(%dma_start3A_28 : memref<640xf32, #tpu.memory_space<hbm>>) target_semaphore(%run_scoped3A : memref<!tpu.dma_semaphore, #tpu.memory_space<semaphore_mem>>)
      %dma_wait3A = arith.constant 0 : i32
      %dma_wait3A_30 = tpu.memref_slice %arg5[%arg0, %dma_wait3A] : memref<2x10240xf32, #tpu.memory_space<hbm>> -> memref<1x10240xf32, #tpu.memory_space<hbm>>
      %dma_wait3A_31 = tpu.memref_squeeze %dma_wait3A_30 : memref<1x10240xf32, #tpu.memory_space<hbm>> -> memref<10240xf32, #tpu.memory_space<hbm>>
      %dma_wait3A_32 = tpu.memref_slice %dma_wait3A_31[%mul3A_25] : memref<10240xf32, #tpu.memory_space<hbm>> -> memref<640xf32, #tpu.memory_space<hbm>>
      %dma_wait3A_33 = tpu.memref_slice %arg8[%mul3A_23] : memref<10240xf32, #tpu.memory_space<vmem_shared>> -> memref<640xf32, #tpu.memory_space<vmem_shared>>
      tpu.wait_dma2 semaphore(%run_scoped3A : memref<!tpu.dma_semaphore, #tpu.memory_space<semaphore_mem>>) src(%dma_wait3A_33 : memref<640xf32, #tpu.memory_space<vmem_shared>>) dst(%dma_wait3A_32 : memref<640xf32, #tpu.memory_space<hbm>>)
      tpu.yield
    }) : () -> ()
    return
  }
}

#map = affine_map<(d0, d1) -> (0, 0, 0)>
#map1 = affine_map<(d0, d1) -> (0, 0, 0, 0)>
#map2 = affine_map<(d0, d1) -> (0, 0)>
module attributes {stable_mosaic.version = 14 : i64} {
  func.func @body(%arg0: i32, %arg1: i32, %arg2: memref<2x10240x128xf32, #tpu.memory_space<hbm>>, %arg3: memref<16x250x2x40xi32, #tpu.memory_space<hbm>>, %arg4: memref<640x128xf32, #tpu.memory_space<hbm>>, %arg5: memref<2x10240x128xf32, #tpu.memory_space<hbm>>, %arg6: memref<9x2x40xi32, #tpu.memory_space<vmem>>, %arg7: memref<9x40x128xf32, #tpu.memory_space<vmem>>, %arg8: memref<10240x128xf32, #tpu.memory_space<vmem_shared>>, %arg9: memref<9x!tpu.dma_semaphore, #tpu.memory_space<semaphore_mem>>, %arg10: memref<9x!tpu.dma_semaphore, #tpu.memory_space<semaphore_mem>>, %arg11: memref<9x!tpu.dma_semaphore, #tpu.memory_space<semaphore_mem>>) attributes {dimension_semantics = [#tpu.dimension_semantics<core_parallel>, #tpu.dimension_semantics<subcore_parallel>], iteration_bounds = array<i64: 2, 16>, scalar_prefetch = 0 : i64, scratch_operands = 6 : i64, tpu.core_type = #tpu.core_type<sc_vector_subcore>, window_params = [{transform_indices = #map}, {transform_indices = #map1}, {transform_indices = #map2}, {transform_indices = #map}]} {
    %add3A = arith.constant 0 : i32
    %add3A_0 = arith.addi %add3A, %arg0 : i32
    %dma_start3A = arith.constant 0 : i32
    %dma_start3A_1 = arith.constant 0 : i32
    %dma_start3A_2 = arith.constant 0 : i32
    %dma_start3A_3 = arith.constant 0 : i32
    %dma_start3A_4 = arith.constant 0 : i32
    %dma_start3A_5 = tpu.memref_slice %arg6[%dma_start3A_1, %dma_start3A_3, %dma_start3A_4] : memref<9x2x40xi32, #tpu.memory_space<vmem>> -> memref<1x2x40xi32, #tpu.memory_space<vmem>>
    %dma_start3A_6 = tpu.memref_squeeze %dma_start3A_5 : memref<1x2x40xi32, #tpu.memory_space<vmem>> -> memref<2x40xi32, #tpu.memory_space<vmem>>
    %dma_start3A_7 = arith.constant 0 : i32
    %dma_start3A_8 = arith.constant 0 : i32
    %dma_start3A_9 = arith.constant 0 : i32
    %dma_start3A_10 = tpu.memref_slice %arg3[%arg1, %dma_start3A_7, %dma_start3A_8, %dma_start3A_9] : memref<16x250x2x40xi32, #tpu.memory_space<hbm>> -> memref<1x250x2x40xi32, #tpu.memory_space<hbm>>
    %dma_start3A_11 = tpu.memref_squeeze %dma_start3A_10 : memref<1x250x2x40xi32, #tpu.memory_space<hbm>> -> memref<250x2x40xi32, #tpu.memory_space<hbm>>
    %dma_start3A_12 = arith.constant 0 : i32
    %dma_start3A_13 = arith.constant 0 : i32
    %dma_start3A_14 = tpu.memref_slice %dma_start3A_11[%dma_start3A, %dma_start3A_12, %dma_start3A_13] : memref<250x2x40xi32, #tpu.memory_space<hbm>> -> memref<1x2x40xi32, #tpu.memory_space<hbm>>
    %dma_start3A_15 = tpu.memref_squeeze %dma_start3A_14 : memref<1x2x40xi32, #tpu.memory_space<hbm>> -> memref<2x40xi32, #tpu.memory_space<hbm>>
    %dma_start3A_16 = tpu.memref_slice %arg9[%dma_start3A_2] : memref<9x!tpu.dma_semaphore, #tpu.memory_space<semaphore_mem>> -> memref<1x!tpu.dma_semaphore, #tpu.memory_space<semaphore_mem>>
    %dma_start3A_17 = tpu.memref_squeeze %dma_start3A_16 : memref<1x!tpu.dma_semaphore, #tpu.memory_space<semaphore_mem>> -> memref<!tpu.dma_semaphore, #tpu.memory_space<semaphore_mem>>
    %dma_start3A_18 = arith.constant 0 : i32
    %dma_start3A_19 = arith.constant 0 : i32
    %dma_start3A_20 = tpu.memref_slice %arg6[%dma_start3A_1, %dma_start3A_18, %dma_start3A_19] : memref<9x2x40xi32, #tpu.memory_space<vmem>> -> memref<1x2x40xi32, #tpu.memory_space<vmem>>
    %dma_start3A_21 = tpu.memref_squeeze %dma_start3A_20 : memref<1x2x40xi32, #tpu.memory_space<vmem>> -> memref<2x40xi32, #tpu.memory_space<vmem>>
    %dma_start3A_22 = arith.constant 0 : i32
    %dma_start3A_23 = arith.constant 0 : i32
    %dma_start3A_24 = arith.constant 0 : i32
    %dma_start3A_25 = tpu.memref_slice %arg3[%arg1, %dma_start3A_22, %dma_start3A_23, %dma_start3A_24] : memref<16x250x2x40xi32, #tpu.memory_space<hbm>> -> memref<1x250x2x40xi32, #tpu.memory_space<hbm>>
    %dma_start3A_26 = tpu.memref_squeeze %dma_start3A_25 : memref<1x250x2x40xi32, #tpu.memory_space<hbm>> -> memref<250x2x40xi32, #tpu.memory_space<hbm>>
    %dma_start3A_27 = arith.constant 0 : i32
    %dma_start3A_28 = arith.constant 0 : i32
    %dma_start3A_29 = tpu.memref_slice %dma_start3A_26[%dma_start3A, %dma_start3A_27, %dma_start3A_28] : memref<250x2x40xi32, #tpu.memory_space<hbm>> -> memref<1x2x40xi32, #tpu.memory_space<hbm>>
    %dma_start3A_30 = tpu.memref_squeeze %dma_start3A_29 : memref<1x2x40xi32, #tpu.memory_space<hbm>> -> memref<2x40xi32, #tpu.memory_space<hbm>>
    tpu.enqueue_dma source(%dma_start3A_30 : memref<2x40xi32, #tpu.memory_space<hbm>>) target(%dma_start3A_21 : memref<2x40xi32, #tpu.memory_space<vmem>>) target_semaphore(%dma_start3A_17 : memref<!tpu.dma_semaphore, #tpu.memory_space<semaphore_mem>>)
    %dma_start3A_31 = arith.constant 1 : i32
    %dma_start3A_32 = arith.constant 1 : i32
    %dma_start3A_33 = arith.constant 1 : i32
    %dma_start3A_34 = arith.constant 0 : i32
    %dma_start3A_35 = arith.constant 0 : i32
    %dma_start3A_36 = tpu.memref_slice %arg6[%dma_start3A_32, %dma_start3A_34, %dma_start3A_35] : memref<9x2x40xi32, #tpu.memory_space<vmem>> -> memref<1x2x40xi32, #tpu.memory_space<vmem>>
    %dma_start3A_37 = tpu.memref_squeeze %dma_start3A_36 : memref<1x2x40xi32, #tpu.memory_space<vmem>> -> memref<2x40xi32, #tpu.memory_space<vmem>>
    %dma_start3A_38 = arith.constant 0 : i32
    %dma_start3A_39 = arith.constant 0 : i32
    %dma_start3A_40 = arith.constant 0 : i32
    %dma_start3A_41 = tpu.memref_slice %arg3[%arg1, %dma_start3A_38, %dma_start3A_39, %dma_start3A_40] : memref<16x250x2x40xi32, #tpu.memory_space<hbm>> -> memref<1x250x2x40xi32, #tpu.memory_space<hbm>>
    %dma_start3A_42 = tpu.memref_squeeze %dma_start3A_41 : memref<1x250x2x40xi32, #tpu.memory_space<hbm>> -> memref<250x2x40xi32, #tpu.memory_space<hbm>>
    %dma_start3A_43 = arith.constant 0 : i32
    %dma_start3A_44 = arith.constant 0 : i32
    %dma_start3A_45 = tpu.memref_slice %dma_start3A_42[%dma_start3A_31, %dma_start3A_43, %dma_start3A_44] : memref<250x2x40xi32, #tpu.memory_space<hbm>> -> memref<1x2x40xi32, #tpu.memory_space<hbm>>
    %dma_start3A_46 = tpu.memref_squeeze %dma_start3A_45 : memref<1x2x40xi32, #tpu.memory_space<hbm>> -> memref<2x40xi32, #tpu.memory_space<hbm>>
    %dma_start3A_47 = tpu.memref_slice %arg9[%dma_start3A_33] : memref<9x!tpu.dma_semaphore, #tpu.memory_space<semaphore_mem>> -> memref<1x!tpu.dma_semaphore, #tpu.memory_space<semaphore_mem>>
    %dma_start3A_48 = tpu.memref_squeeze %dma_start3A_47 : memref<1x!tpu.dma_semaphore, #tpu.memory_space<semaphore_mem>> -> memref<!tpu.dma_semaphore, #tpu.memory_space<semaphore_mem>>
    %dma_start3A_49 = arith.constant 0 : i32
    %dma_start3A_50 = arith.constant 0 : i32
    %dma_start3A_51 = tpu.memref_slice %arg6[%dma_start3A_32, %dma_start3A_49, %dma_start3A_50] : memref<9x2x40xi32, #tpu.memory_space<vmem>> -> memref<1x2x40xi32, #tpu.memory_space<vmem>>
    %dma_start3A_52 = tpu.memref_squeeze %dma_start3A_51 : memref<1x2x40xi32, #tpu.memory_space<vmem>> -> memref<2x40xi32, #tpu.memory_space<vmem>>
    %dma_start3A_53 = arith.constant 0 : i32
    %dma_start3A_54 = arith.constant 0 : i32
    %dma_start3A_55 = arith.constant 0 : i32
    %dma_start3A_56 = tpu.memref_slice %arg3[%arg1, %dma_start3A_53, %dma_start3A_54, %dma_start3A_55] : memref<16x250x2x40xi32, #tpu.memory_space<hbm>> -> memref<1x250x2x40xi32, #tpu.memory_space<hbm>>
    %dma_start3A_57 = tpu.memref_squeeze %dma_start3A_56 : memref<1x250x2x40xi32, #tpu.memory_space<hbm>> -> memref<250x2x40xi32, #tpu.memory_space<hbm>>
    %dma_start3A_58 = arith.constant 0 : i32
    %dma_start3A_59 = arith.constant 0 : i32
    %dma_start3A_60 = tpu.memref_slice %dma_start3A_57[%dma_start3A_31, %dma_start3A_58, %dma_start3A_59] : memref<250x2x40xi32, #tpu.memory_space<hbm>> -> memref<1x2x40xi32, #tpu.memory_space<hbm>>
    %dma_start3A_61 = tpu.memref_squeeze %dma_start3A_60 : memref<1x2x40xi32, #tpu.memory_space<hbm>> -> memref<2x40xi32, #tpu.memory_space<hbm>>
    tpu.enqueue_dma source(%dma_start3A_61 : memref<2x40xi32, #tpu.memory_space<hbm>>) target(%dma_start3A_52 : memref<2x40xi32, #tpu.memory_space<vmem>>) target_semaphore(%dma_start3A_48 : memref<!tpu.dma_semaphore, #tpu.memory_space<semaphore_mem>>)
    %dma_start3A_62 = arith.constant 2 : i32
    %dma_start3A_63 = arith.constant 2 : i32
    %dma_start3A_64 = arith.constant 2 : i32
    %dma_start3A_65 = arith.constant 0 : i32
    %dma_start3A_66 = arith.constant 0 : i32
    %dma_start3A_67 = tpu.memref_slice %arg6[%dma_start3A_63, %dma_start3A_65, %dma_start3A_66] : memref<9x2x40xi32, #tpu.memory_space<vmem>> -> memref<1x2x40xi32, #tpu.memory_space<vmem>>
    %dma_start3A_68 = tpu.memref_squeeze %dma_start3A_67 : memref<1x2x40xi32, #tpu.memory_space<vmem>> -> memref<2x40xi32, #tpu.memory_space<vmem>>
    %dma_start3A_69 = arith.constant 0 : i32
    %dma_start3A_70 = arith.constant 0 : i32
    %dma_start3A_71 = arith.constant 0 : i32
    %dma_start3A_72 = tpu.memref_slice %arg3[%arg1, %dma_start3A_69, %dma_start3A_70, %dma_start3A_71] : memref<16x250x2x40xi32, #tpu.memory_space<hbm>> -> memref<1x250x2x40xi32, #tpu.memory_space<hbm>>
    %dma_start3A_73 = tpu.memref_squeeze %dma_start3A_72 : memref<1x250x2x40xi32, #tpu.memory_space<hbm>> -> memref<250x2x40xi32, #tpu.memory_space<hbm>>
    %dma_start3A_74 = arith.constant 0 : i32
    %dma_start3A_75 = arith.constant 0 : i32
    %dma_start3A_76 = tpu.memref_slice %dma_start3A_73[%dma_start3A_62, %dma_start3A_74, %dma_start3A_75] : memref<250x2x40xi32, #tpu.memory_space<hbm>> -> memref<1x2x40xi32, #tpu.memory_space<hbm>>
    %dma_start3A_77 = tpu.memref_squeeze %dma_start3A_76 : memref<1x2x40xi32, #tpu.memory_space<hbm>> -> memref<2x40xi32, #tpu.memory_space<hbm>>
    %dma_start3A_78 = tpu.memref_slice %arg9[%dma_start3A_64] : memref<9x!tpu.dma_semaphore, #tpu.memory_space<semaphore_mem>> -> memref<1x!tpu.dma_semaphore, #tpu.memory_space<semaphore_mem>>
    %dma_start3A_79 = tpu.memref_squeeze %dma_start3A_78 : memref<1x!tpu.dma_semaphore, #tpu.memory_space<semaphore_mem>> -> memref<!tpu.dma_semaphore, #tpu.memory_space<semaphore_mem>>
    %dma_start3A_80 = arith.constant 0 : i32
    %dma_start3A_81 = arith.constant 0 : i32
    %dma_start3A_82 = tpu.memref_slice %arg6[%dma_start3A_63, %dma_start3A_80, %dma_start3A_81] : memref<9x2x40xi32, #tpu.memory_space<vmem>> -> memref<1x2x40xi32, #tpu.memory_space<vmem>>
    %dma_start3A_83 = tpu.memref_squeeze %dma_start3A_82 : memref<1x2x40xi32, #tpu.memory_space<vmem>> -> memref<2x40xi32, #tpu.memory_space<vmem>>
    %dma_start3A_84 = arith.constant 0 : i32
    %dma_start3A_85 = arith.constant 0 : i32
    %dma_start3A_86 = arith.constant 0 : i32
    %dma_start3A_87 = tpu.memref_slice %arg3[%arg1, %dma_start3A_84, %dma_start3A_85, %dma_start3A_86] : memref<16x250x2x40xi32, #tpu.memory_space<hbm>> -> memref<1x250x2x40xi32, #tpu.memory_space<hbm>>
    %dma_start3A_88 = tpu.memref_squeeze %dma_start3A_87 : memref<1x250x2x40xi32, #tpu.memory_space<hbm>> -> memref<250x2x40xi32, #tpu.memory_space<hbm>>
    %dma_start3A_89 = arith.constant 0 : i32
    %dma_start3A_90 = arith.constant 0 : i32
    %dma_start3A_91 = tpu.memref_slice %dma_start3A_88[%dma_start3A_62, %dma_start3A_89, %dma_start3A_90] : memref<250x2x40xi32, #tpu.memory_space<hbm>> -> memref<1x2x40xi32, #tpu.memory_space<hbm>>
    %dma_start3A_92 = tpu.memref_squeeze %dma_start3A_91 : memref<1x2x40xi32, #tpu.memory_space<hbm>> -> memref<2x40xi32, #tpu.memory_space<hbm>>
    tpu.enqueue_dma source(%dma_start3A_92 : memref<2x40xi32, #tpu.memory_space<hbm>>) target(%dma_start3A_83 : memref<2x40xi32, #tpu.memory_space<vmem>>) target_semaphore(%dma_start3A_79 : memref<!tpu.dma_semaphore, #tpu.memory_space<semaphore_mem>>)
    %dma_start3A_93 = arith.constant 3 : i32
    %dma_start3A_94 = arith.constant 3 : i32
    %dma_start3A_95 = arith.constant 3 : i32
    %dma_start3A_96 = arith.constant 0 : i32
    %dma_start3A_97 = arith.constant 0 : i32
    %dma_start3A_98 = tpu.memref_slice %arg6[%dma_start3A_94, %dma_start3A_96, %dma_start3A_97] : memref<9x2x40xi32, #tpu.memory_space<vmem>> -> memref<1x2x40xi32, #tpu.memory_space<vmem>>
    %dma_start3A_99 = tpu.memref_squeeze %dma_start3A_98 : memref<1x2x40xi32, #tpu.memory_space<vmem>> -> memref<2x40xi32, #tpu.memory_space<vmem>>
    %dma_start3A_100 = arith.constant 0 : i32
    %dma_start3A_101 = arith.constant 0 : i32
    %dma_start3A_102 = arith.constant 0 : i32
    %dma_start3A_103 = tpu.memref_slice %arg3[%arg1, %dma_start3A_100, %dma_start3A_101, %dma_start3A_102] : memref<16x250x2x40xi32, #tpu.memory_space<hbm>> -> memref<1x250x2x40xi32, #tpu.memory_space<hbm>>
    %dma_start3A_104 = tpu.memref_squeeze %dma_start3A_103 : memref<1x250x2x40xi32, #tpu.memory_space<hbm>> -> memref<250x2x40xi32, #tpu.memory_space<hbm>>
    %dma_start3A_105 = arith.constant 0 : i32
    %dma_start3A_106 = arith.constant 0 : i32
    %dma_start3A_107 = tpu.memref_slice %dma_start3A_104[%dma_start3A_93, %dma_start3A_105, %dma_start3A_106] : memref<250x2x40xi32, #tpu.memory_space<hbm>> -> memref<1x2x40xi32, #tpu.memory_space<hbm>>
    %dma_start3A_108 = tpu.memref_squeeze %dma_start3A_107 : memref<1x2x40xi32, #tpu.memory_space<hbm>> -> memref<2x40xi32, #tpu.memory_space<hbm>>
    %dma_start3A_109 = tpu.memref_slice %arg9[%dma_start3A_95] : memref<9x!tpu.dma_semaphore, #tpu.memory_space<semaphore_mem>> -> memref<1x!tpu.dma_semaphore, #tpu.memory_space<semaphore_mem>>
    %dma_start3A_110 = tpu.memref_squeeze %dma_start3A_109 : memref<1x!tpu.dma_semaphore, #tpu.memory_space<semaphore_mem>> -> memref<!tpu.dma_semaphore, #tpu.memory_space<semaphore_mem>>
    %dma_start3A_111 = arith.constant 0 : i32
    %dma_start3A_112 = arith.constant 0 : i32
    %dma_start3A_113 = tpu.memref_slice %arg6[%dma_start3A_94, %dma_start3A_111, %dma_start3A_112] : memref<9x2x40xi32, #tpu.memory_space<vmem>> -> memref<1x2x40xi32, #tpu.memory_space<vmem>>
    %dma_start3A_114 = tpu.memref_squeeze %dma_start3A_113 : memref<1x2x40xi32, #tpu.memory_space<vmem>> -> memref<2x40xi32, #tpu.memory_space<vmem>>
    %dma_start3A_115 = arith.constant 0 : i32
    %dma_start3A_116 = arith.constant 0 : i32
    %dma_start3A_117 = arith.constant 0 : i32
    %dma_start3A_118 = tpu.memref_slice %arg3[%arg1, %dma_start3A_115, %dma_start3A_116, %dma_start3A_117] : memref<16x250x2x40xi32, #tpu.memory_space<hbm>> -> memref<1x250x2x40xi32, #tpu.memory_space<hbm>>
    %dma_start3A_119 = tpu.memref_squeeze %dma_start3A_118 : memref<1x250x2x40xi32, #tpu.memory_space<hbm>> -> memref<250x2x40xi32, #tpu.memory_space<hbm>>
    %dma_start3A_120 = arith.constant 0 : i32
    %dma_start3A_121 = arith.constant 0 : i32
    %dma_start3A_122 = tpu.memref_slice %dma_start3A_119[%dma_start3A_93, %dma_start3A_120, %dma_start3A_121] : memref<250x2x40xi32, #tpu.memory_space<hbm>> -> memref<1x2x40xi32, #tpu.memory_space<hbm>>
    %dma_start3A_123 = tpu.memref_squeeze %dma_start3A_122 : memref<1x2x40xi32, #tpu.memory_space<hbm>> -> memref<2x40xi32, #tpu.memory_space<hbm>>
    tpu.enqueue_dma source(%dma_start3A_123 : memref<2x40xi32, #tpu.memory_space<hbm>>) target(%dma_start3A_114 : memref<2x40xi32, #tpu.memory_space<vmem>>) target_semaphore(%dma_start3A_110 : memref<!tpu.dma_semaphore, #tpu.memory_space<semaphore_mem>>)
    %dma_start3A_124 = arith.constant 4 : i32
    %dma_start3A_125 = arith.constant 4 : i32
    %dma_start3A_126 = arith.constant 4 : i32
    %dma_start3A_127 = arith.constant 0 : i32
    %dma_start3A_128 = arith.constant 0 : i32
    %dma_start3A_129 = tpu.memref_slice %arg6[%dma_start3A_125, %dma_start3A_127, %dma_start3A_128] : memref<9x2x40xi32, #tpu.memory_space<vmem>> -> memref<1x2x40xi32, #tpu.memory_space<vmem>>
    %dma_start3A_130 = tpu.memref_squeeze %dma_start3A_129 : memref<1x2x40xi32, #tpu.memory_space<vmem>> -> memref<2x40xi32, #tpu.memory_space<vmem>>
    %dma_start3A_131 = arith.constant 0 : i32
    %dma_start3A_132 = arith.constant 0 : i32
    %dma_start3A_133 = arith.constant 0 : i32
    %dma_start3A_134 = tpu.memref_slice %arg3[%arg1, %dma_start3A_131, %dma_start3A_132, %dma_start3A_133] : memref<16x250x2x40xi32, #tpu.memory_space<hbm>> -> memref<1x250x2x40xi32, #tpu.memory_space<hbm>>
    %dma_start3A_135 = tpu.memref_squeeze %dma_start3A_134 : memref<1x250x2x40xi32, #tpu.memory_space<hbm>> -> memref<250x2x40xi32, #tpu.memory_space<hbm>>
    %dma_start3A_136 = arith.constant 0 : i32
    %dma_start3A_137 = arith.constant 0 : i32
    %dma_start3A_138 = tpu.memref_slice %dma_start3A_135[%dma_start3A_124, %dma_start3A_136, %dma_start3A_137] : memref<250x2x40xi32, #tpu.memory_space<hbm>> -> memref<1x2x40xi32, #tpu.memory_space<hbm>>
    %dma_start3A_139 = tpu.memref_squeeze %dma_start3A_138 : memref<1x2x40xi32, #tpu.memory_space<hbm>> -> memref<2x40xi32, #tpu.memory_space<hbm>>
    %dma_start3A_140 = tpu.memref_slice %arg9[%dma_start3A_126] : memref<9x!tpu.dma_semaphore, #tpu.memory_space<semaphore_mem>> -> memref<1x!tpu.dma_semaphore, #tpu.memory_space<semaphore_mem>>
    %dma_start3A_141 = tpu.memref_squeeze %dma_start3A_140 : memref<1x!tpu.dma_semaphore, #tpu.memory_space<semaphore_mem>> -> memref<!tpu.dma_semaphore, #tpu.memory_space<semaphore_mem>>
    %dma_start3A_142 = arith.constant 0 : i32
    %dma_start3A_143 = arith.constant 0 : i32
    %dma_start3A_144 = tpu.memref_slice %arg6[%dma_start3A_125, %dma_start3A_142, %dma_start3A_143] : memref<9x2x40xi32, #tpu.memory_space<vmem>> -> memref<1x2x40xi32, #tpu.memory_space<vmem>>
    %dma_start3A_145 = tpu.memref_squeeze %dma_start3A_144 : memref<1x2x40xi32, #tpu.memory_space<vmem>> -> memref<2x40xi32, #tpu.memory_space<vmem>>
    %dma_start3A_146 = arith.constant 0 : i32
    %dma_start3A_147 = arith.constant 0 : i32
    %dma_start3A_148 = arith.constant 0 : i32
    %dma_start3A_149 = tpu.memref_slice %arg3[%arg1, %dma_start3A_146, %dma_start3A_147, %dma_start3A_148] : memref<16x250x2x40xi32, #tpu.memory_space<hbm>> -> memref<1x250x2x40xi32, #tpu.memory_space<hbm>>
    %dma_start3A_150 = tpu.memref_squeeze %dma_start3A_149 : memref<1x250x2x40xi32, #tpu.memory_space<hbm>> -> memref<250x2x40xi32, #tpu.memory_space<hbm>>
    %dma_start3A_151 = arith.constant 0 : i32
    %dma_start3A_152 = arith.constant 0 : i32
    %dma_start3A_153 = tpu.memref_slice %dma_start3A_150[%dma_start3A_124, %dma_start3A_151, %dma_start3A_152] : memref<250x2x40xi32, #tpu.memory_space<hbm>> -> memref<1x2x40xi32, #tpu.memory_space<hbm>>
    %dma_start3A_154 = tpu.memref_squeeze %dma_start3A_153 : memref<1x2x40xi32, #tpu.memory_space<hbm>> -> memref<2x40xi32, #tpu.memory_space<hbm>>
    tpu.enqueue_dma source(%dma_start3A_154 : memref<2x40xi32, #tpu.memory_space<hbm>>) target(%dma_start3A_145 : memref<2x40xi32, #tpu.memory_space<vmem>>) target_semaphore(%dma_start3A_141 : memref<!tpu.dma_semaphore, #tpu.memory_space<semaphore_mem>>)
    %dma_start3A_155 = arith.constant 5 : i32
    %dma_start3A_156 = arith.constant 5 : i32
    %dma_start3A_157 = arith.constant 5 : i32
    %dma_start3A_158 = arith.constant 0 : i32
    %dma_start3A_159 = arith.constant 0 : i32
    %dma_start3A_160 = tpu.memref_slice %arg6[%dma_start3A_156, %dma_start3A_158, %dma_start3A_159] : memref<9x2x40xi32, #tpu.memory_space<vmem>> -> memref<1x2x40xi32, #tpu.memory_space<vmem>>
    %dma_start3A_161 = tpu.memref_squeeze %dma_start3A_160 : memref<1x2x40xi32, #tpu.memory_space<vmem>> -> memref<2x40xi32, #tpu.memory_space<vmem>>
    %dma_start3A_162 = arith.constant 0 : i32
    %dma_start3A_163 = arith.constant 0 : i32
    %dma_start3A_164 = arith.constant 0 : i32
    %dma_start3A_165 = tpu.memref_slice %arg3[%arg1, %dma_start3A_162, %dma_start3A_163, %dma_start3A_164] : memref<16x250x2x40xi32, #tpu.memory_space<hbm>> -> memref<1x250x2x40xi32, #tpu.memory_space<hbm>>
    %dma_start3A_166 = tpu.memref_squeeze %dma_start3A_165 : memref<1x250x2x40xi32, #tpu.memory_space<hbm>> -> memref<250x2x40xi32, #tpu.memory_space<hbm>>
    %dma_start3A_167 = arith.constant 0 : i32
    %dma_start3A_168 = arith.constant 0 : i32
    %dma_start3A_169 = tpu.memref_slice %dma_start3A_166[%dma_start3A_155, %dma_start3A_167, %dma_start3A_168] : memref<250x2x40xi32, #tpu.memory_space<hbm>> -> memref<1x2x40xi32, #tpu.memory_space<hbm>>
    %dma_start3A_170 = tpu.memref_squeeze %dma_start3A_169 : memref<1x2x40xi32, #tpu.memory_space<hbm>> -> memref<2x40xi32, #tpu.memory_space<hbm>>
    %dma_start3A_171 = tpu.memref_slice %arg9[%dma_start3A_157] : memref<9x!tpu.dma_semaphore, #tpu.memory_space<semaphore_mem>> -> memref<1x!tpu.dma_semaphore, #tpu.memory_space<semaphore_mem>>
    %dma_start3A_172 = tpu.memref_squeeze %dma_start3A_171 : memref<1x!tpu.dma_semaphore, #tpu.memory_space<semaphore_mem>> -> memref<!tpu.dma_semaphore, #tpu.memory_space<semaphore_mem>>
    %dma_start3A_173 = arith.constant 0 : i32
    %dma_start3A_174 = arith.constant 0 : i32
    %dma_start3A_175 = tpu.memref_slice %arg6[%dma_start3A_156, %dma_start3A_173, %dma_start3A_174] : memref<9x2x40xi32, #tpu.memory_space<vmem>> -> memref<1x2x40xi32, #tpu.memory_space<vmem>>
    %dma_start3A_176 = tpu.memref_squeeze %dma_start3A_175 : memref<1x2x40xi32, #tpu.memory_space<vmem>> -> memref<2x40xi32, #tpu.memory_space<vmem>>
    %dma_start3A_177 = arith.constant 0 : i32
    %dma_start3A_178 = arith.constant 0 : i32
    %dma_start3A_179 = arith.constant 0 : i32
    %dma_start3A_180 = tpu.memref_slice %arg3[%arg1, %dma_start3A_177, %dma_start3A_178, %dma_start3A_179] : memref<16x250x2x40xi32, #tpu.memory_space<hbm>> -> memref<1x250x2x40xi32, #tpu.memory_space<hbm>>
    %dma_start3A_181 = tpu.memref_squeeze %dma_start3A_180 : memref<1x250x2x40xi32, #tpu.memory_space<hbm>> -> memref<250x2x40xi32, #tpu.memory_space<hbm>>
    %dma_start3A_182 = arith.constant 0 : i32
    %dma_start3A_183 = arith.constant 0 : i32
    %dma_start3A_184 = tpu.memref_slice %dma_start3A_181[%dma_start3A_155, %dma_start3A_182, %dma_start3A_183] : memref<250x2x40xi32, #tpu.memory_space<hbm>> -> memref<1x2x40xi32, #tpu.memory_space<hbm>>
    %dma_start3A_185 = tpu.memref_squeeze %dma_start3A_184 : memref<1x2x40xi32, #tpu.memory_space<hbm>> -> memref<2x40xi32, #tpu.memory_space<hbm>>
    tpu.enqueue_dma source(%dma_start3A_185 : memref<2x40xi32, #tpu.memory_space<hbm>>) target(%dma_start3A_176 : memref<2x40xi32, #tpu.memory_space<vmem>>) target_semaphore(%dma_start3A_172 : memref<!tpu.dma_semaphore, #tpu.memory_space<semaphore_mem>>)
    %dma_start3A_186 = arith.constant 6 : i32
    %dma_start3A_187 = arith.constant 6 : i32
    %dma_start3A_188 = arith.constant 6 : i32
    %dma_start3A_189 = arith.constant 0 : i32
    %dma_start3A_190 = arith.constant 0 : i32
    %dma_start3A_191 = tpu.memref_slice %arg6[%dma_start3A_187, %dma_start3A_189, %dma_start3A_190] : memref<9x2x40xi32, #tpu.memory_space<vmem>> -> memref<1x2x40xi32, #tpu.memory_space<vmem>>
    %dma_start3A_192 = tpu.memref_squeeze %dma_start3A_191 : memref<1x2x40xi32, #tpu.memory_space<vmem>> -> memref<2x40xi32, #tpu.memory_space<vmem>>
    %dma_start3A_193 = arith.constant 0 : i32
    %dma_start3A_194 = arith.constant 0 : i32
    %dma_start3A_195 = arith.constant 0 : i32
    %dma_start3A_196 = tpu.memref_slice %arg3[%arg1, %dma_start3A_193, %dma_start3A_194, %dma_start3A_195] : memref<16x250x2x40xi32, #tpu.memory_space<hbm>> -> memref<1x250x2x40xi32, #tpu.memory_space<hbm>>
    %dma_start3A_197 = tpu.memref_squeeze %dma_start3A_196 : memref<1x250x2x40xi32, #tpu.memory_space<hbm>> -> memref<250x2x40xi32, #tpu.memory_space<hbm>>
    %dma_start3A_198 = arith.constant 0 : i32
    %dma_start3A_199 = arith.constant 0 : i32
    %dma_start3A_200 = tpu.memref_slice %dma_start3A_197[%dma_start3A_186, %dma_start3A_198, %dma_start3A_199] : memref<250x2x40xi32, #tpu.memory_space<hbm>> -> memref<1x2x40xi32, #tpu.memory_space<hbm>>
    %dma_start3A_201 = tpu.memref_squeeze %dma_start3A_200 : memref<1x2x40xi32, #tpu.memory_space<hbm>> -> memref<2x40xi32, #tpu.memory_space<hbm>>
    %dma_start3A_202 = tpu.memref_slice %arg9[%dma_start3A_188] : memref<9x!tpu.dma_semaphore, #tpu.memory_space<semaphore_mem>> -> memref<1x!tpu.dma_semaphore, #tpu.memory_space<semaphore_mem>>
    %dma_start3A_203 = tpu.memref_squeeze %dma_start3A_202 : memref<1x!tpu.dma_semaphore, #tpu.memory_space<semaphore_mem>> -> memref<!tpu.dma_semaphore, #tpu.memory_space<semaphore_mem>>
    %dma_start3A_204 = arith.constant 0 : i32
    %dma_start3A_205 = arith.constant 0 : i32
    %dma_start3A_206 = tpu.memref_slice %arg6[%dma_start3A_187, %dma_start3A_204, %dma_start3A_205] : memref<9x2x40xi32, #tpu.memory_space<vmem>> -> memref<1x2x40xi32, #tpu.memory_space<vmem>>
    %dma_start3A_207 = tpu.memref_squeeze %dma_start3A_206 : memref<1x2x40xi32, #tpu.memory_space<vmem>> -> memref<2x40xi32, #tpu.memory_space<vmem>>
    %dma_start3A_208 = arith.constant 0 : i32
    %dma_start3A_209 = arith.constant 0 : i32
    %dma_start3A_210 = arith.constant 0 : i32
    %dma_start3A_211 = tpu.memref_slice %arg3[%arg1, %dma_start3A_208, %dma_start3A_209, %dma_start3A_210] : memref<16x250x2x40xi32, #tpu.memory_space<hbm>> -> memref<1x250x2x40xi32, #tpu.memory_space<hbm>>
    %dma_start3A_212 = tpu.memref_squeeze %dma_start3A_211 : memref<1x250x2x40xi32, #tpu.memory_space<hbm>> -> memref<250x2x40xi32, #tpu.memory_space<hbm>>
    %dma_start3A_213 = arith.constant 0 : i32
    %dma_start3A_214 = arith.constant 0 : i32
    %dma_start3A_215 = tpu.memref_slice %dma_start3A_212[%dma_start3A_186, %dma_start3A_213, %dma_start3A_214] : memref<250x2x40xi32, #tpu.memory_space<hbm>> -> memref<1x2x40xi32, #tpu.memory_space<hbm>>
    %dma_start3A_216 = tpu.memref_squeeze %dma_start3A_215 : memref<1x2x40xi32, #tpu.memory_space<hbm>> -> memref<2x40xi32, #tpu.memory_space<hbm>>
    tpu.enqueue_dma source(%dma_start3A_216 : memref<2x40xi32, #tpu.memory_space<hbm>>) target(%dma_start3A_207 : memref<2x40xi32, #tpu.memory_space<vmem>>) target_semaphore(%dma_start3A_203 : memref<!tpu.dma_semaphore, #tpu.memory_space<semaphore_mem>>)
    %mul3A = arith.constant 640 : i32
    %mul3A_217 = arith.muli %mul3A, %arg1 : i32
    "tpu.region"() ({
      %run_scoped3A = tpu.sem_alloc : memref<!tpu.dma_semaphore, #tpu.memory_space<semaphore_mem>>
      %dma_start3A_543 = arith.constant 0 : i32
      %dma_start3A_544 = tpu.memref_slice %arg8[%mul3A_217, %dma_start3A_543] : memref<10240x128xf32, #tpu.memory_space<vmem_shared>> -> memref<640x128xf32, #tpu.memory_space<vmem_shared>>
      tpu.enqueue_dma source(%arg4 : memref<640x128xf32, #tpu.memory_space<hbm>>) target(%dma_start3A_544 : memref<640x128xf32, #tpu.memory_space<vmem_shared>>) target_semaphore(%run_scoped3A : memref<!tpu.dma_semaphore, #tpu.memory_space<semaphore_mem>>)
      %dma_wait3A_545 = arith.constant 0 : i32
      %dma_wait3A_546 = tpu.memref_slice %arg8[%mul3A_217, %dma_wait3A_545] : memref<10240x128xf32, #tpu.memory_space<vmem_shared>> -> memref<640x128xf32, #tpu.memory_space<vmem_shared>>
      tpu.wait_dma2 semaphore(%run_scoped3A : memref<!tpu.dma_semaphore, #tpu.memory_space<semaphore_mem>>) src(%arg4 : memref<640x128xf32, #tpu.memory_space<hbm>>) dst(%dma_wait3A_546 : memref<640x128xf32, #tpu.memory_space<vmem_shared>>)
      tpu.yield
    }) : () -> ()
    %dma_wait3A = arith.constant 0 : i32
    %dma_wait3A_218 = arith.constant 0 : i32
    %dma_wait3A_219 = arith.constant 0 : i32
    %dma_wait3A_220 = arith.constant 0 : i32
    %dma_wait3A_221 = arith.constant 0 : i32
    %dma_wait3A_222 = tpu.memref_slice %arg6[%dma_wait3A_218, %dma_wait3A_220, %dma_wait3A_221] : memref<9x2x40xi32, #tpu.memory_space<vmem>> -> memref<1x2x40xi32, #tpu.memory_space<vmem>>
    %dma_wait3A_223 = tpu.memref_squeeze %dma_wait3A_222 : memref<1x2x40xi32, #tpu.memory_space<vmem>> -> memref<2x40xi32, #tpu.memory_space<vmem>>
    %dma_wait3A_224 = arith.constant 0 : i32
    %dma_wait3A_225 = arith.constant 0 : i32
    %dma_wait3A_226 = arith.constant 0 : i32
    %dma_wait3A_227 = tpu.memref_slice %arg3[%arg1, %dma_wait3A_224, %dma_wait3A_225, %dma_wait3A_226] : memref<16x250x2x40xi32, #tpu.memory_space<hbm>> -> memref<1x250x2x40xi32, #tpu.memory_space<hbm>>
    %dma_wait3A_228 = tpu.memref_squeeze %dma_wait3A_227 : memref<1x250x2x40xi32, #tpu.memory_space<hbm>> -> memref<250x2x40xi32, #tpu.memory_space<hbm>>
    %dma_wait3A_229 = arith.constant 0 : i32
    %dma_wait3A_230 = arith.constant 0 : i32
    %dma_wait3A_231 = tpu.memref_slice %dma_wait3A_228[%dma_wait3A, %dma_wait3A_229, %dma_wait3A_230] : memref<250x2x40xi32, #tpu.memory_space<hbm>> -> memref<1x2x40xi32, #tpu.memory_space<hbm>>
    %dma_wait3A_232 = tpu.memref_squeeze %dma_wait3A_231 : memref<1x2x40xi32, #tpu.memory_space<hbm>> -> memref<2x40xi32, #tpu.memory_space<hbm>>
    %dma_wait3A_233 = tpu.memref_slice %arg9[%dma_wait3A_219] : memref<9x!tpu.dma_semaphore, #tpu.memory_space<semaphore_mem>> -> memref<1x!tpu.dma_semaphore, #tpu.memory_space<semaphore_mem>>
    %dma_wait3A_234 = tpu.memref_squeeze %dma_wait3A_233 : memref<1x!tpu.dma_semaphore, #tpu.memory_space<semaphore_mem>> -> memref<!tpu.dma_semaphore, #tpu.memory_space<semaphore_mem>>
    %dma_wait3A_235 = arith.constant 0 : i32
    %dma_wait3A_236 = arith.constant 0 : i32
    %dma_wait3A_237 = tpu.memref_slice %arg6[%dma_wait3A_218, %dma_wait3A_235, %dma_wait3A_236] : memref<9x2x40xi32, #tpu.memory_space<vmem>> -> memref<1x2x40xi32, #tpu.memory_space<vmem>>
    %dma_wait3A_238 = tpu.memref_squeeze %dma_wait3A_237 : memref<1x2x40xi32, #tpu.memory_space<vmem>> -> memref<2x40xi32, #tpu.memory_space<vmem>>
    %dma_wait3A_239 = arith.constant 0 : i32
    %dma_wait3A_240 = arith.constant 0 : i32
    %dma_wait3A_241 = arith.constant 0 : i32
    %dma_wait3A_242 = tpu.memref_slice %arg3[%arg1, %dma_wait3A_239, %dma_wait3A_240, %dma_wait3A_241] : memref<16x250x2x40xi32, #tpu.memory_space<hbm>> -> memref<1x250x2x40xi32, #tpu.memory_space<hbm>>
    %dma_wait3A_243 = tpu.memref_squeeze %dma_wait3A_242 : memref<1x250x2x40xi32, #tpu.memory_space<hbm>> -> memref<250x2x40xi32, #tpu.memory_space<hbm>>
    %dma_wait3A_244 = arith.constant 0 : i32
    %dma_wait3A_245 = arith.constant 0 : i32
    %dma_wait3A_246 = tpu.memref_slice %dma_wait3A_243[%dma_wait3A, %dma_wait3A_244, %dma_wait3A_245] : memref<250x2x40xi32, #tpu.memory_space<hbm>> -> memref<1x2x40xi32, #tpu.memory_space<hbm>>
    %dma_wait3A_247 = tpu.memref_squeeze %dma_wait3A_246 : memref<1x2x40xi32, #tpu.memory_space<hbm>> -> memref<2x40xi32, #tpu.memory_space<hbm>>
    tpu.wait_dma2 semaphore(%dma_wait3A_234 : memref<!tpu.dma_semaphore, #tpu.memory_space<semaphore_mem>>) src(%dma_wait3A_247 : memref<2x40xi32, #tpu.memory_space<hbm>>) dst(%dma_wait3A_238 : memref<2x40xi32, #tpu.memory_space<vmem>>)
    %dma_start3A_248 = arith.constant 0 : i32
    %dma_start3A_249 = arith.constant 0 : i32
    %dma_start3A_250 = arith.constant 0 : i32
    %dma_start3A_251 = arith.constant 0 : i32
    %dma_start3A_252 = arith.constant 0 : i32
    %dma_start3A_253 = arith.constant 0 : i32
    %dma_start3A_254 = tpu.memref_slice %arg7[%dma_start3A_250, %dma_start3A_252, %dma_start3A_253] : memref<9x40x128xf32, #tpu.memory_space<vmem>> -> memref<1x40x128xf32, #tpu.memory_space<vmem>>
    %dma_start3A_255 = tpu.memref_squeeze %dma_start3A_254 : memref<1x40x128xf32, #tpu.memory_space<vmem>> -> memref<40x128xf32, #tpu.memory_space<vmem>>
    %dma_start3A_256 = arith.constant 0 : i32
    %dma_start3A_257 = arith.constant 0 : i32
    %dma_start3A_258 = tpu.memref_slice %arg6[%dma_start3A_248, %dma_start3A_256, %dma_start3A_257] : memref<9x2x40xi32, #tpu.memory_space<vmem>> -> memref<1x2x40xi32, #tpu.memory_space<vmem>>
    %dma_start3A_259 = tpu.memref_squeeze %dma_start3A_258 : memref<1x2x40xi32, #tpu.memory_space<vmem>> -> memref<2x40xi32, #tpu.memory_space<vmem>>
    %dma_start3A_260 = arith.constant 0 : i32
    %dma_start3A_261 = tpu.memref_slice %dma_start3A_259[%dma_start3A_249, %dma_start3A_260] : memref<2x40xi32, #tpu.memory_space<vmem>> -> memref<1x40xi32, #tpu.memory_space<vmem>>
    %dma_start3A_262 = tpu.memref_squeeze %dma_start3A_261 : memref<1x40xi32, #tpu.memory_space<vmem>> -> memref<40xi32, #tpu.memory_space<vmem>>
    %dma_start3A_263 = arith.constant 0 : i32
    %dma_start3A_264 = arith.constant 0 : i32
    %dma_start3A_265 = tpu.memref_slice %arg2[%add3A_0, %dma_start3A_263, %dma_start3A_264] : memref<2x10240x128xf32, #tpu.memory_space<hbm>> -> memref<1x10240x128xf32, #tpu.memory_space<hbm>>
    %dma_start3A_266 = tpu.memref_squeeze %dma_start3A_265 : memref<1x10240x128xf32, #tpu.memory_space<hbm>> -> memref<10240x128xf32, #tpu.memory_space<hbm>>
    %dma_start3A_267 = arith.constant 0 : i32
    %dma_start3A_268 = arith.constant 0 : i32
    %dma_start3A_269 = tpu.memref_slice %dma_start3A_266[%dma_start3A_267, %dma_start3A_268] : memref<10240x128xf32, #tpu.memory_space<hbm>> -> memref<10240x128xf32, #tpu.memory_space<hbm>>
    %dma_start3A_270 = tpu.memref_slice %arg10[%dma_start3A_251] : memref<9x!tpu.dma_semaphore, #tpu.memory_space<semaphore_mem>> -> memref<1x!tpu.dma_semaphore, #tpu.memory_space<semaphore_mem>>
    %dma_start3A_271 = tpu.memref_squeeze %dma_start3A_270 : memref<1x!tpu.dma_semaphore, #tpu.memory_space<semaphore_mem>> -> memref<!tpu.dma_semaphore, #tpu.memory_space<semaphore_mem>>
    tpu.enqueue_indirect_dma source(%dma_start3A_269 : memref<10240x128xf32, #tpu.memory_space<hbm>>) target(%dma_start3A_255 : memref<40x128xf32, #tpu.memory_space<vmem>>) offsets(%dma_start3A_262 : memref<40xi32, #tpu.memory_space<vmem>>) semaphore(%dma_start3A_271 : memref<!tpu.dma_semaphore, #tpu.memory_space<semaphore_mem>>)
    %dma_wait3A_272 = arith.constant 1 : i32
    %dma_wait3A_273 = arith.constant 1 : i32
    %dma_wait3A_274 = arith.constant 1 : i32
    %dma_wait3A_275 = arith.constant 0 : i32
    %dma_wait3A_276 = arith.constant 0 : i32
    %dma_wait3A_277 = tpu.memref_slice %arg6[%dma_wait3A_273, %dma_wait3A_275, %dma_wait3A_276] : memref<9x2x40xi32, #tpu.memory_space<vmem>> -> memref<1x2x40xi32, #tpu.memory_space<vmem>>
    %dma_wait3A_278 = tpu.memref_squeeze %dma_wait3A_277 : memref<1x2x40xi32, #tpu.memory_space<vmem>> -> memref<2x40xi32, #tpu.memory_space<vmem>>
    %dma_wait3A_279 = arith.constant 0 : i32
    %dma_wait3A_280 = arith.constant 0 : i32
    %dma_wait3A_281 = arith.constant 0 : i32
    %dma_wait3A_282 = tpu.memref_slice %arg3[%arg1, %dma_wait3A_279, %dma_wait3A_280, %dma_wait3A_281] : memref<16x250x2x40xi32, #tpu.memory_space<hbm>> -> memref<1x250x2x40xi32, #tpu.memory_space<hbm>>
    %dma_wait3A_283 = tpu.memref_squeeze %dma_wait3A_282 : memref<1x250x2x40xi32, #tpu.memory_space<hbm>> -> memref<250x2x40xi32, #tpu.memory_space<hbm>>
    %dma_wait3A_284 = arith.constant 0 : i32
    %dma_wait3A_285 = arith.constant 0 : i32
    %dma_wait3A_286 = tpu.memref_slice %dma_wait3A_283[%dma_wait3A_272, %dma_wait3A_284, %dma_wait3A_285] : memref<250x2x40xi32, #tpu.memory_space<hbm>> -> memref<1x2x40xi32, #tpu.memory_space<hbm>>
    %dma_wait3A_287 = tpu.memref_squeeze %dma_wait3A_286 : memref<1x2x40xi32, #tpu.memory_space<hbm>> -> memref<2x40xi32, #tpu.memory_space<hbm>>
    %dma_wait3A_288 = tpu.memref_slice %arg9[%dma_wait3A_274] : memref<9x!tpu.dma_semaphore, #tpu.memory_space<semaphore_mem>> -> memref<1x!tpu.dma_semaphore, #tpu.memory_space<semaphore_mem>>
    %dma_wait3A_289 = tpu.memref_squeeze %dma_wait3A_288 : memref<1x!tpu.dma_semaphore, #tpu.memory_space<semaphore_mem>> -> memref<!tpu.dma_semaphore, #tpu.memory_space<semaphore_mem>>
    %dma_wait3A_290 = arith.constant 0 : i32
    %dma_wait3A_291 = arith.constant 0 : i32
    %dma_wait3A_292 = tpu.memref_slice %arg6[%dma_wait3A_273, %dma_wait3A_290, %dma_wait3A_291] : memref<9x2x40xi32, #tpu.memory_space<vmem>> -> memref<1x2x40xi32, #tpu.memory_space<vmem>>
    %dma_wait3A_293 = tpu.memref_squeeze %dma_wait3A_292 : memref<1x2x40xi32, #tpu.memory_space<vmem>> -> memref<2x40xi32, #tpu.memory_space<vmem>>
    %dma_wait3A_294 = arith.constant 0 : i32
    %dma_wait3A_295 = arith.constant 0 : i32
    %dma_wait3A_296 = arith.constant 0 : i32
    %dma_wait3A_297 = tpu.memref_slice %arg3[%arg1, %dma_wait3A_294, %dma_wait3A_295, %dma_wait3A_296] : memref<16x250x2x40xi32, #tpu.memory_space<hbm>> -> memref<1x250x2x40xi32, #tpu.memory_space<hbm>>
    %dma_wait3A_298 = tpu.memref_squeeze %dma_wait3A_297 : memref<1x250x2x40xi32, #tpu.memory_space<hbm>> -> memref<250x2x40xi32, #tpu.memory_space<hbm>>
    %dma_wait3A_299 = arith.constant 0 : i32
    %dma_wait3A_300 = arith.constant 0 : i32
    %dma_wait3A_301 = tpu.memref_slice %dma_wait3A_298[%dma_wait3A_272, %dma_wait3A_299, %dma_wait3A_300] : memref<250x2x40xi32, #tpu.memory_space<hbm>> -> memref<1x2x40xi32, #tpu.memory_space<hbm>>
    %dma_wait3A_302 = tpu.memref_squeeze %dma_wait3A_301 : memref<1x2x40xi32, #tpu.memory_space<hbm>> -> memref<2x40xi32, #tpu.memory_space<hbm>>
    tpu.wait_dma2 semaphore(%dma_wait3A_289 : memref<!tpu.dma_semaphore, #tpu.memory_space<semaphore_mem>>) src(%dma_wait3A_302 : memref<2x40xi32, #tpu.memory_space<hbm>>) dst(%dma_wait3A_293 : memref<2x40xi32, #tpu.memory_space<vmem>>)
    %dma_start3A_303 = arith.constant 1 : i32
    %dma_start3A_304 = arith.constant 0 : i32
    %dma_start3A_305 = arith.constant 1 : i32
    %dma_start3A_306 = arith.constant 1 : i32
    %dma_start3A_307 = arith.constant 0 : i32
    %dma_start3A_308 = arith.constant 0 : i32
    %dma_start3A_309 = tpu.memref_slice %arg7[%dma_start3A_305, %dma_start3A_307, %dma_start3A_308] : memref<9x40x128xf32, #tpu.memory_space<vmem>> -> memref<1x40x128xf32, #tpu.memory_space<vmem>>
    %dma_start3A_310 = tpu.memref_squeeze %dma_start3A_309 : memref<1x40x128xf32, #tpu.memory_space<vmem>> -> memref<40x128xf32, #tpu.memory_space<vmem>>
    %dma_start3A_311 = arith.constant 0 : i32
    %dma_start3A_312 = arith.constant 0 : i32
    %dma_start3A_313 = tpu.memref_slice %arg6[%dma_start3A_303, %dma_start3A_311, %dma_start3A_312] : memref<9x2x40xi32, #tpu.memory_space<vmem>> -> memref<1x2x40xi32, #tpu.memory_space<vmem>>
    %dma_start3A_314 = tpu.memref_squeeze %dma_start3A_313 : memref<1x2x40xi32, #tpu.memory_space<vmem>> -> memref<2x40xi32, #tpu.memory_space<vmem>>
    %dma_start3A_315 = arith.constant 0 : i32
    %dma_start3A_316 = tpu.memref_slice %dma_start3A_314[%dma_start3A_304, %dma_start3A_315] : memref<2x40xi32, #tpu.memory_space<vmem>> -> memref<1x40xi32, #tpu.memory_space<vmem>>
    %dma_start3A_317 = tpu.memref_squeeze %dma_start3A_316 : memref<1x40xi32, #tpu.memory_space<vmem>> -> memref<40xi32, #tpu.memory_space<vmem>>
    %dma_start3A_318 = arith.constant 0 : i32
    %dma_start3A_319 = arith.constant 0 : i32
    %dma_start3A_320 = tpu.memref_slice %arg2[%add3A_0, %dma_start3A_318, %dma_start3A_319] : memref<2x10240x128xf32, #tpu.memory_space<hbm>> -> memref<1x10240x128xf32, #tpu.memory_space<hbm>>
    %dma_start3A_321 = tpu.memref_squeeze %dma_start3A_320 : memref<1x10240x128xf32, #tpu.memory_space<hbm>> -> memref<10240x128xf32, #tpu.memory_space<hbm>>
    %dma_start3A_322 = arith.constant 0 : i32
    %dma_start3A_323 = arith.constant 0 : i32
    %dma_start3A_324 = tpu.memref_slice %dma_start3A_321[%dma_start3A_322, %dma_start3A_323] : memref<10240x128xf32, #tpu.memory_space<hbm>> -> memref<10240x128xf32, #tpu.memory_space<hbm>>
    %dma_start3A_325 = tpu.memref_slice %arg10[%dma_start3A_306] : memref<9x!tpu.dma_semaphore, #tpu.memory_space<semaphore_mem>> -> memref<1x!tpu.dma_semaphore, #tpu.memory_space<semaphore_mem>>
    %dma_start3A_326 = tpu.memref_squeeze %dma_start3A_325 : memref<1x!tpu.dma_semaphore, #tpu.memory_space<semaphore_mem>> -> memref<!tpu.dma_semaphore, #tpu.memory_space<semaphore_mem>>
    tpu.enqueue_indirect_dma source(%dma_start3A_324 : memref<10240x128xf32, #tpu.memory_space<hbm>>) target(%dma_start3A_310 : memref<40x128xf32, #tpu.memory_space<vmem>>) offsets(%dma_start3A_317 : memref<40xi32, #tpu.memory_space<vmem>>) semaphore(%dma_start3A_326 : memref<!tpu.dma_semaphore, #tpu.memory_space<semaphore_mem>>)
    %dma_wait3A_327 = arith.constant 2 : i32
    %dma_wait3A_328 = arith.constant 2 : i32
    %dma_wait3A_329 = arith.constant 2 : i32
    %dma_wait3A_330 = arith.constant 0 : i32
    %dma_wait3A_331 = arith.constant 0 : i32
    %dma_wait3A_332 = tpu.memref_slice %arg6[%dma_wait3A_328, %dma_wait3A_330, %dma_wait3A_331] : memref<9x2x40xi32, #tpu.memory_space<vmem>> -> memref<1x2x40xi32, #tpu.memory_space<vmem>>
    %dma_wait3A_333 = tpu.memref_squeeze %dma_wait3A_332 : memref<1x2x40xi32, #tpu.memory_space<vmem>> -> memref<2x40xi32, #tpu.memory_space<vmem>>
    %dma_wait3A_334 = arith.constant 0 : i32
    %dma_wait3A_335 = arith.constant 0 : i32
    %dma_wait3A_336 = arith.constant 0 : i32
    %dma_wait3A_337 = tpu.memref_slice %arg3[%arg1, %dma_wait3A_334, %dma_wait3A_335, %dma_wait3A_336] : memref<16x250x2x40xi32, #tpu.memory_space<hbm>> -> memref<1x250x2x40xi32, #tpu.memory_space<hbm>>
    %dma_wait3A_338 = tpu.memref_squeeze %dma_wait3A_337 : memref<1x250x2x40xi32, #tpu.memory_space<hbm>> -> memref<250x2x40xi32, #tpu.memory_space<hbm>>
    %dma_wait3A_339 = arith.constant 0 : i32
    %dma_wait3A_340 = arith.constant 0 : i32
    %dma_wait3A_341 = tpu.memref_slice %dma_wait3A_338[%dma_wait3A_327, %dma_wait3A_339, %dma_wait3A_340] : memref<250x2x40xi32, #tpu.memory_space<hbm>> -> memref<1x2x40xi32, #tpu.memory_space<hbm>>
    %dma_wait3A_342 = tpu.memref_squeeze %dma_wait3A_341 : memref<1x2x40xi32, #tpu.memory_space<hbm>> -> memref<2x40xi32, #tpu.memory_space<hbm>>
    %dma_wait3A_343 = tpu.memref_slice %arg9[%dma_wait3A_329] : memref<9x!tpu.dma_semaphore, #tpu.memory_space<semaphore_mem>> -> memref<1x!tpu.dma_semaphore, #tpu.memory_space<semaphore_mem>>
    %dma_wait3A_344 = tpu.memref_squeeze %dma_wait3A_343 : memref<1x!tpu.dma_semaphore, #tpu.memory_space<semaphore_mem>> -> memref<!tpu.dma_semaphore, #tpu.memory_space<semaphore_mem>>
    %dma_wait3A_345 = arith.constant 0 : i32
    %dma_wait3A_346 = arith.constant 0 : i32
    %dma_wait3A_347 = tpu.memref_slice %arg6[%dma_wait3A_328, %dma_wait3A_345, %dma_wait3A_346] : memref<9x2x40xi32, #tpu.memory_space<vmem>> -> memref<1x2x40xi32, #tpu.memory_space<vmem>>
    %dma_wait3A_348 = tpu.memref_squeeze %dma_wait3A_347 : memref<1x2x40xi32, #tpu.memory_space<vmem>> -> memref<2x40xi32, #tpu.memory_space<vmem>>
    %dma_wait3A_349 = arith.constant 0 : i32
    %dma_wait3A_350 = arith.constant 0 : i32
    %dma_wait3A_351 = arith.constant 0 : i32
    %dma_wait3A_352 = tpu.memref_slice %arg3[%arg1, %dma_wait3A_349, %dma_wait3A_350, %dma_wait3A_351] : memref<16x250x2x40xi32, #tpu.memory_space<hbm>> -> memref<1x250x2x40xi32, #tpu.memory_space<hbm>>
    %dma_wait3A_353 = tpu.memref_squeeze %dma_wait3A_352 : memref<1x250x2x40xi32, #tpu.memory_space<hbm>> -> memref<250x2x40xi32, #tpu.memory_space<hbm>>
    %dma_wait3A_354 = arith.constant 0 : i32
    %dma_wait3A_355 = arith.constant 0 : i32
    %dma_wait3A_356 = tpu.memref_slice %dma_wait3A_353[%dma_wait3A_327, %dma_wait3A_354, %dma_wait3A_355] : memref<250x2x40xi32, #tpu.memory_space<hbm>> -> memref<1x2x40xi32, #tpu.memory_space<hbm>>
    %dma_wait3A_357 = tpu.memref_squeeze %dma_wait3A_356 : memref<1x2x40xi32, #tpu.memory_space<hbm>> -> memref<2x40xi32, #tpu.memory_space<hbm>>
    tpu.wait_dma2 semaphore(%dma_wait3A_344 : memref<!tpu.dma_semaphore, #tpu.memory_space<semaphore_mem>>) src(%dma_wait3A_357 : memref<2x40xi32, #tpu.memory_space<hbm>>) dst(%dma_wait3A_348 : memref<2x40xi32, #tpu.memory_space<vmem>>)
    %dma_start3A_358 = arith.constant 2 : i32
    %dma_start3A_359 = arith.constant 0 : i32
    %dma_start3A_360 = arith.constant 2 : i32
    %dma_start3A_361 = arith.constant 2 : i32
    %dma_start3A_362 = arith.constant 0 : i32
    %dma_start3A_363 = arith.constant 0 : i32
    %dma_start3A_364 = tpu.memref_slice %arg7[%dma_start3A_360, %dma_start3A_362, %dma_start3A_363] : memref<9x40x128xf32, #tpu.memory_space<vmem>> -> memref<1x40x128xf32, #tpu.memory_space<vmem>>
    %dma_start3A_365 = tpu.memref_squeeze %dma_start3A_364 : memref<1x40x128xf32, #tpu.memory_space<vmem>> -> memref<40x128xf32, #tpu.memory_space<vmem>>
    %dma_start3A_366 = arith.constant 0 : i32
    %dma_start3A_367 = arith.constant 0 : i32
    %dma_start3A_368 = tpu.memref_slice %arg6[%dma_start3A_358, %dma_start3A_366, %dma_start3A_367] : memref<9x2x40xi32, #tpu.memory_space<vmem>> -> memref<1x2x40xi32, #tpu.memory_space<vmem>>
    %dma_start3A_369 = tpu.memref_squeeze %dma_start3A_368 : memref<1x2x40xi32, #tpu.memory_space<vmem>> -> memref<2x40xi32, #tpu.memory_space<vmem>>
    %dma_start3A_370 = arith.constant 0 : i32
    %dma_start3A_371 = tpu.memref_slice %dma_start3A_369[%dma_start3A_359, %dma_start3A_370] : memref<2x40xi32, #tpu.memory_space<vmem>> -> memref<1x40xi32, #tpu.memory_space<vmem>>
    %dma_start3A_372 = tpu.memref_squeeze %dma_start3A_371 : memref<1x40xi32, #tpu.memory_space<vmem>> -> memref<40xi32, #tpu.memory_space<vmem>>
    %dma_start3A_373 = arith.constant 0 : i32
    %dma_start3A_374 = arith.constant 0 : i32
    %dma_start3A_375 = tpu.memref_slice %arg2[%add3A_0, %dma_start3A_373, %dma_start3A_374] : memref<2x10240x128xf32, #tpu.memory_space<hbm>> -> memref<1x10240x128xf32, #tpu.memory_space<hbm>>
    %dma_start3A_376 = tpu.memref_squeeze %dma_start3A_375 : memref<1x10240x128xf32, #tpu.memory_space<hbm>> -> memref<10240x128xf32, #tpu.memory_space<hbm>>
    %dma_start3A_377 = arith.constant 0 : i32
    %dma_start3A_378 = arith.constant 0 : i32
    %dma_start3A_379 = tpu.memref_slice %dma_start3A_376[%dma_start3A_377, %dma_start3A_378] : memref<10240x128xf32, #tpu.memory_space<hbm>> -> memref<10240x128xf32, #tpu.memory_space<hbm>>
    %dma_start3A_380 = tpu.memref_slice %arg10[%dma_start3A_361] : memref<9x!tpu.dma_semaphore, #tpu.memory_space<semaphore_mem>> -> memref<1x!tpu.dma_semaphore, #tpu.memory_space<semaphore_mem>>
    %dma_start3A_381 = tpu.memref_squeeze %dma_start3A_380 : memref<1x!tpu.dma_semaphore, #tpu.memory_space<semaphore_mem>> -> memref<!tpu.dma_semaphore, #tpu.memory_space<semaphore_mem>>
    tpu.enqueue_indirect_dma source(%dma_start3A_379 : memref<10240x128xf32, #tpu.memory_space<hbm>>) target(%dma_start3A_365 : memref<40x128xf32, #tpu.memory_space<vmem>>) offsets(%dma_start3A_372 : memref<40xi32, #tpu.memory_space<vmem>>) semaphore(%dma_start3A_381 : memref<!tpu.dma_semaphore, #tpu.memory_space<semaphore_mem>>)
    %dma_wait3A_382 = arith.constant 3 : i32
    %dma_wait3A_383 = arith.constant 3 : i32
    %dma_wait3A_384 = arith.constant 3 : i32
    %dma_wait3A_385 = arith.constant 0 : i32
    %dma_wait3A_386 = arith.constant 0 : i32
    %dma_wait3A_387 = tpu.memref_slice %arg6[%dma_wait3A_383, %dma_wait3A_385, %dma_wait3A_386] : memref<9x2x40xi32, #tpu.memory_space<vmem>> -> memref<1x2x40xi32, #tpu.memory_space<vmem>>
    %dma_wait3A_388 = tpu.memref_squeeze %dma_wait3A_387 : memref<1x2x40xi32, #tpu.memory_space<vmem>> -> memref<2x40xi32, #tpu.memory_space<vmem>>
    %dma_wait3A_389 = arith.constant 0 : i32
    %dma_wait3A_390 = arith.constant 0 : i32
    %dma_wait3A_391 = arith.constant 0 : i32
    %dma_wait3A_392 = tpu.memref_slice %arg3[%arg1, %dma_wait3A_389, %dma_wait3A_390, %dma_wait3A_391] : memref<16x250x2x40xi32, #tpu.memory_space<hbm>> -> memref<1x250x2x40xi32, #tpu.memory_space<hbm>>
    %dma_wait3A_393 = tpu.memref_squeeze %dma_wait3A_392 : memref<1x250x2x40xi32, #tpu.memory_space<hbm>> -> memref<250x2x40xi32, #tpu.memory_space<hbm>>
    %dma_wait3A_394 = arith.constant 0 : i32
    %dma_wait3A_395 = arith.constant 0 : i32
    %dma_wait3A_396 = tpu.memref_slice %dma_wait3A_393[%dma_wait3A_382, %dma_wait3A_394, %dma_wait3A_395] : memref<250x2x40xi32, #tpu.memory_space<hbm>> -> memref<1x2x40xi32, #tpu.memory_space<hbm>>
    %dma_wait3A_397 = tpu.memref_squeeze %dma_wait3A_396 : memref<1x2x40xi32, #tpu.memory_space<hbm>> -> memref<2x40xi32, #tpu.memory_space<hbm>>
    %dma_wait3A_398 = tpu.memref_slice %arg9[%dma_wait3A_384] : memref<9x!tpu.dma_semaphore, #tpu.memory_space<semaphore_mem>> -> memref<1x!tpu.dma_semaphore, #tpu.memory_space<semaphore_mem>>
    %dma_wait3A_399 = tpu.memref_squeeze %dma_wait3A_398 : memref<1x!tpu.dma_semaphore, #tpu.memory_space<semaphore_mem>> -> memref<!tpu.dma_semaphore, #tpu.memory_space<semaphore_mem>>
    %dma_wait3A_400 = arith.constant 0 : i32
    %dma_wait3A_401 = arith.constant 0 : i32
    %dma_wait3A_402 = tpu.memref_slice %arg6[%dma_wait3A_383, %dma_wait3A_400, %dma_wait3A_401] : memref<9x2x40xi32, #tpu.memory_space<vmem>> -> memref<1x2x40xi32, #tpu.memory_space<vmem>>
    %dma_wait3A_403 = tpu.memref_squeeze %dma_wait3A_402 : memref<1x2x40xi32, #tpu.memory_space<vmem>> -> memref<2x40xi32, #tpu.memory_space<vmem>>
    %dma_wait3A_404 = arith.constant 0 : i32
    %dma_wait3A_405 = arith.constant 0 : i32
    %dma_wait3A_406 = arith.constant 0 : i32
    %dma_wait3A_407 = tpu.memref_slice %arg3[%arg1, %dma_wait3A_404, %dma_wait3A_405, %dma_wait3A_406] : memref<16x250x2x40xi32, #tpu.memory_space<hbm>> -> memref<1x250x2x40xi32, #tpu.memory_space<hbm>>
    %dma_wait3A_408 = tpu.memref_squeeze %dma_wait3A_407 : memref<1x250x2x40xi32, #tpu.memory_space<hbm>> -> memref<250x2x40xi32, #tpu.memory_space<hbm>>
    %dma_wait3A_409 = arith.constant 0 : i32
    %dma_wait3A_410 = arith.constant 0 : i32
    %dma_wait3A_411 = tpu.memref_slice %dma_wait3A_408[%dma_wait3A_382, %dma_wait3A_409, %dma_wait3A_410] : memref<250x2x40xi32, #tpu.memory_space<hbm>> -> memref<1x2x40xi32, #tpu.memory_space<hbm>>
    %dma_wait3A_412 = tpu.memref_squeeze %dma_wait3A_411 : memref<1x2x40xi32, #tpu.memory_space<hbm>> -> memref<2x40xi32, #tpu.memory_space<hbm>>
    tpu.wait_dma2 semaphore(%dma_wait3A_399 : memref<!tpu.dma_semaphore, #tpu.memory_space<semaphore_mem>>) src(%dma_wait3A_412 : memref<2x40xi32, #tpu.memory_space<hbm>>) dst(%dma_wait3A_403 : memref<2x40xi32, #tpu.memory_space<vmem>>)
    %dma_start3A_413 = arith.constant 3 : i32
    %dma_start3A_414 = arith.constant 0 : i32
    %dma_start3A_415 = arith.constant 3 : i32
    %dma_start3A_416 = arith.constant 3 : i32
    %dma_start3A_417 = arith.constant 0 : i32
    %dma_start3A_418 = arith.constant 0 : i32
    %dma_start3A_419 = tpu.memref_slice %arg7[%dma_start3A_415, %dma_start3A_417, %dma_start3A_418] : memref<9x40x128xf32, #tpu.memory_space<vmem>> -> memref<1x40x128xf32, #tpu.memory_space<vmem>>
    %dma_start3A_420 = tpu.memref_squeeze %dma_start3A_419 : memref<1x40x128xf32, #tpu.memory_space<vmem>> -> memref<40x128xf32, #tpu.memory_space<vmem>>
    %dma_start3A_421 = arith.constant 0 : i32
    %dma_start3A_422 = arith.constant 0 : i32
    %dma_start3A_423 = tpu.memref_slice %arg6[%dma_start3A_413, %dma_start3A_421, %dma_start3A_422] : memref<9x2x40xi32, #tpu.memory_space<vmem>> -> memref<1x2x40xi32, #tpu.memory_space<vmem>>
    %dma_start3A_424 = tpu.memref_squeeze %dma_start3A_423 : memref<1x2x40xi32, #tpu.memory_space<vmem>> -> memref<2x40xi32, #tpu.memory_space<vmem>>
    %dma_start3A_425 = arith.constant 0 : i32
    %dma_start3A_426 = tpu.memref_slice %dma_start3A_424[%dma_start3A_414, %dma_start3A_425] : memref<2x40xi32, #tpu.memory_space<vmem>> -> memref<1x40xi32, #tpu.memory_space<vmem>>
    %dma_start3A_427 = tpu.memref_squeeze %dma_start3A_426 : memref<1x40xi32, #tpu.memory_space<vmem>> -> memref<40xi32, #tpu.memory_space<vmem>>
    %dma_start3A_428 = arith.constant 0 : i32
    %dma_start3A_429 = arith.constant 0 : i32
    %dma_start3A_430 = tpu.memref_slice %arg2[%add3A_0, %dma_start3A_428, %dma_start3A_429] : memref<2x10240x128xf32, #tpu.memory_space<hbm>> -> memref<1x10240x128xf32, #tpu.memory_space<hbm>>
    %dma_start3A_431 = tpu.memref_squeeze %dma_start3A_430 : memref<1x10240x128xf32, #tpu.memory_space<hbm>> -> memref<10240x128xf32, #tpu.memory_space<hbm>>
    %dma_start3A_432 = arith.constant 0 : i32
    %dma_start3A_433 = arith.constant 0 : i32
    %dma_start3A_434 = tpu.memref_slice %dma_start3A_431[%dma_start3A_432, %dma_start3A_433] : memref<10240x128xf32, #tpu.memory_space<hbm>> -> memref<10240x128xf32, #tpu.memory_space<hbm>>
    %dma_start3A_435 = tpu.memref_slice %arg10[%dma_start3A_416] : memref<9x!tpu.dma_semaphore, #tpu.memory_space<semaphore_mem>> -> memref<1x!tpu.dma_semaphore, #tpu.memory_space<semaphore_mem>>
    %dma_start3A_436 = tpu.memref_squeeze %dma_start3A_435 : memref<1x!tpu.dma_semaphore, #tpu.memory_space<semaphore_mem>> -> memref<!tpu.dma_semaphore, #tpu.memory_space<semaphore_mem>>
    tpu.enqueue_indirect_dma source(%dma_start3A_434 : memref<10240x128xf32, #tpu.memory_space<hbm>>) target(%dma_start3A_420 : memref<40x128xf32, #tpu.memory_space<vmem>>) offsets(%dma_start3A_427 : memref<40xi32, #tpu.memory_space<vmem>>) semaphore(%dma_start3A_436 : memref<!tpu.dma_semaphore, #tpu.memory_space<semaphore_mem>>)
    %dma_wait3A_437 = arith.constant 4 : i32
    %dma_wait3A_438 = arith.constant 4 : i32
    %dma_wait3A_439 = arith.constant 4 : i32
    %dma_wait3A_440 = arith.constant 0 : i32
    %dma_wait3A_441 = arith.constant 0 : i32
    %dma_wait3A_442 = tpu.memref_slice %arg6[%dma_wait3A_438, %dma_wait3A_440, %dma_wait3A_441] : memref<9x2x40xi32, #tpu.memory_space<vmem>> -> memref<1x2x40xi32, #tpu.memory_space<vmem>>
    %dma_wait3A_443 = tpu.memref_squeeze %dma_wait3A_442 : memref<1x2x40xi32, #tpu.memory_space<vmem>> -> memref<2x40xi32, #tpu.memory_space<vmem>>
    %dma_wait3A_444 = arith.constant 0 : i32
    %dma_wait3A_445 = arith.constant 0 : i32
    %dma_wait3A_446 = arith.constant 0 : i32
    %dma_wait3A_447 = tpu.memref_slice %arg3[%arg1, %dma_wait3A_444, %dma_wait3A_445, %dma_wait3A_446] : memref<16x250x2x40xi32, #tpu.memory_space<hbm>> -> memref<1x250x2x40xi32, #tpu.memory_space<hbm>>
    %dma_wait3A_448 = tpu.memref_squeeze %dma_wait3A_447 : memref<1x250x2x40xi32, #tpu.memory_space<hbm>> -> memref<250x2x40xi32, #tpu.memory_space<hbm>>
    %dma_wait3A_449 = arith.constant 0 : i32
    %dma_wait3A_450 = arith.constant 0 : i32
    %dma_wait3A_451 = tpu.memref_slice %dma_wait3A_448[%dma_wait3A_437, %dma_wait3A_449, %dma_wait3A_450] : memref<250x2x40xi32, #tpu.memory_space<hbm>> -> memref<1x2x40xi32, #tpu.memory_space<hbm>>
    %dma_wait3A_452 = tpu.memref_squeeze %dma_wait3A_451 : memref<1x2x40xi32, #tpu.memory_space<hbm>> -> memref<2x40xi32, #tpu.memory_space<hbm>>
    %dma_wait3A_453 = tpu.memref_slice %arg9[%dma_wait3A_439] : memref<9x!tpu.dma_semaphore, #tpu.memory_space<semaphore_mem>> -> memref<1x!tpu.dma_semaphore, #tpu.memory_space<semaphore_mem>>
    %dma_wait3A_454 = tpu.memref_squeeze %dma_wait3A_453 : memref<1x!tpu.dma_semaphore, #tpu.memory_space<semaphore_mem>> -> memref<!tpu.dma_semaphore, #tpu.memory_space<semaphore_mem>>
    %dma_wait3A_455 = arith.constant 0 : i32
    %dma_wait3A_456 = arith.constant 0 : i32
    %dma_wait3A_457 = tpu.memref_slice %arg6[%dma_wait3A_438, %dma_wait3A_455, %dma_wait3A_456] : memref<9x2x40xi32, #tpu.memory_space<vmem>> -> memref<1x2x40xi32, #tpu.memory_space<vmem>>
    %dma_wait3A_458 = tpu.memref_squeeze %dma_wait3A_457 : memref<1x2x40xi32, #tpu.memory_space<vmem>> -> memref<2x40xi32, #tpu.memory_space<vmem>>
    %dma_wait3A_459 = arith.constant 0 : i32
    %dma_wait3A_460 = arith.constant 0 : i32
    %dma_wait3A_461 = arith.constant 0 : i32
    %dma_wait3A_462 = tpu.memref_slice %arg3[%arg1, %dma_wait3A_459, %dma_wait3A_460, %dma_wait3A_461] : memref<16x250x2x40xi32, #tpu.memory_space<hbm>> -> memref<1x250x2x40xi32, #tpu.memory_space<hbm>>
    %dma_wait3A_463 = tpu.memref_squeeze %dma_wait3A_462 : memref<1x250x2x40xi32, #tpu.memory_space<hbm>> -> memref<250x2x40xi32, #tpu.memory_space<hbm>>
    %dma_wait3A_464 = arith.constant 0 : i32
    %dma_wait3A_465 = arith.constant 0 : i32
    %dma_wait3A_466 = tpu.memref_slice %dma_wait3A_463[%dma_wait3A_437, %dma_wait3A_464, %dma_wait3A_465] : memref<250x2x40xi32, #tpu.memory_space<hbm>> -> memref<1x2x40xi32, #tpu.memory_space<hbm>>
    %dma_wait3A_467 = tpu.memref_squeeze %dma_wait3A_466 : memref<1x2x40xi32, #tpu.memory_space<hbm>> -> memref<2x40xi32, #tpu.memory_space<hbm>>
    tpu.wait_dma2 semaphore(%dma_wait3A_454 : memref<!tpu.dma_semaphore, #tpu.memory_space<semaphore_mem>>) src(%dma_wait3A_467 : memref<2x40xi32, #tpu.memory_space<hbm>>) dst(%dma_wait3A_458 : memref<2x40xi32, #tpu.memory_space<vmem>>)
    %dma_start3A_468 = arith.constant 4 : i32
    %dma_start3A_469 = arith.constant 0 : i32
    %dma_start3A_470 = arith.constant 4 : i32
    %dma_start3A_471 = arith.constant 4 : i32
    %dma_start3A_472 = arith.constant 0 : i32
    %dma_start3A_473 = arith.constant 0 : i32
    %dma_start3A_474 = tpu.memref_slice %arg7[%dma_start3A_470, %dma_start3A_472, %dma_start3A_473] : memref<9x40x128xf32, #tpu.memory_space<vmem>> -> memref<1x40x128xf32, #tpu.memory_space<vmem>>
    %dma_start3A_475 = tpu.memref_squeeze %dma_start3A_474 : memref<1x40x128xf32, #tpu.memory_space<vmem>> -> memref<40x128xf32, #tpu.memory_space<vmem>>
    %dma_start3A_476 = arith.constant 0 : i32
    %dma_start3A_477 = arith.constant 0 : i32
    %dma_start3A_478 = tpu.memref_slice %arg6[%dma_start3A_468, %dma_start3A_476, %dma_start3A_477] : memref<9x2x40xi32, #tpu.memory_space<vmem>> -> memref<1x2x40xi32, #tpu.memory_space<vmem>>
    %dma_start3A_479 = tpu.memref_squeeze %dma_start3A_478 : memref<1x2x40xi32, #tpu.memory_space<vmem>> -> memref<2x40xi32, #tpu.memory_space<vmem>>
    %dma_start3A_480 = arith.constant 0 : i32
    %dma_start3A_481 = tpu.memref_slice %dma_start3A_479[%dma_start3A_469, %dma_start3A_480] : memref<2x40xi32, #tpu.memory_space<vmem>> -> memref<1x40xi32, #tpu.memory_space<vmem>>
    %dma_start3A_482 = tpu.memref_squeeze %dma_start3A_481 : memref<1x40xi32, #tpu.memory_space<vmem>> -> memref<40xi32, #tpu.memory_space<vmem>>
    %dma_start3A_483 = arith.constant 0 : i32
    %dma_start3A_484 = arith.constant 0 : i32
    %dma_start3A_485 = tpu.memref_slice %arg2[%add3A_0, %dma_start3A_483, %dma_start3A_484] : memref<2x10240x128xf32, #tpu.memory_space<hbm>> -> memref<1x10240x128xf32, #tpu.memory_space<hbm>>
    %dma_start3A_486 = tpu.memref_squeeze %dma_start3A_485 : memref<1x10240x128xf32, #tpu.memory_space<hbm>> -> memref<10240x128xf32, #tpu.memory_space<hbm>>
    %dma_start3A_487 = arith.constant 0 : i32
    %dma_start3A_488 = arith.constant 0 : i32
    %dma_start3A_489 = tpu.memref_slice %dma_start3A_486[%dma_start3A_487, %dma_start3A_488] : memref<10240x128xf32, #tpu.memory_space<hbm>> -> memref<10240x128xf32, #tpu.memory_space<hbm>>
    %dma_start3A_490 = tpu.memref_slice %arg10[%dma_start3A_471] : memref<9x!tpu.dma_semaphore, #tpu.memory_space<semaphore_mem>> -> memref<1x!tpu.dma_semaphore, #tpu.memory_space<semaphore_mem>>
    %dma_start3A_491 = tpu.memref_squeeze %dma_start3A_490 : memref<1x!tpu.dma_semaphore, #tpu.memory_space<semaphore_mem>> -> memref<!tpu.dma_semaphore, #tpu.memory_space<semaphore_mem>>
    tpu.enqueue_indirect_dma source(%dma_start3A_489 : memref<10240x128xf32, #tpu.memory_space<hbm>>) target(%dma_start3A_475 : memref<40x128xf32, #tpu.memory_space<vmem>>) offsets(%dma_start3A_482 : memref<40xi32, #tpu.memory_space<vmem>>) semaphore(%dma_start3A_491 : memref<!tpu.dma_semaphore, #tpu.memory_space<semaphore_mem>>)
    %barrier3A = arith.constant 0 : index
    tpu.barrier barrier_id(%barrier3A)
    %scan3A = arith.constant 0 : i32
    %scan3A_492 = arith.constant 0 : i32
    %scan3A_493 = arith.constant 250 : i32
    %scan3A_494 = arith.addi %scan3A_492, %scan3A_493 : i32
    %scan3A_495 = arith.constant 1 : i32
    %scan3A_496 = scf.for %scan3A_543 = %scan3A_492 to %scan3A_494 step %scan3A_495 iter_args(%scan3A_544 = %scan3A) -> (i32)  : i32 {
      %rem3A = arith.constant 9 : i32
      %rem3A_545 = arith.remsi %scan3A_543, %rem3A : i32
      %dma_wait3A_546 = arith.constant 0 : i32
      %dma_wait3A_547 = arith.constant 0 : i32
      %dma_wait3A_548 = arith.constant 0 : i32
      %dma_wait3A_549 = tpu.memref_slice %arg7[%rem3A_545, %dma_wait3A_547, %dma_wait3A_548] : memref<9x40x128xf32, #tpu.memory_space<vmem>> -> memref<1x40x128xf32, #tpu.memory_space<vmem>>
      %dma_wait3A_550 = tpu.memref_squeeze %dma_wait3A_549 : memref<1x40x128xf32, #tpu.memory_space<vmem>> -> memref<40x128xf32, #tpu.memory_space<vmem>>
      %dma_wait3A_551 = arith.constant 0 : i32
      %dma_wait3A_552 = arith.constant 0 : i32
      %dma_wait3A_553 = tpu.memref_slice %arg6[%rem3A_545, %dma_wait3A_551, %dma_wait3A_552] : memref<9x2x40xi32, #tpu.memory_space<vmem>> -> memref<1x2x40xi32, #tpu.memory_space<vmem>>
      %dma_wait3A_554 = tpu.memref_squeeze %dma_wait3A_553 : memref<1x2x40xi32, #tpu.memory_space<vmem>> -> memref<2x40xi32, #tpu.memory_space<vmem>>
      %dma_wait3A_555 = arith.constant 0 : i32
      %dma_wait3A_556 = tpu.memref_slice %dma_wait3A_554[%dma_wait3A_546, %dma_wait3A_555] : memref<2x40xi32, #tpu.memory_space<vmem>> -> memref<1x40xi32, #tpu.memory_space<vmem>>
      %dma_wait3A_557 = tpu.memref_squeeze %dma_wait3A_556 : memref<1x40xi32, #tpu.memory_space<vmem>> -> memref<40xi32, #tpu.memory_space<vmem>>
      %dma_wait3A_558 = arith.constant 0 : i32
      %dma_wait3A_559 = arith.constant 0 : i32
      %dma_wait3A_560 = tpu.memref_slice %arg2[%add3A_0, %dma_wait3A_558, %dma_wait3A_559] : memref<2x10240x128xf32, #tpu.memory_space<hbm>> -> memref<1x10240x128xf32, #tpu.memory_space<hbm>>
      %dma_wait3A_561 = tpu.memref_squeeze %dma_wait3A_560 : memref<1x10240x128xf32, #tpu.memory_space<hbm>> -> memref<10240x128xf32, #tpu.memory_space<hbm>>
      %dma_wait3A_562 = arith.constant 0 : i32
      %dma_wait3A_563 = arith.constant 0 : i32
      %dma_wait3A_564 = tpu.memref_slice %dma_wait3A_561[%dma_wait3A_562, %dma_wait3A_563] : memref<10240x128xf32, #tpu.memory_space<hbm>> -> memref<10240x128xf32, #tpu.memory_space<hbm>>
      %dma_wait3A_565 = tpu.memref_slice %arg10[%rem3A_545] : memref<9x!tpu.dma_semaphore, #tpu.memory_space<semaphore_mem>> -> memref<1x!tpu.dma_semaphore, #tpu.memory_space<semaphore_mem>>
      %dma_wait3A_566 = tpu.memref_squeeze %dma_wait3A_565 : memref<1x!tpu.dma_semaphore, #tpu.memory_space<semaphore_mem>> -> memref<!tpu.dma_semaphore, #tpu.memory_space<semaphore_mem>>
      tpu.wait_indirect_dma semaphore(%dma_wait3A_566 : memref<!tpu.dma_semaphore, #tpu.memory_space<semaphore_mem>>) src(%dma_wait3A_564 : memref<10240x128xf32, #tpu.memory_space<hbm>>) dst(%dma_wait3A_550 : memref<40x128xf32, #tpu.memory_space<vmem>>)
      %dma_start3A_567 = arith.constant 1 : i32
      %dma_start3A_568 = arith.constant 0 : i32
      %dma_start3A_569 = arith.constant 0 : i32
      %dma_start3A_570 = tpu.memref_slice %arg7[%rem3A_545, %dma_start3A_568, %dma_start3A_569] : memref<9x40x128xf32, #tpu.memory_space<vmem>> -> memref<1x40x128xf32, #tpu.memory_space<vmem>>
      %dma_start3A_571 = tpu.memref_squeeze %dma_start3A_570 : memref<1x40x128xf32, #tpu.memory_space<vmem>> -> memref<40x128xf32, #tpu.memory_space<vmem>>
      %dma_start3A_572 = arith.constant 0 : i32
      %dma_start3A_573 = arith.constant 0 : i32
      %dma_start3A_574 = tpu.memref_slice %arg6[%rem3A_545, %dma_start3A_572, %dma_start3A_573] : memref<9x2x40xi32, #tpu.memory_space<vmem>> -> memref<1x2x40xi32, #tpu.memory_space<vmem>>
      %dma_start3A_575 = tpu.memref_squeeze %dma_start3A_574 : memref<1x2x40xi32, #tpu.memory_space<vmem>> -> memref<2x40xi32, #tpu.memory_space<vmem>>
      %dma_start3A_576 = arith.constant 0 : i32
      %dma_start3A_577 = tpu.memref_slice %dma_start3A_575[%dma_start3A_567, %dma_start3A_576] : memref<2x40xi32, #tpu.memory_space<vmem>> -> memref<1x40xi32, #tpu.memory_space<vmem>>
      %dma_start3A_578 = tpu.memref_squeeze %dma_start3A_577 : memref<1x40xi32, #tpu.memory_space<vmem>> -> memref<40xi32, #tpu.memory_space<vmem>>
      %dma_start3A_579 = arith.constant 0 : i32
      %dma_start3A_580 = arith.constant 0 : i32
      %dma_start3A_581 = tpu.memref_slice %arg8[%dma_start3A_579, %dma_start3A_580] : memref<10240x128xf32, #tpu.memory_space<vmem_shared>> -> memref<10240x128xf32, #tpu.memory_space<vmem_shared>>
      %dma_start3A_582 = tpu.memref_slice %arg11[%rem3A_545] : memref<9x!tpu.dma_semaphore, #tpu.memory_space<semaphore_mem>> -> memref<1x!tpu.dma_semaphore, #tpu.memory_space<semaphore_mem>>
      %dma_start3A_583 = tpu.memref_squeeze %dma_start3A_582 : memref<1x!tpu.dma_semaphore, #tpu.memory_space<semaphore_mem>> -> memref<!tpu.dma_semaphore, #tpu.memory_space<semaphore_mem>>
      tpu.enqueue_indirect_dma source(%dma_start3A_571 : memref<40x128xf32, #tpu.memory_space<vmem>>) target(%dma_start3A_581 : memref<10240x128xf32, #tpu.memory_space<vmem_shared>>) offsets(%dma_start3A_578 : memref<40xi32, #tpu.memory_space<vmem>>) semaphore(%dma_start3A_583 : memref<!tpu.dma_semaphore, #tpu.memory_space<semaphore_mem>>) {add = true}
      %ge3A = arith.constant 2 : i32
      %ge3A_584 = arith.cmpi sge, %scan3A_543, %ge3A : i32
      %convert_element_type3A = arith.extui %ge3A_584 : i1 to i32
      %cond3A = arith.constant 0 : i32
      %cond3A_585 = arith.cmpi ne, %convert_element_type3A, %cond3A : i32
      scf.if %cond3A_585 {
        %sub3A = arith.constant 2 : i32
        %sub3A_600 = arith.subi %scan3A_543, %sub3A : i32
        %add3A_601 = arith.constant 9 : i32
        %add3A_602 = arith.addi %scan3A_543, %add3A_601 : i32
        %sub3A_603 = arith.constant 2 : i32
        %sub3A_604 = arith.subi %add3A_602, %sub3A_603 : i32
        %rem3A_605 = arith.constant 9 : i32
        %rem3A_606 = arith.remsi %sub3A_604, %rem3A_605 : i32
        %dma_wait3A_607 = arith.constant 1 : i32
        %dma_wait3A_608 = arith.constant 0 : i32
        %dma_wait3A_609 = arith.constant 0 : i32
        %dma_wait3A_610 = tpu.memref_slice %arg7[%rem3A_606, %dma_wait3A_608, %dma_wait3A_609] : memref<9x40x128xf32, #tpu.memory_space<vmem>> -> memref<1x40x128xf32, #tpu.memory_space<vmem>>
        %dma_wait3A_611 = tpu.memref_squeeze %dma_wait3A_610 : memref<1x40x128xf32, #tpu.memory_space<vmem>> -> memref<40x128xf32, #tpu.memory_space<vmem>>
        %dma_wait3A_612 = arith.constant 0 : i32
        %dma_wait3A_613 = arith.constant 0 : i32
        %dma_wait3A_614 = tpu.memref_slice %arg6[%rem3A_606, %dma_wait3A_612, %dma_wait3A_613] : memref<9x2x40xi32, #tpu.memory_space<vmem>> -> memref<1x2x40xi32, #tpu.memory_space<vmem>>
        %dma_wait3A_615 = tpu.memref_squeeze %dma_wait3A_614 : memref<1x2x40xi32, #tpu.memory_space<vmem>> -> memref<2x40xi32, #tpu.memory_space<vmem>>
        %dma_wait3A_616 = arith.constant 0 : i32
        %dma_wait3A_617 = tpu.memref_slice %dma_wait3A_615[%dma_wait3A_607, %dma_wait3A_616] : memref<2x40xi32, #tpu.memory_space<vmem>> -> memref<1x40xi32, #tpu.memory_space<vmem>>
        %dma_wait3A_618 = tpu.memref_squeeze %dma_wait3A_617 : memref<1x40xi32, #tpu.memory_space<vmem>> -> memref<40xi32, #tpu.memory_space<vmem>>
        %dma_wait3A_619 = arith.constant 0 : i32
        %dma_wait3A_620 = arith.constant 0 : i32
        %dma_wait3A_621 = tpu.memref_slice %arg8[%dma_wait3A_619, %dma_wait3A_620] : memref<10240x128xf32, #tpu.memory_space<vmem_shared>> -> memref<10240x128xf32, #tpu.memory_space<vmem_shared>>
        %dma_wait3A_622 = tpu.memref_slice %arg11[%rem3A_606] : memref<9x!tpu.dma_semaphore, #tpu.memory_space<semaphore_mem>> -> memref<1x!tpu.dma_semaphore, #tpu.memory_space<semaphore_mem>>
        %dma_wait3A_623 = tpu.memref_squeeze %dma_wait3A_622 : memref<1x!tpu.dma_semaphore, #tpu.memory_space<semaphore_mem>> -> memref<!tpu.dma_semaphore, #tpu.memory_space<semaphore_mem>>
        tpu.wait_indirect_dma semaphore(%dma_wait3A_623 : memref<!tpu.dma_semaphore, #tpu.memory_space<semaphore_mem>>) src(%dma_wait3A_611 : memref<40x128xf32, #tpu.memory_space<vmem>>) dst(%dma_wait3A_621 : memref<10240x128xf32, #tpu.memory_space<vmem_shared>>)
      } else {
      }
      %add3A_586 = arith.constant 5 : i32
      %add3A_587 = arith.addi %scan3A_543, %add3A_586 : i32
      %lt3A = arith.constant 250 : i32
      %lt3A_588 = arith.cmpi slt, %add3A_587, %lt3A : i32
      %convert_element_type3A_589 = arith.extui %lt3A_588 : i1 to i32
      %cond3A_590 = arith.constant 0 : i32
      %cond3A_591 = arith.cmpi ne, %convert_element_type3A_589, %cond3A_590 : i32
      scf.if %cond3A_591 {
        %add3A_600 = arith.constant 5 : i32
        %add3A_601 = arith.addi %scan3A_543, %add3A_600 : i32
        %rem3A_602 = arith.constant 9 : i32
        %rem3A_603 = arith.remsi %add3A_601, %rem3A_602 : i32
        %add3A_604 = arith.constant 5 : i32
        %add3A_605 = arith.addi %scan3A_543, %add3A_604 : i32
        %dma_wait3A_606 = arith.constant 0 : i32
        %dma_wait3A_607 = arith.constant 0 : i32
        %dma_wait3A_608 = tpu.memref_slice %arg6[%rem3A_603, %dma_wait3A_606, %dma_wait3A_607] : memref<9x2x40xi32, #tpu.memory_space<vmem>> -> memref<1x2x40xi32, #tpu.memory_space<vmem>>
        %dma_wait3A_609 = tpu.memref_squeeze %dma_wait3A_608 : memref<1x2x40xi32, #tpu.memory_space<vmem>> -> memref<2x40xi32, #tpu.memory_space<vmem>>
        %dma_wait3A_610 = arith.constant 0 : i32
        %dma_wait3A_611 = arith.constant 0 : i32
        %dma_wait3A_612 = arith.constant 0 : i32
        %dma_wait3A_613 = tpu.memref_slice %arg3[%arg1, %dma_wait3A_610, %dma_wait3A_611, %dma_wait3A_612] : memref<16x250x2x40xi32, #tpu.memory_space<hbm>> -> memref<1x250x2x40xi32, #tpu.memory_space<hbm>>
        %dma_wait3A_614 = tpu.memref_squeeze %dma_wait3A_613 : memref<1x250x2x40xi32, #tpu.memory_space<hbm>> -> memref<250x2x40xi32, #tpu.memory_space<hbm>>
        %dma_wait3A_615 = arith.constant 0 : i32
        %dma_wait3A_616 = arith.constant 0 : i32
        %dma_wait3A_617 = tpu.memref_slice %dma_wait3A_614[%add3A_605, %dma_wait3A_615, %dma_wait3A_616] : memref<250x2x40xi32, #tpu.memory_space<hbm>> -> memref<1x2x40xi32, #tpu.memory_space<hbm>>
        %dma_wait3A_618 = tpu.memref_squeeze %dma_wait3A_617 : memref<1x2x40xi32, #tpu.memory_space<hbm>> -> memref<2x40xi32, #tpu.memory_space<hbm>>
        %dma_wait3A_619 = tpu.memref_slice %arg9[%rem3A_603] : memref<9x!tpu.dma_semaphore, #tpu.memory_space<semaphore_mem>> -> memref<1x!tpu.dma_semaphore, #tpu.memory_space<semaphore_mem>>
        %dma_wait3A_620 = tpu.memref_squeeze %dma_wait3A_619 : memref<1x!tpu.dma_semaphore, #tpu.memory_space<semaphore_mem>> -> memref<!tpu.dma_semaphore, #tpu.memory_space<semaphore_mem>>
        %dma_wait3A_621 = arith.constant 0 : i32
        %dma_wait3A_622 = arith.constant 0 : i32
        %dma_wait3A_623 = tpu.memref_slice %arg6[%rem3A_603, %dma_wait3A_621, %dma_wait3A_622] : memref<9x2x40xi32, #tpu.memory_space<vmem>> -> memref<1x2x40xi32, #tpu.memory_space<vmem>>
        %dma_wait3A_624 = tpu.memref_squeeze %dma_wait3A_623 : memref<1x2x40xi32, #tpu.memory_space<vmem>> -> memref<2x40xi32, #tpu.memory_space<vmem>>
        %dma_wait3A_625 = arith.constant 0 : i32
        %dma_wait3A_626 = arith.constant 0 : i32
        %dma_wait3A_627 = arith.constant 0 : i32
        %dma_wait3A_628 = tpu.memref_slice %arg3[%arg1, %dma_wait3A_625, %dma_wait3A_626, %dma_wait3A_627] : memref<16x250x2x40xi32, #tpu.memory_space<hbm>> -> memref<1x250x2x40xi32, #tpu.memory_space<hbm>>
        %dma_wait3A_629 = tpu.memref_squeeze %dma_wait3A_628 : memref<1x250x2x40xi32, #tpu.memory_space<hbm>> -> memref<250x2x40xi32, #tpu.memory_space<hbm>>
        %dma_wait3A_630 = arith.constant 0 : i32
        %dma_wait3A_631 = arith.constant 0 : i32
        %dma_wait3A_632 = tpu.memref_slice %dma_wait3A_629[%add3A_605, %dma_wait3A_630, %dma_wait3A_631] : memref<250x2x40xi32, #tpu.memory_space<hbm>> -> memref<1x2x40xi32, #tpu.memory_space<hbm>>
        %dma_wait3A_633 = tpu.memref_squeeze %dma_wait3A_632 : memref<1x2x40xi32, #tpu.memory_space<hbm>> -> memref<2x40xi32, #tpu.memory_space<hbm>>
        tpu.wait_dma2 semaphore(%dma_wait3A_620 : memref<!tpu.dma_semaphore, #tpu.memory_space<semaphore_mem>>) src(%dma_wait3A_633 : memref<2x40xi32, #tpu.memory_space<hbm>>) dst(%dma_wait3A_624 : memref<2x40xi32, #tpu.memory_space<vmem>>)
        %add3A_634 = arith.constant 5 : i32
        %add3A_635 = arith.addi %scan3A_543, %add3A_634 : i32
        %dma_start3A_636 = arith.constant 0 : i32
        %dma_start3A_637 = arith.constant 0 : i32
        %dma_start3A_638 = arith.constant 0 : i32
        %dma_start3A_639 = tpu.memref_slice %arg7[%rem3A_603, %dma_start3A_637, %dma_start3A_638] : memref<9x40x128xf32, #tpu.memory_space<vmem>> -> memref<1x40x128xf32, #tpu.memory_space<vmem>>
        %dma_start3A_640 = tpu.memref_squeeze %dma_start3A_639 : memref<1x40x128xf32, #tpu.memory_space<vmem>> -> memref<40x128xf32, #tpu.memory_space<vmem>>
        %dma_start3A_641 = arith.constant 0 : i32
        %dma_start3A_642 = arith.constant 0 : i32
        %dma_start3A_643 = tpu.memref_slice %arg6[%rem3A_603, %dma_start3A_641, %dma_start3A_642] : memref<9x2x40xi32, #tpu.memory_space<vmem>> -> memref<1x2x40xi32, #tpu.memory_space<vmem>>
        %dma_start3A_644 = tpu.memref_squeeze %dma_start3A_643 : memref<1x2x40xi32, #tpu.memory_space<vmem>> -> memref<2x40xi32, #tpu.memory_space<vmem>>
        %dma_start3A_645 = arith.constant 0 : i32
        %dma_start3A_646 = tpu.memref_slice %dma_start3A_644[%dma_start3A_636, %dma_start3A_645] : memref<2x40xi32, #tpu.memory_space<vmem>> -> memref<1x40xi32, #tpu.memory_space<vmem>>
        %dma_start3A_647 = tpu.memref_squeeze %dma_start3A_646 : memref<1x40xi32, #tpu.memory_space<vmem>> -> memref<40xi32, #tpu.memory_space<vmem>>
        %dma_start3A_648 = arith.constant 0 : i32
        %dma_start3A_649 = arith.constant 0 : i32
        %dma_start3A_650 = tpu.memref_slice %arg2[%add3A_0, %dma_start3A_648, %dma_start3A_649] : memref<2x10240x128xf32, #tpu.memory_space<hbm>> -> memref<1x10240x128xf32, #tpu.memory_space<hbm>>
        %dma_start3A_651 = tpu.memref_squeeze %dma_start3A_650 : memref<1x10240x128xf32, #tpu.memory_space<hbm>> -> memref<10240x128xf32, #tpu.memory_space<hbm>>
        %dma_start3A_652 = arith.constant 0 : i32
        %dma_start3A_653 = arith.constant 0 : i32
        %dma_start3A_654 = tpu.memref_slice %dma_start3A_651[%dma_start3A_652, %dma_start3A_653] : memref<10240x128xf32, #tpu.memory_space<hbm>> -> memref<10240x128xf32, #tpu.memory_space<hbm>>
        %dma_start3A_655 = tpu.memref_slice %arg10[%rem3A_603] : memref<9x!tpu.dma_semaphore, #tpu.memory_space<semaphore_mem>> -> memref<1x!tpu.dma_semaphore, #tpu.memory_space<semaphore_mem>>
        %dma_start3A_656 = tpu.memref_squeeze %dma_start3A_655 : memref<1x!tpu.dma_semaphore, #tpu.memory_space<semaphore_mem>> -> memref<!tpu.dma_semaphore, #tpu.memory_space<semaphore_mem>>
        tpu.enqueue_indirect_dma source(%dma_start3A_654 : memref<10240x128xf32, #tpu.memory_space<hbm>>) target(%dma_start3A_640 : memref<40x128xf32, #tpu.memory_space<vmem>>) offsets(%dma_start3A_647 : memref<40xi32, #tpu.memory_space<vmem>>) semaphore(%dma_start3A_656 : memref<!tpu.dma_semaphore, #tpu.memory_space<semaphore_mem>>)
      } else {
      }
      %add3A_592 = arith.constant 7 : i32
      %add3A_593 = arith.addi %scan3A_543, %add3A_592 : i32
      %lt3A_594 = arith.constant 250 : i32
      %lt3A_595 = arith.cmpi slt, %add3A_593, %lt3A_594 : i32
      %convert_element_type3A_596 = arith.extui %lt3A_595 : i1 to i32
      %cond3A_597 = arith.constant 0 : i32
      %cond3A_598 = arith.cmpi ne, %convert_element_type3A_596, %cond3A_597 : i32
      scf.if %cond3A_598 {
        %add3A_600 = arith.constant 7 : i32
        %add3A_601 = arith.addi %scan3A_543, %add3A_600 : i32
        %add3A_602 = arith.constant 7 : i32
        %add3A_603 = arith.addi %scan3A_543, %add3A_602 : i32
        %rem3A_604 = arith.constant 9 : i32
        %rem3A_605 = arith.remsi %add3A_603, %rem3A_604 : i32
        %dma_start3A_606 = arith.constant 0 : i32
        %dma_start3A_607 = arith.constant 0 : i32
        %dma_start3A_608 = tpu.memref_slice %arg6[%rem3A_605, %dma_start3A_606, %dma_start3A_607] : memref<9x2x40xi32, #tpu.memory_space<vmem>> -> memref<1x2x40xi32, #tpu.memory_space<vmem>>
        %dma_start3A_609 = tpu.memref_squeeze %dma_start3A_608 : memref<1x2x40xi32, #tpu.memory_space<vmem>> -> memref<2x40xi32, #tpu.memory_space<vmem>>
        %dma_start3A_610 = arith.constant 0 : i32
        %dma_start3A_611 = arith.constant 0 : i32
        %dma_start3A_612 = arith.constant 0 : i32
        %dma_start3A_613 = tpu.memref_slice %arg3[%arg1, %dma_start3A_610, %dma_start3A_611, %dma_start3A_612] : memref<16x250x2x40xi32, #tpu.memory_space<hbm>> -> memref<1x250x2x40xi32, #tpu.memory_space<hbm>>
        %dma_start3A_614 = tpu.memref_squeeze %dma_start3A_613 : memref<1x250x2x40xi32, #tpu.memory_space<hbm>> -> memref<250x2x40xi32, #tpu.memory_space<hbm>>
        %dma_start3A_615 = arith.constant 0 : i32
        %dma_start3A_616 = arith.constant 0 : i32
        %dma_start3A_617 = tpu.memref_slice %dma_start3A_614[%add3A_601, %dma_start3A_615, %dma_start3A_616] : memref<250x2x40xi32, #tpu.memory_space<hbm>> -> memref<1x2x40xi32, #tpu.memory_space<hbm>>
        %dma_start3A_618 = tpu.memref_squeeze %dma_start3A_617 : memref<1x2x40xi32, #tpu.memory_space<hbm>> -> memref<2x40xi32, #tpu.memory_space<hbm>>
        %dma_start3A_619 = tpu.memref_slice %arg9[%rem3A_605] : memref<9x!tpu.dma_semaphore, #tpu.memory_space<semaphore_mem>> -> memref<1x!tpu.dma_semaphore, #tpu.memory_space<semaphore_mem>>
        %dma_start3A_620 = tpu.memref_squeeze %dma_start3A_619 : memref<1x!tpu.dma_semaphore, #tpu.memory_space<semaphore_mem>> -> memref<!tpu.dma_semaphore, #tpu.memory_space<semaphore_mem>>
        %dma_start3A_621 = arith.constant 0 : i32
        %dma_start3A_622 = arith.constant 0 : i32
        %dma_start3A_623 = tpu.memref_slice %arg6[%rem3A_605, %dma_start3A_621, %dma_start3A_622] : memref<9x2x40xi32, #tpu.memory_space<vmem>> -> memref<1x2x40xi32, #tpu.memory_space<vmem>>
        %dma_start3A_624 = tpu.memref_squeeze %dma_start3A_623 : memref<1x2x40xi32, #tpu.memory_space<vmem>> -> memref<2x40xi32, #tpu.memory_space<vmem>>
        %dma_start3A_625 = arith.constant 0 : i32
        %dma_start3A_626 = arith.constant 0 : i32
        %dma_start3A_627 = arith.constant 0 : i32
        %dma_start3A_628 = tpu.memref_slice %arg3[%arg1, %dma_start3A_625, %dma_start3A_626, %dma_start3A_627] : memref<16x250x2x40xi32, #tpu.memory_space<hbm>> -> memref<1x250x2x40xi32, #tpu.memory_space<hbm>>
        %dma_start3A_629 = tpu.memref_squeeze %dma_start3A_628 : memref<1x250x2x40xi32, #tpu.memory_space<hbm>> -> memref<250x2x40xi32, #tpu.memory_space<hbm>>
        %dma_start3A_630 = arith.constant 0 : i32
        %dma_start3A_631 = arith.constant 0 : i32
        %dma_start3A_632 = tpu.memref_slice %dma_start3A_629[%add3A_601, %dma_start3A_630, %dma_start3A_631] : memref<250x2x40xi32, #tpu.memory_space<hbm>> -> memref<1x2x40xi32, #tpu.memory_space<hbm>>
        %dma_start3A_633 = tpu.memref_squeeze %dma_start3A_632 : memref<1x2x40xi32, #tpu.memory_space<hbm>> -> memref<2x40xi32, #tpu.memory_space<hbm>>
        tpu.enqueue_dma source(%dma_start3A_633 : memref<2x40xi32, #tpu.memory_space<hbm>>) target(%dma_start3A_624 : memref<2x40xi32, #tpu.memory_space<vmem>>) target_semaphore(%dma_start3A_620 : memref<!tpu.dma_semaphore, #tpu.memory_space<semaphore_mem>>)
      } else {
      }
      %scan3A_599 = arith.constant 0 : i32
      scf.yield %scan3A_599 : i32
    }
    %scan3A_497 = arith.constant 250 : i32
    %dma_wait3A_498 = arith.constant 5 : i32
    %dma_wait3A_499 = arith.constant 5 : i32
    %dma_wait3A_500 = arith.constant 1 : i32
    %dma_wait3A_501 = arith.constant 5 : i32
    %dma_wait3A_502 = arith.constant 0 : i32
    %dma_wait3A_503 = arith.constant 0 : i32
    %dma_wait3A_504 = tpu.memref_slice %arg7[%dma_wait3A_498, %dma_wait3A_502, %dma_wait3A_503] : memref<9x40x128xf32, #tpu.memory_space<vmem>> -> memref<1x40x128xf32, #tpu.memory_space<vmem>>
    %dma_wait3A_505 = tpu.memref_squeeze %dma_wait3A_504 : memref<1x40x128xf32, #tpu.memory_space<vmem>> -> memref<40x128xf32, #tpu.memory_space<vmem>>
    %dma_wait3A_506 = arith.constant 0 : i32
    %dma_wait3A_507 = arith.constant 0 : i32
    %dma_wait3A_508 = tpu.memref_slice %arg6[%dma_wait3A_499, %dma_wait3A_506, %dma_wait3A_507] : memref<9x2x40xi32, #tpu.memory_space<vmem>> -> memref<1x2x40xi32, #tpu.memory_space<vmem>>
    %dma_wait3A_509 = tpu.memref_squeeze %dma_wait3A_508 : memref<1x2x40xi32, #tpu.memory_space<vmem>> -> memref<2x40xi32, #tpu.memory_space<vmem>>
    %dma_wait3A_510 = arith.constant 0 : i32
    %dma_wait3A_511 = tpu.memref_slice %dma_wait3A_509[%dma_wait3A_500, %dma_wait3A_510] : memref<2x40xi32, #tpu.memory_space<vmem>> -> memref<1x40xi32, #tpu.memory_space<vmem>>
    %dma_wait3A_512 = tpu.memref_squeeze %dma_wait3A_511 : memref<1x40xi32, #tpu.memory_space<vmem>> -> memref<40xi32, #tpu.memory_space<vmem>>
    %dma_wait3A_513 = arith.constant 0 : i32
    %dma_wait3A_514 = arith.constant 0 : i32
    %dma_wait3A_515 = tpu.memref_slice %arg8[%dma_wait3A_513, %dma_wait3A_514] : memref<10240x128xf32, #tpu.memory_space<vmem_shared>> -> memref<10240x128xf32, #tpu.memory_space<vmem_shared>>
    %dma_wait3A_516 = tpu.memref_slice %arg11[%dma_wait3A_501] : memref<9x!tpu.dma_semaphore, #tpu.memory_space<semaphore_mem>> -> memref<1x!tpu.dma_semaphore, #tpu.memory_space<semaphore_mem>>
    %dma_wait3A_517 = tpu.memref_squeeze %dma_wait3A_516 : memref<1x!tpu.dma_semaphore, #tpu.memory_space<semaphore_mem>> -> memref<!tpu.dma_semaphore, #tpu.memory_space<semaphore_mem>>
    tpu.wait_indirect_dma semaphore(%dma_wait3A_517 : memref<!tpu.dma_semaphore, #tpu.memory_space<semaphore_mem>>) src(%dma_wait3A_505 : memref<40x128xf32, #tpu.memory_space<vmem>>) dst(%dma_wait3A_515 : memref<10240x128xf32, #tpu.memory_space<vmem_shared>>)
    %dma_wait3A_518 = arith.constant 6 : i32
    %dma_wait3A_519 = arith.constant 6 : i32
    %dma_wait3A_520 = arith.constant 1 : i32
    %dma_wait3A_521 = arith.constant 6 : i32
    %dma_wait3A_522 = arith.constant 0 : i32
    %dma_wait3A_523 = arith.constant 0 : i32
    %dma_wait3A_524 = tpu.memref_slice %arg7[%dma_wait3A_518, %dma_wait3A_522, %dma_wait3A_523] : memref<9x40x128xf32, #tpu.memory_space<vmem>> -> memref<1x40x128xf32, #tpu.memory_space<vmem>>
    %dma_wait3A_525 = tpu.memref_squeeze %dma_wait3A_524 : memref<1x40x128xf32, #tpu.memory_space<vmem>> -> memref<40x128xf32, #tpu.memory_space<vmem>>
    %dma_wait3A_526 = arith.constant 0 : i32
    %dma_wait3A_527 = arith.constant 0 : i32
    %dma_wait3A_528 = tpu.memref_slice %arg6[%dma_wait3A_519, %dma_wait3A_526, %dma_wait3A_527] : memref<9x2x40xi32, #tpu.memory_space<vmem>> -> memref<1x2x40xi32, #tpu.memory_space<vmem>>
    %dma_wait3A_529 = tpu.memref_squeeze %dma_wait3A_528 : memref<1x2x40xi32, #tpu.memory_space<vmem>> -> memref<2x40xi32, #tpu.memory_space<vmem>>
    %dma_wait3A_530 = arith.constant 0 : i32
    %dma_wait3A_531 = tpu.memref_slice %dma_wait3A_529[%dma_wait3A_520, %dma_wait3A_530] : memref<2x40xi32, #tpu.memory_space<vmem>> -> memref<1x40xi32, #tpu.memory_space<vmem>>
    %dma_wait3A_532 = tpu.memref_squeeze %dma_wait3A_531 : memref<1x40xi32, #tpu.memory_space<vmem>> -> memref<40xi32, #tpu.memory_space<vmem>>
    %dma_wait3A_533 = arith.constant 0 : i32
    %dma_wait3A_534 = arith.constant 0 : i32
    %dma_wait3A_535 = tpu.memref_slice %arg8[%dma_wait3A_533, %dma_wait3A_534] : memref<10240x128xf32, #tpu.memory_space<vmem_shared>> -> memref<10240x128xf32, #tpu.memory_space<vmem_shared>>
    %dma_wait3A_536 = tpu.memref_slice %arg11[%dma_wait3A_521] : memref<9x!tpu.dma_semaphore, #tpu.memory_space<semaphore_mem>> -> memref<1x!tpu.dma_semaphore, #tpu.memory_space<semaphore_mem>>
    %dma_wait3A_537 = tpu.memref_squeeze %dma_wait3A_536 : memref<1x!tpu.dma_semaphore, #tpu.memory_space<semaphore_mem>> -> memref<!tpu.dma_semaphore, #tpu.memory_space<semaphore_mem>>
    tpu.wait_indirect_dma semaphore(%dma_wait3A_537 : memref<!tpu.dma_semaphore, #tpu.memory_space<semaphore_mem>>) src(%dma_wait3A_525 : memref<40x128xf32, #tpu.memory_space<vmem>>) dst(%dma_wait3A_535 : memref<10240x128xf32, #tpu.memory_space<vmem_shared>>)
    %barrier3A_538 = arith.constant 0 : index
    tpu.barrier barrier_id(%barrier3A_538)
    %mul3A_539 = arith.constant 640 : i32
    %mul3A_540 = arith.muli %mul3A_539, %arg1 : i32
    %mul3A_541 = arith.constant 640 : i32
    %mul3A_542 = arith.muli %mul3A_541, %arg1 : i32
    "tpu.region"() ({
      %run_scoped3A = tpu.sem_alloc : memref<!tpu.dma_semaphore, #tpu.memory_space<semaphore_mem>>
      %dma_start3A_543 = arith.constant 0 : i32
      %dma_start3A_544 = arith.constant 0 : i32
      %dma_start3A_545 = tpu.memref_slice %arg5[%add3A_0, %dma_start3A_543, %dma_start3A_544] : memref<2x10240x128xf32, #tpu.memory_space<hbm>> -> memref<1x10240x128xf32, #tpu.memory_space<hbm>>
      %dma_start3A_546 = tpu.memref_squeeze %dma_start3A_545 : memref<1x10240x128xf32, #tpu.memory_space<hbm>> -> memref<10240x128xf32, #tpu.memory_space<hbm>>
      %dma_start3A_547 = arith.constant 0 : i32
      %dma_start3A_548 = tpu.memref_slice %dma_start3A_546[%mul3A_542, %dma_start3A_547] : memref<10240x128xf32, #tpu.memory_space<hbm>> -> memref<640x128xf32, #tpu.memory_space<hbm>>
      %dma_start3A_549 = arith.constant 0 : i32
      %dma_start3A_550 = tpu.memref_slice %arg8[%mul3A_540, %dma_start3A_549] : memref<10240x128xf32, #tpu.memory_space<vmem_shared>> -> memref<640x128xf32, #tpu.memory_space<vmem_shared>>
      tpu.enqueue_dma source(%dma_start3A_550 : memref<640x128xf32, #tpu.memory_space<vmem_shared>>) target(%dma_start3A_548 : memref<640x128xf32, #tpu.memory_space<hbm>>) target_semaphore(%run_scoped3A : memref<!tpu.dma_semaphore, #tpu.memory_space<semaphore_mem>>)
      %dma_wait3A_551 = arith.constant 0 : i32
      %dma_wait3A_552 = arith.constant 0 : i32
      %dma_wait3A_553 = tpu.memref_slice %arg5[%add3A_0, %dma_wait3A_551, %dma_wait3A_552] : memref<2x10240x128xf32, #tpu.memory_space<hbm>> -> memref<1x10240x128xf32, #tpu.memory_space<hbm>>
      %dma_wait3A_554 = tpu.memref_squeeze %dma_wait3A_553 : memref<1x10240x128xf32, #tpu.memory_space<hbm>> -> memref<10240x128xf32, #tpu.memory_space<hbm>>
      %dma_wait3A_555 = arith.constant 0 : i32
      %dma_wait3A_556 = tpu.memref_slice %dma_wait3A_554[%mul3A_542, %dma_wait3A_555] : memref<10240x128xf32, #tpu.memory_space<hbm>> -> memref<640x128xf32, #tpu.memory_space<hbm>>
      %dma_wait3A_557 = arith.constant 0 : i32
      %dma_wait3A_558 = tpu.memref_slice %arg8[%mul3A_540, %dma_wait3A_557] : memref<10240x128xf32, #tpu.memory_space<vmem_shared>> -> memref<640x128xf32, #tpu.memory_space<vmem_shared>>
      tpu.wait_dma2 semaphore(%run_scoped3A : memref<!tpu.dma_semaphore, #tpu.memory_space<semaphore_mem>>) src(%dma_wait3A_558 : memref<640x128xf32, #tpu.memory_space<vmem_shared>>) dst(%dma_wait3A_556 : memref<640x128xf32, #tpu.memory_space<hbm>>)
      tpu.yield
    }) : () -> ()
    return
  }
}

#map = affine_map<(d0, d1) -> (0, 0, 0)>
#map1 = affine_map<(d0, d1) -> (0, 0, 0, 0, 0)>
#map2 = affine_map<(d0, d1) -> (0, 0)>
module attributes {stable_mosaic.version = 14 : i64} {
  func.func @body(%arg0: i32, %arg1: i32, %arg2: memref<1x10240x128xf32, #tpu.memory_space<hbm>>, %arg3: memref<2x16x125x2x40xi32, #tpu.memory_space<hbm>>, %arg4: memref<640x128xf32, #tpu.memory_space<hbm>>, %arg5: memref<2x10240x128xf32, #tpu.memory_space<hbm>>, %arg6: memref<9x2x40xi32, #tpu.memory_space<vmem>>, %arg7: memref<9x40x128xf32, #tpu.memory_space<vmem>>, %arg8: memref<10240x128xf32, #tpu.memory_space<vmem_shared>>, %arg9: memref<9x!tpu.dma_semaphore, #tpu.memory_space<semaphore_mem>>, %arg10: memref<9x!tpu.dma_semaphore, #tpu.memory_space<semaphore_mem>>, %arg11: memref<9x!tpu.dma_semaphore, #tpu.memory_space<semaphore_mem>>) attributes {dimension_semantics = [#tpu.dimension_semantics<core_parallel>, #tpu.dimension_semantics<subcore_parallel>], iteration_bounds = array<i64: 2, 16>, scalar_prefetch = 0 : i64, scratch_operands = 6 : i64, tpu.core_type = #tpu.core_type<sc_vector_subcore>, window_params = [{transform_indices = #map}, {transform_indices = #map1}, {transform_indices = #map2}, {transform_indices = #map}]} {
    %dma_start3A = arith.constant 0 : i32
    %dma_start3A_0 = arith.constant 0 : i32
    %dma_start3A_1 = arith.constant 0 : i32
    %dma_start3A_2 = arith.constant 0 : i32
    %dma_start3A_3 = arith.constant 0 : i32
    %dma_start3A_4 = tpu.memref_slice %arg6[%dma_start3A_0, %dma_start3A_2, %dma_start3A_3] : memref<9x2x40xi32, #tpu.memory_space<vmem>> -> memref<1x2x40xi32, #tpu.memory_space<vmem>>
    %dma_start3A_5 = tpu.memref_squeeze %dma_start3A_4 : memref<1x2x40xi32, #tpu.memory_space<vmem>> -> memref<2x40xi32, #tpu.memory_space<vmem>>
    %dma_start3A_6 = arith.constant 0 : i32
    %dma_start3A_7 = arith.constant 0 : i32
    %dma_start3A_8 = arith.constant 0 : i32
    %dma_start3A_9 = arith.constant 0 : i32
    %dma_start3A_10 = tpu.memref_slice %arg3[%arg0, %dma_start3A_6, %dma_start3A_7, %dma_start3A_8, %dma_start3A_9] : memref<2x16x125x2x40xi32, #tpu.memory_space<hbm>> -> memref<1x16x125x2x40xi32, #tpu.memory_space<hbm>>
    %dma_start3A_11 = tpu.memref_squeeze %dma_start3A_10 : memref<1x16x125x2x40xi32, #tpu.memory_space<hbm>> -> memref<16x125x2x40xi32, #tpu.memory_space<hbm>>
    %dma_start3A_12 = arith.constant 0 : i32
    %dma_start3A_13 = arith.constant 0 : i32
    %dma_start3A_14 = arith.constant 0 : i32
    %dma_start3A_15 = tpu.memref_slice %dma_start3A_11[%arg1, %dma_start3A_12, %dma_start3A_13, %dma_start3A_14] : memref<16x125x2x40xi32, #tpu.memory_space<hbm>> -> memref<1x125x2x40xi32, #tpu.memory_space<hbm>>
    %dma_start3A_16 = tpu.memref_squeeze %dma_start3A_15 : memref<1x125x2x40xi32, #tpu.memory_space<hbm>> -> memref<125x2x40xi32, #tpu.memory_space<hbm>>
    %dma_start3A_17 = arith.constant 0 : i32
    %dma_start3A_18 = arith.constant 0 : i32
    %dma_start3A_19 = tpu.memref_slice %dma_start3A_16[%dma_start3A, %dma_start3A_17, %dma_start3A_18] : memref<125x2x40xi32, #tpu.memory_space<hbm>> -> memref<1x2x40xi32, #tpu.memory_space<hbm>>
    %dma_start3A_20 = tpu.memref_squeeze %dma_start3A_19 : memref<1x2x40xi32, #tpu.memory_space<hbm>> -> memref<2x40xi32, #tpu.memory_space<hbm>>
    %dma_start3A_21 = tpu.memref_slice %arg9[%dma_start3A_1] : memref<9x!tpu.dma_semaphore, #tpu.memory_space<semaphore_mem>> -> memref<1x!tpu.dma_semaphore, #tpu.memory_space<semaphore_mem>>
    %dma_start3A_22 = tpu.memref_squeeze %dma_start3A_21 : memref<1x!tpu.dma_semaphore, #tpu.memory_space<semaphore_mem>> -> memref<!tpu.dma_semaphore, #tpu.memory_space<semaphore_mem>>
    %dma_start3A_23 = arith.constant 0 : i32
    %dma_start3A_24 = arith.constant 0 : i32
    %dma_start3A_25 = tpu.memref_slice %arg6[%dma_start3A_0, %dma_start3A_23, %dma_start3A_24] : memref<9x2x40xi32, #tpu.memory_space<vmem>> -> memref<1x2x40xi32, #tpu.memory_space<vmem>>
    %dma_start3A_26 = tpu.memref_squeeze %dma_start3A_25 : memref<1x2x40xi32, #tpu.memory_space<vmem>> -> memref<2x40xi32, #tpu.memory_space<vmem>>
    %dma_start3A_27 = arith.constant 0 : i32
    %dma_start3A_28 = arith.constant 0 : i32
    %dma_start3A_29 = arith.constant 0 : i32
    %dma_start3A_30 = arith.constant 0 : i32
    %dma_start3A_31 = tpu.memref_slice %arg3[%arg0, %dma_start3A_27, %dma_start3A_28, %dma_start3A_29, %dma_start3A_30] : memref<2x16x125x2x40xi32, #tpu.memory_space<hbm>> -> memref<1x16x125x2x40xi32, #tpu.memory_space<hbm>>
    %dma_start3A_32 = tpu.memref_squeeze %dma_start3A_31 : memref<1x16x125x2x40xi32, #tpu.memory_space<hbm>> -> memref<16x125x2x40xi32, #tpu.memory_space<hbm>>
    %dma_start3A_33 = arith.constant 0 : i32
    %dma_start3A_34 = arith.constant 0 : i32
    %dma_start3A_35 = arith.constant 0 : i32
    %dma_start3A_36 = tpu.memref_slice %dma_start3A_32[%arg1, %dma_start3A_33, %dma_start3A_34, %dma_start3A_35] : memref<16x125x2x40xi32, #tpu.memory_space<hbm>> -> memref<1x125x2x40xi32, #tpu.memory_space<hbm>>
    %dma_start3A_37 = tpu.memref_squeeze %dma_start3A_36 : memref<1x125x2x40xi32, #tpu.memory_space<hbm>> -> memref<125x2x40xi32, #tpu.memory_space<hbm>>
    %dma_start3A_38 = arith.constant 0 : i32
    %dma_start3A_39 = arith.constant 0 : i32
    %dma_start3A_40 = tpu.memref_slice %dma_start3A_37[%dma_start3A, %dma_start3A_38, %dma_start3A_39] : memref<125x2x40xi32, #tpu.memory_space<hbm>> -> memref<1x2x40xi32, #tpu.memory_space<hbm>>
    %dma_start3A_41 = tpu.memref_squeeze %dma_start3A_40 : memref<1x2x40xi32, #tpu.memory_space<hbm>> -> memref<2x40xi32, #tpu.memory_space<hbm>>
    tpu.enqueue_dma source(%dma_start3A_41 : memref<2x40xi32, #tpu.memory_space<hbm>>) target(%dma_start3A_26 : memref<2x40xi32, #tpu.memory_space<vmem>>) target_semaphore(%dma_start3A_22 : memref<!tpu.dma_semaphore, #tpu.memory_space<semaphore_mem>>)
    %dma_start3A_42 = arith.constant 1 : i32
    %dma_start3A_43 = arith.constant 1 : i32
    %dma_start3A_44 = arith.constant 1 : i32
    %dma_start3A_45 = arith.constant 0 : i32
    %dma_start3A_46 = arith.constant 0 : i32
    %dma_start3A_47 = tpu.memref_slice %arg6[%dma_start3A_43, %dma_start3A_45, %dma_start3A_46] : memref<9x2x40xi32, #tpu.memory_space<vmem>> -> memref<1x2x40xi32, #tpu.memory_space<vmem>>
    %dma_start3A_48 = tpu.memref_squeeze %dma_start3A_47 : memref<1x2x40xi32, #tpu.memory_space<vmem>> -> memref<2x40xi32, #tpu.memory_space<vmem>>
    %dma_start3A_49 = arith.constant 0 : i32
    %dma_start3A_50 = arith.constant 0 : i32
    %dma_start3A_51 = arith.constant 0 : i32
    %dma_start3A_52 = arith.constant 0 : i32
    %dma_start3A_53 = tpu.memref_slice %arg3[%arg0, %dma_start3A_49, %dma_start3A_50, %dma_start3A_51, %dma_start3A_52] : memref<2x16x125x2x40xi32, #tpu.memory_space<hbm>> -> memref<1x16x125x2x40xi32, #tpu.memory_space<hbm>>
    %dma_start3A_54 = tpu.memref_squeeze %dma_start3A_53 : memref<1x16x125x2x40xi32, #tpu.memory_space<hbm>> -> memref<16x125x2x40xi32, #tpu.memory_space<hbm>>
    %dma_start3A_55 = arith.constant 0 : i32
    %dma_start3A_56 = arith.constant 0 : i32
    %dma_start3A_57 = arith.constant 0 : i32
    %dma_start3A_58 = tpu.memref_slice %dma_start3A_54[%arg1, %dma_start3A_55, %dma_start3A_56, %dma_start3A_57] : memref<16x125x2x40xi32, #tpu.memory_space<hbm>> -> memref<1x125x2x40xi32, #tpu.memory_space<hbm>>
    %dma_start3A_59 = tpu.memref_squeeze %dma_start3A_58 : memref<1x125x2x40xi32, #tpu.memory_space<hbm>> -> memref<125x2x40xi32, #tpu.memory_space<hbm>>
    %dma_start3A_60 = arith.constant 0 : i32
    %dma_start3A_61 = arith.constant 0 : i32
    %dma_start3A_62 = tpu.memref_slice %dma_start3A_59[%dma_start3A_42, %dma_start3A_60, %dma_start3A_61] : memref<125x2x40xi32, #tpu.memory_space<hbm>> -> memref<1x2x40xi32, #tpu.memory_space<hbm>>
    %dma_start3A_63 = tpu.memref_squeeze %dma_start3A_62 : memref<1x2x40xi32, #tpu.memory_space<hbm>> -> memref<2x40xi32, #tpu.memory_space<hbm>>
    %dma_start3A_64 = tpu.memref_slice %arg9[%dma_start3A_44] : memref<9x!tpu.dma_semaphore, #tpu.memory_space<semaphore_mem>> -> memref<1x!tpu.dma_semaphore, #tpu.memory_space<semaphore_mem>>
    %dma_start3A_65 = tpu.memref_squeeze %dma_start3A_64 : memref<1x!tpu.dma_semaphore, #tpu.memory_space<semaphore_mem>> -> memref<!tpu.dma_semaphore, #tpu.memory_space<semaphore_mem>>
    %dma_start3A_66 = arith.constant 0 : i32
    %dma_start3A_67 = arith.constant 0 : i32
    %dma_start3A_68 = tpu.memref_slice %arg6[%dma_start3A_43, %dma_start3A_66, %dma_start3A_67] : memref<9x2x40xi32, #tpu.memory_space<vmem>> -> memref<1x2x40xi32, #tpu.memory_space<vmem>>
    %dma_start3A_69 = tpu.memref_squeeze %dma_start3A_68 : memref<1x2x40xi32, #tpu.memory_space<vmem>> -> memref<2x40xi32, #tpu.memory_space<vmem>>
    %dma_start3A_70 = arith.constant 0 : i32
    %dma_start3A_71 = arith.constant 0 : i32
    %dma_start3A_72 = arith.constant 0 : i32
    %dma_start3A_73 = arith.constant 0 : i32
    %dma_start3A_74 = tpu.memref_slice %arg3[%arg0, %dma_start3A_70, %dma_start3A_71, %dma_start3A_72, %dma_start3A_73] : memref<2x16x125x2x40xi32, #tpu.memory_space<hbm>> -> memref<1x16x125x2x40xi32, #tpu.memory_space<hbm>>
    %dma_start3A_75 = tpu.memref_squeeze %dma_start3A_74 : memref<1x16x125x2x40xi32, #tpu.memory_space<hbm>> -> memref<16x125x2x40xi32, #tpu.memory_space<hbm>>
    %dma_start3A_76 = arith.constant 0 : i32
    %dma_start3A_77 = arith.constant 0 : i32
    %dma_start3A_78 = arith.constant 0 : i32
    %dma_start3A_79 = tpu.memref_slice %dma_start3A_75[%arg1, %dma_start3A_76, %dma_start3A_77, %dma_start3A_78] : memref<16x125x2x40xi32, #tpu.memory_space<hbm>> -> memref<1x125x2x40xi32, #tpu.memory_space<hbm>>
    %dma_start3A_80 = tpu.memref_squeeze %dma_start3A_79 : memref<1x125x2x40xi32, #tpu.memory_space<hbm>> -> memref<125x2x40xi32, #tpu.memory_space<hbm>>
    %dma_start3A_81 = arith.constant 0 : i32
    %dma_start3A_82 = arith.constant 0 : i32
    %dma_start3A_83 = tpu.memref_slice %dma_start3A_80[%dma_start3A_42, %dma_start3A_81, %dma_start3A_82] : memref<125x2x40xi32, #tpu.memory_space<hbm>> -> memref<1x2x40xi32, #tpu.memory_space<hbm>>
    %dma_start3A_84 = tpu.memref_squeeze %dma_start3A_83 : memref<1x2x40xi32, #tpu.memory_space<hbm>> -> memref<2x40xi32, #tpu.memory_space<hbm>>
    tpu.enqueue_dma source(%dma_start3A_84 : memref<2x40xi32, #tpu.memory_space<hbm>>) target(%dma_start3A_69 : memref<2x40xi32, #tpu.memory_space<vmem>>) target_semaphore(%dma_start3A_65 : memref<!tpu.dma_semaphore, #tpu.memory_space<semaphore_mem>>)
    %dma_start3A_85 = arith.constant 2 : i32
    %dma_start3A_86 = arith.constant 2 : i32
    %dma_start3A_87 = arith.constant 2 : i32
    %dma_start3A_88 = arith.constant 0 : i32
    %dma_start3A_89 = arith.constant 0 : i32
    %dma_start3A_90 = tpu.memref_slice %arg6[%dma_start3A_86, %dma_start3A_88, %dma_start3A_89] : memref<9x2x40xi32, #tpu.memory_space<vmem>> -> memref<1x2x40xi32, #tpu.memory_space<vmem>>
    %dma_start3A_91 = tpu.memref_squeeze %dma_start3A_90 : memref<1x2x40xi32, #tpu.memory_space<vmem>> -> memref<2x40xi32, #tpu.memory_space<vmem>>
    %dma_start3A_92 = arith.constant 0 : i32
    %dma_start3A_93 = arith.constant 0 : i32
    %dma_start3A_94 = arith.constant 0 : i32
    %dma_start3A_95 = arith.constant 0 : i32
    %dma_start3A_96 = tpu.memref_slice %arg3[%arg0, %dma_start3A_92, %dma_start3A_93, %dma_start3A_94, %dma_start3A_95] : memref<2x16x125x2x40xi32, #tpu.memory_space<hbm>> -> memref<1x16x125x2x40xi32, #tpu.memory_space<hbm>>
    %dma_start3A_97 = tpu.memref_squeeze %dma_start3A_96 : memref<1x16x125x2x40xi32, #tpu.memory_space<hbm>> -> memref<16x125x2x40xi32, #tpu.memory_space<hbm>>
    %dma_start3A_98 = arith.constant 0 : i32
    %dma_start3A_99 = arith.constant 0 : i32
    %dma_start3A_100 = arith.constant 0 : i32
    %dma_start3A_101 = tpu.memref_slice %dma_start3A_97[%arg1, %dma_start3A_98, %dma_start3A_99, %dma_start3A_100] : memref<16x125x2x40xi32, #tpu.memory_space<hbm>> -> memref<1x125x2x40xi32, #tpu.memory_space<hbm>>
    %dma_start3A_102 = tpu.memref_squeeze %dma_start3A_101 : memref<1x125x2x40xi32, #tpu.memory_space<hbm>> -> memref<125x2x40xi32, #tpu.memory_space<hbm>>
    %dma_start3A_103 = arith.constant 0 : i32
    %dma_start3A_104 = arith.constant 0 : i32
    %dma_start3A_105 = tpu.memref_slice %dma_start3A_102[%dma_start3A_85, %dma_start3A_103, %dma_start3A_104] : memref<125x2x40xi32, #tpu.memory_space<hbm>> -> memref<1x2x40xi32, #tpu.memory_space<hbm>>
    %dma_start3A_106 = tpu.memref_squeeze %dma_start3A_105 : memref<1x2x40xi32, #tpu.memory_space<hbm>> -> memref<2x40xi32, #tpu.memory_space<hbm>>
    %dma_start3A_107 = tpu.memref_slice %arg9[%dma_start3A_87] : memref<9x!tpu.dma_semaphore, #tpu.memory_space<semaphore_mem>> -> memref<1x!tpu.dma_semaphore, #tpu.memory_space<semaphore_mem>>
    %dma_start3A_108 = tpu.memref_squeeze %dma_start3A_107 : memref<1x!tpu.dma_semaphore, #tpu.memory_space<semaphore_mem>> -> memref<!tpu.dma_semaphore, #tpu.memory_space<semaphore_mem>>
    %dma_start3A_109 = arith.constant 0 : i32
    %dma_start3A_110 = arith.constant 0 : i32
    %dma_start3A_111 = tpu.memref_slice %arg6[%dma_start3A_86, %dma_start3A_109, %dma_start3A_110] : memref<9x2x40xi32, #tpu.memory_space<vmem>> -> memref<1x2x40xi32, #tpu.memory_space<vmem>>
    %dma_start3A_112 = tpu.memref_squeeze %dma_start3A_111 : memref<1x2x40xi32, #tpu.memory_space<vmem>> -> memref<2x40xi32, #tpu.memory_space<vmem>>
    %dma_start3A_113 = arith.constant 0 : i32
    %dma_start3A_114 = arith.constant 0 : i32
    %dma_start3A_115 = arith.constant 0 : i32
    %dma_start3A_116 = arith.constant 0 : i32
    %dma_start3A_117 = tpu.memref_slice %arg3[%arg0, %dma_start3A_113, %dma_start3A_114, %dma_start3A_115, %dma_start3A_116] : memref<2x16x125x2x40xi32, #tpu.memory_space<hbm>> -> memref<1x16x125x2x40xi32, #tpu.memory_space<hbm>>
    %dma_start3A_118 = tpu.memref_squeeze %dma_start3A_117 : memref<1x16x125x2x40xi32, #tpu.memory_space<hbm>> -> memref<16x125x2x40xi32, #tpu.memory_space<hbm>>
    %dma_start3A_119 = arith.constant 0 : i32
    %dma_start3A_120 = arith.constant 0 : i32
    %dma_start3A_121 = arith.constant 0 : i32
    %dma_start3A_122 = tpu.memref_slice %dma_start3A_118[%arg1, %dma_start3A_119, %dma_start3A_120, %dma_start3A_121] : memref<16x125x2x40xi32, #tpu.memory_space<hbm>> -> memref<1x125x2x40xi32, #tpu.memory_space<hbm>>
    %dma_start3A_123 = tpu.memref_squeeze %dma_start3A_122 : memref<1x125x2x40xi32, #tpu.memory_space<hbm>> -> memref<125x2x40xi32, #tpu.memory_space<hbm>>
    %dma_start3A_124 = arith.constant 0 : i32
    %dma_start3A_125 = arith.constant 0 : i32
    %dma_start3A_126 = tpu.memref_slice %dma_start3A_123[%dma_start3A_85, %dma_start3A_124, %dma_start3A_125] : memref<125x2x40xi32, #tpu.memory_space<hbm>> -> memref<1x2x40xi32, #tpu.memory_space<hbm>>
    %dma_start3A_127 = tpu.memref_squeeze %dma_start3A_126 : memref<1x2x40xi32, #tpu.memory_space<hbm>> -> memref<2x40xi32, #tpu.memory_space<hbm>>
    tpu.enqueue_dma source(%dma_start3A_127 : memref<2x40xi32, #tpu.memory_space<hbm>>) target(%dma_start3A_112 : memref<2x40xi32, #tpu.memory_space<vmem>>) target_semaphore(%dma_start3A_108 : memref<!tpu.dma_semaphore, #tpu.memory_space<semaphore_mem>>)
    %dma_start3A_128 = arith.constant 3 : i32
    %dma_start3A_129 = arith.constant 3 : i32
    %dma_start3A_130 = arith.constant 3 : i32
    %dma_start3A_131 = arith.constant 0 : i32
    %dma_start3A_132 = arith.constant 0 : i32
    %dma_start3A_133 = tpu.memref_slice %arg6[%dma_start3A_129, %dma_start3A_131, %dma_start3A_132] : memref<9x2x40xi32, #tpu.memory_space<vmem>> -> memref<1x2x40xi32, #tpu.memory_space<vmem>>
    %dma_start3A_134 = tpu.memref_squeeze %dma_start3A_133 : memref<1x2x40xi32, #tpu.memory_space<vmem>> -> memref<2x40xi32, #tpu.memory_space<vmem>>
    %dma_start3A_135 = arith.constant 0 : i32
    %dma_start3A_136 = arith.constant 0 : i32
    %dma_start3A_137 = arith.constant 0 : i32
    %dma_start3A_138 = arith.constant 0 : i32
    %dma_start3A_139 = tpu.memref_slice %arg3[%arg0, %dma_start3A_135, %dma_start3A_136, %dma_start3A_137, %dma_start3A_138] : memref<2x16x125x2x40xi32, #tpu.memory_space<hbm>> -> memref<1x16x125x2x40xi32, #tpu.memory_space<hbm>>
    %dma_start3A_140 = tpu.memref_squeeze %dma_start3A_139 : memref<1x16x125x2x40xi32, #tpu.memory_space<hbm>> -> memref<16x125x2x40xi32, #tpu.memory_space<hbm>>
    %dma_start3A_141 = arith.constant 0 : i32
    %dma_start3A_142 = arith.constant 0 : i32
    %dma_start3A_143 = arith.constant 0 : i32
    %dma_start3A_144 = tpu.memref_slice %dma_start3A_140[%arg1, %dma_start3A_141, %dma_start3A_142, %dma_start3A_143] : memref<16x125x2x40xi32, #tpu.memory_space<hbm>> -> memref<1x125x2x40xi32, #tpu.memory_space<hbm>>
    %dma_start3A_145 = tpu.memref_squeeze %dma_start3A_144 : memref<1x125x2x40xi32, #tpu.memory_space<hbm>> -> memref<125x2x40xi32, #tpu.memory_space<hbm>>
    %dma_start3A_146 = arith.constant 0 : i32
    %dma_start3A_147 = arith.constant 0 : i32
    %dma_start3A_148 = tpu.memref_slice %dma_start3A_145[%dma_start3A_128, %dma_start3A_146, %dma_start3A_147] : memref<125x2x40xi32, #tpu.memory_space<hbm>> -> memref<1x2x40xi32, #tpu.memory_space<hbm>>
    %dma_start3A_149 = tpu.memref_squeeze %dma_start3A_148 : memref<1x2x40xi32, #tpu.memory_space<hbm>> -> memref<2x40xi32, #tpu.memory_space<hbm>>
    %dma_start3A_150 = tpu.memref_slice %arg9[%dma_start3A_130] : memref<9x!tpu.dma_semaphore, #tpu.memory_space<semaphore_mem>> -> memref<1x!tpu.dma_semaphore, #tpu.memory_space<semaphore_mem>>
    %dma_start3A_151 = tpu.memref_squeeze %dma_start3A_150 : memref<1x!tpu.dma_semaphore, #tpu.memory_space<semaphore_mem>> -> memref<!tpu.dma_semaphore, #tpu.memory_space<semaphore_mem>>
    %dma_start3A_152 = arith.constant 0 : i32
    %dma_start3A_153 = arith.constant 0 : i32
    %dma_start3A_154 = tpu.memref_slice %arg6[%dma_start3A_129, %dma_start3A_152, %dma_start3A_153] : memref<9x2x40xi32, #tpu.memory_space<vmem>> -> memref<1x2x40xi32, #tpu.memory_space<vmem>>
    %dma_start3A_155 = tpu.memref_squeeze %dma_start3A_154 : memref<1x2x40xi32, #tpu.memory_space<vmem>> -> memref<2x40xi32, #tpu.memory_space<vmem>>
    %dma_start3A_156 = arith.constant 0 : i32
    %dma_start3A_157 = arith.constant 0 : i32
    %dma_start3A_158 = arith.constant 0 : i32
    %dma_start3A_159 = arith.constant 0 : i32
    %dma_start3A_160 = tpu.memref_slice %arg3[%arg0, %dma_start3A_156, %dma_start3A_157, %dma_start3A_158, %dma_start3A_159] : memref<2x16x125x2x40xi32, #tpu.memory_space<hbm>> -> memref<1x16x125x2x40xi32, #tpu.memory_space<hbm>>
    %dma_start3A_161 = tpu.memref_squeeze %dma_start3A_160 : memref<1x16x125x2x40xi32, #tpu.memory_space<hbm>> -> memref<16x125x2x40xi32, #tpu.memory_space<hbm>>
    %dma_start3A_162 = arith.constant 0 : i32
    %dma_start3A_163 = arith.constant 0 : i32
    %dma_start3A_164 = arith.constant 0 : i32
    %dma_start3A_165 = tpu.memref_slice %dma_start3A_161[%arg1, %dma_start3A_162, %dma_start3A_163, %dma_start3A_164] : memref<16x125x2x40xi32, #tpu.memory_space<hbm>> -> memref<1x125x2x40xi32, #tpu.memory_space<hbm>>
    %dma_start3A_166 = tpu.memref_squeeze %dma_start3A_165 : memref<1x125x2x40xi32, #tpu.memory_space<hbm>> -> memref<125x2x40xi32, #tpu.memory_space<hbm>>
    %dma_start3A_167 = arith.constant 0 : i32
    %dma_start3A_168 = arith.constant 0 : i32
    %dma_start3A_169 = tpu.memref_slice %dma_start3A_166[%dma_start3A_128, %dma_start3A_167, %dma_start3A_168] : memref<125x2x40xi32, #tpu.memory_space<hbm>> -> memref<1x2x40xi32, #tpu.memory_space<hbm>>
    %dma_start3A_170 = tpu.memref_squeeze %dma_start3A_169 : memref<1x2x40xi32, #tpu.memory_space<hbm>> -> memref<2x40xi32, #tpu.memory_space<hbm>>
    tpu.enqueue_dma source(%dma_start3A_170 : memref<2x40xi32, #tpu.memory_space<hbm>>) target(%dma_start3A_155 : memref<2x40xi32, #tpu.memory_space<vmem>>) target_semaphore(%dma_start3A_151 : memref<!tpu.dma_semaphore, #tpu.memory_space<semaphore_mem>>)
    %dma_start3A_171 = arith.constant 4 : i32
    %dma_start3A_172 = arith.constant 4 : i32
    %dma_start3A_173 = arith.constant 4 : i32
    %dma_start3A_174 = arith.constant 0 : i32
    %dma_start3A_175 = arith.constant 0 : i32
    %dma_start3A_176 = tpu.memref_slice %arg6[%dma_start3A_172, %dma_start3A_174, %dma_start3A_175] : memref<9x2x40xi32, #tpu.memory_space<vmem>> -> memref<1x2x40xi32, #tpu.memory_space<vmem>>
    %dma_start3A_177 = tpu.memref_squeeze %dma_start3A_176 : memref<1x2x40xi32, #tpu.memory_space<vmem>> -> memref<2x40xi32, #tpu.memory_space<vmem>>
    %dma_start3A_178 = arith.constant 0 : i32
    %dma_start3A_179 = arith.constant 0 : i32
    %dma_start3A_180 = arith.constant 0 : i32
    %dma_start3A_181 = arith.constant 0 : i32
    %dma_start3A_182 = tpu.memref_slice %arg3[%arg0, %dma_start3A_178, %dma_start3A_179, %dma_start3A_180, %dma_start3A_181] : memref<2x16x125x2x40xi32, #tpu.memory_space<hbm>> -> memref<1x16x125x2x40xi32, #tpu.memory_space<hbm>>
    %dma_start3A_183 = tpu.memref_squeeze %dma_start3A_182 : memref<1x16x125x2x40xi32, #tpu.memory_space<hbm>> -> memref<16x125x2x40xi32, #tpu.memory_space<hbm>>
    %dma_start3A_184 = arith.constant 0 : i32
    %dma_start3A_185 = arith.constant 0 : i32
    %dma_start3A_186 = arith.constant 0 : i32
    %dma_start3A_187 = tpu.memref_slice %dma_start3A_183[%arg1, %dma_start3A_184, %dma_start3A_185, %dma_start3A_186] : memref<16x125x2x40xi32, #tpu.memory_space<hbm>> -> memref<1x125x2x40xi32, #tpu.memory_space<hbm>>
    %dma_start3A_188 = tpu.memref_squeeze %dma_start3A_187 : memref<1x125x2x40xi32, #tpu.memory_space<hbm>> -> memref<125x2x40xi32, #tpu.memory_space<hbm>>
    %dma_start3A_189 = arith.constant 0 : i32
    %dma_start3A_190 = arith.constant 0 : i32
    %dma_start3A_191 = tpu.memref_slice %dma_start3A_188[%dma_start3A_171, %dma_start3A_189, %dma_start3A_190] : memref<125x2x40xi32, #tpu.memory_space<hbm>> -> memref<1x2x40xi32, #tpu.memory_space<hbm>>
    %dma_start3A_192 = tpu.memref_squeeze %dma_start3A_191 : memref<1x2x40xi32, #tpu.memory_space<hbm>> -> memref<2x40xi32, #tpu.memory_space<hbm>>
    %dma_start3A_193 = tpu.memref_slice %arg9[%dma_start3A_173] : memref<9x!tpu.dma_semaphore, #tpu.memory_space<semaphore_mem>> -> memref<1x!tpu.dma_semaphore, #tpu.memory_space<semaphore_mem>>
    %dma_start3A_194 = tpu.memref_squeeze %dma_start3A_193 : memref<1x!tpu.dma_semaphore, #tpu.memory_space<semaphore_mem>> -> memref<!tpu.dma_semaphore, #tpu.memory_space<semaphore_mem>>
    %dma_start3A_195 = arith.constant 0 : i32
    %dma_start3A_196 = arith.constant 0 : i32
    %dma_start3A_197 = tpu.memref_slice %arg6[%dma_start3A_172, %dma_start3A_195, %dma_start3A_196] : memref<9x2x40xi32, #tpu.memory_space<vmem>> -> memref<1x2x40xi32, #tpu.memory_space<vmem>>
    %dma_start3A_198 = tpu.memref_squeeze %dma_start3A_197 : memref<1x2x40xi32, #tpu.memory_space<vmem>> -> memref<2x40xi32, #tpu.memory_space<vmem>>
    %dma_start3A_199 = arith.constant 0 : i32
    %dma_start3A_200 = arith.constant 0 : i32
    %dma_start3A_201 = arith.constant 0 : i32
    %dma_start3A_202 = arith.constant 0 : i32
    %dma_start3A_203 = tpu.memref_slice %arg3[%arg0, %dma_start3A_199, %dma_start3A_200, %dma_start3A_201, %dma_start3A_202] : memref<2x16x125x2x40xi32, #tpu.memory_space<hbm>> -> memref<1x16x125x2x40xi32, #tpu.memory_space<hbm>>
    %dma_start3A_204 = tpu.memref_squeeze %dma_start3A_203 : memref<1x16x125x2x40xi32, #tpu.memory_space<hbm>> -> memref<16x125x2x40xi32, #tpu.memory_space<hbm>>
    %dma_start3A_205 = arith.constant 0 : i32
    %dma_start3A_206 = arith.constant 0 : i32
    %dma_start3A_207 = arith.constant 0 : i32
    %dma_start3A_208 = tpu.memref_slice %dma_start3A_204[%arg1, %dma_start3A_205, %dma_start3A_206, %dma_start3A_207] : memref<16x125x2x40xi32, #tpu.memory_space<hbm>> -> memref<1x125x2x40xi32, #tpu.memory_space<hbm>>
    %dma_start3A_209 = tpu.memref_squeeze %dma_start3A_208 : memref<1x125x2x40xi32, #tpu.memory_space<hbm>> -> memref<125x2x40xi32, #tpu.memory_space<hbm>>
    %dma_start3A_210 = arith.constant 0 : i32
    %dma_start3A_211 = arith.constant 0 : i32
    %dma_start3A_212 = tpu.memref_slice %dma_start3A_209[%dma_start3A_171, %dma_start3A_210, %dma_start3A_211] : memref<125x2x40xi32, #tpu.memory_space<hbm>> -> memref<1x2x40xi32, #tpu.memory_space<hbm>>
    %dma_start3A_213 = tpu.memref_squeeze %dma_start3A_212 : memref<1x2x40xi32, #tpu.memory_space<hbm>> -> memref<2x40xi32, #tpu.memory_space<hbm>>
    tpu.enqueue_dma source(%dma_start3A_213 : memref<2x40xi32, #tpu.memory_space<hbm>>) target(%dma_start3A_198 : memref<2x40xi32, #tpu.memory_space<vmem>>) target_semaphore(%dma_start3A_194 : memref<!tpu.dma_semaphore, #tpu.memory_space<semaphore_mem>>)
    %dma_start3A_214 = arith.constant 5 : i32
    %dma_start3A_215 = arith.constant 5 : i32
    %dma_start3A_216 = arith.constant 5 : i32
    %dma_start3A_217 = arith.constant 0 : i32
    %dma_start3A_218 = arith.constant 0 : i32
    %dma_start3A_219 = tpu.memref_slice %arg6[%dma_start3A_215, %dma_start3A_217, %dma_start3A_218] : memref<9x2x40xi32, #tpu.memory_space<vmem>> -> memref<1x2x40xi32, #tpu.memory_space<vmem>>
    %dma_start3A_220 = tpu.memref_squeeze %dma_start3A_219 : memref<1x2x40xi32, #tpu.memory_space<vmem>> -> memref<2x40xi32, #tpu.memory_space<vmem>>
    %dma_start3A_221 = arith.constant 0 : i32
    %dma_start3A_222 = arith.constant 0 : i32
    %dma_start3A_223 = arith.constant 0 : i32
    %dma_start3A_224 = arith.constant 0 : i32
    %dma_start3A_225 = tpu.memref_slice %arg3[%arg0, %dma_start3A_221, %dma_start3A_222, %dma_start3A_223, %dma_start3A_224] : memref<2x16x125x2x40xi32, #tpu.memory_space<hbm>> -> memref<1x16x125x2x40xi32, #tpu.memory_space<hbm>>
    %dma_start3A_226 = tpu.memref_squeeze %dma_start3A_225 : memref<1x16x125x2x40xi32, #tpu.memory_space<hbm>> -> memref<16x125x2x40xi32, #tpu.memory_space<hbm>>
    %dma_start3A_227 = arith.constant 0 : i32
    %dma_start3A_228 = arith.constant 0 : i32
    %dma_start3A_229 = arith.constant 0 : i32
    %dma_start3A_230 = tpu.memref_slice %dma_start3A_226[%arg1, %dma_start3A_227, %dma_start3A_228, %dma_start3A_229] : memref<16x125x2x40xi32, #tpu.memory_space<hbm>> -> memref<1x125x2x40xi32, #tpu.memory_space<hbm>>
    %dma_start3A_231 = tpu.memref_squeeze %dma_start3A_230 : memref<1x125x2x40xi32, #tpu.memory_space<hbm>> -> memref<125x2x40xi32, #tpu.memory_space<hbm>>
    %dma_start3A_232 = arith.constant 0 : i32
    %dma_start3A_233 = arith.constant 0 : i32
    %dma_start3A_234 = tpu.memref_slice %dma_start3A_231[%dma_start3A_214, %dma_start3A_232, %dma_start3A_233] : memref<125x2x40xi32, #tpu.memory_space<hbm>> -> memref<1x2x40xi32, #tpu.memory_space<hbm>>
    %dma_start3A_235 = tpu.memref_squeeze %dma_start3A_234 : memref<1x2x40xi32, #tpu.memory_space<hbm>> -> memref<2x40xi32, #tpu.memory_space<hbm>>
    %dma_start3A_236 = tpu.memref_slice %arg9[%dma_start3A_216] : memref<9x!tpu.dma_semaphore, #tpu.memory_space<semaphore_mem>> -> memref<1x!tpu.dma_semaphore, #tpu.memory_space<semaphore_mem>>
    %dma_start3A_237 = tpu.memref_squeeze %dma_start3A_236 : memref<1x!tpu.dma_semaphore, #tpu.memory_space<semaphore_mem>> -> memref<!tpu.dma_semaphore, #tpu.memory_space<semaphore_mem>>
    %dma_start3A_238 = arith.constant 0 : i32
    %dma_start3A_239 = arith.constant 0 : i32
    %dma_start3A_240 = tpu.memref_slice %arg6[%dma_start3A_215, %dma_start3A_238, %dma_start3A_239] : memref<9x2x40xi32, #tpu.memory_space<vmem>> -> memref<1x2x40xi32, #tpu.memory_space<vmem>>
    %dma_start3A_241 = tpu.memref_squeeze %dma_start3A_240 : memref<1x2x40xi32, #tpu.memory_space<vmem>> -> memref<2x40xi32, #tpu.memory_space<vmem>>
    %dma_start3A_242 = arith.constant 0 : i32
    %dma_start3A_243 = arith.constant 0 : i32
    %dma_start3A_244 = arith.constant 0 : i32
    %dma_start3A_245 = arith.constant 0 : i32
    %dma_start3A_246 = tpu.memref_slice %arg3[%arg0, %dma_start3A_242, %dma_start3A_243, %dma_start3A_244, %dma_start3A_245] : memref<2x16x125x2x40xi32, #tpu.memory_space<hbm>> -> memref<1x16x125x2x40xi32, #tpu.memory_space<hbm>>
    %dma_start3A_247 = tpu.memref_squeeze %dma_start3A_246 : memref<1x16x125x2x40xi32, #tpu.memory_space<hbm>> -> memref<16x125x2x40xi32, #tpu.memory_space<hbm>>
    %dma_start3A_248 = arith.constant 0 : i32
    %dma_start3A_249 = arith.constant 0 : i32
    %dma_start3A_250 = arith.constant 0 : i32
    %dma_start3A_251 = tpu.memref_slice %dma_start3A_247[%arg1, %dma_start3A_248, %dma_start3A_249, %dma_start3A_250] : memref<16x125x2x40xi32, #tpu.memory_space<hbm>> -> memref<1x125x2x40xi32, #tpu.memory_space<hbm>>
    %dma_start3A_252 = tpu.memref_squeeze %dma_start3A_251 : memref<1x125x2x40xi32, #tpu.memory_space<hbm>> -> memref<125x2x40xi32, #tpu.memory_space<hbm>>
    %dma_start3A_253 = arith.constant 0 : i32
    %dma_start3A_254 = arith.constant 0 : i32
    %dma_start3A_255 = tpu.memref_slice %dma_start3A_252[%dma_start3A_214, %dma_start3A_253, %dma_start3A_254] : memref<125x2x40xi32, #tpu.memory_space<hbm>> -> memref<1x2x40xi32, #tpu.memory_space<hbm>>
    %dma_start3A_256 = tpu.memref_squeeze %dma_start3A_255 : memref<1x2x40xi32, #tpu.memory_space<hbm>> -> memref<2x40xi32, #tpu.memory_space<hbm>>
    tpu.enqueue_dma source(%dma_start3A_256 : memref<2x40xi32, #tpu.memory_space<hbm>>) target(%dma_start3A_241 : memref<2x40xi32, #tpu.memory_space<vmem>>) target_semaphore(%dma_start3A_237 : memref<!tpu.dma_semaphore, #tpu.memory_space<semaphore_mem>>)
    %dma_start3A_257 = arith.constant 6 : i32
    %dma_start3A_258 = arith.constant 6 : i32
    %dma_start3A_259 = arith.constant 6 : i32
    %dma_start3A_260 = arith.constant 0 : i32
    %dma_start3A_261 = arith.constant 0 : i32
    %dma_start3A_262 = tpu.memref_slice %arg6[%dma_start3A_258, %dma_start3A_260, %dma_start3A_261] : memref<9x2x40xi32, #tpu.memory_space<vmem>> -> memref<1x2x40xi32, #tpu.memory_space<vmem>>
    %dma_start3A_263 = tpu.memref_squeeze %dma_start3A_262 : memref<1x2x40xi32, #tpu.memory_space<vmem>> -> memref<2x40xi32, #tpu.memory_space<vmem>>
    %dma_start3A_264 = arith.constant 0 : i32
    %dma_start3A_265 = arith.constant 0 : i32
    %dma_start3A_266 = arith.constant 0 : i32
    %dma_start3A_267 = arith.constant 0 : i32
    %dma_start3A_268 = tpu.memref_slice %arg3[%arg0, %dma_start3A_264, %dma_start3A_265, %dma_start3A_266, %dma_start3A_267] : memref<2x16x125x2x40xi32, #tpu.memory_space<hbm>> -> memref<1x16x125x2x40xi32, #tpu.memory_space<hbm>>
    %dma_start3A_269 = tpu.memref_squeeze %dma_start3A_268 : memref<1x16x125x2x40xi32, #tpu.memory_space<hbm>> -> memref<16x125x2x40xi32, #tpu.memory_space<hbm>>
    %dma_start3A_270 = arith.constant 0 : i32
    %dma_start3A_271 = arith.constant 0 : i32
    %dma_start3A_272 = arith.constant 0 : i32
    %dma_start3A_273 = tpu.memref_slice %dma_start3A_269[%arg1, %dma_start3A_270, %dma_start3A_271, %dma_start3A_272] : memref<16x125x2x40xi32, #tpu.memory_space<hbm>> -> memref<1x125x2x40xi32, #tpu.memory_space<hbm>>
    %dma_start3A_274 = tpu.memref_squeeze %dma_start3A_273 : memref<1x125x2x40xi32, #tpu.memory_space<hbm>> -> memref<125x2x40xi32, #tpu.memory_space<hbm>>
    %dma_start3A_275 = arith.constant 0 : i32
    %dma_start3A_276 = arith.constant 0 : i32
    %dma_start3A_277 = tpu.memref_slice %dma_start3A_274[%dma_start3A_257, %dma_start3A_275, %dma_start3A_276] : memref<125x2x40xi32, #tpu.memory_space<hbm>> -> memref<1x2x40xi32, #tpu.memory_space<hbm>>
    %dma_start3A_278 = tpu.memref_squeeze %dma_start3A_277 : memref<1x2x40xi32, #tpu.memory_space<hbm>> -> memref<2x40xi32, #tpu.memory_space<hbm>>
    %dma_start3A_279 = tpu.memref_slice %arg9[%dma_start3A_259] : memref<9x!tpu.dma_semaphore, #tpu.memory_space<semaphore_mem>> -> memref<1x!tpu.dma_semaphore, #tpu.memory_space<semaphore_mem>>
    %dma_start3A_280 = tpu.memref_squeeze %dma_start3A_279 : memref<1x!tpu.dma_semaphore, #tpu.memory_space<semaphore_mem>> -> memref<!tpu.dma_semaphore, #tpu.memory_space<semaphore_mem>>
    %dma_start3A_281 = arith.constant 0 : i32
    %dma_start3A_282 = arith.constant 0 : i32
    %dma_start3A_283 = tpu.memref_slice %arg6[%dma_start3A_258, %dma_start3A_281, %dma_start3A_282] : memref<9x2x40xi32, #tpu.memory_space<vmem>> -> memref<1x2x40xi32, #tpu.memory_space<vmem>>
    %dma_start3A_284 = tpu.memref_squeeze %dma_start3A_283 : memref<1x2x40xi32, #tpu.memory_space<vmem>> -> memref<2x40xi32, #tpu.memory_space<vmem>>
    %dma_start3A_285 = arith.constant 0 : i32
    %dma_start3A_286 = arith.constant 0 : i32
    %dma_start3A_287 = arith.constant 0 : i32
    %dma_start3A_288 = arith.constant 0 : i32
    %dma_start3A_289 = tpu.memref_slice %arg3[%arg0, %dma_start3A_285, %dma_start3A_286, %dma_start3A_287, %dma_start3A_288] : memref<2x16x125x2x40xi32, #tpu.memory_space<hbm>> -> memref<1x16x125x2x40xi32, #tpu.memory_space<hbm>>
    %dma_start3A_290 = tpu.memref_squeeze %dma_start3A_289 : memref<1x16x125x2x40xi32, #tpu.memory_space<hbm>> -> memref<16x125x2x40xi32, #tpu.memory_space<hbm>>
    %dma_start3A_291 = arith.constant 0 : i32
    %dma_start3A_292 = arith.constant 0 : i32
    %dma_start3A_293 = arith.constant 0 : i32
    %dma_start3A_294 = tpu.memref_slice %dma_start3A_290[%arg1, %dma_start3A_291, %dma_start3A_292, %dma_start3A_293] : memref<16x125x2x40xi32, #tpu.memory_space<hbm>> -> memref<1x125x2x40xi32, #tpu.memory_space<hbm>>
    %dma_start3A_295 = tpu.memref_squeeze %dma_start3A_294 : memref<1x125x2x40xi32, #tpu.memory_space<hbm>> -> memref<125x2x40xi32, #tpu.memory_space<hbm>>
    %dma_start3A_296 = arith.constant 0 : i32
    %dma_start3A_297 = arith.constant 0 : i32
    %dma_start3A_298 = tpu.memref_slice %dma_start3A_295[%dma_start3A_257, %dma_start3A_296, %dma_start3A_297] : memref<125x2x40xi32, #tpu.memory_space<hbm>> -> memref<1x2x40xi32, #tpu.memory_space<hbm>>
    %dma_start3A_299 = tpu.memref_squeeze %dma_start3A_298 : memref<1x2x40xi32, #tpu.memory_space<hbm>> -> memref<2x40xi32, #tpu.memory_space<hbm>>
    tpu.enqueue_dma source(%dma_start3A_299 : memref<2x40xi32, #tpu.memory_space<hbm>>) target(%dma_start3A_284 : memref<2x40xi32, #tpu.memory_space<vmem>>) target_semaphore(%dma_start3A_280 : memref<!tpu.dma_semaphore, #tpu.memory_space<semaphore_mem>>)
    %mul3A = arith.constant 640 : i32
    %mul3A_300 = arith.muli %mul3A, %arg1 : i32
    "tpu.region"() ({
      %run_scoped3A = tpu.sem_alloc : memref<!tpu.dma_semaphore, #tpu.memory_space<semaphore_mem>>
      %dma_start3A_692 = arith.constant 0 : i32
      %dma_start3A_693 = tpu.memref_slice %arg8[%mul3A_300, %dma_start3A_692] : memref<10240x128xf32, #tpu.memory_space<vmem_shared>> -> memref<640x128xf32, #tpu.memory_space<vmem_shared>>
      tpu.enqueue_dma source(%arg4 : memref<640x128xf32, #tpu.memory_space<hbm>>) target(%dma_start3A_693 : memref<640x128xf32, #tpu.memory_space<vmem_shared>>) target_semaphore(%run_scoped3A : memref<!tpu.dma_semaphore, #tpu.memory_space<semaphore_mem>>)
      %dma_wait3A_694 = arith.constant 0 : i32
      %dma_wait3A_695 = tpu.memref_slice %arg8[%mul3A_300, %dma_wait3A_694] : memref<10240x128xf32, #tpu.memory_space<vmem_shared>> -> memref<640x128xf32, #tpu.memory_space<vmem_shared>>
      tpu.wait_dma2 semaphore(%run_scoped3A : memref<!tpu.dma_semaphore, #tpu.memory_space<semaphore_mem>>) src(%arg4 : memref<640x128xf32, #tpu.memory_space<hbm>>) dst(%dma_wait3A_695 : memref<640x128xf32, #tpu.memory_space<vmem_shared>>)
      tpu.yield
    }) : () -> ()
    %dma_wait3A = arith.constant 0 : i32
    %dma_wait3A_301 = arith.constant 0 : i32
    %dma_wait3A_302 = arith.constant 0 : i32
    %dma_wait3A_303 = arith.constant 0 : i32
    %dma_wait3A_304 = arith.constant 0 : i32
    %dma_wait3A_305 = tpu.memref_slice %arg6[%dma_wait3A_301, %dma_wait3A_303, %dma_wait3A_304] : memref<9x2x40xi32, #tpu.memory_space<vmem>> -> memref<1x2x40xi32, #tpu.memory_space<vmem>>
    %dma_wait3A_306 = tpu.memref_squeeze %dma_wait3A_305 : memref<1x2x40xi32, #tpu.memory_space<vmem>> -> memref<2x40xi32, #tpu.memory_space<vmem>>
    %dma_wait3A_307 = arith.constant 0 : i32
    %dma_wait3A_308 = arith.constant 0 : i32
    %dma_wait3A_309 = arith.constant 0 : i32
    %dma_wait3A_310 = arith.constant 0 : i32
    %dma_wait3A_311 = tpu.memref_slice %arg3[%arg0, %dma_wait3A_307, %dma_wait3A_308, %dma_wait3A_309, %dma_wait3A_310] : memref<2x16x125x2x40xi32, #tpu.memory_space<hbm>> -> memref<1x16x125x2x40xi32, #tpu.memory_space<hbm>>
    %dma_wait3A_312 = tpu.memref_squeeze %dma_wait3A_311 : memref<1x16x125x2x40xi32, #tpu.memory_space<hbm>> -> memref<16x125x2x40xi32, #tpu.memory_space<hbm>>
    %dma_wait3A_313 = arith.constant 0 : i32
    %dma_wait3A_314 = arith.constant 0 : i32
    %dma_wait3A_315 = arith.constant 0 : i32
    %dma_wait3A_316 = tpu.memref_slice %dma_wait3A_312[%arg1, %dma_wait3A_313, %dma_wait3A_314, %dma_wait3A_315] : memref<16x125x2x40xi32, #tpu.memory_space<hbm>> -> memref<1x125x2x40xi32, #tpu.memory_space<hbm>>
    %dma_wait3A_317 = tpu.memref_squeeze %dma_wait3A_316 : memref<1x125x2x40xi32, #tpu.memory_space<hbm>> -> memref<125x2x40xi32, #tpu.memory_space<hbm>>
    %dma_wait3A_318 = arith.constant 0 : i32
    %dma_wait3A_319 = arith.constant 0 : i32
    %dma_wait3A_320 = tpu.memref_slice %dma_wait3A_317[%dma_wait3A, %dma_wait3A_318, %dma_wait3A_319] : memref<125x2x40xi32, #tpu.memory_space<hbm>> -> memref<1x2x40xi32, #tpu.memory_space<hbm>>
    %dma_wait3A_321 = tpu.memref_squeeze %dma_wait3A_320 : memref<1x2x40xi32, #tpu.memory_space<hbm>> -> memref<2x40xi32, #tpu.memory_space<hbm>>
    %dma_wait3A_322 = tpu.memref_slice %arg9[%dma_wait3A_302] : memref<9x!tpu.dma_semaphore, #tpu.memory_space<semaphore_mem>> -> memref<1x!tpu.dma_semaphore, #tpu.memory_space<semaphore_mem>>
    %dma_wait3A_323 = tpu.memref_squeeze %dma_wait3A_322 : memref<1x!tpu.dma_semaphore, #tpu.memory_space<semaphore_mem>> -> memref<!tpu.dma_semaphore, #tpu.memory_space<semaphore_mem>>
    %dma_wait3A_324 = arith.constant 0 : i32
    %dma_wait3A_325 = arith.constant 0 : i32
    %dma_wait3A_326 = tpu.memref_slice %arg6[%dma_wait3A_301, %dma_wait3A_324, %dma_wait3A_325] : memref<9x2x40xi32, #tpu.memory_space<vmem>> -> memref<1x2x40xi32, #tpu.memory_space<vmem>>
    %dma_wait3A_327 = tpu.memref_squeeze %dma_wait3A_326 : memref<1x2x40xi32, #tpu.memory_space<vmem>> -> memref<2x40xi32, #tpu.memory_space<vmem>>
    %dma_wait3A_328 = arith.constant 0 : i32
    %dma_wait3A_329 = arith.constant 0 : i32
    %dma_wait3A_330 = arith.constant 0 : i32
    %dma_wait3A_331 = arith.constant 0 : i32
    %dma_wait3A_332 = tpu.memref_slice %arg3[%arg0, %dma_wait3A_328, %dma_wait3A_329, %dma_wait3A_330, %dma_wait3A_331] : memref<2x16x125x2x40xi32, #tpu.memory_space<hbm>> -> memref<1x16x125x2x40xi32, #tpu.memory_space<hbm>>
    %dma_wait3A_333 = tpu.memref_squeeze %dma_wait3A_332 : memref<1x16x125x2x40xi32, #tpu.memory_space<hbm>> -> memref<16x125x2x40xi32, #tpu.memory_space<hbm>>
    %dma_wait3A_334 = arith.constant 0 : i32
    %dma_wait3A_335 = arith.constant 0 : i32
    %dma_wait3A_336 = arith.constant 0 : i32
    %dma_wait3A_337 = tpu.memref_slice %dma_wait3A_333[%arg1, %dma_wait3A_334, %dma_wait3A_335, %dma_wait3A_336] : memref<16x125x2x40xi32, #tpu.memory_space<hbm>> -> memref<1x125x2x40xi32, #tpu.memory_space<hbm>>
    %dma_wait3A_338 = tpu.memref_squeeze %dma_wait3A_337 : memref<1x125x2x40xi32, #tpu.memory_space<hbm>> -> memref<125x2x40xi32, #tpu.memory_space<hbm>>
    %dma_wait3A_339 = arith.constant 0 : i32
    %dma_wait3A_340 = arith.constant 0 : i32
    %dma_wait3A_341 = tpu.memref_slice %dma_wait3A_338[%dma_wait3A, %dma_wait3A_339, %dma_wait3A_340] : memref<125x2x40xi32, #tpu.memory_space<hbm>> -> memref<1x2x40xi32, #tpu.memory_space<hbm>>
    %dma_wait3A_342 = tpu.memref_squeeze %dma_wait3A_341 : memref<1x2x40xi32, #tpu.memory_space<hbm>> -> memref<2x40xi32, #tpu.memory_space<hbm>>
    tpu.wait_dma2 semaphore(%dma_wait3A_323 : memref<!tpu.dma_semaphore, #tpu.memory_space<semaphore_mem>>) src(%dma_wait3A_342 : memref<2x40xi32, #tpu.memory_space<hbm>>) dst(%dma_wait3A_327 : memref<2x40xi32, #tpu.memory_space<vmem>>)
    %dma_start3A_343 = arith.constant 0 : i32
    %dma_start3A_344 = arith.constant 0 : i32
    %dma_start3A_345 = arith.constant 0 : i32
    %dma_start3A_346 = arith.constant 0 : i32
    %dma_start3A_347 = arith.constant 0 : i32
    %dma_start3A_348 = arith.constant 0 : i32
    %dma_start3A_349 = arith.constant 0 : i32
    %dma_start3A_350 = tpu.memref_slice %arg7[%dma_start3A_346, %dma_start3A_348, %dma_start3A_349] : memref<9x40x128xf32, #tpu.memory_space<vmem>> -> memref<1x40x128xf32, #tpu.memory_space<vmem>>
    %dma_start3A_351 = tpu.memref_squeeze %dma_start3A_350 : memref<1x40x128xf32, #tpu.memory_space<vmem>> -> memref<40x128xf32, #tpu.memory_space<vmem>>
    %dma_start3A_352 = arith.constant 0 : i32
    %dma_start3A_353 = arith.constant 0 : i32
    %dma_start3A_354 = tpu.memref_slice %arg6[%dma_start3A_344, %dma_start3A_352, %dma_start3A_353] : memref<9x2x40xi32, #tpu.memory_space<vmem>> -> memref<1x2x40xi32, #tpu.memory_space<vmem>>
    %dma_start3A_355 = tpu.memref_squeeze %dma_start3A_354 : memref<1x2x40xi32, #tpu.memory_space<vmem>> -> memref<2x40xi32, #tpu.memory_space<vmem>>
    %dma_start3A_356 = arith.constant 0 : i32
    %dma_start3A_357 = tpu.memref_slice %dma_start3A_355[%dma_start3A_345, %dma_start3A_356] : memref<2x40xi32, #tpu.memory_space<vmem>> -> memref<1x40xi32, #tpu.memory_space<vmem>>
    %dma_start3A_358 = tpu.memref_squeeze %dma_start3A_357 : memref<1x40xi32, #tpu.memory_space<vmem>> -> memref<40xi32, #tpu.memory_space<vmem>>
    %dma_start3A_359 = arith.constant 0 : i32
    %dma_start3A_360 = arith.constant 0 : i32
    %dma_start3A_361 = tpu.memref_slice %arg2[%dma_start3A_343, %dma_start3A_359, %dma_start3A_360] : memref<1x10240x128xf32, #tpu.memory_space<hbm>> -> memref<1x10240x128xf32, #tpu.memory_space<hbm>>
    %dma_start3A_362 = tpu.memref_squeeze %dma_start3A_361 : memref<1x10240x128xf32, #tpu.memory_space<hbm>> -> memref<10240x128xf32, #tpu.memory_space<hbm>>
    %dma_start3A_363 = arith.constant 0 : i32
    %dma_start3A_364 = arith.constant 0 : i32
    %dma_start3A_365 = tpu.memref_slice %dma_start3A_362[%dma_start3A_363, %dma_start3A_364] : memref<10240x128xf32, #tpu.memory_space<hbm>> -> memref<10240x128xf32, #tpu.memory_space<hbm>>
    %dma_start3A_366 = tpu.memref_slice %arg10[%dma_start3A_347] : memref<9x!tpu.dma_semaphore, #tpu.memory_space<semaphore_mem>> -> memref<1x!tpu.dma_semaphore, #tpu.memory_space<semaphore_mem>>
    %dma_start3A_367 = tpu.memref_squeeze %dma_start3A_366 : memref<1x!tpu.dma_semaphore, #tpu.memory_space<semaphore_mem>> -> memref<!tpu.dma_semaphore, #tpu.memory_space<semaphore_mem>>
    tpu.enqueue_indirect_dma source(%dma_start3A_365 : memref<10240x128xf32, #tpu.memory_space<hbm>>) target(%dma_start3A_351 : memref<40x128xf32, #tpu.memory_space<vmem>>) offsets(%dma_start3A_358 : memref<40xi32, #tpu.memory_space<vmem>>) semaphore(%dma_start3A_367 : memref<!tpu.dma_semaphore, #tpu.memory_space<semaphore_mem>>)
    %dma_wait3A_368 = arith.constant 1 : i32
    %dma_wait3A_369 = arith.constant 1 : i32
    %dma_wait3A_370 = arith.constant 1 : i32
    %dma_wait3A_371 = arith.constant 0 : i32
    %dma_wait3A_372 = arith.constant 0 : i32
    %dma_wait3A_373 = tpu.memref_slice %arg6[%dma_wait3A_369, %dma_wait3A_371, %dma_wait3A_372] : memref<9x2x40xi32, #tpu.memory_space<vmem>> -> memref<1x2x40xi32, #tpu.memory_space<vmem>>
    %dma_wait3A_374 = tpu.memref_squeeze %dma_wait3A_373 : memref<1x2x40xi32, #tpu.memory_space<vmem>> -> memref<2x40xi32, #tpu.memory_space<vmem>>
    %dma_wait3A_375 = arith.constant 0 : i32
    %dma_wait3A_376 = arith.constant 0 : i32
    %dma_wait3A_377 = arith.constant 0 : i32
    %dma_wait3A_378 = arith.constant 0 : i32
    %dma_wait3A_379 = tpu.memref_slice %arg3[%arg0, %dma_wait3A_375, %dma_wait3A_376, %dma_wait3A_377, %dma_wait3A_378] : memref<2x16x125x2x40xi32, #tpu.memory_space<hbm>> -> memref<1x16x125x2x40xi32, #tpu.memory_space<hbm>>
    %dma_wait3A_380 = tpu.memref_squeeze %dma_wait3A_379 : memref<1x16x125x2x40xi32, #tpu.memory_space<hbm>> -> memref<16x125x2x40xi32, #tpu.memory_space<hbm>>
    %dma_wait3A_381 = arith.constant 0 : i32
    %dma_wait3A_382 = arith.constant 0 : i32
    %dma_wait3A_383 = arith.constant 0 : i32
    %dma_wait3A_384 = tpu.memref_slice %dma_wait3A_380[%arg1, %dma_wait3A_381, %dma_wait3A_382, %dma_wait3A_383] : memref<16x125x2x40xi32, #tpu.memory_space<hbm>> -> memref<1x125x2x40xi32, #tpu.memory_space<hbm>>
    %dma_wait3A_385 = tpu.memref_squeeze %dma_wait3A_384 : memref<1x125x2x40xi32, #tpu.memory_space<hbm>> -> memref<125x2x40xi32, #tpu.memory_space<hbm>>
    %dma_wait3A_386 = arith.constant 0 : i32
    %dma_wait3A_387 = arith.constant 0 : i32
    %dma_wait3A_388 = tpu.memref_slice %dma_wait3A_385[%dma_wait3A_368, %dma_wait3A_386, %dma_wait3A_387] : memref<125x2x40xi32, #tpu.memory_space<hbm>> -> memref<1x2x40xi32, #tpu.memory_space<hbm>>
    %dma_wait3A_389 = tpu.memref_squeeze %dma_wait3A_388 : memref<1x2x40xi32, #tpu.memory_space<hbm>> -> memref<2x40xi32, #tpu.memory_space<hbm>>
    %dma_wait3A_390 = tpu.memref_slice %arg9[%dma_wait3A_370] : memref<9x!tpu.dma_semaphore, #tpu.memory_space<semaphore_mem>> -> memref<1x!tpu.dma_semaphore, #tpu.memory_space<semaphore_mem>>
    %dma_wait3A_391 = tpu.memref_squeeze %dma_wait3A_390 : memref<1x!tpu.dma_semaphore, #tpu.memory_space<semaphore_mem>> -> memref<!tpu.dma_semaphore, #tpu.memory_space<semaphore_mem>>
    %dma_wait3A_392 = arith.constant 0 : i32
    %dma_wait3A_393 = arith.constant 0 : i32
    %dma_wait3A_394 = tpu.memref_slice %arg6[%dma_wait3A_369, %dma_wait3A_392, %dma_wait3A_393] : memref<9x2x40xi32, #tpu.memory_space<vmem>> -> memref<1x2x40xi32, #tpu.memory_space<vmem>>
    %dma_wait3A_395 = tpu.memref_squeeze %dma_wait3A_394 : memref<1x2x40xi32, #tpu.memory_space<vmem>> -> memref<2x40xi32, #tpu.memory_space<vmem>>
    %dma_wait3A_396 = arith.constant 0 : i32
    %dma_wait3A_397 = arith.constant 0 : i32
    %dma_wait3A_398 = arith.constant 0 : i32
    %dma_wait3A_399 = arith.constant 0 : i32
    %dma_wait3A_400 = tpu.memref_slice %arg3[%arg0, %dma_wait3A_396, %dma_wait3A_397, %dma_wait3A_398, %dma_wait3A_399] : memref<2x16x125x2x40xi32, #tpu.memory_space<hbm>> -> memref<1x16x125x2x40xi32, #tpu.memory_space<hbm>>
    %dma_wait3A_401 = tpu.memref_squeeze %dma_wait3A_400 : memref<1x16x125x2x40xi32, #tpu.memory_space<hbm>> -> memref<16x125x2x40xi32, #tpu.memory_space<hbm>>
    %dma_wait3A_402 = arith.constant 0 : i32
    %dma_wait3A_403 = arith.constant 0 : i32
    %dma_wait3A_404 = arith.constant 0 : i32
    %dma_wait3A_405 = tpu.memref_slice %dma_wait3A_401[%arg1, %dma_wait3A_402, %dma_wait3A_403, %dma_wait3A_404] : memref<16x125x2x40xi32, #tpu.memory_space<hbm>> -> memref<1x125x2x40xi32, #tpu.memory_space<hbm>>
    %dma_wait3A_406 = tpu.memref_squeeze %dma_wait3A_405 : memref<1x125x2x40xi32, #tpu.memory_space<hbm>> -> memref<125x2x40xi32, #tpu.memory_space<hbm>>
    %dma_wait3A_407 = arith.constant 0 : i32
    %dma_wait3A_408 = arith.constant 0 : i32
    %dma_wait3A_409 = tpu.memref_slice %dma_wait3A_406[%dma_wait3A_368, %dma_wait3A_407, %dma_wait3A_408] : memref<125x2x40xi32, #tpu.memory_space<hbm>> -> memref<1x2x40xi32, #tpu.memory_space<hbm>>
    %dma_wait3A_410 = tpu.memref_squeeze %dma_wait3A_409 : memref<1x2x40xi32, #tpu.memory_space<hbm>> -> memref<2x40xi32, #tpu.memory_space<hbm>>
    tpu.wait_dma2 semaphore(%dma_wait3A_391 : memref<!tpu.dma_semaphore, #tpu.memory_space<semaphore_mem>>) src(%dma_wait3A_410 : memref<2x40xi32, #tpu.memory_space<hbm>>) dst(%dma_wait3A_395 : memref<2x40xi32, #tpu.memory_space<vmem>>)
    %dma_start3A_411 = arith.constant 0 : i32
    %dma_start3A_412 = arith.constant 1 : i32
    %dma_start3A_413 = arith.constant 0 : i32
    %dma_start3A_414 = arith.constant 1 : i32
    %dma_start3A_415 = arith.constant 1 : i32
    %dma_start3A_416 = arith.constant 0 : i32
    %dma_start3A_417 = arith.constant 0 : i32
    %dma_start3A_418 = tpu.memref_slice %arg7[%dma_start3A_414, %dma_start3A_416, %dma_start3A_417] : memref<9x40x128xf32, #tpu.memory_space<vmem>> -> memref<1x40x128xf32, #tpu.memory_space<vmem>>
    %dma_start3A_419 = tpu.memref_squeeze %dma_start3A_418 : memref<1x40x128xf32, #tpu.memory_space<vmem>> -> memref<40x128xf32, #tpu.memory_space<vmem>>
    %dma_start3A_420 = arith.constant 0 : i32
    %dma_start3A_421 = arith.constant 0 : i32
    %dma_start3A_422 = tpu.memref_slice %arg6[%dma_start3A_412, %dma_start3A_420, %dma_start3A_421] : memref<9x2x40xi32, #tpu.memory_space<vmem>> -> memref<1x2x40xi32, #tpu.memory_space<vmem>>
    %dma_start3A_423 = tpu.memref_squeeze %dma_start3A_422 : memref<1x2x40xi32, #tpu.memory_space<vmem>> -> memref<2x40xi32, #tpu.memory_space<vmem>>
    %dma_start3A_424 = arith.constant 0 : i32
    %dma_start3A_425 = tpu.memref_slice %dma_start3A_423[%dma_start3A_413, %dma_start3A_424] : memref<2x40xi32, #tpu.memory_space<vmem>> -> memref<1x40xi32, #tpu.memory_space<vmem>>
    %dma_start3A_426 = tpu.memref_squeeze %dma_start3A_425 : memref<1x40xi32, #tpu.memory_space<vmem>> -> memref<40xi32, #tpu.memory_space<vmem>>
    %dma_start3A_427 = arith.constant 0 : i32
    %dma_start3A_428 = arith.constant 0 : i32
    %dma_start3A_429 = tpu.memref_slice %arg2[%dma_start3A_411, %dma_start3A_427, %dma_start3A_428] : memref<1x10240x128xf32, #tpu.memory_space<hbm>> -> memref<1x10240x128xf32, #tpu.memory_space<hbm>>
    %dma_start3A_430 = tpu.memref_squeeze %dma_start3A_429 : memref<1x10240x128xf32, #tpu.memory_space<hbm>> -> memref<10240x128xf32, #tpu.memory_space<hbm>>
    %dma_start3A_431 = arith.constant 0 : i32
    %dma_start3A_432 = arith.constant 0 : i32
    %dma_start3A_433 = tpu.memref_slice %dma_start3A_430[%dma_start3A_431, %dma_start3A_432] : memref<10240x128xf32, #tpu.memory_space<hbm>> -> memref<10240x128xf32, #tpu.memory_space<hbm>>
    %dma_start3A_434 = tpu.memref_slice %arg10[%dma_start3A_415] : memref<9x!tpu.dma_semaphore, #tpu.memory_space<semaphore_mem>> -> memref<1x!tpu.dma_semaphore, #tpu.memory_space<semaphore_mem>>
    %dma_start3A_435 = tpu.memref_squeeze %dma_start3A_434 : memref<1x!tpu.dma_semaphore, #tpu.memory_space<semaphore_mem>> -> memref<!tpu.dma_semaphore, #tpu.memory_space<semaphore_mem>>
    tpu.enqueue_indirect_dma source(%dma_start3A_433 : memref<10240x128xf32, #tpu.memory_space<hbm>>) target(%dma_start3A_419 : memref<40x128xf32, #tpu.memory_space<vmem>>) offsets(%dma_start3A_426 : memref<40xi32, #tpu.memory_space<vmem>>) semaphore(%dma_start3A_435 : memref<!tpu.dma_semaphore, #tpu.memory_space<semaphore_mem>>)
    %dma_wait3A_436 = arith.constant 2 : i32
    %dma_wait3A_437 = arith.constant 2 : i32
    %dma_wait3A_438 = arith.constant 2 : i32
    %dma_wait3A_439 = arith.constant 0 : i32
    %dma_wait3A_440 = arith.constant 0 : i32
    %dma_wait3A_441 = tpu.memref_slice %arg6[%dma_wait3A_437, %dma_wait3A_439, %dma_wait3A_440] : memref<9x2x40xi32, #tpu.memory_space<vmem>> -> memref<1x2x40xi32, #tpu.memory_space<vmem>>
    %dma_wait3A_442 = tpu.memref_squeeze %dma_wait3A_441 : memref<1x2x40xi32, #tpu.memory_space<vmem>> -> memref<2x40xi32, #tpu.memory_space<vmem>>
    %dma_wait3A_443 = arith.constant 0 : i32
    %dma_wait3A_444 = arith.constant 0 : i32
    %dma_wait3A_445 = arith.constant 0 : i32
    %dma_wait3A_446 = arith.constant 0 : i32
    %dma_wait3A_447 = tpu.memref_slice %arg3[%arg0, %dma_wait3A_443, %dma_wait3A_444, %dma_wait3A_445, %dma_wait3A_446] : memref<2x16x125x2x40xi32, #tpu.memory_space<hbm>> -> memref<1x16x125x2x40xi32, #tpu.memory_space<hbm>>
    %dma_wait3A_448 = tpu.memref_squeeze %dma_wait3A_447 : memref<1x16x125x2x40xi32, #tpu.memory_space<hbm>> -> memref<16x125x2x40xi32, #tpu.memory_space<hbm>>
    %dma_wait3A_449 = arith.constant 0 : i32
    %dma_wait3A_450 = arith.constant 0 : i32
    %dma_wait3A_451 = arith.constant 0 : i32
    %dma_wait3A_452 = tpu.memref_slice %dma_wait3A_448[%arg1, %dma_wait3A_449, %dma_wait3A_450, %dma_wait3A_451] : memref<16x125x2x40xi32, #tpu.memory_space<hbm>> -> memref<1x125x2x40xi32, #tpu.memory_space<hbm>>
    %dma_wait3A_453 = tpu.memref_squeeze %dma_wait3A_452 : memref<1x125x2x40xi32, #tpu.memory_space<hbm>> -> memref<125x2x40xi32, #tpu.memory_space<hbm>>
    %dma_wait3A_454 = arith.constant 0 : i32
    %dma_wait3A_455 = arith.constant 0 : i32
    %dma_wait3A_456 = tpu.memref_slice %dma_wait3A_453[%dma_wait3A_436, %dma_wait3A_454, %dma_wait3A_455] : memref<125x2x40xi32, #tpu.memory_space<hbm>> -> memref<1x2x40xi32, #tpu.memory_space<hbm>>
    %dma_wait3A_457 = tpu.memref_squeeze %dma_wait3A_456 : memref<1x2x40xi32, #tpu.memory_space<hbm>> -> memref<2x40xi32, #tpu.memory_space<hbm>>
    %dma_wait3A_458 = tpu.memref_slice %arg9[%dma_wait3A_438] : memref<9x!tpu.dma_semaphore, #tpu.memory_space<semaphore_mem>> -> memref<1x!tpu.dma_semaphore, #tpu.memory_space<semaphore_mem>>
    %dma_wait3A_459 = tpu.memref_squeeze %dma_wait3A_458 : memref<1x!tpu.dma_semaphore, #tpu.memory_space<semaphore_mem>> -> memref<!tpu.dma_semaphore, #tpu.memory_space<semaphore_mem>>
    %dma_wait3A_460 = arith.constant 0 : i32
    %dma_wait3A_461 = arith.constant 0 : i32
    %dma_wait3A_462 = tpu.memref_slice %arg6[%dma_wait3A_437, %dma_wait3A_460, %dma_wait3A_461] : memref<9x2x40xi32, #tpu.memory_space<vmem>> -> memref<1x2x40xi32, #tpu.memory_space<vmem>>
    %dma_wait3A_463 = tpu.memref_squeeze %dma_wait3A_462 : memref<1x2x40xi32, #tpu.memory_space<vmem>> -> memref<2x40xi32, #tpu.memory_space<vmem>>
    %dma_wait3A_464 = arith.constant 0 : i32
    %dma_wait3A_465 = arith.constant 0 : i32
    %dma_wait3A_466 = arith.constant 0 : i32
    %dma_wait3A_467 = arith.constant 0 : i32
    %dma_wait3A_468 = tpu.memref_slice %arg3[%arg0, %dma_wait3A_464, %dma_wait3A_465, %dma_wait3A_466, %dma_wait3A_467] : memref<2x16x125x2x40xi32, #tpu.memory_space<hbm>> -> memref<1x16x125x2x40xi32, #tpu.memory_space<hbm>>
    %dma_wait3A_469 = tpu.memref_squeeze %dma_wait3A_468 : memref<1x16x125x2x40xi32, #tpu.memory_space<hbm>> -> memref<16x125x2x40xi32, #tpu.memory_space<hbm>>
    %dma_wait3A_470 = arith.constant 0 : i32
    %dma_wait3A_471 = arith.constant 0 : i32
    %dma_wait3A_472 = arith.constant 0 : i32
    %dma_wait3A_473 = tpu.memref_slice %dma_wait3A_469[%arg1, %dma_wait3A_470, %dma_wait3A_471, %dma_wait3A_472] : memref<16x125x2x40xi32, #tpu.memory_space<hbm>> -> memref<1x125x2x40xi32, #tpu.memory_space<hbm>>
    %dma_wait3A_474 = tpu.memref_squeeze %dma_wait3A_473 : memref<1x125x2x40xi32, #tpu.memory_space<hbm>> -> memref<125x2x40xi32, #tpu.memory_space<hbm>>
    %dma_wait3A_475 = arith.constant 0 : i32
    %dma_wait3A_476 = arith.constant 0 : i32
    %dma_wait3A_477 = tpu.memref_slice %dma_wait3A_474[%dma_wait3A_436, %dma_wait3A_475, %dma_wait3A_476] : memref<125x2x40xi32, #tpu.memory_space<hbm>> -> memref<1x2x40xi32, #tpu.memory_space<hbm>>
    %dma_wait3A_478 = tpu.memref_squeeze %dma_wait3A_477 : memref<1x2x40xi32, #tpu.memory_space<hbm>> -> memref<2x40xi32, #tpu.memory_space<hbm>>
    tpu.wait_dma2 semaphore(%dma_wait3A_459 : memref<!tpu.dma_semaphore, #tpu.memory_space<semaphore_mem>>) src(%dma_wait3A_478 : memref<2x40xi32, #tpu.memory_space<hbm>>) dst(%dma_wait3A_463 : memref<2x40xi32, #tpu.memory_space<vmem>>)
    %dma_start3A_479 = arith.constant 0 : i32
    %dma_start3A_480 = arith.constant 2 : i32
    %dma_start3A_481 = arith.constant 0 : i32
    %dma_start3A_482 = arith.constant 2 : i32
    %dma_start3A_483 = arith.constant 2 : i32
    %dma_start3A_484 = arith.constant 0 : i32
    %dma_start3A_485 = arith.constant 0 : i32
    %dma_start3A_486 = tpu.memref_slice %arg7[%dma_start3A_482, %dma_start3A_484, %dma_start3A_485] : memref<9x40x128xf32, #tpu.memory_space<vmem>> -> memref<1x40x128xf32, #tpu.memory_space<vmem>>
    %dma_start3A_487 = tpu.memref_squeeze %dma_start3A_486 : memref<1x40x128xf32, #tpu.memory_space<vmem>> -> memref<40x128xf32, #tpu.memory_space<vmem>>
    %dma_start3A_488 = arith.constant 0 : i32
    %dma_start3A_489 = arith.constant 0 : i32
    %dma_start3A_490 = tpu.memref_slice %arg6[%dma_start3A_480, %dma_start3A_488, %dma_start3A_489] : memref<9x2x40xi32, #tpu.memory_space<vmem>> -> memref<1x2x40xi32, #tpu.memory_space<vmem>>
    %dma_start3A_491 = tpu.memref_squeeze %dma_start3A_490 : memref<1x2x40xi32, #tpu.memory_space<vmem>> -> memref<2x40xi32, #tpu.memory_space<vmem>>
    %dma_start3A_492 = arith.constant 0 : i32
    %dma_start3A_493 = tpu.memref_slice %dma_start3A_491[%dma_start3A_481, %dma_start3A_492] : memref<2x40xi32, #tpu.memory_space<vmem>> -> memref<1x40xi32, #tpu.memory_space<vmem>>
    %dma_start3A_494 = tpu.memref_squeeze %dma_start3A_493 : memref<1x40xi32, #tpu.memory_space<vmem>> -> memref<40xi32, #tpu.memory_space<vmem>>
    %dma_start3A_495 = arith.constant 0 : i32
    %dma_start3A_496 = arith.constant 0 : i32
    %dma_start3A_497 = tpu.memref_slice %arg2[%dma_start3A_479, %dma_start3A_495, %dma_start3A_496] : memref<1x10240x128xf32, #tpu.memory_space<hbm>> -> memref<1x10240x128xf32, #tpu.memory_space<hbm>>
    %dma_start3A_498 = tpu.memref_squeeze %dma_start3A_497 : memref<1x10240x128xf32, #tpu.memory_space<hbm>> -> memref<10240x128xf32, #tpu.memory_space<hbm>>
    %dma_start3A_499 = arith.constant 0 : i32
    %dma_start3A_500 = arith.constant 0 : i32
    %dma_start3A_501 = tpu.memref_slice %dma_start3A_498[%dma_start3A_499, %dma_start3A_500] : memref<10240x128xf32, #tpu.memory_space<hbm>> -> memref<10240x128xf32, #tpu.memory_space<hbm>>
    %dma_start3A_502 = tpu.memref_slice %arg10[%dma_start3A_483] : memref<9x!tpu.dma_semaphore, #tpu.memory_space<semaphore_mem>> -> memref<1x!tpu.dma_semaphore, #tpu.memory_space<semaphore_mem>>
    %dma_start3A_503 = tpu.memref_squeeze %dma_start3A_502 : memref<1x!tpu.dma_semaphore, #tpu.memory_space<semaphore_mem>> -> memref<!tpu.dma_semaphore, #tpu.memory_space<semaphore_mem>>
    tpu.enqueue_indirect_dma source(%dma_start3A_501 : memref<10240x128xf32, #tpu.memory_space<hbm>>) target(%dma_start3A_487 : memref<40x128xf32, #tpu.memory_space<vmem>>) offsets(%dma_start3A_494 : memref<40xi32, #tpu.memory_space<vmem>>) semaphore(%dma_start3A_503 : memref<!tpu.dma_semaphore, #tpu.memory_space<semaphore_mem>>)
    %dma_wait3A_504 = arith.constant 3 : i32
    %dma_wait3A_505 = arith.constant 3 : i32
    %dma_wait3A_506 = arith.constant 3 : i32
    %dma_wait3A_507 = arith.constant 0 : i32
    %dma_wait3A_508 = arith.constant 0 : i32
    %dma_wait3A_509 = tpu.memref_slice %arg6[%dma_wait3A_505, %dma_wait3A_507, %dma_wait3A_508] : memref<9x2x40xi32, #tpu.memory_space<vmem>> -> memref<1x2x40xi32, #tpu.memory_space<vmem>>
    %dma_wait3A_510 = tpu.memref_squeeze %dma_wait3A_509 : memref<1x2x40xi32, #tpu.memory_space<vmem>> -> memref<2x40xi32, #tpu.memory_space<vmem>>
    %dma_wait3A_511 = arith.constant 0 : i32
    %dma_wait3A_512 = arith.constant 0 : i32
    %dma_wait3A_513 = arith.constant 0 : i32
    %dma_wait3A_514 = arith.constant 0 : i32
    %dma_wait3A_515 = tpu.memref_slice %arg3[%arg0, %dma_wait3A_511, %dma_wait3A_512, %dma_wait3A_513, %dma_wait3A_514] : memref<2x16x125x2x40xi32, #tpu.memory_space<hbm>> -> memref<1x16x125x2x40xi32, #tpu.memory_space<hbm>>
    %dma_wait3A_516 = tpu.memref_squeeze %dma_wait3A_515 : memref<1x16x125x2x40xi32, #tpu.memory_space<hbm>> -> memref<16x125x2x40xi32, #tpu.memory_space<hbm>>
    %dma_wait3A_517 = arith.constant 0 : i32
    %dma_wait3A_518 = arith.constant 0 : i32
    %dma_wait3A_519 = arith.constant 0 : i32
    %dma_wait3A_520 = tpu.memref_slice %dma_wait3A_516[%arg1, %dma_wait3A_517, %dma_wait3A_518, %dma_wait3A_519] : memref<16x125x2x40xi32, #tpu.memory_space<hbm>> -> memref<1x125x2x40xi32, #tpu.memory_space<hbm>>
    %dma_wait3A_521 = tpu.memref_squeeze %dma_wait3A_520 : memref<1x125x2x40xi32, #tpu.memory_space<hbm>> -> memref<125x2x40xi32, #tpu.memory_space<hbm>>
    %dma_wait3A_522 = arith.constant 0 : i32
    %dma_wait3A_523 = arith.constant 0 : i32
    %dma_wait3A_524 = tpu.memref_slice %dma_wait3A_521[%dma_wait3A_504, %dma_wait3A_522, %dma_wait3A_523] : memref<125x2x40xi32, #tpu.memory_space<hbm>> -> memref<1x2x40xi32, #tpu.memory_space<hbm>>
    %dma_wait3A_525 = tpu.memref_squeeze %dma_wait3A_524 : memref<1x2x40xi32, #tpu.memory_space<hbm>> -> memref<2x40xi32, #tpu.memory_space<hbm>>
    %dma_wait3A_526 = tpu.memref_slice %arg9[%dma_wait3A_506] : memref<9x!tpu.dma_semaphore, #tpu.memory_space<semaphore_mem>> -> memref<1x!tpu.dma_semaphore, #tpu.memory_space<semaphore_mem>>
    %dma_wait3A_527 = tpu.memref_squeeze %dma_wait3A_526 : memref<1x!tpu.dma_semaphore, #tpu.memory_space<semaphore_mem>> -> memref<!tpu.dma_semaphore, #tpu.memory_space<semaphore_mem>>
    %dma_wait3A_528 = arith.constant 0 : i32
    %dma_wait3A_529 = arith.constant 0 : i32
    %dma_wait3A_530 = tpu.memref_slice %arg6[%dma_wait3A_505, %dma_wait3A_528, %dma_wait3A_529] : memref<9x2x40xi32, #tpu.memory_space<vmem>> -> memref<1x2x40xi32, #tpu.memory_space<vmem>>
    %dma_wait3A_531 = tpu.memref_squeeze %dma_wait3A_530 : memref<1x2x40xi32, #tpu.memory_space<vmem>> -> memref<2x40xi32, #tpu.memory_space<vmem>>
    %dma_wait3A_532 = arith.constant 0 : i32
    %dma_wait3A_533 = arith.constant 0 : i32
    %dma_wait3A_534 = arith.constant 0 : i32
    %dma_wait3A_535 = arith.constant 0 : i32
    %dma_wait3A_536 = tpu.memref_slice %arg3[%arg0, %dma_wait3A_532, %dma_wait3A_533, %dma_wait3A_534, %dma_wait3A_535] : memref<2x16x125x2x40xi32, #tpu.memory_space<hbm>> -> memref<1x16x125x2x40xi32, #tpu.memory_space<hbm>>
    %dma_wait3A_537 = tpu.memref_squeeze %dma_wait3A_536 : memref<1x16x125x2x40xi32, #tpu.memory_space<hbm>> -> memref<16x125x2x40xi32, #tpu.memory_space<hbm>>
    %dma_wait3A_538 = arith.constant 0 : i32
    %dma_wait3A_539 = arith.constant 0 : i32
    %dma_wait3A_540 = arith.constant 0 : i32
    %dma_wait3A_541 = tpu.memref_slice %dma_wait3A_537[%arg1, %dma_wait3A_538, %dma_wait3A_539, %dma_wait3A_540] : memref<16x125x2x40xi32, #tpu.memory_space<hbm>> -> memref<1x125x2x40xi32, #tpu.memory_space<hbm>>
    %dma_wait3A_542 = tpu.memref_squeeze %dma_wait3A_541 : memref<1x125x2x40xi32, #tpu.memory_space<hbm>> -> memref<125x2x40xi32, #tpu.memory_space<hbm>>
    %dma_wait3A_543 = arith.constant 0 : i32
    %dma_wait3A_544 = arith.constant 0 : i32
    %dma_wait3A_545 = tpu.memref_slice %dma_wait3A_542[%dma_wait3A_504, %dma_wait3A_543, %dma_wait3A_544] : memref<125x2x40xi32, #tpu.memory_space<hbm>> -> memref<1x2x40xi32, #tpu.memory_space<hbm>>
    %dma_wait3A_546 = tpu.memref_squeeze %dma_wait3A_545 : memref<1x2x40xi32, #tpu.memory_space<hbm>> -> memref<2x40xi32, #tpu.memory_space<hbm>>
    tpu.wait_dma2 semaphore(%dma_wait3A_527 : memref<!tpu.dma_semaphore, #tpu.memory_space<semaphore_mem>>) src(%dma_wait3A_546 : memref<2x40xi32, #tpu.memory_space<hbm>>) dst(%dma_wait3A_531 : memref<2x40xi32, #tpu.memory_space<vmem>>)
    %dma_start3A_547 = arith.constant 0 : i32
    %dma_start3A_548 = arith.constant 3 : i32
    %dma_start3A_549 = arith.constant 0 : i32
    %dma_start3A_550 = arith.constant 3 : i32
    %dma_start3A_551 = arith.constant 3 : i32
    %dma_start3A_552 = arith.constant 0 : i32
    %dma_start3A_553 = arith.constant 0 : i32
    %dma_start3A_554 = tpu.memref_slice %arg7[%dma_start3A_550, %dma_start3A_552, %dma_start3A_553] : memref<9x40x128xf32, #tpu.memory_space<vmem>> -> memref<1x40x128xf32, #tpu.memory_space<vmem>>
    %dma_start3A_555 = tpu.memref_squeeze %dma_start3A_554 : memref<1x40x128xf32, #tpu.memory_space<vmem>> -> memref<40x128xf32, #tpu.memory_space<vmem>>
    %dma_start3A_556 = arith.constant 0 : i32
    %dma_start3A_557 = arith.constant 0 : i32
    %dma_start3A_558 = tpu.memref_slice %arg6[%dma_start3A_548, %dma_start3A_556, %dma_start3A_557] : memref<9x2x40xi32, #tpu.memory_space<vmem>> -> memref<1x2x40xi32, #tpu.memory_space<vmem>>
    %dma_start3A_559 = tpu.memref_squeeze %dma_start3A_558 : memref<1x2x40xi32, #tpu.memory_space<vmem>> -> memref<2x40xi32, #tpu.memory_space<vmem>>
    %dma_start3A_560 = arith.constant 0 : i32
    %dma_start3A_561 = tpu.memref_slice %dma_start3A_559[%dma_start3A_549, %dma_start3A_560] : memref<2x40xi32, #tpu.memory_space<vmem>> -> memref<1x40xi32, #tpu.memory_space<vmem>>
    %dma_start3A_562 = tpu.memref_squeeze %dma_start3A_561 : memref<1x40xi32, #tpu.memory_space<vmem>> -> memref<40xi32, #tpu.memory_space<vmem>>
    %dma_start3A_563 = arith.constant 0 : i32
    %dma_start3A_564 = arith.constant 0 : i32
    %dma_start3A_565 = tpu.memref_slice %arg2[%dma_start3A_547, %dma_start3A_563, %dma_start3A_564] : memref<1x10240x128xf32, #tpu.memory_space<hbm>> -> memref<1x10240x128xf32, #tpu.memory_space<hbm>>
    %dma_start3A_566 = tpu.memref_squeeze %dma_start3A_565 : memref<1x10240x128xf32, #tpu.memory_space<hbm>> -> memref<10240x128xf32, #tpu.memory_space<hbm>>
    %dma_start3A_567 = arith.constant 0 : i32
    %dma_start3A_568 = arith.constant 0 : i32
    %dma_start3A_569 = tpu.memref_slice %dma_start3A_566[%dma_start3A_567, %dma_start3A_568] : memref<10240x128xf32, #tpu.memory_space<hbm>> -> memref<10240x128xf32, #tpu.memory_space<hbm>>
    %dma_start3A_570 = tpu.memref_slice %arg10[%dma_start3A_551] : memref<9x!tpu.dma_semaphore, #tpu.memory_space<semaphore_mem>> -> memref<1x!tpu.dma_semaphore, #tpu.memory_space<semaphore_mem>>
    %dma_start3A_571 = tpu.memref_squeeze %dma_start3A_570 : memref<1x!tpu.dma_semaphore, #tpu.memory_space<semaphore_mem>> -> memref<!tpu.dma_semaphore, #tpu.memory_space<semaphore_mem>>
    tpu.enqueue_indirect_dma source(%dma_start3A_569 : memref<10240x128xf32, #tpu.memory_space<hbm>>) target(%dma_start3A_555 : memref<40x128xf32, #tpu.memory_space<vmem>>) offsets(%dma_start3A_562 : memref<40xi32, #tpu.memory_space<vmem>>) semaphore(%dma_start3A_571 : memref<!tpu.dma_semaphore, #tpu.memory_space<semaphore_mem>>)
    %dma_wait3A_572 = arith.constant 4 : i32
    %dma_wait3A_573 = arith.constant 4 : i32
    %dma_wait3A_574 = arith.constant 4 : i32
    %dma_wait3A_575 = arith.constant 0 : i32
    %dma_wait3A_576 = arith.constant 0 : i32
    %dma_wait3A_577 = tpu.memref_slice %arg6[%dma_wait3A_573, %dma_wait3A_575, %dma_wait3A_576] : memref<9x2x40xi32, #tpu.memory_space<vmem>> -> memref<1x2x40xi32, #tpu.memory_space<vmem>>
    %dma_wait3A_578 = tpu.memref_squeeze %dma_wait3A_577 : memref<1x2x40xi32, #tpu.memory_space<vmem>> -> memref<2x40xi32, #tpu.memory_space<vmem>>
    %dma_wait3A_579 = arith.constant 0 : i32
    %dma_wait3A_580 = arith.constant 0 : i32
    %dma_wait3A_581 = arith.constant 0 : i32
    %dma_wait3A_582 = arith.constant 0 : i32
    %dma_wait3A_583 = tpu.memref_slice %arg3[%arg0, %dma_wait3A_579, %dma_wait3A_580, %dma_wait3A_581, %dma_wait3A_582] : memref<2x16x125x2x40xi32, #tpu.memory_space<hbm>> -> memref<1x16x125x2x40xi32, #tpu.memory_space<hbm>>
    %dma_wait3A_584 = tpu.memref_squeeze %dma_wait3A_583 : memref<1x16x125x2x40xi32, #tpu.memory_space<hbm>> -> memref<16x125x2x40xi32, #tpu.memory_space<hbm>>
    %dma_wait3A_585 = arith.constant 0 : i32
    %dma_wait3A_586 = arith.constant 0 : i32
    %dma_wait3A_587 = arith.constant 0 : i32
    %dma_wait3A_588 = tpu.memref_slice %dma_wait3A_584[%arg1, %dma_wait3A_585, %dma_wait3A_586, %dma_wait3A_587] : memref<16x125x2x40xi32, #tpu.memory_space<hbm>> -> memref<1x125x2x40xi32, #tpu.memory_space<hbm>>
    %dma_wait3A_589 = tpu.memref_squeeze %dma_wait3A_588 : memref<1x125x2x40xi32, #tpu.memory_space<hbm>> -> memref<125x2x40xi32, #tpu.memory_space<hbm>>
    %dma_wait3A_590 = arith.constant 0 : i32
    %dma_wait3A_591 = arith.constant 0 : i32
    %dma_wait3A_592 = tpu.memref_slice %dma_wait3A_589[%dma_wait3A_572, %dma_wait3A_590, %dma_wait3A_591] : memref<125x2x40xi32, #tpu.memory_space<hbm>> -> memref<1x2x40xi32, #tpu.memory_space<hbm>>
    %dma_wait3A_593 = tpu.memref_squeeze %dma_wait3A_592 : memref<1x2x40xi32, #tpu.memory_space<hbm>> -> memref<2x40xi32, #tpu.memory_space<hbm>>
    %dma_wait3A_594 = tpu.memref_slice %arg9[%dma_wait3A_574] : memref<9x!tpu.dma_semaphore, #tpu.memory_space<semaphore_mem>> -> memref<1x!tpu.dma_semaphore, #tpu.memory_space<semaphore_mem>>
    %dma_wait3A_595 = tpu.memref_squeeze %dma_wait3A_594 : memref<1x!tpu.dma_semaphore, #tpu.memory_space<semaphore_mem>> -> memref<!tpu.dma_semaphore, #tpu.memory_space<semaphore_mem>>
    %dma_wait3A_596 = arith.constant 0 : i32
    %dma_wait3A_597 = arith.constant 0 : i32
    %dma_wait3A_598 = tpu.memref_slice %arg6[%dma_wait3A_573, %dma_wait3A_596, %dma_wait3A_597] : memref<9x2x40xi32, #tpu.memory_space<vmem>> -> memref<1x2x40xi32, #tpu.memory_space<vmem>>
    %dma_wait3A_599 = tpu.memref_squeeze %dma_wait3A_598 : memref<1x2x40xi32, #tpu.memory_space<vmem>> -> memref<2x40xi32, #tpu.memory_space<vmem>>
    %dma_wait3A_600 = arith.constant 0 : i32
    %dma_wait3A_601 = arith.constant 0 : i32
    %dma_wait3A_602 = arith.constant 0 : i32
    %dma_wait3A_603 = arith.constant 0 : i32
    %dma_wait3A_604 = tpu.memref_slice %arg3[%arg0, %dma_wait3A_600, %dma_wait3A_601, %dma_wait3A_602, %dma_wait3A_603] : memref<2x16x125x2x40xi32, #tpu.memory_space<hbm>> -> memref<1x16x125x2x40xi32, #tpu.memory_space<hbm>>
    %dma_wait3A_605 = tpu.memref_squeeze %dma_wait3A_604 : memref<1x16x125x2x40xi32, #tpu.memory_space<hbm>> -> memref<16x125x2x40xi32, #tpu.memory_space<hbm>>
    %dma_wait3A_606 = arith.constant 0 : i32
    %dma_wait3A_607 = arith.constant 0 : i32
    %dma_wait3A_608 = arith.constant 0 : i32
    %dma_wait3A_609 = tpu.memref_slice %dma_wait3A_605[%arg1, %dma_wait3A_606, %dma_wait3A_607, %dma_wait3A_608] : memref<16x125x2x40xi32, #tpu.memory_space<hbm>> -> memref<1x125x2x40xi32, #tpu.memory_space<hbm>>
    %dma_wait3A_610 = tpu.memref_squeeze %dma_wait3A_609 : memref<1x125x2x40xi32, #tpu.memory_space<hbm>> -> memref<125x2x40xi32, #tpu.memory_space<hbm>>
    %dma_wait3A_611 = arith.constant 0 : i32
    %dma_wait3A_612 = arith.constant 0 : i32
    %dma_wait3A_613 = tpu.memref_slice %dma_wait3A_610[%dma_wait3A_572, %dma_wait3A_611, %dma_wait3A_612] : memref<125x2x40xi32, #tpu.memory_space<hbm>> -> memref<1x2x40xi32, #tpu.memory_space<hbm>>
    %dma_wait3A_614 = tpu.memref_squeeze %dma_wait3A_613 : memref<1x2x40xi32, #tpu.memory_space<hbm>> -> memref<2x40xi32, #tpu.memory_space<hbm>>
    tpu.wait_dma2 semaphore(%dma_wait3A_595 : memref<!tpu.dma_semaphore, #tpu.memory_space<semaphore_mem>>) src(%dma_wait3A_614 : memref<2x40xi32, #tpu.memory_space<hbm>>) dst(%dma_wait3A_599 : memref<2x40xi32, #tpu.memory_space<vmem>>)
    %dma_start3A_615 = arith.constant 0 : i32
    %dma_start3A_616 = arith.constant 4 : i32
    %dma_start3A_617 = arith.constant 0 : i32
    %dma_start3A_618 = arith.constant 4 : i32
    %dma_start3A_619 = arith.constant 4 : i32
    %dma_start3A_620 = arith.constant 0 : i32
    %dma_start3A_621 = arith.constant 0 : i32
    %dma_start3A_622 = tpu.memref_slice %arg7[%dma_start3A_618, %dma_start3A_620, %dma_start3A_621] : memref<9x40x128xf32, #tpu.memory_space<vmem>> -> memref<1x40x128xf32, #tpu.memory_space<vmem>>
    %dma_start3A_623 = tpu.memref_squeeze %dma_start3A_622 : memref<1x40x128xf32, #tpu.memory_space<vmem>> -> memref<40x128xf32, #tpu.memory_space<vmem>>
    %dma_start3A_624 = arith.constant 0 : i32
    %dma_start3A_625 = arith.constant 0 : i32
    %dma_start3A_626 = tpu.memref_slice %arg6[%dma_start3A_616, %dma_start3A_624, %dma_start3A_625] : memref<9x2x40xi32, #tpu.memory_space<vmem>> -> memref<1x2x40xi32, #tpu.memory_space<vmem>>
    %dma_start3A_627 = tpu.memref_squeeze %dma_start3A_626 : memref<1x2x40xi32, #tpu.memory_space<vmem>> -> memref<2x40xi32, #tpu.memory_space<vmem>>
    %dma_start3A_628 = arith.constant 0 : i32
    %dma_start3A_629 = tpu.memref_slice %dma_start3A_627[%dma_start3A_617, %dma_start3A_628] : memref<2x40xi32, #tpu.memory_space<vmem>> -> memref<1x40xi32, #tpu.memory_space<vmem>>
    %dma_start3A_630 = tpu.memref_squeeze %dma_start3A_629 : memref<1x40xi32, #tpu.memory_space<vmem>> -> memref<40xi32, #tpu.memory_space<vmem>>
    %dma_start3A_631 = arith.constant 0 : i32
    %dma_start3A_632 = arith.constant 0 : i32
    %dma_start3A_633 = tpu.memref_slice %arg2[%dma_start3A_615, %dma_start3A_631, %dma_start3A_632] : memref<1x10240x128xf32, #tpu.memory_space<hbm>> -> memref<1x10240x128xf32, #tpu.memory_space<hbm>>
    %dma_start3A_634 = tpu.memref_squeeze %dma_start3A_633 : memref<1x10240x128xf32, #tpu.memory_space<hbm>> -> memref<10240x128xf32, #tpu.memory_space<hbm>>
    %dma_start3A_635 = arith.constant 0 : i32
    %dma_start3A_636 = arith.constant 0 : i32
    %dma_start3A_637 = tpu.memref_slice %dma_start3A_634[%dma_start3A_635, %dma_start3A_636] : memref<10240x128xf32, #tpu.memory_space<hbm>> -> memref<10240x128xf32, #tpu.memory_space<hbm>>
    %dma_start3A_638 = tpu.memref_slice %arg10[%dma_start3A_619] : memref<9x!tpu.dma_semaphore, #tpu.memory_space<semaphore_mem>> -> memref<1x!tpu.dma_semaphore, #tpu.memory_space<semaphore_mem>>
    %dma_start3A_639 = tpu.memref_squeeze %dma_start3A_638 : memref<1x!tpu.dma_semaphore, #tpu.memory_space<semaphore_mem>> -> memref<!tpu.dma_semaphore, #tpu.memory_space<semaphore_mem>>
    tpu.enqueue_indirect_dma source(%dma_start3A_637 : memref<10240x128xf32, #tpu.memory_space<hbm>>) target(%dma_start3A_623 : memref<40x128xf32, #tpu.memory_space<vmem>>) offsets(%dma_start3A_630 : memref<40xi32, #tpu.memory_space<vmem>>) semaphore(%dma_start3A_639 : memref<!tpu.dma_semaphore, #tpu.memory_space<semaphore_mem>>)
    %barrier3A = arith.constant 0 : index
    tpu.barrier barrier_id(%barrier3A)
    %scan3A = arith.constant 0 : i32
    %scan3A_640 = arith.constant 0 : i32
    %scan3A_641 = arith.constant 0 : i32
    %scan3A_642 = arith.constant 125 : i32
    %scan3A_643 = arith.addi %scan3A_641, %scan3A_642 : i32
    %scan3A_644 = arith.constant 1 : i32
    %scan3A_645 = scf.for %scan3A_692 = %scan3A_641 to %scan3A_643 step %scan3A_644 iter_args(%scan3A_693 = %scan3A_640) -> (i32)  : i32 {
      %rem3A = arith.constant 9 : i32
      %rem3A_694 = arith.remsi %scan3A_692, %rem3A : i32
      %dma_wait3A_695 = arith.constant 0 : i32
      %dma_wait3A_696 = arith.constant 0 : i32
      %dma_wait3A_697 = arith.constant 0 : i32
      %dma_wait3A_698 = tpu.memref_slice %arg7[%rem3A_694, %dma_wait3A_696, %dma_wait3A_697] : memref<9x40x128xf32, #tpu.memory_space<vmem>> -> memref<1x40x128xf32, #tpu.memory_space<vmem>>
      %dma_wait3A_699 = tpu.memref_squeeze %dma_wait3A_698 : memref<1x40x128xf32, #tpu.memory_space<vmem>> -> memref<40x128xf32, #tpu.memory_space<vmem>>
      %dma_wait3A_700 = arith.constant 0 : i32
      %dma_wait3A_701 = arith.constant 0 : i32
      %dma_wait3A_702 = tpu.memref_slice %arg6[%rem3A_694, %dma_wait3A_700, %dma_wait3A_701] : memref<9x2x40xi32, #tpu.memory_space<vmem>> -> memref<1x2x40xi32, #tpu.memory_space<vmem>>
      %dma_wait3A_703 = tpu.memref_squeeze %dma_wait3A_702 : memref<1x2x40xi32, #tpu.memory_space<vmem>> -> memref<2x40xi32, #tpu.memory_space<vmem>>
      %dma_wait3A_704 = arith.constant 0 : i32
      %dma_wait3A_705 = tpu.memref_slice %dma_wait3A_703[%dma_wait3A_695, %dma_wait3A_704] : memref<2x40xi32, #tpu.memory_space<vmem>> -> memref<1x40xi32, #tpu.memory_space<vmem>>
      %dma_wait3A_706 = tpu.memref_squeeze %dma_wait3A_705 : memref<1x40xi32, #tpu.memory_space<vmem>> -> memref<40xi32, #tpu.memory_space<vmem>>
      %dma_wait3A_707 = arith.constant 0 : i32
      %dma_wait3A_708 = arith.constant 0 : i32
      %dma_wait3A_709 = tpu.memref_slice %arg2[%scan3A, %dma_wait3A_707, %dma_wait3A_708] : memref<1x10240x128xf32, #tpu.memory_space<hbm>> -> memref<1x10240x128xf32, #tpu.memory_space<hbm>>
      %dma_wait3A_710 = tpu.memref_squeeze %dma_wait3A_709 : memref<1x10240x128xf32, #tpu.memory_space<hbm>> -> memref<10240x128xf32, #tpu.memory_space<hbm>>
      %dma_wait3A_711 = arith.constant 0 : i32
      %dma_wait3A_712 = arith.constant 0 : i32
      %dma_wait3A_713 = tpu.memref_slice %dma_wait3A_710[%dma_wait3A_711, %dma_wait3A_712] : memref<10240x128xf32, #tpu.memory_space<hbm>> -> memref<10240x128xf32, #tpu.memory_space<hbm>>
      %dma_wait3A_714 = tpu.memref_slice %arg10[%rem3A_694] : memref<9x!tpu.dma_semaphore, #tpu.memory_space<semaphore_mem>> -> memref<1x!tpu.dma_semaphore, #tpu.memory_space<semaphore_mem>>
      %dma_wait3A_715 = tpu.memref_squeeze %dma_wait3A_714 : memref<1x!tpu.dma_semaphore, #tpu.memory_space<semaphore_mem>> -> memref<!tpu.dma_semaphore, #tpu.memory_space<semaphore_mem>>
      tpu.wait_indirect_dma semaphore(%dma_wait3A_715 : memref<!tpu.dma_semaphore, #tpu.memory_space<semaphore_mem>>) src(%dma_wait3A_713 : memref<10240x128xf32, #tpu.memory_space<hbm>>) dst(%dma_wait3A_699 : memref<40x128xf32, #tpu.memory_space<vmem>>)
      %dma_start3A_716 = arith.constant 1 : i32
      %dma_start3A_717 = arith.constant 0 : i32
      %dma_start3A_718 = arith.constant 0 : i32
      %dma_start3A_719 = tpu.memref_slice %arg7[%rem3A_694, %dma_start3A_717, %dma_start3A_718] : memref<9x40x128xf32, #tpu.memory_space<vmem>> -> memref<1x40x128xf32, #tpu.memory_space<vmem>>
      %dma_start3A_720 = tpu.memref_squeeze %dma_start3A_719 : memref<1x40x128xf32, #tpu.memory_space<vmem>> -> memref<40x128xf32, #tpu.memory_space<vmem>>
      %dma_start3A_721 = arith.constant 0 : i32
      %dma_start3A_722 = arith.constant 0 : i32
      %dma_start3A_723 = tpu.memref_slice %arg6[%rem3A_694, %dma_start3A_721, %dma_start3A_722] : memref<9x2x40xi32, #tpu.memory_space<vmem>> -> memref<1x2x40xi32, #tpu.memory_space<vmem>>
      %dma_start3A_724 = tpu.memref_squeeze %dma_start3A_723 : memref<1x2x40xi32, #tpu.memory_space<vmem>> -> memref<2x40xi32, #tpu.memory_space<vmem>>
      %dma_start3A_725 = arith.constant 0 : i32
      %dma_start3A_726 = tpu.memref_slice %dma_start3A_724[%dma_start3A_716, %dma_start3A_725] : memref<2x40xi32, #tpu.memory_space<vmem>> -> memref<1x40xi32, #tpu.memory_space<vmem>>
      %dma_start3A_727 = tpu.memref_squeeze %dma_start3A_726 : memref<1x40xi32, #tpu.memory_space<vmem>> -> memref<40xi32, #tpu.memory_space<vmem>>
      %dma_start3A_728 = arith.constant 0 : i32
      %dma_start3A_729 = arith.constant 0 : i32
      %dma_start3A_730 = tpu.memref_slice %arg8[%dma_start3A_728, %dma_start3A_729] : memref<10240x128xf32, #tpu.memory_space<vmem_shared>> -> memref<10240x128xf32, #tpu.memory_space<vmem_shared>>
      %dma_start3A_731 = tpu.memref_slice %arg11[%rem3A_694] : memref<9x!tpu.dma_semaphore, #tpu.memory_space<semaphore_mem>> -> memref<1x!tpu.dma_semaphore, #tpu.memory_space<semaphore_mem>>
      %dma_start3A_732 = tpu.memref_squeeze %dma_start3A_731 : memref<1x!tpu.dma_semaphore, #tpu.memory_space<semaphore_mem>> -> memref<!tpu.dma_semaphore, #tpu.memory_space<semaphore_mem>>
      tpu.enqueue_indirect_dma source(%dma_start3A_720 : memref<40x128xf32, #tpu.memory_space<vmem>>) target(%dma_start3A_730 : memref<10240x128xf32, #tpu.memory_space<vmem_shared>>) offsets(%dma_start3A_727 : memref<40xi32, #tpu.memory_space<vmem>>) semaphore(%dma_start3A_732 : memref<!tpu.dma_semaphore, #tpu.memory_space<semaphore_mem>>) {add = true}
      %ge3A = arith.constant 2 : i32
      %ge3A_733 = arith.cmpi sge, %scan3A_692, %ge3A : i32
      %convert_element_type3A = arith.extui %ge3A_733 : i1 to i32
      %cond3A = arith.constant 0 : i32
      %cond3A_734 = arith.cmpi ne, %convert_element_type3A, %cond3A : i32
      scf.if %cond3A_734 {
        %sub3A = arith.constant 2 : i32
        %sub3A_748 = arith.subi %scan3A_692, %sub3A : i32
        %add3A_749 = arith.constant 9 : i32
        %add3A_750 = arith.addi %scan3A_692, %add3A_749 : i32
        %sub3A_751 = arith.constant 2 : i32
        %sub3A_752 = arith.subi %add3A_750, %sub3A_751 : i32
        %rem3A_753 = arith.constant 9 : i32
        %rem3A_754 = arith.remsi %sub3A_752, %rem3A_753 : i32
        %dma_wait3A_755 = arith.constant 1 : i32
        %dma_wait3A_756 = arith.constant 0 : i32
        %dma_wait3A_757 = arith.constant 0 : i32
        %dma_wait3A_758 = tpu.memref_slice %arg7[%rem3A_754, %dma_wait3A_756, %dma_wait3A_757] : memref<9x40x128xf32, #tpu.memory_space<vmem>> -> memref<1x40x128xf32, #tpu.memory_space<vmem>>
        %dma_wait3A_759 = tpu.memref_squeeze %dma_wait3A_758 : memref<1x40x128xf32, #tpu.memory_space<vmem>> -> memref<40x128xf32, #tpu.memory_space<vmem>>
        %dma_wait3A_760 = arith.constant 0 : i32
        %dma_wait3A_761 = arith.constant 0 : i32
        %dma_wait3A_762 = tpu.memref_slice %arg6[%rem3A_754, %dma_wait3A_760, %dma_wait3A_761] : memref<9x2x40xi32, #tpu.memory_space<vmem>> -> memref<1x2x40xi32, #tpu.memory_space<vmem>>
        %dma_wait3A_763 = tpu.memref_squeeze %dma_wait3A_762 : memref<1x2x40xi32, #tpu.memory_space<vmem>> -> memref<2x40xi32, #tpu.memory_space<vmem>>
        %dma_wait3A_764 = arith.constant 0 : i32
        %dma_wait3A_765 = tpu.memref_slice %dma_wait3A_763[%dma_wait3A_755, %dma_wait3A_764] : memref<2x40xi32, #tpu.memory_space<vmem>> -> memref<1x40xi32, #tpu.memory_space<vmem>>
        %dma_wait3A_766 = tpu.memref_squeeze %dma_wait3A_765 : memref<1x40xi32, #tpu.memory_space<vmem>> -> memref<40xi32, #tpu.memory_space<vmem>>
        %dma_wait3A_767 = arith.constant 0 : i32
        %dma_wait3A_768 = arith.constant 0 : i32
        %dma_wait3A_769 = tpu.memref_slice %arg8[%dma_wait3A_767, %dma_wait3A_768] : memref<10240x128xf32, #tpu.memory_space<vmem_shared>> -> memref<10240x128xf32, #tpu.memory_space<vmem_shared>>
        %dma_wait3A_770 = tpu.memref_slice %arg11[%rem3A_754] : memref<9x!tpu.dma_semaphore, #tpu.memory_space<semaphore_mem>> -> memref<1x!tpu.dma_semaphore, #tpu.memory_space<semaphore_mem>>
        %dma_wait3A_771 = tpu.memref_squeeze %dma_wait3A_770 : memref<1x!tpu.dma_semaphore, #tpu.memory_space<semaphore_mem>> -> memref<!tpu.dma_semaphore, #tpu.memory_space<semaphore_mem>>
        tpu.wait_indirect_dma semaphore(%dma_wait3A_771 : memref<!tpu.dma_semaphore, #tpu.memory_space<semaphore_mem>>) src(%dma_wait3A_759 : memref<40x128xf32, #tpu.memory_space<vmem>>) dst(%dma_wait3A_769 : memref<10240x128xf32, #tpu.memory_space<vmem_shared>>)
      } else {
      }
      %add3A = arith.constant 5 : i32
      %add3A_735 = arith.addi %scan3A_692, %add3A : i32
      %lt3A = arith.constant 125 : i32
      %lt3A_736 = arith.cmpi slt, %add3A_735, %lt3A : i32
      %convert_element_type3A_737 = arith.extui %lt3A_736 : i1 to i32
      %cond3A_738 = arith.constant 0 : i32
      %cond3A_739 = arith.cmpi ne, %convert_element_type3A_737, %cond3A_738 : i32
      scf.if %cond3A_739 {
        %add3A_748 = arith.constant 5 : i32
        %add3A_749 = arith.addi %scan3A_692, %add3A_748 : i32
        %rem3A_750 = arith.constant 9 : i32
        %rem3A_751 = arith.remsi %add3A_749, %rem3A_750 : i32
        %add3A_752 = arith.constant 5 : i32
        %add3A_753 = arith.addi %scan3A_692, %add3A_752 : i32
        %dma_wait3A_754 = arith.constant 0 : i32
        %dma_wait3A_755 = arith.constant 0 : i32
        %dma_wait3A_756 = tpu.memref_slice %arg6[%rem3A_751, %dma_wait3A_754, %dma_wait3A_755] : memref<9x2x40xi32, #tpu.memory_space<vmem>> -> memref<1x2x40xi32, #tpu.memory_space<vmem>>
        %dma_wait3A_757 = tpu.memref_squeeze %dma_wait3A_756 : memref<1x2x40xi32, #tpu.memory_space<vmem>> -> memref<2x40xi32, #tpu.memory_space<vmem>>
        %dma_wait3A_758 = arith.constant 0 : i32
        %dma_wait3A_759 = arith.constant 0 : i32
        %dma_wait3A_760 = arith.constant 0 : i32
        %dma_wait3A_761 = arith.constant 0 : i32
        %dma_wait3A_762 = tpu.memref_slice %arg3[%arg0, %dma_wait3A_758, %dma_wait3A_759, %dma_wait3A_760, %dma_wait3A_761] : memref<2x16x125x2x40xi32, #tpu.memory_space<hbm>> -> memref<1x16x125x2x40xi32, #tpu.memory_space<hbm>>
        %dma_wait3A_763 = tpu.memref_squeeze %dma_wait3A_762 : memref<1x16x125x2x40xi32, #tpu.memory_space<hbm>> -> memref<16x125x2x40xi32, #tpu.memory_space<hbm>>
        %dma_wait3A_764 = arith.constant 0 : i32
        %dma_wait3A_765 = arith.constant 0 : i32
        %dma_wait3A_766 = arith.constant 0 : i32
        %dma_wait3A_767 = tpu.memref_slice %dma_wait3A_763[%arg1, %dma_wait3A_764, %dma_wait3A_765, %dma_wait3A_766] : memref<16x125x2x40xi32, #tpu.memory_space<hbm>> -> memref<1x125x2x40xi32, #tpu.memory_space<hbm>>
        %dma_wait3A_768 = tpu.memref_squeeze %dma_wait3A_767 : memref<1x125x2x40xi32, #tpu.memory_space<hbm>> -> memref<125x2x40xi32, #tpu.memory_space<hbm>>
        %dma_wait3A_769 = arith.constant 0 : i32
        %dma_wait3A_770 = arith.constant 0 : i32
        %dma_wait3A_771 = tpu.memref_slice %dma_wait3A_768[%add3A_753, %dma_wait3A_769, %dma_wait3A_770] : memref<125x2x40xi32, #tpu.memory_space<hbm>> -> memref<1x2x40xi32, #tpu.memory_space<hbm>>
        %dma_wait3A_772 = tpu.memref_squeeze %dma_wait3A_771 : memref<1x2x40xi32, #tpu.memory_space<hbm>> -> memref<2x40xi32, #tpu.memory_space<hbm>>
        %dma_wait3A_773 = tpu.memref_slice %arg9[%rem3A_751] : memref<9x!tpu.dma_semaphore, #tpu.memory_space<semaphore_mem>> -> memref<1x!tpu.dma_semaphore, #tpu.memory_space<semaphore_mem>>
        %dma_wait3A_774 = tpu.memref_squeeze %dma_wait3A_773 : memref<1x!tpu.dma_semaphore, #tpu.memory_space<semaphore_mem>> -> memref<!tpu.dma_semaphore, #tpu.memory_space<semaphore_mem>>
        %dma_wait3A_775 = arith.constant 0 : i32
        %dma_wait3A_776 = arith.constant 0 : i32
        %dma_wait3A_777 = tpu.memref_slice %arg6[%rem3A_751, %dma_wait3A_775, %dma_wait3A_776] : memref<9x2x40xi32, #tpu.memory_space<vmem>> -> memref<1x2x40xi32, #tpu.memory_space<vmem>>
        %dma_wait3A_778 = tpu.memref_squeeze %dma_wait3A_777 : memref<1x2x40xi32, #tpu.memory_space<vmem>> -> memref<2x40xi32, #tpu.memory_space<vmem>>
        %dma_wait3A_779 = arith.constant 0 : i32
        %dma_wait3A_780 = arith.constant 0 : i32
        %dma_wait3A_781 = arith.constant 0 : i32
        %dma_wait3A_782 = arith.constant 0 : i32
        %dma_wait3A_783 = tpu.memref_slice %arg3[%arg0, %dma_wait3A_779, %dma_wait3A_780, %dma_wait3A_781, %dma_wait3A_782] : memref<2x16x125x2x40xi32, #tpu.memory_space<hbm>> -> memref<1x16x125x2x40xi32, #tpu.memory_space<hbm>>
        %dma_wait3A_784 = tpu.memref_squeeze %dma_wait3A_783 : memref<1x16x125x2x40xi32, #tpu.memory_space<hbm>> -> memref<16x125x2x40xi32, #tpu.memory_space<hbm>>
        %dma_wait3A_785 = arith.constant 0 : i32
        %dma_wait3A_786 = arith.constant 0 : i32
        %dma_wait3A_787 = arith.constant 0 : i32
        %dma_wait3A_788 = tpu.memref_slice %dma_wait3A_784[%arg1, %dma_wait3A_785, %dma_wait3A_786, %dma_wait3A_787] : memref<16x125x2x40xi32, #tpu.memory_space<hbm>> -> memref<1x125x2x40xi32, #tpu.memory_space<hbm>>
        %dma_wait3A_789 = tpu.memref_squeeze %dma_wait3A_788 : memref<1x125x2x40xi32, #tpu.memory_space<hbm>> -> memref<125x2x40xi32, #tpu.memory_space<hbm>>
        %dma_wait3A_790 = arith.constant 0 : i32
        %dma_wait3A_791 = arith.constant 0 : i32
        %dma_wait3A_792 = tpu.memref_slice %dma_wait3A_789[%add3A_753, %dma_wait3A_790, %dma_wait3A_791] : memref<125x2x40xi32, #tpu.memory_space<hbm>> -> memref<1x2x40xi32, #tpu.memory_space<hbm>>
        %dma_wait3A_793 = tpu.memref_squeeze %dma_wait3A_792 : memref<1x2x40xi32, #tpu.memory_space<hbm>> -> memref<2x40xi32, #tpu.memory_space<hbm>>
        tpu.wait_dma2 semaphore(%dma_wait3A_774 : memref<!tpu.dma_semaphore, #tpu.memory_space<semaphore_mem>>) src(%dma_wait3A_793 : memref<2x40xi32, #tpu.memory_space<hbm>>) dst(%dma_wait3A_778 : memref<2x40xi32, #tpu.memory_space<vmem>>)
        %add3A_794 = arith.constant 5 : i32
        %add3A_795 = arith.addi %scan3A_692, %add3A_794 : i32
        %dma_start3A_796 = arith.constant 0 : i32
        %dma_start3A_797 = arith.constant 0 : i32
        %dma_start3A_798 = arith.constant 0 : i32
        %dma_start3A_799 = tpu.memref_slice %arg7[%rem3A_751, %dma_start3A_797, %dma_start3A_798] : memref<9x40x128xf32, #tpu.memory_space<vmem>> -> memref<1x40x128xf32, #tpu.memory_space<vmem>>
        %dma_start3A_800 = tpu.memref_squeeze %dma_start3A_799 : memref<1x40x128xf32, #tpu.memory_space<vmem>> -> memref<40x128xf32, #tpu.memory_space<vmem>>
        %dma_start3A_801 = arith.constant 0 : i32
        %dma_start3A_802 = arith.constant 0 : i32
        %dma_start3A_803 = tpu.memref_slice %arg6[%rem3A_751, %dma_start3A_801, %dma_start3A_802] : memref<9x2x40xi32, #tpu.memory_space<vmem>> -> memref<1x2x40xi32, #tpu.memory_space<vmem>>
        %dma_start3A_804 = tpu.memref_squeeze %dma_start3A_803 : memref<1x2x40xi32, #tpu.memory_space<vmem>> -> memref<2x40xi32, #tpu.memory_space<vmem>>
        %dma_start3A_805 = arith.constant 0 : i32
        %dma_start3A_806 = tpu.memref_slice %dma_start3A_804[%dma_start3A_796, %dma_start3A_805] : memref<2x40xi32, #tpu.memory_space<vmem>> -> memref<1x40xi32, #tpu.memory_space<vmem>>
        %dma_start3A_807 = tpu.memref_squeeze %dma_start3A_806 : memref<1x40xi32, #tpu.memory_space<vmem>> -> memref<40xi32, #tpu.memory_space<vmem>>
        %dma_start3A_808 = arith.constant 0 : i32
        %dma_start3A_809 = arith.constant 0 : i32
        %dma_start3A_810 = tpu.memref_slice %arg2[%scan3A, %dma_start3A_808, %dma_start3A_809] : memref<1x10240x128xf32, #tpu.memory_space<hbm>> -> memref<1x10240x128xf32, #tpu.memory_space<hbm>>
        %dma_start3A_811 = tpu.memref_squeeze %dma_start3A_810 : memref<1x10240x128xf32, #tpu.memory_space<hbm>> -> memref<10240x128xf32, #tpu.memory_space<hbm>>
        %dma_start3A_812 = arith.constant 0 : i32
        %dma_start3A_813 = arith.constant 0 : i32
        %dma_start3A_814 = tpu.memref_slice %dma_start3A_811[%dma_start3A_812, %dma_start3A_813] : memref<10240x128xf32, #tpu.memory_space<hbm>> -> memref<10240x128xf32, #tpu.memory_space<hbm>>
        %dma_start3A_815 = tpu.memref_slice %arg10[%rem3A_751] : memref<9x!tpu.dma_semaphore, #tpu.memory_space<semaphore_mem>> -> memref<1x!tpu.dma_semaphore, #tpu.memory_space<semaphore_mem>>
        %dma_start3A_816 = tpu.memref_squeeze %dma_start3A_815 : memref<1x!tpu.dma_semaphore, #tpu.memory_space<semaphore_mem>> -> memref<!tpu.dma_semaphore, #tpu.memory_space<semaphore_mem>>
        tpu.enqueue_indirect_dma source(%dma_start3A_814 : memref<10240x128xf32, #tpu.memory_space<hbm>>) target(%dma_start3A_800 : memref<40x128xf32, #tpu.memory_space<vmem>>) offsets(%dma_start3A_807 : memref<40xi32, #tpu.memory_space<vmem>>) semaphore(%dma_start3A_816 : memref<!tpu.dma_semaphore, #tpu.memory_space<semaphore_mem>>)
      } else {
      }
      %add3A_740 = arith.constant 7 : i32
      %add3A_741 = arith.addi %scan3A_692, %add3A_740 : i32
      %lt3A_742 = arith.constant 125 : i32
      %lt3A_743 = arith.cmpi slt, %add3A_741, %lt3A_742 : i32
      %convert_element_type3A_744 = arith.extui %lt3A_743 : i1 to i32
      %cond3A_745 = arith.constant 0 : i32
      %cond3A_746 = arith.cmpi ne, %convert_element_type3A_744, %cond3A_745 : i32
      scf.if %cond3A_746 {
        %add3A_748 = arith.constant 7 : i32
        %add3A_749 = arith.addi %scan3A_692, %add3A_748 : i32
        %add3A_750 = arith.constant 7 : i32
        %add3A_751 = arith.addi %scan3A_692, %add3A_750 : i32
        %rem3A_752 = arith.constant 9 : i32
        %rem3A_753 = arith.remsi %add3A_751, %rem3A_752 : i32
        %dma_start3A_754 = arith.constant 0 : i32
        %dma_start3A_755 = arith.constant 0 : i32
        %dma_start3A_756 = tpu.memref_slice %arg6[%rem3A_753, %dma_start3A_754, %dma_start3A_755] : memref<9x2x40xi32, #tpu.memory_space<vmem>> -> memref<1x2x40xi32, #tpu.memory_space<vmem>>
        %dma_start3A_757 = tpu.memref_squeeze %dma_start3A_756 : memref<1x2x40xi32, #tpu.memory_space<vmem>> -> memref<2x40xi32, #tpu.memory_space<vmem>>
        %dma_start3A_758 = arith.constant 0 : i32
        %dma_start3A_759 = arith.constant 0 : i32
        %dma_start3A_760 = arith.constant 0 : i32
        %dma_start3A_761 = arith.constant 0 : i32
        %dma_start3A_762 = tpu.memref_slice %arg3[%arg0, %dma_start3A_758, %dma_start3A_759, %dma_start3A_760, %dma_start3A_761] : memref<2x16x125x2x40xi32, #tpu.memory_space<hbm>> -> memref<1x16x125x2x40xi32, #tpu.memory_space<hbm>>
        %dma_start3A_763 = tpu.memref_squeeze %dma_start3A_762 : memref<1x16x125x2x40xi32, #tpu.memory_space<hbm>> -> memref<16x125x2x40xi32, #tpu.memory_space<hbm>>
        %dma_start3A_764 = arith.constant 0 : i32
        %dma_start3A_765 = arith.constant 0 : i32
        %dma_start3A_766 = arith.constant 0 : i32
        %dma_start3A_767 = tpu.memref_slice %dma_start3A_763[%arg1, %dma_start3A_764, %dma_start3A_765, %dma_start3A_766] : memref<16x125x2x40xi32, #tpu.memory_space<hbm>> -> memref<1x125x2x40xi32, #tpu.memory_space<hbm>>
        %dma_start3A_768 = tpu.memref_squeeze %dma_start3A_767 : memref<1x125x2x40xi32, #tpu.memory_space<hbm>> -> memref<125x2x40xi32, #tpu.memory_space<hbm>>
        %dma_start3A_769 = arith.constant 0 : i32
        %dma_start3A_770 = arith.constant 0 : i32
        %dma_start3A_771 = tpu.memref_slice %dma_start3A_768[%add3A_749, %dma_start3A_769, %dma_start3A_770] : memref<125x2x40xi32, #tpu.memory_space<hbm>> -> memref<1x2x40xi32, #tpu.memory_space<hbm>>
        %dma_start3A_772 = tpu.memref_squeeze %dma_start3A_771 : memref<1x2x40xi32, #tpu.memory_space<hbm>> -> memref<2x40xi32, #tpu.memory_space<hbm>>
        %dma_start3A_773 = tpu.memref_slice %arg9[%rem3A_753] : memref<9x!tpu.dma_semaphore, #tpu.memory_space<semaphore_mem>> -> memref<1x!tpu.dma_semaphore, #tpu.memory_space<semaphore_mem>>
        %dma_start3A_774 = tpu.memref_squeeze %dma_start3A_773 : memref<1x!tpu.dma_semaphore, #tpu.memory_space<semaphore_mem>> -> memref<!tpu.dma_semaphore, #tpu.memory_space<semaphore_mem>>
        %dma_start3A_775 = arith.constant 0 : i32
        %dma_start3A_776 = arith.constant 0 : i32
        %dma_start3A_777 = tpu.memref_slice %arg6[%rem3A_753, %dma_start3A_775, %dma_start3A_776] : memref<9x2x40xi32, #tpu.memory_space<vmem>> -> memref<1x2x40xi32, #tpu.memory_space<vmem>>
        %dma_start3A_778 = tpu.memref_squeeze %dma_start3A_777 : memref<1x2x40xi32, #tpu.memory_space<vmem>> -> memref<2x40xi32, #tpu.memory_space<vmem>>
        %dma_start3A_779 = arith.constant 0 : i32
        %dma_start3A_780 = arith.constant 0 : i32
        %dma_start3A_781 = arith.constant 0 : i32
        %dma_start3A_782 = arith.constant 0 : i32
        %dma_start3A_783 = tpu.memref_slice %arg3[%arg0, %dma_start3A_779, %dma_start3A_780, %dma_start3A_781, %dma_start3A_782] : memref<2x16x125x2x40xi32, #tpu.memory_space<hbm>> -> memref<1x16x125x2x40xi32, #tpu.memory_space<hbm>>
        %dma_start3A_784 = tpu.memref_squeeze %dma_start3A_783 : memref<1x16x125x2x40xi32, #tpu.memory_space<hbm>> -> memref<16x125x2x40xi32, #tpu.memory_space<hbm>>
        %dma_start3A_785 = arith.constant 0 : i32
        %dma_start3A_786 = arith.constant 0 : i32
        %dma_start3A_787 = arith.constant 0 : i32
        %dma_start3A_788 = tpu.memref_slice %dma_start3A_784[%arg1, %dma_start3A_785, %dma_start3A_786, %dma_start3A_787] : memref<16x125x2x40xi32, #tpu.memory_space<hbm>> -> memref<1x125x2x40xi32, #tpu.memory_space<hbm>>
        %dma_start3A_789 = tpu.memref_squeeze %dma_start3A_788 : memref<1x125x2x40xi32, #tpu.memory_space<hbm>> -> memref<125x2x40xi32, #tpu.memory_space<hbm>>
        %dma_start3A_790 = arith.constant 0 : i32
        %dma_start3A_791 = arith.constant 0 : i32
        %dma_start3A_792 = tpu.memref_slice %dma_start3A_789[%add3A_749, %dma_start3A_790, %dma_start3A_791] : memref<125x2x40xi32, #tpu.memory_space<hbm>> -> memref<1x2x40xi32, #tpu.memory_space<hbm>>
        %dma_start3A_793 = tpu.memref_squeeze %dma_start3A_792 : memref<1x2x40xi32, #tpu.memory_space<hbm>> -> memref<2x40xi32, #tpu.memory_space<hbm>>
        tpu.enqueue_dma source(%dma_start3A_793 : memref<2x40xi32, #tpu.memory_space<hbm>>) target(%dma_start3A_778 : memref<2x40xi32, #tpu.memory_space<vmem>>) target_semaphore(%dma_start3A_774 : memref<!tpu.dma_semaphore, #tpu.memory_space<semaphore_mem>>)
      } else {
      }
      %scan3A_747 = arith.constant 0 : i32
      scf.yield %scan3A_747 : i32
    }
    %scan3A_646 = arith.constant 125 : i32
    %dma_wait3A_647 = arith.constant 6 : i32
    %dma_wait3A_648 = arith.constant 6 : i32
    %dma_wait3A_649 = arith.constant 1 : i32
    %dma_wait3A_650 = arith.constant 6 : i32
    %dma_wait3A_651 = arith.constant 0 : i32
    %dma_wait3A_652 = arith.constant 0 : i32
    %dma_wait3A_653 = tpu.memref_slice %arg7[%dma_wait3A_647, %dma_wait3A_651, %dma_wait3A_652] : memref<9x40x128xf32, #tpu.memory_space<vmem>> -> memref<1x40x128xf32, #tpu.memory_space<vmem>>
    %dma_wait3A_654 = tpu.memref_squeeze %dma_wait3A_653 : memref<1x40x128xf32, #tpu.memory_space<vmem>> -> memref<40x128xf32, #tpu.memory_space<vmem>>
    %dma_wait3A_655 = arith.constant 0 : i32
    %dma_wait3A_656 = arith.constant 0 : i32
    %dma_wait3A_657 = tpu.memref_slice %arg6[%dma_wait3A_648, %dma_wait3A_655, %dma_wait3A_656] : memref<9x2x40xi32, #tpu.memory_space<vmem>> -> memref<1x2x40xi32, #tpu.memory_space<vmem>>
    %dma_wait3A_658 = tpu.memref_squeeze %dma_wait3A_657 : memref<1x2x40xi32, #tpu.memory_space<vmem>> -> memref<2x40xi32, #tpu.memory_space<vmem>>
    %dma_wait3A_659 = arith.constant 0 : i32
    %dma_wait3A_660 = tpu.memref_slice %dma_wait3A_658[%dma_wait3A_649, %dma_wait3A_659] : memref<2x40xi32, #tpu.memory_space<vmem>> -> memref<1x40xi32, #tpu.memory_space<vmem>>
    %dma_wait3A_661 = tpu.memref_squeeze %dma_wait3A_660 : memref<1x40xi32, #tpu.memory_space<vmem>> -> memref<40xi32, #tpu.memory_space<vmem>>
    %dma_wait3A_662 = arith.constant 0 : i32
    %dma_wait3A_663 = arith.constant 0 : i32
    %dma_wait3A_664 = tpu.memref_slice %arg8[%dma_wait3A_662, %dma_wait3A_663] : memref<10240x128xf32, #tpu.memory_space<vmem_shared>> -> memref<10240x128xf32, #tpu.memory_space<vmem_shared>>
    %dma_wait3A_665 = tpu.memref_slice %arg11[%dma_wait3A_650] : memref<9x!tpu.dma_semaphore, #tpu.memory_space<semaphore_mem>> -> memref<1x!tpu.dma_semaphore, #tpu.memory_space<semaphore_mem>>
    %dma_wait3A_666 = tpu.memref_squeeze %dma_wait3A_665 : memref<1x!tpu.dma_semaphore, #tpu.memory_space<semaphore_mem>> -> memref<!tpu.dma_semaphore, #tpu.memory_space<semaphore_mem>>
    tpu.wait_indirect_dma semaphore(%dma_wait3A_666 : memref<!tpu.dma_semaphore, #tpu.memory_space<semaphore_mem>>) src(%dma_wait3A_654 : memref<40x128xf32, #tpu.memory_space<vmem>>) dst(%dma_wait3A_664 : memref<10240x128xf32, #tpu.memory_space<vmem_shared>>)
    %dma_wait3A_667 = arith.constant 7 : i32
    %dma_wait3A_668 = arith.constant 7 : i32
    %dma_wait3A_669 = arith.constant 1 : i32
    %dma_wait3A_670 = arith.constant 7 : i32
    %dma_wait3A_671 = arith.constant 0 : i32
    %dma_wait3A_672 = arith.constant 0 : i32
    %dma_wait3A_673 = tpu.memref_slice %arg7[%dma_wait3A_667, %dma_wait3A_671, %dma_wait3A_672] : memref<9x40x128xf32, #tpu.memory_space<vmem>> -> memref<1x40x128xf32, #tpu.memory_space<vmem>>
    %dma_wait3A_674 = tpu.memref_squeeze %dma_wait3A_673 : memref<1x40x128xf32, #tpu.memory_space<vmem>> -> memref<40x128xf32, #tpu.memory_space<vmem>>
    %dma_wait3A_675 = arith.constant 0 : i32
    %dma_wait3A_676 = arith.constant 0 : i32
    %dma_wait3A_677 = tpu.memref_slice %arg6[%dma_wait3A_668, %dma_wait3A_675, %dma_wait3A_676] : memref<9x2x40xi32, #tpu.memory_space<vmem>> -> memref<1x2x40xi32, #tpu.memory_space<vmem>>
    %dma_wait3A_678 = tpu.memref_squeeze %dma_wait3A_677 : memref<1x2x40xi32, #tpu.memory_space<vmem>> -> memref<2x40xi32, #tpu.memory_space<vmem>>
    %dma_wait3A_679 = arith.constant 0 : i32
    %dma_wait3A_680 = tpu.memref_slice %dma_wait3A_678[%dma_wait3A_669, %dma_wait3A_679] : memref<2x40xi32, #tpu.memory_space<vmem>> -> memref<1x40xi32, #tpu.memory_space<vmem>>
    %dma_wait3A_681 = tpu.memref_squeeze %dma_wait3A_680 : memref<1x40xi32, #tpu.memory_space<vmem>> -> memref<40xi32, #tpu.memory_space<vmem>>
    %dma_wait3A_682 = arith.constant 0 : i32
    %dma_wait3A_683 = arith.constant 0 : i32
    %dma_wait3A_684 = tpu.memref_slice %arg8[%dma_wait3A_682, %dma_wait3A_683] : memref<10240x128xf32, #tpu.memory_space<vmem_shared>> -> memref<10240x128xf32, #tpu.memory_space<vmem_shared>>
    %dma_wait3A_685 = tpu.memref_slice %arg11[%dma_wait3A_670] : memref<9x!tpu.dma_semaphore, #tpu.memory_space<semaphore_mem>> -> memref<1x!tpu.dma_semaphore, #tpu.memory_space<semaphore_mem>>
    %dma_wait3A_686 = tpu.memref_squeeze %dma_wait3A_685 : memref<1x!tpu.dma_semaphore, #tpu.memory_space<semaphore_mem>> -> memref<!tpu.dma_semaphore, #tpu.memory_space<semaphore_mem>>
    tpu.wait_indirect_dma semaphore(%dma_wait3A_686 : memref<!tpu.dma_semaphore, #tpu.memory_space<semaphore_mem>>) src(%dma_wait3A_674 : memref<40x128xf32, #tpu.memory_space<vmem>>) dst(%dma_wait3A_684 : memref<10240x128xf32, #tpu.memory_space<vmem_shared>>)
    %barrier3A_687 = arith.constant 0 : index
    tpu.barrier barrier_id(%barrier3A_687)
    %mul3A_688 = arith.constant 640 : i32
    %mul3A_689 = arith.muli %mul3A_688, %arg1 : i32
    %mul3A_690 = arith.constant 640 : i32
    %mul3A_691 = arith.muli %mul3A_690, %arg1 : i32
    "tpu.region"() ({
      %run_scoped3A = tpu.sem_alloc : memref<!tpu.dma_semaphore, #tpu.memory_space<semaphore_mem>>
      %dma_start3A_692 = arith.constant 0 : i32
      %dma_start3A_693 = arith.constant 0 : i32
      %dma_start3A_694 = tpu.memref_slice %arg5[%arg0, %dma_start3A_692, %dma_start3A_693] : memref<2x10240x128xf32, #tpu.memory_space<hbm>> -> memref<1x10240x128xf32, #tpu.memory_space<hbm>>
      %dma_start3A_695 = tpu.memref_squeeze %dma_start3A_694 : memref<1x10240x128xf32, #tpu.memory_space<hbm>> -> memref<10240x128xf32, #tpu.memory_space<hbm>>
      %dma_start3A_696 = arith.constant 0 : i32
      %dma_start3A_697 = tpu.memref_slice %dma_start3A_695[%mul3A_691, %dma_start3A_696] : memref<10240x128xf32, #tpu.memory_space<hbm>> -> memref<640x128xf32, #tpu.memory_space<hbm>>
      %dma_start3A_698 = arith.constant 0 : i32
      %dma_start3A_699 = tpu.memref_slice %arg8[%mul3A_689, %dma_start3A_698] : memref<10240x128xf32, #tpu.memory_space<vmem_shared>> -> memref<640x128xf32, #tpu.memory_space<vmem_shared>>
      tpu.enqueue_dma source(%dma_start3A_699 : memref<640x128xf32, #tpu.memory_space<vmem_shared>>) target(%dma_start3A_697 : memref<640x128xf32, #tpu.memory_space<hbm>>) target_semaphore(%run_scoped3A : memref<!tpu.dma_semaphore, #tpu.memory_space<semaphore_mem>>)
      %dma_wait3A_700 = arith.constant 0 : i32
      %dma_wait3A_701 = arith.constant 0 : i32
      %dma_wait3A_702 = tpu.memref_slice %arg5[%arg0, %dma_wait3A_700, %dma_wait3A_701] : memref<2x10240x128xf32, #tpu.memory_space<hbm>> -> memref<1x10240x128xf32, #tpu.memory_space<hbm>>
      %dma_wait3A_703 = tpu.memref_squeeze %dma_wait3A_702 : memref<1x10240x128xf32, #tpu.memory_space<hbm>> -> memref<10240x128xf32, #tpu.memory_space<hbm>>
      %dma_wait3A_704 = arith.constant 0 : i32
      %dma_wait3A_705 = tpu.memref_slice %dma_wait3A_703[%mul3A_691, %dma_wait3A_704] : memref<10240x128xf32, #tpu.memory_space<hbm>> -> memref<640x128xf32, #tpu.memory_space<hbm>>
      %dma_wait3A_706 = arith.constant 0 : i32
      %dma_wait3A_707 = tpu.memref_slice %arg8[%mul3A_689, %dma_wait3A_706] : memref<10240x128xf32, #tpu.memory_space<vmem_shared>> -> memref<640x128xf32, #tpu.memory_space<vmem_shared>>
      tpu.wait_dma2 semaphore(%run_scoped3A : memref<!tpu.dma_semaphore, #tpu.memory_space<semaphore_mem>>) src(%dma_wait3A_707 : memref<640x128xf32, #tpu.memory_space<vmem_shared>>) dst(%dma_wait3A_705 : memref<640x128xf32, #tpu.memory_space<hbm>>)
      tpu.yield
    }) : () -> ()
    return
  }
}

module attributes {stable_mosaic.version = 14 : i64} {
  func.func @_tc_a_body(%arg0: i32, %arg1: memref<2x1024xf32, #tpu.memory_space<vmem>>, %arg2: memref<1024x256xf32, #tpu.memory_space<vmem>>, %arg3: memref<2x1024x128xf32, #tpu.memory_space<vmem>>) attributes {dimension_semantics = [#tpu.dimension_semantics<arbitrary>], iteration_bounds = array<i64: 10>, scalar_prefetch = 0 : i64, scratch_operands = 0 : i64, tpu.core_type = #tpu.core_type<tc>, window_params = [{transform_indices = @transform_0, window_bounds = array<i64: 2, 1024>}, {transform_indices = @transform_1, window_bounds = array<i64: 1024, 256>}, {transform_indices = @transform_2, window_bounds = array<i64: 2, 1024, 128>}]} {
    %get3A = arith.constant 0 : index
    %get3A_0 = arith.constant 0 : index
    %get3A_1 = vector.load %arg1[%get3A, %get3A_0] : memref<2x1024xf32, #tpu.memory_space<vmem>>, vector<1x1024xf32>
    %get3A_2 = vector.shape_cast %get3A_1 : vector<1x1024xf32> to vector<1024xf32>
    %gt3A = arith.constant 0.000000e+00 : f32
    %gt3A_3 = vector.broadcast %gt3A : f32 to vector<1024xf32>
    %gt3A_4 = arith.cmpf ogt, %get3A_2, %gt3A_3 : vector<1024xf32>
    %max3A = arith.constant 1.000000e+00 : f32
    %max3A_5 = vector.broadcast %max3A : f32 to vector<1024xf32>
    %max3A_6 = arith.maximumf %get3A_2, %max3A_5 : vector<1024xf32>
    %rsqrt3A = math.rsqrt %max3A_6 : vector<1024xf32>
    %jit3A = arith.constant 0.000000e+00 : f32
    %broadcast_in_dim3A = vector.broadcast %jit3A : f32 to vector<1024xf32>
    %select_n3A = arith.select %gt3A_4, %rsqrt3A, %broadcast_in_dim3A : vector<1024xi1>, vector<1024xf32>
    %get3A_7 = arith.constant 0 : index
    %get3A_8 = arith.constant 0 : index
    %get3A_9 = vector.load %arg2[%get3A_7, %get3A_8] : memref<1024x256xf32, #tpu.memory_space<vmem>>, vector<1024x256xf32>
    %broadcast_in_dim3A_10 = vector.shape_cast %select_n3A : vector<1024xf32> to vector<1024x1xf32>
    %mul3A = vector.broadcast %broadcast_in_dim3A_10 : vector<1024x1xf32> to vector<1024x256xf32>
    %mul3A_11 = arith.mulf %get3A_9, %mul3A : vector<1024x256xf32>
    %slice3A = vector.extract_strided_slice %mul3A_11 {offsets = [0, 0], sizes = [1024, 128], strides = [1, 1]} : vector<1024x256xf32> to vector<1024x128xf32>
    %swap3A = arith.constant 0 : index
    %swap3A_12 = arith.constant 0 : index
    %swap3A_13 = arith.constant 0 : index
    %swap3A_14 = vector.load %arg3[%swap3A, %swap3A_12, %swap3A_13] : memref<2x1024x128xf32, #tpu.memory_space<vmem>>, vector<1x1024x128xf32>
    %swap3A_15 = vector.shape_cast %swap3A_14 : vector<1x1024x128xf32> to vector<1024x128xf32>
    %swap3A_16 = vector.shape_cast %slice3A : vector<1024x128xf32> to vector<1x1024x128xf32>
    tpu.vector_store %arg3[%swap3A, %swap3A_12, %swap3A_13], %swap3A_16 {strides = array<i32>} : memref<2x1024x128xf32, #tpu.memory_space<vmem>>, vector<1x1024x128xf32>,
    %slice3A_17 = vector.extract_strided_slice %mul3A_11 {offsets = [0, 128], sizes = [1024, 128], strides = [1, 1]} : vector<1024x256xf32> to vector<1024x128xf32>
    %swap3A_18 = arith.constant 1 : index
    %swap3A_19 = arith.constant 0 : index
    %swap3A_20 = arith.constant 0 : index
    %swap3A_21 = vector.load %arg3[%swap3A_18, %swap3A_19, %swap3A_20] : memref<2x1024x128xf32, #tpu.memory_space<vmem>>, vector<1x1024x128xf32>
    %swap3A_22 = vector.shape_cast %swap3A_21 : vector<1x1024x128xf32> to vector<1024x128xf32>
    %swap3A_23 = vector.shape_cast %slice3A_17 : vector<1024x128xf32> to vector<1x1024x128xf32>
    tpu.vector_store %arg3[%swap3A_18, %swap3A_19, %swap3A_20], %swap3A_23 {strides = array<i32>} : memref<2x1024x128xf32, #tpu.memory_space<vmem>>, vector<1x1024x128xf32>,
    return
  }
  func.func @transform_0(%arg0: i32) -> (i32, i32) {
    %c0_i32 = arith.constant 0 : i32
    %c0_i32_0 = arith.constant 0 : i32
    return %c0_i32, %arg0 : i32, i32
  }
  func.func @transform_1(%arg0: i32) -> (i32, i32) {
    %c0_i32 = arith.constant 0 : i32
    %c0_i32_0 = arith.constant 0 : i32
    return %arg0, %c0_i32 : i32, i32
  }
  func.func @transform_2(%arg0: i32) -> (i32, i32, i32) {
    %c0_i32 = arith.constant 0 : i32
    %c0_i32_0 = arith.constant 0 : i32
    %c0_i32_1 = arith.constant 0 : i32
    return %c0_i32, %arg0, %c0_i32_0 : i32, i32, i32
  }
}

module attributes {stable_mosaic.version = 14 : i64} {
  func.func @_tc_b_body(%arg0: i32, %arg1: memref<2x1024xf32, #tpu.memory_space<vmem>>, %arg2: memref<2x1024x128xf32, #tpu.memory_space<vmem>>, %arg3: memref<256x512xf32, #tpu.memory_space<vmem>>, %arg4: memref<1x512xf32, #tpu.memory_space<vmem>>, %arg5: memref<4x1024x128xf32, #tpu.memory_space<vmem>>) attributes {dimension_semantics = [#tpu.dimension_semantics<arbitrary>], iteration_bounds = array<i64: 10>, scalar_prefetch = 0 : i64, scratch_operands = 0 : i64, tpu.core_type = #tpu.core_type<tc>, window_params = [{transform_indices = @transform_0, window_bounds = array<i64: 2, 1024>}, {transform_indices = @transform_1, window_bounds = array<i64: 2, 1024, 128>}, {pipeline_mode = #tpu.pipeline_mode<synchronous>, transform_indices = @transform_2, window_bounds = array<i64: 256, 512>}, {pipeline_mode = #tpu.pipeline_mode<synchronous>, transform_indices = @transform_3, window_bounds = array<i64: 1, 512>}, {transform_indices = @transform_4, window_bounds = array<i64: 4, 1024, 128>}]} {
    %get3A = arith.constant 0 : index
    %get3A_0 = arith.constant 0 : index
    %get3A_1 = vector.load %arg1[%get3A, %get3A_0] : memref<2x1024xf32, #tpu.memory_space<vmem>>, vector<1x1024xf32>
    %get3A_2 = vector.shape_cast %get3A_1 : vector<1x1024xf32> to vector<1024xf32>
    %get3A_3 = arith.constant 1 : index
    %get3A_4 = arith.constant 0 : index
    %get3A_5 = vector.load %arg1[%get3A_3, %get3A_4] : memref<2x1024xf32, #tpu.memory_space<vmem>>, vector<1x1024xf32>
    %get3A_6 = vector.shape_cast %get3A_5 : vector<1x1024xf32> to vector<1024xf32>
    %gt3A = arith.constant 0.000000e+00 : f32
    %gt3A_7 = vector.broadcast %gt3A : f32 to vector<1024xf32>
    %gt3A_8 = arith.cmpf ogt, %get3A_2, %gt3A_7 : vector<1024xf32>
    %max3A = arith.constant 1.000000e+00 : f32
    %max3A_9 = vector.broadcast %max3A : f32 to vector<1024xf32>
    %max3A_10 = arith.maximumf %get3A_2, %max3A_9 : vector<1024xf32>
    %rsqrt3A = math.rsqrt %max3A_10 : vector<1024xf32>
    %jit3A = arith.constant 0.000000e+00 : f32
    %broadcast_in_dim3A = vector.broadcast %jit3A : f32 to vector<1024xf32>
    %select_n3A = arith.select %gt3A_8, %rsqrt3A, %broadcast_in_dim3A : vector<1024xi1>, vector<1024xf32>
    %gt3A_11 = arith.constant 0.000000e+00 : f32
    %gt3A_12 = vector.broadcast %gt3A_11 : f32 to vector<1024xf32>
    %gt3A_13 = arith.cmpf ogt, %get3A_6, %gt3A_12 : vector<1024xf32>
    %max3A_14 = arith.constant 1.000000e+00 : f32
    %max3A_15 = vector.broadcast %max3A_14 : f32 to vector<1024xf32>
    %max3A_16 = arith.maximumf %get3A_6, %max3A_15 : vector<1024xf32>
    %rsqrt3A_17 = math.rsqrt %max3A_16 : vector<1024xf32>
    %jit3A_18 = arith.constant 0.000000e+00 : f32
    %broadcast_in_dim3A_19 = vector.broadcast %jit3A_18 : f32 to vector<1024xf32>
    %select_n3A_20 = arith.select %gt3A_13, %rsqrt3A_17, %broadcast_in_dim3A_19 : vector<1024xi1>, vector<1024xf32>
    %get3A_21 = arith.constant 0 : index
    %get3A_22 = arith.constant 0 : index
    %get3A_23 = arith.constant 0 : index
    %get3A_24 = vector.load %arg2[%get3A_21, %get3A_22, %get3A_23] : memref<2x1024x128xf32, #tpu.memory_space<vmem>>, vector<1x1024x128xf32>
    %get3A_25 = vector.shape_cast %get3A_24 : vector<1x1024x128xf32> to vector<1024x128xf32>
    %get3A_26 = arith.constant 0 : index
    %get3A_27 = arith.constant 0 : index
    %get3A_28 = vector.load %arg3[%get3A_26, %get3A_27] : memref<256x512xf32, #tpu.memory_space<vmem>>, vector<128x512xf32>
    %dot_general3A = arith.constant dense<0.000000e+00> : vector<1024x512xf32>
    %dot_general3A_29 = tpu.matmul %get3A_25, %get3A_28, %dot_general3A {dimension_numbers = #tpu.dot_dimension_numbers<[1], [0], [0], [1], [0, 0, 1, 1], [], []>, transpose_lhs_hint = false} : vector<1024x128xf32>, vector<128x512xf32>, vector<1024x512xf32> -> vector<1024x512xf32>
    %get3A_30 = arith.constant 1 : index
    %get3A_31 = arith.constant 0 : index
    %get3A_32 = arith.constant 0 : index
    %get3A_33 = vector.load %arg2[%get3A_30, %get3A_31, %get3A_32] : memref<2x1024x128xf32, #tpu.memory_space<vmem>>, vector<1x1024x128xf32>
    %get3A_34 = vector.shape_cast %get3A_33 : vector<1x1024x128xf32> to vector<1024x128xf32>
    %get3A_35 = arith.constant 128 : index
    %get3A_36 = arith.constant 0 : index
    %get3A_37 = vector.load %arg3[%get3A_35, %get3A_36] : memref<256x512xf32, #tpu.memory_space<vmem>>, vector<128x512xf32>
    %dot_general3A_38 = arith.constant dense<0.000000e+00> : vector<1024x512xf32>
    %dot_general3A_39 = tpu.matmul %get3A_34, %get3A_37, %dot_general3A_38 {dimension_numbers = #tpu.dot_dimension_numbers<[1], [0], [0], [1], [0, 0, 1, 1], [], []>, transpose_lhs_hint = false} : vector<1024x128xf32>, vector<128x512xf32>, vector<1024x512xf32> -> vector<1024x512xf32>
    %add3A = arith.addf %dot_general3A_29, %dot_general3A_39 : vector<1024x512xf32>
    %broadcast_in_dim3A_40 = vector.shape_cast %select_n3A_20 : vector<1024xf32> to vector<1024x1xf32>
    %mul3A = vector.broadcast %broadcast_in_dim3A_40 : vector<1024x1xf32> to vector<1024x512xf32>
    %mul3A_41 = arith.mulf %add3A, %mul3A : vector<1024x512xf32>
    %get3A_42 = arith.constant 0 : index
    %get3A_43 = arith.constant 0 : index
    %get3A_44 = vector.load %arg4[%get3A_42, %get3A_43] : memref<1x512xf32, #tpu.memory_space<vmem>>, vector<1x512xf32>
    %add3A_45 = vector.broadcast %get3A_44 : vector<1x512xf32> to vector<1024x512xf32>
    %add3A_46 = arith.addf %mul3A_41, %add3A_45 : vector<1024x512xf32>
    %max3A_47 = arith.constant 0.000000e+00 : f32
    %max3A_48 = vector.broadcast %max3A_47 : f32 to vector<1024x512xf32>
    %max3A_49 = arith.maximumf %add3A_46, %max3A_48 : vector<1024x512xf32>
    %broadcast_in_dim3A_50 = vector.shape_cast %select_n3A : vector<1024xf32> to vector<1024x1xf32>
    %mul3A_51 = vector.broadcast %broadcast_in_dim3A_50 : vector<1024x1xf32> to vector<1024x512xf32>
    %mul3A_52 = arith.mulf %max3A_49, %mul3A_51 : vector<1024x512xf32>
    %slice3A = vector.extract_strided_slice %mul3A_52 {offsets = [0, 0], sizes = [1024, 128], strides = [1, 1]} : vector<1024x512xf32> to vector<1024x128xf32>
    %swap3A = arith.constant 0 : index
    %swap3A_53 = arith.constant 0 : index
    %swap3A_54 = arith.constant 0 : index
    %swap3A_55 = vector.load %arg5[%swap3A, %swap3A_53, %swap3A_54] : memref<4x1024x128xf32, #tpu.memory_space<vmem>>, vector<1x1024x128xf32>
    %swap3A_56 = vector.shape_cast %swap3A_55 : vector<1x1024x128xf32> to vector<1024x128xf32>
    %swap3A_57 = vector.shape_cast %slice3A : vector<1024x128xf32> to vector<1x1024x128xf32>
    tpu.vector_store %arg5[%swap3A, %swap3A_53, %swap3A_54], %swap3A_57 {strides = array<i32>} : memref<4x1024x128xf32, #tpu.memory_space<vmem>>, vector<1x1024x128xf32>,
    %slice3A_58 = vector.extract_strided_slice %mul3A_52 {offsets = [0, 128], sizes = [1024, 128], strides = [1, 1]} : vector<1024x512xf32> to vector<1024x128xf32>
    %swap3A_59 = arith.constant 1 : index
    %swap3A_60 = arith.constant 0 : index
    %swap3A_61 = arith.constant 0 : index
    %swap3A_62 = vector.load %arg5[%swap3A_59, %swap3A_60, %swap3A_61] : memref<4x1024x128xf32, #tpu.memory_space<vmem>>, vector<1x1024x128xf32>
    %swap3A_63 = vector.shape_cast %swap3A_62 : vector<1x1024x128xf32> to vector<1024x128xf32>
    %swap3A_64 = vector.shape_cast %slice3A_58 : vector<1024x128xf32> to vector<1x1024x128xf32>
    tpu.vector_store %arg5[%swap3A_59, %swap3A_60, %swap3A_61], %swap3A_64 {strides = array<i32>} : memref<4x1024x128xf32, #tpu.memory_space<vmem>>, vector<1x1024x128xf32>,
    %slice3A_65 = vector.extract_strided_slice %mul3A_52 {offsets = [0, 256], sizes = [1024, 128], strides = [1, 1]} : vector<1024x512xf32> to vector<1024x128xf32>
    %swap3A_66 = arith.constant 2 : index
    %swap3A_67 = arith.constant 0 : index
    %swap3A_68 = arith.constant 0 : index
    %swap3A_69 = vector.load %arg5[%swap3A_66, %swap3A_67, %swap3A_68] : memref<4x1024x128xf32, #tpu.memory_space<vmem>>, vector<1x1024x128xf32>
    %swap3A_70 = vector.shape_cast %swap3A_69 : vector<1x1024x128xf32> to vector<1024x128xf32>
    %swap3A_71 = vector.shape_cast %slice3A_65 : vector<1024x128xf32> to vector<1x1024x128xf32>
    tpu.vector_store %arg5[%swap3A_66, %swap3A_67, %swap3A_68], %swap3A_71 {strides = array<i32>} : memref<4x1024x128xf32, #tpu.memory_space<vmem>>, vector<1x1024x128xf32>,
    %slice3A_72 = vector.extract_strided_slice %mul3A_52 {offsets = [0, 384], sizes = [1024, 128], strides = [1, 1]} : vector<1024x512xf32> to vector<1024x128xf32>
    %swap3A_73 = arith.constant 3 : index
    %swap3A_74 = arith.constant 0 : index
    %swap3A_75 = arith.constant 0 : index
    %swap3A_76 = vector.load %arg5[%swap3A_73, %swap3A_74, %swap3A_75] : memref<4x1024x128xf32, #tpu.memory_space<vmem>>, vector<1x1024x128xf32>
    %swap3A_77 = vector.shape_cast %swap3A_76 : vector<1x1024x128xf32> to vector<1024x128xf32>
    %swap3A_78 = vector.shape_cast %slice3A_72 : vector<1024x128xf32> to vector<1x1024x128xf32>
    tpu.vector_store %arg5[%swap3A_73, %swap3A_74, %swap3A_75], %swap3A_78 {strides = array<i32>} : memref<4x1024x128xf32, #tpu.memory_space<vmem>>, vector<1x1024x128xf32>,
    return
  }
  func.func @transform_0(%arg0: i32) -> (i32, i32) {
    %c0_i32 = arith.constant 0 : i32
    %c0_i32_0 = arith.constant 0 : i32
    return %c0_i32, %arg0 : i32, i32
  }
  func.func @transform_1(%arg0: i32) -> (i32, i32, i32) {
    %c0_i32 = arith.constant 0 : i32
    %c0_i32_0 = arith.constant 0 : i32
    %c0_i32_1 = arith.constant 0 : i32
    return %c0_i32, %arg0, %c0_i32_0 : i32, i32, i32
  }
  func.func @transform_2(%arg0: i32) -> (i32, i32) {
    %c0_i32 = arith.constant 0 : i32
    %c0_i32_0 = arith.constant 0 : i32
    %c0_i32_1 = arith.constant 0 : i32
    return %c0_i32, %c0_i32_0 : i32, i32
  }
  func.func @transform_3(%arg0: i32) -> (i32, i32) {
    %c0_i32 = arith.constant 0 : i32
    %c0_i32_0 = arith.constant 0 : i32
    %c0_i32_1 = arith.constant 0 : i32
    return %c0_i32, %c0_i32_0 : i32, i32
  }
  func.func @transform_4(%arg0: i32) -> (i32, i32, i32) {
    %c0_i32 = arith.constant 0 : i32
    %c0_i32_0 = arith.constant 0 : i32
    %c0_i32_1 = arith.constant 0 : i32
    return %c0_i32, %arg0, %c0_i32_0 : i32, i32, i32
  }
}

module attributes {stable_mosaic.version = 14 : i64} {
  func.func @_tc_c_body(%arg0: i32, %arg1: memref<2x1024xf32, #tpu.memory_space<vmem>>, %arg2: memref<4x1024x128xf32, #tpu.memory_space<vmem>>, %arg3: memref<512x512xf32, #tpu.memory_space<vmem>>, %arg4: memref<1x512xf32, #tpu.memory_space<vmem>>, %arg5: memref<512x64xf32, #tpu.memory_space<vmem>>, %arg6: memref<1x1024x128xf32, #tpu.memory_space<vmem>>) attributes {dimension_semantics = [#tpu.dimension_semantics<arbitrary>], iteration_bounds = array<i64: 10>, scalar_prefetch = 0 : i64, scratch_operands = 0 : i64, tpu.core_type = #tpu.core_type<tc>, window_params = [{transform_indices = @transform_0, window_bounds = array<i64: 2, 1024>}, {transform_indices = @transform_1, window_bounds = array<i64: 4, 1024, 128>}, {pipeline_mode = #tpu.pipeline_mode<synchronous>, transform_indices = @transform_2, window_bounds = array<i64: 512, 512>}, {pipeline_mode = #tpu.pipeline_mode<synchronous>, transform_indices = @transform_3, window_bounds = array<i64: 1, 512>}, {pipeline_mode = #tpu.pipeline_mode<synchronous>, transform_indices = @transform_4, window_bounds = array<i64: 512, 64>}, {transform_indices = @transform_5, window_bounds = array<i64: 1, 1024, 128>}]} {
    %get3A = arith.constant 0 : index
    %get3A_0 = arith.constant 0 : index
    %get3A_1 = vector.load %arg1[%get3A, %get3A_0] : memref<2x1024xf32, #tpu.memory_space<vmem>>, vector<1x1024xf32>
    %get3A_2 = vector.shape_cast %get3A_1 : vector<1x1024xf32> to vector<1024xf32>
    %get3A_3 = arith.constant 1 : index
    %get3A_4 = arith.constant 0 : index
    %get3A_5 = vector.load %arg1[%get3A_3, %get3A_4] : memref<2x1024xf32, #tpu.memory_space<vmem>>, vector<1x1024xf32>
    %get3A_6 = vector.shape_cast %get3A_5 : vector<1x1024xf32> to vector<1024xf32>
    %gt3A = arith.constant 0.000000e+00 : f32
    %gt3A_7 = vector.broadcast %gt3A : f32 to vector<1024xf32>
    %gt3A_8 = arith.cmpf ogt, %get3A_2, %gt3A_7 : vector<1024xf32>
    %max3A = arith.constant 1.000000e+00 : f32
    %max3A_9 = vector.broadcast %max3A : f32 to vector<1024xf32>
    %max3A_10 = arith.maximumf %get3A_2, %max3A_9 : vector<1024xf32>
    %rsqrt3A = math.rsqrt %max3A_10 : vector<1024xf32>
    %jit3A = arith.constant 0.000000e+00 : f32
    %broadcast_in_dim3A = vector.broadcast %jit3A : f32 to vector<1024xf32>
    %select_n3A = arith.select %gt3A_8, %rsqrt3A, %broadcast_in_dim3A : vector<1024xi1>, vector<1024xf32>
    %gt3A_11 = arith.constant 0.000000e+00 : f32
    %gt3A_12 = vector.broadcast %gt3A_11 : f32 to vector<1024xf32>
    %gt3A_13 = arith.cmpf ogt, %get3A_6, %gt3A_12 : vector<1024xf32>
    %max3A_14 = arith.constant 1.000000e+00 : f32
    %max3A_15 = vector.broadcast %max3A_14 : f32 to vector<1024xf32>
    %max3A_16 = arith.maximumf %get3A_6, %max3A_15 : vector<1024xf32>
    %rsqrt3A_17 = math.rsqrt %max3A_16 : vector<1024xf32>
    %jit3A_18 = arith.constant 0.000000e+00 : f32
    %broadcast_in_dim3A_19 = vector.broadcast %jit3A_18 : f32 to vector<1024xf32>
    %select_n3A_20 = arith.select %gt3A_13, %rsqrt3A_17, %broadcast_in_dim3A_19 : vector<1024xi1>, vector<1024xf32>
    %get3A_21 = arith.constant 0 : index
    %get3A_22 = arith.constant 0 : index
    %get3A_23 = arith.constant 0 : index
    %get3A_24 = vector.load %arg2[%get3A_21, %get3A_22, %get3A_23] : memref<4x1024x128xf32, #tpu.memory_space<vmem>>, vector<1x1024x128xf32>
    %get3A_25 = vector.shape_cast %get3A_24 : vector<1x1024x128xf32> to vector<1024x128xf32>
    %get3A_26 = arith.constant 0 : index
    %get3A_27 = arith.constant 0 : index
    %get3A_28 = vector.load %arg3[%get3A_26, %get3A_27] : memref<512x512xf32, #tpu.memory_space<vmem>>, vector<128x512xf32>
    %dot_general3A = arith.constant dense<0.000000e+00> : vector<1024x512xf32>
    %dot_general3A_29 = tpu.matmul %get3A_25, %get3A_28, %dot_general3A {dimension_numbers = #tpu.dot_dimension_numbers<[1], [0], [0], [1], [0, 0, 1, 1], [], []>, transpose_lhs_hint = false} : vector<1024x128xf32>, vector<128x512xf32>, vector<1024x512xf32> -> vector<1024x512xf32>
    %get3A_30 = arith.constant 1 : index
    %get3A_31 = arith.constant 0 : index
    %get3A_32 = arith.constant 0 : index
    %get3A_33 = vector.load %arg2[%get3A_30, %get3A_31, %get3A_32] : memref<4x1024x128xf32, #tpu.memory_space<vmem>>, vector<1x1024x128xf32>
    %get3A_34 = vector.shape_cast %get3A_33 : vector<1x1024x128xf32> to vector<1024x128xf32>
    %get3A_35 = arith.constant 128 : index
    %get3A_36 = arith.constant 0 : index
    %get3A_37 = vector.load %arg3[%get3A_35, %get3A_36] : memref<512x512xf32, #tpu.memory_space<vmem>>, vector<128x512xf32>
    %dot_general3A_38 = arith.constant dense<0.000000e+00> : vector<1024x512xf32>
    %dot_general3A_39 = tpu.matmul %get3A_34, %get3A_37, %dot_general3A_38 {dimension_numbers = #tpu.dot_dimension_numbers<[1], [0], [0], [1], [0, 0, 1, 1], [], []>, transpose_lhs_hint = false} : vector<1024x128xf32>, vector<128x512xf32>, vector<1024x512xf32> -> vector<1024x512xf32>
    %add3A = arith.addf %dot_general3A_29, %dot_general3A_39 : vector<1024x512xf32>
    %get3A_40 = arith.constant 2 : index
    %get3A_41 = arith.constant 0 : index
    %get3A_42 = arith.constant 0 : index
    %get3A_43 = vector.load %arg2[%get3A_40, %get3A_41, %get3A_42] : memref<4x1024x128xf32, #tpu.memory_space<vmem>>, vector<1x1024x128xf32>
    %get3A_44 = vector.shape_cast %get3A_43 : vector<1x1024x128xf32> to vector<1024x128xf32>
    %get3A_45 = arith.constant 256 : index
    %get3A_46 = arith.constant 0 : index
    %get3A_47 = vector.load %arg3[%get3A_45, %get3A_46] : memref<512x512xf32, #tpu.memory_space<vmem>>, vector<128x512xf32>
    %dot_general3A_48 = arith.constant dense<0.000000e+00> : vector<1024x512xf32>
    %dot_general3A_49 = tpu.matmul %get3A_44, %get3A_47, %dot_general3A_48 {dimension_numbers = #tpu.dot_dimension_numbers<[1], [0], [0], [1], [0, 0, 1, 1], [], []>, transpose_lhs_hint = false} : vector<1024x128xf32>, vector<128x512xf32>, vector<1024x512xf32> -> vector<1024x512xf32>
    %add3A_50 = arith.addf %add3A, %dot_general3A_49 : vector<1024x512xf32>
    %get3A_51 = arith.constant 3 : index
    %get3A_52 = arith.constant 0 : index
    %get3A_53 = arith.constant 0 : index
    %get3A_54 = vector.load %arg2[%get3A_51, %get3A_52, %get3A_53] : memref<4x1024x128xf32, #tpu.memory_space<vmem>>, vector<1x1024x128xf32>
    %get3A_55 = vector.shape_cast %get3A_54 : vector<1x1024x128xf32> to vector<1024x128xf32>
    %get3A_56 = arith.constant 384 : index
    %get3A_57 = arith.constant 0 : index
    %get3A_58 = vector.load %arg3[%get3A_56, %get3A_57] : memref<512x512xf32, #tpu.memory_space<vmem>>, vector<128x512xf32>
    %dot_general3A_59 = arith.constant dense<0.000000e+00> : vector<1024x512xf32>
    %dot_general3A_60 = tpu.matmul %get3A_55, %get3A_58, %dot_general3A_59 {dimension_numbers = #tpu.dot_dimension_numbers<[1], [0], [0], [1], [0, 0, 1, 1], [], []>, transpose_lhs_hint = false} : vector<1024x128xf32>, vector<128x512xf32>, vector<1024x512xf32> -> vector<1024x512xf32>
    %add3A_61 = arith.addf %add3A_50, %dot_general3A_60 : vector<1024x512xf32>
    %broadcast_in_dim3A_62 = vector.shape_cast %select_n3A_20 : vector<1024xf32> to vector<1024x1xf32>
    %mul3A = vector.broadcast %broadcast_in_dim3A_62 : vector<1024x1xf32> to vector<1024x512xf32>
    %mul3A_63 = arith.mulf %add3A_61, %mul3A : vector<1024x512xf32>
    %get3A_64 = arith.constant 0 : index
    %get3A_65 = arith.constant 0 : index
    %get3A_66 = vector.load %arg4[%get3A_64, %get3A_65] : memref<1x512xf32, #tpu.memory_space<vmem>>, vector<1x512xf32>
    %add3A_67 = vector.broadcast %get3A_66 : vector<1x512xf32> to vector<1024x512xf32>
    %add3A_68 = arith.addf %mul3A_63, %add3A_67 : vector<1024x512xf32>
    %max3A_69 = arith.constant 0.000000e+00 : f32
    %max3A_70 = vector.broadcast %max3A_69 : f32 to vector<1024x512xf32>
    %max3A_71 = arith.maximumf %add3A_68, %max3A_70 : vector<1024x512xf32>
    %broadcast_in_dim3A_72 = vector.shape_cast %select_n3A : vector<1024xf32> to vector<1024x1xf32>
    %mul3A_73 = vector.broadcast %broadcast_in_dim3A_72 : vector<1024x1xf32> to vector<1024x512xf32>
    %mul3A_74 = arith.mulf %max3A_71, %mul3A_73 : vector<1024x512xf32>
    %get3A_75 = arith.constant 0 : index
    %get3A_76 = arith.constant 0 : index
    %get3A_77 = vector.load %arg5[%get3A_75, %get3A_76] : memref<512x64xf32, #tpu.memory_space<vmem>>, vector<512x64xf32>
    %dot_general3A_78 = arith.constant dense<0.000000e+00> : vector<1024x64xf32>
    %dot_general3A_79 = tpu.matmul %mul3A_74, %get3A_77, %dot_general3A_78 {dimension_numbers = #tpu.dot_dimension_numbers<[1], [0], [0], [1], [0, 0, 1, 1], [], []>, transpose_lhs_hint = false} : vector<1024x512xf32>, vector<512x64xf32>, vector<1024x64xf32> -> vector<1024x64xf32>
    %broadcast_in_dim3A_80 = arith.constant 0.000000e+00 : f32
    %broadcast_in_dim3A_81 = vector.broadcast %broadcast_in_dim3A_80 : f32 to vector<1024x64xf32>
    %concatenate3A = tpu.concatenate %dot_general3A_79, %broadcast_in_dim3A_81 in 1 : vector<1024x64xf32>, vector<1024x64xf32> -> vector<1024x128xf32>
    %swap3A = arith.constant 0 : index
    %swap3A_82 = arith.constant 0 : index
    %swap3A_83 = arith.constant 0 : index
    %swap3A_84 = vector.load %arg6[%swap3A, %swap3A_82, %swap3A_83] : memref<1x1024x128xf32, #tpu.memory_space<vmem>>, vector<1x1024x128xf32>
    %swap3A_85 = vector.shape_cast %swap3A_84 : vector<1x1024x128xf32> to vector<1024x128xf32>
    %swap3A_86 = vector.shape_cast %concatenate3A : vector<1024x128xf32> to vector<1x1024x128xf32>
    tpu.vector_store %arg6[%swap3A, %swap3A_82, %swap3A_83], %swap3A_86 {strides = array<i32>} : memref<1x1024x128xf32, #tpu.memory_space<vmem>>, vector<1x1024x128xf32>,
    return
  }
  func.func @transform_0(%arg0: i32) -> (i32, i32) {
    %c0_i32 = arith.constant 0 : i32
    %c0_i32_0 = arith.constant 0 : i32
    return %c0_i32, %arg0 : i32, i32
  }
  func.func @transform_1(%arg0: i32) -> (i32, i32, i32) {
    %c0_i32 = arith.constant 0 : i32
    %c0_i32_0 = arith.constant 0 : i32
    %c0_i32_1 = arith.constant 0 : i32
    return %c0_i32, %arg0, %c0_i32_0 : i32, i32, i32
  }
  func.func @transform_2(%arg0: i32) -> (i32, i32) {
    %c0_i32 = arith.constant 0 : i32
    %c0_i32_0 = arith.constant 0 : i32
    %c0_i32_1 = arith.constant 0 : i32
    return %c0_i32, %c0_i32_0 : i32, i32
  }
  func.func @transform_3(%arg0: i32) -> (i32, i32) {
    %c0_i32 = arith.constant 0 : i32
    %c0_i32_0 = arith.constant 0 : i32
    %c0_i32_1 = arith.constant 0 : i32
    return %c0_i32, %c0_i32_0 : i32, i32
  }
  func.func @transform_4(%arg0: i32) -> (i32, i32) {
    %c0_i32 = arith.constant 0 : i32
    %c0_i32_0 = arith.constant 0 : i32
    %c0_i32_1 = arith.constant 0 : i32
    return %c0_i32, %c0_i32_0 : i32, i32
  }
  func.func @transform_5(%arg0: i32) -> (i32, i32, i32) {
    %c0_i32 = arith.constant 0 : i32
    %c0_i32_0 = arith.constant 0 : i32
    %c0_i32_1 = arith.constant 0 : i32
    return %c0_i32, %arg0, %c0_i32_0 : i32, i32, i32
  }
}

module attributes {stable_mosaic.version = 14 : i64} {
  func.func @_tc_d_body(%arg0: i32, %arg1: memref<2x1024xf32, #tpu.memory_space<vmem>>, %arg2: memref<2x1024x128xf32, #tpu.memory_space<vmem>>, %arg3: memref<1x64xf32, #tpu.memory_space<vmem>>, %arg4: memref<1024x64xf32, #tpu.memory_space<vmem>>) attributes {dimension_semantics = [#tpu.dimension_semantics<arbitrary>], iteration_bounds = array<i64: 10>, scalar_prefetch = 0 : i64, scratch_operands = 0 : i64, tpu.core_type = #tpu.core_type<tc>, window_params = [{transform_indices = @transform_0, window_bounds = array<i64: 2, 1024>}, {transform_indices = @transform_1, window_bounds = array<i64: 2, 1024, 128>}, {pipeline_mode = #tpu.pipeline_mode<synchronous>, transform_indices = @transform_2, window_bounds = array<i64: 1, 64>}, {transform_indices = @transform_3, window_bounds = array<i64: 1024, 64>}]} {
    %get3A = arith.constant 1 : index
    %get3A_0 = arith.constant 0 : index
    %get3A_1 = vector.load %arg1[%get3A, %get3A_0] : memref<2x1024xf32, #tpu.memory_space<vmem>>, vector<1x1024xf32>
    %get3A_2 = vector.shape_cast %get3A_1 : vector<1x1024xf32> to vector<1024xf32>
    %gt3A = arith.constant 0.000000e+00 : f32
    %gt3A_3 = vector.broadcast %gt3A : f32 to vector<1024xf32>
    %gt3A_4 = arith.cmpf ogt, %get3A_2, %gt3A_3 : vector<1024xf32>
    %max3A = arith.constant 1.000000e+00 : f32
    %max3A_5 = vector.broadcast %max3A : f32 to vector<1024xf32>
    %max3A_6 = arith.maximumf %get3A_2, %max3A_5 : vector<1024xf32>
    %rsqrt3A = math.rsqrt %max3A_6 : vector<1024xf32>
    %jit3A = arith.constant 0.000000e+00 : f32
    %broadcast_in_dim3A = vector.broadcast %jit3A : f32 to vector<1024xf32>
    %select_n3A = arith.select %gt3A_4, %rsqrt3A, %broadcast_in_dim3A : vector<1024xi1>, vector<1024xf32>
    %get3A_7 = arith.constant 0 : index
    %get3A_8 = arith.constant 0 : index
    %get3A_9 = arith.constant 0 : index
    %get3A_10 = vector.load %arg2[%get3A_7, %get3A_8, %get3A_9] : memref<2x1024x128xf32, #tpu.memory_space<vmem>>, vector<1x1024x64xf32>
    %get3A_11 = vector.shape_cast %get3A_10 : vector<1x1024x64xf32> to vector<1024x64xf32>
    %get3A_12 = arith.constant 1 : index
    %get3A_13 = arith.constant 0 : index
    %get3A_14 = arith.constant 0 : index
    %get3A_15 = vector.load %arg2[%get3A_12, %get3A_13, %get3A_14] : memref<2x1024x128xf32, #tpu.memory_space<vmem>>, vector<1x1024x64xf32>
    %get3A_16 = vector.shape_cast %get3A_15 : vector<1x1024x64xf32> to vector<1024x64xf32>
    %add3A = arith.addf %get3A_11, %get3A_16 : vector<1024x64xf32>
    %broadcast_in_dim3A_17 = vector.shape_cast %select_n3A : vector<1024xf32> to vector<1024x1xf32>
    %mul3A = vector.broadcast %broadcast_in_dim3A_17 : vector<1024x1xf32> to vector<1024x64xf32>
    %mul3A_18 = arith.mulf %add3A, %mul3A : vector<1024x64xf32>
    %get3A_19 = arith.constant 0 : index
    %get3A_20 = arith.constant 0 : index
    %get3A_21 = vector.load %arg3[%get3A_19, %get3A_20] : memref<1x64xf32, #tpu.memory_space<vmem>>, vector<1x64xf32>
    %add3A_22 = vector.broadcast %get3A_21 : vector<1x64xf32> to vector<1024x64xf32>
    %add3A_23 = arith.addf %mul3A_18, %add3A_22 : vector<1024x64xf32>
    %swap3A = arith.constant 0 : index
    %swap3A_24 = arith.constant 0 : index
    %swap3A_25 = vector.load %arg4[%swap3A, %swap3A_24] : memref<1024x64xf32, #tpu.memory_space<vmem>>, vector<1024x64xf32>
    tpu.vector_store %arg4[%swap3A, %swap3A_24], %add3A_23 {strides = array<i32>} : memref<1024x64xf32, #tpu.memory_space<vmem>>, vector<1024x64xf32>,
    return
  }
  func.func @transform_0(%arg0: i32) -> (i32, i32) {
    %c0_i32 = arith.constant 0 : i32
    %c0_i32_0 = arith.constant 0 : i32
    return %c0_i32, %arg0 : i32, i32
  }
  func.func @transform_1(%arg0: i32) -> (i32, i32, i32) {
    %c0_i32 = arith.constant 0 : i32
    %c0_i32_0 = arith.constant 0 : i32
    %c0_i32_1 = arith.constant 0 : i32
    return %c0_i32, %arg0, %c0_i32_0 : i32, i32, i32
  }
  func.func @transform_2(%arg0: i32) -> (i32, i32) {
    %c0_i32 = arith.constant 0 : i32
    %c0_i32_0 = arith.constant 0 : i32
    %c0_i32_1 = arith.constant 0 : i32
    return %c0_i32, %c0_i32_0 : i32, i32
  }
  func.func @transform_3(%arg0: i32) -> (i32, i32) {
    %c0_i32 = arith.constant 0 : i32
    %c0_i32_0 = arith.constant 0 : i32
    return %arg0, %c0_i32 : i32, i32
  }
}

</mosaic_0001>

<sc_bundles>
// kernel: kernel.10.cloned.1.call-start
scs
__scs_entry_jumppad:
0x0: {  	(pc) =	sbr.rel $0x88, $3  }
0x1: {  	(tag) =	ssettag $0x0;
	lr =	simm.s32 $0x1  }
0x2: {  	[smem:$0x3F99] =	sst lr;
	_ =	strace $0xD0000000  }
0x3: {  	_ = 	snop  }
0x4: {  	_ = 	snop  }
0x5: {  	_ = 	snop  }
0x6: {  	_ = 	snop  }
0x7: {  	_ = 	snop  }
__scs_overlays_trampoline_lowered:
0x8: {  	[smem:$0x3FA8] =	sst s0  }
0x9: {  	[smem:$0x3FA9] =	sst s1  }
0xa: {  	[smem:$0x3FAA] =	sst s2  }
0xb: {  	[smem:$0x3FAB] =	sst s3  }
0xc: {  	[smem:$0x3FAC] =	sst s4  }
0xd: {  	[smem:$0x3FAD] =	sst s5  }
0xe: {  	[smem:$0x3FAE] =	sst s6  }
0xf: {  	[smem:$0x3FAF] =	sst s7  }
0x10: {  	[smem:$0x3FB0] =	sst s8  }
0x11: {  	[smem:$0x3FB1] =	sst s9;
	s0 =	simm.s32 @!p0 $0x0  }
0x12: {  	s1 =	sld [smem:$0x3F97];
	s0 =	simm.s32 @p0 $0x1  }
0x13: {  	[smem:$0x3FB2] =	sst s0;
	s0 =	simm.s32 @!p1 $0x0  }
0x14: {  	s2 =	sld [smem:$0x3F96];
	s0 =	simm.s32 @p1 $0x1  }
0x15: {  	[smem:$0x3FB3] =	sst s0;
	s0 =	simm.s32 @!p2 $0x0  }
0x16: {  	s3 =	sld [smem:$0x3FDB];
	s0 =	simm.s32 @p2 $0x1  }
0x17: {  	s4 =	simm.s32 $0x1BF5;
	[smem:$0x3FB5] =	sst s0  }
0x18: {  	s0 =	sld [smem:$0x3F98];
	_ =	swait.ge [sflag:s4], $0x0  }
0x19: {  	s7 =	sld [smem:$0x3F99]  }
0x1a: {  	s8 =	sadd.s32 $0xFFFFE003, lr  }
0x1b: {  	s9 =	sadd.s32 $0xFFFFFEF7, lr;
	s5 =	simm.s32 $0xFFFFFFFF;
	p2 =	slt.u32 s8, $0xFFFFF086  }
0x1c: {  	p1 =	slt.u32 s9, $0xF7A;
	s5 =	simm.s32 @!p2 $0x0  }
0x1d: {  	s5 =	simm.s32 @p1 $0x1;
	p0 =	seq.s32 s7, s2  }
0x1e: {  	s7 =	smul.u32 @!p0 $0xF7A, s2;
	p2 =	seq.s32 @!p0 s5, $0x0  }
0x1f: {  	s9 =	smul.u32 $0xF7A, s1;
	s8 =	simm.s32 @!p0 $0x1BF5;
	p2 =	por !p2, p0  }
0x20: {  	[sflag:s8] =	ssyncset.s32 @!p0 $0xFFFFF086;
	s6 =	sadd.s32 @!p0 s3, s7;
	s7 =	simm.s32 @!p0 $0x108  }
0x21: {  	s3 =	sadd.s32 s3, s9;
	s6 =	sadd.s32 @!p0 $0x88, s6;
	s7 =	simm.s32 @p2 $0x1082  }
0x22: {  	[simem:s7], [sflag:s8] =	dma.local @!p0 [hbm:s6], $0xF7A  }
0x23: {  	s9 =	sor.u32 $0xD0000000, s2;
	s6 =	simm.s32 $0x108;
	_ =	swait.ge @!p0 [sflag:s8], $0x0  }
0x24: {  	s3 =	sadd.s32 $0x88, s3;
	s6 =	simm.s32 @!p1 $0x1082;
	[sflag:s4] =	ssyncset.s32 $0xFFFFF086  }
0x25: {  	[simem:s6], [sflag:s4] =	dma.local [hbm:s3], $0xF7A  }
0x26: {  	[smem:$0x3F99] =	sst s1;
	(tag) =	ssettag s2;
	_ =	strace s9  }
0x27: {  	s1 =	sld [smem:$0x3FA9]  }
0x28: {  	s2 =	sld [smem:$0x3FAA]  }
0x29: {  	s4 =	sld [smem:$0x3FAC]  }
0x2a: {  	p0 =	seq.s32 s5, $0x0;
	s5 =	sld [smem:$0x3FAD]  }
0x2b: {  	s6 =	sld [smem:$0x3FAE]  }
0x2c: {  	s7 =	sld [smem:$0x3FAF]  }
0x2d: {  	s3 =	simm.s32 $0x108;
	s8 =	sld [smem:$0x3FB0]  }
0x2e: {  	s3 =	simm.s32 @!p0 $0x1082;
	s9 =	sld [smem:$0x3FB1]  }
0x2f: {  	lr =	sadd.s32 s0, s3;
	s0 =	sld [smem:$0x3FA8]  }
0x30: {  	s3 =	sld [smem:$0x3FAB]  }
0x31: {  	[smem:$0x3FB4] =	sst s10  }
0x32: {  	s10 =	sld [smem:$0x3FB2];
	_ =	sdelay $0x3  }
0x33: {  	p0 =	seq.s32 s10, $0x1;
	s10 =	sld [smem:$0x3FB4];
	_ =	sdelay $0x3  }
0x34: {  	[smem:$0x3FB4] =	sst s10  }
0x35: {  	s10 =	sld [smem:$0x3FB3];
	_ =	sdelay $0x3  }
0x36: {  	p1 =	seq.s32 s10, $0x1;
	s10 =	sld [smem:$0x3FB4];
	_ =	sdelay $0x3  }
0x37: {  	[smem:$0x3FB4] =	sst s10  }
0x38: {  	s10 =	sld [smem:$0x3FB5]  }
0x39: {  	_ = 	snop;
	(pc) =	sbr.ind lr, $3  }
0x3a: {  	_ = 	snop  }
0x3b: {  	_ = 	snop  }
0x3c: {  	p2 =	seq.s32 s10, $0x1;
	s10 =	sld [smem:$0x3FB4]  }
0x3d: {  	_ =	shalt  }
0x3e: {  	_ =	shalt  }
0x3f: {  	_ =	shalt  }
0x40: {  	_ =	shalt  }
0x41: {  	_ =	shalt  }
0x42: {  	_ =	shalt  }
0x43: {  	_ =	shalt  }
0x44: {  	_ =	shalt  }
0x45: {  	_ =	shalt  }
0x46: {  	_ =	shalt  }
0x47: {  	_ =	shalt  }
0x48: {  	_ =	shalt  }
0x49: {  	_ =	shalt  }
0x4a: {  	_ =	shalt  }
0x4b: {  	_ =	shalt  }
0x4c: {  	_ =	shalt  }
0x4d: {  	_ =	shalt  }
0x4e: {  	_ =	shalt  }
0x4f: {  	_ =	shalt  }
0x50: {  	_ =	shalt  }
0x51: {  	_ =	shalt  }
0x52: {  	_ =	shalt  }
0x53: {  	_ =	shalt  }
0x54: {  	_ =	shalt  }
0x55: {  	_ =	shalt  }
0x56: {  	_ =	shalt  }
0x57: {  	_ =	shalt  }
0x58: {  	_ =	shalt  }
0x59: {  	_ =	shalt  }
0x5a: {  	_ =	shalt  }
0x5b: {  	_ =	shalt  }
0x5c: {  	_ =	shalt  }
0x5d: {  	_ =	shalt  }
0x5e: {  	_ =	shalt  }
0x5f: {  	_ =	shalt  }
0x60: {  	_ =	shalt  }
0x61: {  	_ =	shalt  }
0x62: {  	_ =	shalt  }
0x63: {  	_ =	shalt  }
0x64: {  	_ =	shalt  }
0x65: {  	_ =	shalt  }
0x66: {  	_ =	shalt  }
0x67: {  	_ =	shalt  }
0x68: {  	_ =	shalt  }
0x69: {  	_ =	shalt  }
0x6a: {  	_ =	shalt  }
0x6b: {  	_ =	shalt  }
0x6c: {  	_ =	shalt  }
0x6d: {  	_ =	shalt  }
0x6e: {  	_ =	shalt  }
0x6f: {  	_ =	shalt  }
0x70: {  	_ =	shalt  }
0x71: {  	_ =	shalt  }
0x72: {  	_ =	shalt  }
0x73: {  	_ =	shalt  }
0x74: {  	_ =	shalt  }
0x75: {  	_ =	shalt  }
0x76: {  	_ =	shalt  }
0x77: {  	_ =	shalt  }
0x78: {  	_ =	shalt  }
0x79: {  	_ =	shalt  }
0x7a: {  	_ =	shalt  }
0x7b: {  	_ =	shalt  }
0x7c: {  	_ =	shalt  }
0x7d: {  	_ =	shalt  }
0x7e: {  	_ =	shalt  }
0x7f: {  	_ =	shalt  }
0x80: {  	_ =	shalt  }
0x81: {  	_ =	shalt  }
0x82: {  	_ =	shalt  }
0x83: {  	_ =	shalt  }
0x84: {  	_ =	shalt  }
0x85: {  	_ =	shalt  }
0x86: {  	_ =	shalt  }
0x87: {  	_ =	shalt  }
.Lfunc_end0:
.L_simem_size_0:
called_computation_lowered:
.L_overlay_start_0:
0x88: {  	s2 =	sld [smem:$0x3FD9]  }
0x89: {  	s3 =	sld [smem:$0x3FFE];
	_ =	sdelay $0x1  }
0x8a: {  	s1 =	srdreg.scid  }
0x8b: {  	s0 =	sand.u32 $0x1, s1  }
0x8c: {  	s17 =	sshll.u32 s0, $0xA;
	s2 =	sadd.s32 s3, s2  }
0x8d: {  	s2 =	sadd.s32 s2, s17  }
0x8e: {  	[smem:$0x3FC0] =	sst s2  }
0x8f: {  	_ = 	snop  }
0x90: {  	s2 =	sld [smem:$0x3FD0];
	(tm) =	ssettm $0x1  }
0x91: {  	s18 =	sld [smem:$0x3FFB];
	_ =	sdelay $0x3  }
0x92: {  	_ =	strace s18  }
0x93: {  	s3 =	sld [smem:$0x3FFC];
	_ =	sdelay $0x3  }
0x94: {  	_ =	strace s3  }
0x95: {  	s3 =	sld [smem:$0x3FFD];
	_ =	sdelay $0x3  }
0x96: {  	_ =	strace s3  }
0x97: {  	_ =	strace $0x8FFFFFFF  }
0x98: {  	s19 =	sld [smem:$0x3FDB];
	_ =	sdelay $0x1  }
0x99: {  	s4 =	simm.s32 $_scs_section_size  }
0x9a: {  	s5 =	simm.s32 $_size__tile_overlayer_lowered;
	s6 =	simm.s32 $_tile_overlayer_lowered  }
0x9b: {  	s22 =	simm.s32 $0x1BFF;
	s21 =	sshll.u32 s6, $0x1;
	s3 =	sadd.s32 s4, s19  }
0x9c: {  	s7 =	simm.s32 $0x0;
	s20 =	sshll.u32 s5, $0x1;
	s5 =	sadd.s32 s21, s3  }
0x9d: {  	[timem:s7], [sflag:s22] =	dma.local [hbm:s5], s20  }
0x9e: {  	_ =	swait.ge [sflag:s22], s20  }
0x9f: {  	s4 =	ssub.s32 $0x0, s20;
	[sflag:s22] =	ssyncset.done $0x0  }
0xa0: {  	[sflag:s22] =	ssyncadd.s32 s4;
	_ =	sdelay $0x1  }
0xa1: {  	s23 =	simm.s32 $0x1B8B  }
0xa2: {  	_ =	swait.ge [sflag:s23], $0x1  }
0xa3: {  	[sflag:s23] =	ssyncset.done $0x0  }
0xa4: {  	s25 =	simm.s32 $0x1B8E;
	s24 =	sld [smem:$0x3FFE];
	[sflag:s23] =	ssyncadd.s32 $0xFFFFFFFF  }
0xa5: {  	s26 =	simm.s32 $execute0_lowered;
	[smem:$0x3FD2] =	sst s25  }
0xa6: {  	s5 =	sshll.u32 s26, $0x1;
	_ =	strace $0x80000046;
	[dreg:$0x1] =	wrdreg $0xFFFFFFFF  }
0xa7: {  	s28 =	simm.s32 $_size_execute0_lowered;
	s3 =	sadd.s32 s3, s5;
	[dreg:$0x0] =	wrdreg $0x0  }
0xa8: {  	s5 =	sshll.u32 s28, $0x1;
	[dreg:$0x2] =	wrdreg s3  }
0xa9: {  	[dreg:$0x3] =	wrdreg s5  }
0xaa: {  	[dreg:$0x4] =	wrdreg $0xC0  }
0xab: {  	_ =	task [dreg:s7], $0x5FFFF  }
0xac: {  	[dreg:$0x1] =	wrdreg $0xFFFFFFFF  }
0xad: {  	[dreg:$0x0] =	wrdreg $0x60  }
0xae: {  	[dreg:$0x2] =	wrdreg s2  }
0xaf: {  	[dreg:$0x3] =	wrdreg s24  }
0xb0: {  	[dreg:$0x4] =	wrdreg $0x40800  }
0xb1: {  	[dreg:$0x5] =	wrdreg $0x9  }
0xb2: {  	_ =	task.clear_ibuf [dreg:s7], $0x6FFFF;
	_ =	strace $0x90000046  }
0xb3: {  	s29 =	simm.s32 $0x9;
	_ =	strace $0x80000048  }
0xb4: {  	_ =	swait.ge [sflag:s29], $0x1  }
0xb5: {  	[sflag:s29] =	ssyncadd.s32 $0xFFFFFFFF  }
0xb6: {  	_ =	strace $0x90000048  }
0xb7: {  	_ =	sfence  }
0xb8: {  	s30 =	sld [smem:$0x0];
	_ =	sdelay $0x2  }
0xb9: {  	s31 =	sshll.u32 s1, $0xD;
	s1 =	sshrl.u32 s1, $0x2  }
0xba: {  	s3 =	sand.u32 $0x4000, s31;
	s1 =	sadd.s32 s1, s30  }
0xbb: {  	s0 =	sor.u32 s3, s0;
	s1 =	sshll.u32 s1, $0x11  }
0xbc: {  	s0 =	sor.u32 s1, s0  }
0xbd: {  	s0 =	sadd.s32 $0x8F2B, s0  }
0xbe: {  	[sflag:s0] =	ssyncadd.remote.s32 $0x1  }
0xbf: {  	_ =	sfence.sel $0xFFFF  }
0xc0: {  	[dreg:$0x0] =	wrdreg $0xFFFFFFFF;
	(pc) =	sbr.abs _section_cstart, $3  }
0xc1: {  	[dreg:$0x1] =	wrdreg $0xFFFFFFFF  }
0xc2: {  	_ =	task.clear_ibuf [dreg:s7], $0x2FFFF;
	_ =	strace $0x9FFFFFFF  }
0xc3: {  	(tm) =	ssettm $0x7FFFFFFF  }
tec
execute0_lowered:
.L_overlay_start_1:
0x0: {  	(tag) =	ssettag $0x1  }
0x1: {  	s6 =	rddreg [dreg:$0x0]  }
0x2: {  	s5 =	rddreg [dreg:$0x1]  }
0x3: {  	s1 =	rddreg [dreg:$0x2]  }
0x4: {  	s0 =	rddreg [dreg:$0x3]  }
0x5: {  	s2 =	simm.s32 $0x0;
	s3 =	srdreg.scid;
	s14 =	simm.s32 $0x10  }
0x6: {  	s15 =	simm.s32 $0x0;
	[smem:$0x7FF] =	sst s2;
	s7 =	sand.u32 $0x1, s3  }
0x7: {  	s3 =	stileid.u32;
	s8 =	sadd.s32 $0x2000, s5;
	s4 =	sadd.s32 $0xA000, s5  }
0x8: {  	_ =	strace $0x80000047;
	s9 =	ssub.s32 $0x2, s7;
	s10 =	smul.u32 $0xA00, s3  }
0x9: {  	s11 =	sshll.u32 s7, $0x4;
	p0 =	seq.s32 s7, $0x1;
	s29 =	sshll.u32 s3, $0xB  }
0xa: {  	s13 =	smul.u32 $0xA0, s3;
	s31 =	sshll.u32 s3, $0x6;
	s7 =	simm.s32 $0x1  }
0xb: {  	s12 =	sshrl.u32 s9, $0x1;
	s5 =	sadd.s32 s11, s5;
	s6 =	smov.u32 @p0 s8  }
0xc: {  	s8 =	sor.u32 $0x1C01, s31;
	s11 =	simm.s32 $0x4000;
	s9 =	ssub.s32 s9, s12  }
0xd: {  	s10 =	sshrl.u32 s10, $0x2;
	s30 =	sadd.s32 $0xA200, s5;
	s6 =	sadd.s32 s6, s29  }
0xe: {  	s10 =	sadd.s32 s10, s1;
	s5 =	smax.u32 s9, $0x1;
	s12 =	sadd.s32 s13, s30  }
0xf: {  	v0 =	vimm.f32 $1.000000000e+00;
	s13 =	simm.s32 $0x20;
	s9 =	sshrl.u32 s10, $0x3;
	s10 =	simm.s32 $0x50  }
.LBB2_1:
0x10: {  	[tilespmem:s2], [sflag:$0x1] =	stream.linear.gather [hbm4b:s6+s2], $0x3E80, $0x38;
	[tilespmem:$0x4300] =	vst v63  }
0x11: {  	_ =	swait.ge [sflag:s7], $0x3E80  }
0x12: {  	[sflag:s7] =	ssyncset.done $0x0  }
0x13: {  	[sflag:s7] =	ssyncadd.s32 $0xFFFFC180  }
0x14: {  	[tilespmem:$0x4000] =	vst v0  }
0x15: {  	[tilespmem:$0x4010] =	vst v0  }
0x16: {  	[tilespmem:$0x4020] =	vst v0  }
0x17: {  	[tilespmem:$0x4030] =	vst v0  }
0x18: {  	[tilespmem:$0x4040] =	vst v0  }
0x19: {  	[spmem:s9], [sflag:s8] =	dma.local [hbm:s4], $0x50  }
0x1a: {  	_ =	swait.ge [sflag:s7], $0x50  }
0x1b: {  	[sflag:s7] =	ssyncset.done $0x0  }
0x1c: {  	[sflag:s7] =	ssyncadd.s32 $0xFFFFFFB0  }
0x1d: {  	s16 =	simm.s32 $0x0;
	[bflag:$0x0] =	sbarrier.arrive $0xFFFF  }
0x1e: {  	[spmem:s1] =	stream.indirect.scatter.add.f32 [tilespmem:s11], [sflag:$0x1], $0x1, s16, s10, $0xb8;
	[tilespmem:$0x4300] =	vst v63  }
0x1f: {  	_ =	swait.ge [sflag:s7], $0x50  }
0x20: {  	s16 =	simm.s32 $0x200;
	[sflag:s7] =	ssyncset.done $0x0  }
.LBB2_2:
0x21: {  	s17 =	sshra.s32 s16, $0x2;
	[sflag:s7] =	ssyncadd.s32 $0xFFFFFFB0;
	p0 =	sne.s32 s16, $0xF800  }
0x22: {  	[spmem:s1] =	stream.indirect.scatter.add.f32 [tilespmem:s11], [sflag:$0x1], $0x1, s17, s10, $0xb8;
	[tilespmem:$0x4300] =	vst v63  }
.Ltmp0:
0x23: {  	_ = 	snop;
	(pc) =	sbr.rel @p0 .LBB2_2-.Ltmp0, $4  }
0x24: {  	_ = 	snop  }
0x25: {  	s16 =	sadd.s32 $0x200, s16  }
0x26: {  	_ =	swait.ge [sflag:s7], $0x50  }
0x27: {  	[sflag:s7] =	ssyncset.done $0x0  }
0x28: {  	s15 =	sadd.s32 $0x1, s15  }
0x29: {  	[sflag:s7] =	ssyncadd.s32 $0xFFFFFFB0;
	p0 =	sne.s32 s15, s5  }
.Ltmp1:
0x2a: {  	[bflag:$0x0] =	sbarrier.arrive $0xFFFF;
	(pc) =	sbr.rel @p0 .LBB2_1-.Ltmp1, $4  }
0x2b: {  	[hbm:s12@s13], [sflag:s8] =	dma.strided [spmem:s9@s14], $0x50, s7, $0x10   }
0x2c: {  	_ =	swait.ge [sflag:s7], $0x50  }
0x2d: {  	[sflag:s7] =	ssyncset.done $0x0  }
0x2e: {  	[sflag:s7] =	ssyncadd.s32 $0xFFFFFFB0  }
0x2f: {  	_ =	sfence.sel $0x180000  }
0x30: {  	[bflag:$0x0] =	sbarrier.arrive $0xFFFF  }
0x31: {  	p0 =	sne.s32 s3, $0x0;
	_ =	strace $0x90000047  }
0x32: {  	s0 =	sadd.s32 @!p0 $0x100000, s0;
	[bflag:$0x2] =	sbarrier.arrive $0xFFFF  }
0x33: {  	[sflag:s0] =	ssyncadd.tile.s32 @!p0 $0x1;
	_ =	shalt  }
.Lfunc_end2:
_tile_overlayer_lowered:
.L_overlay_start_2:
0x34: {  	(tag) =	ssettag $0x2  }
0x35: {  	s0 =	rddreg [dreg:$0x0];
	s2 =	stileid.u32  }
0x36: {  	s1 =	rddreg [dreg:$0x1];
	p0 =	sne.s32 s2, $0x0  }
0x37: {  	s3 =	rddreg [dreg:$0x2];
	[bflag:$0x3] =	sbarrier.arrive $0xFFFF;
	s2 =	simm.s32 @!p0 $0x1C01  }
0x38: {  	[timem:s3], [sflag:s2] =	dma.local @!p0 [hbm:s0], s1  }
0x39: {  	s0 =	simm.s32 @!p0 $0x1  }
0x3a: {  	_ =	swait.ge @!p0 [sflag:s0], s1  }
0x3b: {  	s1 =	ssub.s32 @!p0 $0x0, s1;
	[sflag:s0] =	ssyncset.done @!p0 $0x0  }
0x3c: {  	[sflag:s0] =	ssyncadd.s32 @!p0 s1  }
0x3d: {  	[bflag:$0x3] =	sbarrier.arrive $0xFFFF  }
0x3e: {  	_ =	shalt  }

// kernel: kernel.13.cloned.1.call-start
scs
__scs_entry_jumppad:
0x0: {  	(pc) =	sbr.rel $0x88, $3  }
0x1: {  	(tag) =	ssettag $0x0;
	lr =	simm.s32 $0x1  }
0x2: {  	[smem:$0x3F99] =	sst lr;
	_ =	strace $0xD0000000  }
0x3: {  	_ = 	snop  }
0x4: {  	_ = 	snop  }
0x5: {  	_ = 	snop  }
0x6: {  	_ = 	snop  }
0x7: {  	_ = 	snop  }
__scs_overlays_trampoline_lowered:
0x8: {  	[smem:$0x3FA8] =	sst s0  }
0x9: {  	[smem:$0x3FA9] =	sst s1  }
0xa: {  	[smem:$0x3FAA] =	sst s2  }
0xb: {  	[smem:$0x3FAB] =	sst s3  }
0xc: {  	[smem:$0x3FAC] =	sst s4  }
0xd: {  	[smem:$0x3FAD] =	sst s5  }
0xe: {  	[smem:$0x3FAE] =	sst s6  }
0xf: {  	[smem:$0x3FAF] =	sst s7  }
0x10: {  	[smem:$0x3FB0] =	sst s8  }
0x11: {  	[smem:$0x3FB1] =	sst s9;
	s0 =	simm.s32 @!p0 $0x0  }
0x12: {  	s1 =	sld [smem:$0x3F97];
	s0 =	simm.s32 @p0 $0x1  }
0x13: {  	[smem:$0x3FB2] =	sst s0;
	s0 =	simm.s32 @!p1 $0x0  }
0x14: {  	s2 =	sld [smem:$0x3F96];
	s0 =	simm.s32 @p1 $0x1  }
0x15: {  	[smem:$0x3FB3] =	sst s0;
	s0 =	simm.s32 @!p2 $0x0  }
0x16: {  	s3 =	sld [smem:$0x3FDB];
	s0 =	simm.s32 @p2 $0x1  }
0x17: {  	s4 =	simm.s32 $0x1BF5;
	[smem:$0x3FB5] =	sst s0  }
0x18: {  	s0 =	sld [smem:$0x3F98];
	_ =	swait.ge [sflag:s4], $0x0  }
0x19: {  	s7 =	sld [smem:$0x3F99]  }
0x1a: {  	s8 =	sadd.s32 $0xFFFFE003, lr  }
0x1b: {  	s9 =	sadd.s32 $0xFFFFFEF7, lr;
	s5 =	simm.s32 $0xFFFFFFFF;
	p2 =	slt.u32 s8, $0xFFFFF086  }
0x1c: {  	p1 =	slt.u32 s9, $0xF7A;
	s5 =	simm.s32 @!p2 $0x0  }
0x1d: {  	s5 =	simm.s32 @p1 $0x1;
	p0 =	seq.s32 s7, s2  }
0x1e: {  	s7 =	smul.u32 @!p0 $0xF7A, s2;
	p2 =	seq.s32 @!p0 s5, $0x0  }
0x1f: {  	s9 =	smul.u32 $0xF7A, s1;
	s8 =	simm.s32 @!p0 $0x1BF5;
	p2 =	por !p2, p0  }
0x20: {  	[sflag:s8] =	ssyncset.s32 @!p0 $0xFFFFF086;
	s6 =	sadd.s32 @!p0 s3, s7;
	s7 =	simm.s32 @!p0 $0x108  }
0x21: {  	s3 =	sadd.s32 s3, s9;
	s6 =	sadd.s32 @!p0 $0x88, s6;
	s7 =	simm.s32 @p2 $0x1082  }
0x22: {  	[simem:s7], [sflag:s8] =	dma.local @!p0 [hbm:s6], $0xF7A  }
0x23: {  	s9 =	sor.u32 $0xD0000000, s2;
	s6 =	simm.s32 $0x108;
	_ =	swait.ge @!p0 [sflag:s8], $0x0  }
0x24: {  	s3 =	sadd.s32 $0x88, s3;
	s6 =	simm.s32 @!p1 $0x1082;
	[sflag:s4] =	ssyncset.s32 $0xFFFFF086  }
0x25: {  	[simem:s6], [sflag:s4] =	dma.local [hbm:s3], $0xF7A  }
0x26: {  	[smem:$0x3F99] =	sst s1;
	(tag) =	ssettag s2;
	_ =	strace s9  }
0x27: {  	s1 =	sld [smem:$0x3FA9]  }
0x28: {  	s2 =	sld [smem:$0x3FAA]  }
0x29: {  	s4 =	sld [smem:$0x3FAC]  }
0x2a: {  	p0 =	seq.s32 s5, $0x0;
	s5 =	sld [smem:$0x3FAD]  }
0x2b: {  	s6 =	sld [smem:$0x3FAE]  }
0x2c: {  	s7 =	sld [smem:$0x3FAF]  }
0x2d: {  	s3 =	simm.s32 $0x108;
	s8 =	sld [smem:$0x3FB0]  }
0x2e: {  	s3 =	simm.s32 @!p0 $0x1082;
	s9 =	sld [smem:$0x3FB1]  }
0x2f: {  	lr =	sadd.s32 s0, s3;
	s0 =	sld [smem:$0x3FA8]  }
0x30: {  	s3 =	sld [smem:$0x3FAB]  }
0x31: {  	[smem:$0x3FB4] =	sst s10  }
0x32: {  	s10 =	sld [smem:$0x3FB2];
	_ =	sdelay $0x3  }
0x33: {  	p0 =	seq.s32 s10, $0x1;
	s10 =	sld [smem:$0x3FB4];
	_ =	sdelay $0x3  }
0x34: {  	[smem:$0x3FB4] =	sst s10  }
0x35: {  	s10 =	sld [smem:$0x3FB3];
	_ =	sdelay $0x3  }
0x36: {  	p1 =	seq.s32 s10, $0x1;
	s10 =	sld [smem:$0x3FB4];
	_ =	sdelay $0x3  }
0x37: {  	[smem:$0x3FB4] =	sst s10  }
0x38: {  	s10 =	sld [smem:$0x3FB5]  }
0x39: {  	_ = 	snop;
	(pc) =	sbr.ind lr, $3  }
0x3a: {  	_ = 	snop  }
0x3b: {  	_ = 	snop  }
0x3c: {  	p2 =	seq.s32 s10, $0x1;
	s10 =	sld [smem:$0x3FB4]  }
0x3d: {  	_ =	shalt  }
0x3e: {  	_ =	shalt  }
0x3f: {  	_ =	shalt  }
0x40: {  	_ =	shalt  }
0x41: {  	_ =	shalt  }
0x42: {  	_ =	shalt  }
0x43: {  	_ =	shalt  }
0x44: {  	_ =	shalt  }
0x45: {  	_ =	shalt  }
0x46: {  	_ =	shalt  }
0x47: {  	_ =	shalt  }
0x48: {  	_ =	shalt  }
0x49: {  	_ =	shalt  }
0x4a: {  	_ =	shalt  }
0x4b: {  	_ =	shalt  }
0x4c: {  	_ =	shalt  }
0x4d: {  	_ =	shalt  }
0x4e: {  	_ =	shalt  }
0x4f: {  	_ =	shalt  }
0x50: {  	_ =	shalt  }
0x51: {  	_ =	shalt  }
0x52: {  	_ =	shalt  }
0x53: {  	_ =	shalt  }
0x54: {  	_ =	shalt  }
0x55: {  	_ =	shalt  }
0x56: {  	_ =	shalt  }
0x57: {  	_ =	shalt  }
0x58: {  	_ =	shalt  }
0x59: {  	_ =	shalt  }
0x5a: {  	_ =	shalt  }
0x5b: {  	_ =	shalt  }
0x5c: {  	_ =	shalt  }
0x5d: {  	_ =	shalt  }
0x5e: {  	_ =	shalt  }
0x5f: {  	_ =	shalt  }
0x60: {  	_ =	shalt  }
0x61: {  	_ =	shalt  }
0x62: {  	_ =	shalt  }
0x63: {  	_ =	shalt  }
0x64: {  	_ =	shalt  }
0x65: {  	_ =	shalt  }
0x66: {  	_ =	shalt  }
0x67: {  	_ =	shalt  }
0x68: {  	_ =	shalt  }
0x69: {  	_ =	shalt  }
0x6a: {  	_ =	shalt  }
0x6b: {  	_ =	shalt  }
0x6c: {  	_ =	shalt  }
0x6d: {  	_ =	shalt  }
0x6e: {  	_ =	shalt  }
0x6f: {  	_ =	shalt  }
0x70: {  	_ =	shalt  }
0x71: {  	_ =	shalt  }
0x72: {  	_ =	shalt  }
0x73: {  	_ =	shalt  }
0x74: {  	_ =	shalt  }
0x75: {  	_ =	shalt  }
0x76: {  	_ =	shalt  }
0x77: {  	_ =	shalt  }
0x78: {  	_ =	shalt  }
0x79: {  	_ =	shalt  }
0x7a: {  	_ =	shalt  }
0x7b: {  	_ =	shalt  }
0x7c: {  	_ =	shalt  }
0x7d: {  	_ =	shalt  }
0x7e: {  	_ =	shalt  }
0x7f: {  	_ =	shalt  }
0x80: {  	_ =	shalt  }
0x81: {  	_ =	shalt  }
0x82: {  	_ =	shalt  }
0x83: {  	_ =	shalt  }
0x84: {  	_ =	shalt  }
0x85: {  	_ =	shalt  }
0x86: {  	_ =	shalt  }
0x87: {  	_ =	shalt  }
.Lfunc_end0:
.L_simem_size_0:
called_computation.1_lowered:
.L_overlay_start_0:
0x88: {  	s2 =	sld [smem:$0x3FD9]  }
0x89: {  	s3 =	sld [smem:$0x3FFE];
	_ =	sdelay $0x1  }
0x8a: {  	s1 =	srdreg.scid  }
0x8b: {  	s0 =	sand.u32 $0x1, s1  }
0x8c: {  	s17 =	sshll.u32 s0, $0xA;
	s2 =	sadd.s32 s3, s2  }
0x8d: {  	s2 =	sadd.s32 s2, s17  }
0x8e: {  	[smem:$0x3FC0] =	sst s2  }
0x8f: {  	_ = 	snop  }
0x90: {  	s2 =	sld [smem:$0x3FD0];
	(tm) =	ssettm $0x1  }
0x91: {  	s18 =	sld [smem:$0x3FFB];
	_ =	sdelay $0x3  }
0x92: {  	_ =	strace s18  }
0x93: {  	s3 =	sld [smem:$0x3FFC];
	_ =	sdelay $0x3  }
0x94: {  	_ =	strace s3  }
0x95: {  	s3 =	sld [smem:$0x3FFD];
	_ =	sdelay $0x3  }
0x96: {  	_ =	strace s3  }
0x97: {  	_ =	strace $0x8FFFFFFF  }
0x98: {  	s19 =	sld [smem:$0x3FDB];
	_ =	sdelay $0x1  }
0x99: {  	s4 =	simm.s32 $_scs_section_size  }
0x9a: {  	s5 =	simm.s32 $_size__tile_overlayer_lowered;
	s6 =	simm.s32 $_tile_overlayer_lowered  }
0x9b: {  	s22 =	simm.s32 $0x1BFF;
	s21 =	sshll.u32 s6, $0x1;
	s3 =	sadd.s32 s4, s19  }
0x9c: {  	s7 =	simm.s32 $0x0;
	s20 =	sshll.u32 s5, $0x1;
	s5 =	sadd.s32 s21, s3  }
0x9d: {  	[timem:s7], [sflag:s22] =	dma.local [hbm:s5], s20  }
0x9e: {  	_ =	swait.ge [sflag:s22], s20  }
0x9f: {  	s4 =	ssub.s32 $0x0, s20;
	[sflag:s22] =	ssyncset.done $0x0  }
0xa0: {  	[sflag:s22] =	ssyncadd.s32 s4;
	_ =	sdelay $0x1  }
0xa1: {  	s23 =	simm.s32 $0x1B8B  }
0xa2: {  	_ =	swait.ge [sflag:s23], $0x1  }
0xa3: {  	[sflag:s23] =	ssyncset.done $0x0  }
0xa4: {  	s25 =	simm.s32 $0x1B8E;
	s24 =	sld [smem:$0x3FFE];
	[sflag:s23] =	ssyncadd.s32 $0xFFFFFFFF  }
0xa5: {  	s26 =	simm.s32 $execute0_lowered;
	[smem:$0x3FD2] =	sst s25  }
0xa6: {  	s5 =	sshll.u32 s26, $0x1;
	_ =	strace $0x80000049;
	[dreg:$0x1] =	wrdreg $0xFFFFFFFF  }
0xa7: {  	s28 =	simm.s32 $_size_execute0_lowered;
	s3 =	sadd.s32 s3, s5;
	[dreg:$0x0] =	wrdreg $0x0  }
0xa8: {  	s5 =	sshll.u32 s28, $0x1;
	[dreg:$0x2] =	wrdreg s3  }
0xa9: {  	[dreg:$0x3] =	wrdreg s5  }
0xaa: {  	[dreg:$0x4] =	wrdreg $0xC0  }
0xab: {  	_ =	task [dreg:s7], $0x5FFFF  }
0xac: {  	[dreg:$0x1] =	wrdreg $0xFFFFFFFF  }
0xad: {  	[dreg:$0x0] =	wrdreg $0x60  }
0xae: {  	[dreg:$0x2] =	wrdreg s24  }
0xaf: {  	[dreg:$0x3] =	wrdreg s2  }
0xb0: {  	[dreg:$0x4] =	wrdreg $0xBD000  }
0xb1: {  	[dreg:$0x5] =	wrdreg $0x9  }
0xb2: {  	_ =	task.clear_ibuf [dreg:s7], $0x6FFFF;
	_ =	strace $0x90000049  }
0xb3: {  	s29 =	simm.s32 $0x9;
	_ =	strace $0x8000004B  }
0xb4: {  	_ =	swait.ge [sflag:s29], $0x1  }
0xb5: {  	[sflag:s29] =	ssyncadd.s32 $0xFFFFFFFF  }
0xb6: {  	_ =	strace $0x9000004B  }
0xb7: {  	_ =	sfence  }
0xb8: {  	s30 =	sld [smem:$0x0];
	_ =	sdelay $0x2  }
0xb9: {  	s31 =	sshll.u32 s1, $0xD;
	s1 =	sshrl.u32 s1, $0x2  }
0xba: {  	s3 =	sand.u32 $0x4000, s31;
	s1 =	sadd.s32 s1, s30  }
0xbb: {  	s0 =	sor.u32 s3, s0;
	s1 =	sshll.u32 s1, $0x11  }
0xbc: {  	s0 =	sor.u32 s1, s0  }
0xbd: {  	s0 =	sadd.s32 $0x8F2B, s0  }
0xbe: {  	[sflag:s0] =	ssyncadd.remote.s32 $0x1  }
0xbf: {  	_ =	sfence.sel $0xFFFF  }
0xc0: {  	[dreg:$0x0] =	wrdreg $0xFFFFFFFF;
	(pc) =	sbr.abs _section_cstart, $3  }
0xc1: {  	[dreg:$0x1] =	wrdreg $0xFFFFFFFF  }
0xc2: {  	_ =	task.clear_ibuf [dreg:s7], $0x2FFFF;
	_ =	strace $0x9FFFFFFF  }
0xc3: {  	(tm) =	ssettm $0x7FFFFFFF  }
tec
execute0_lowered:
.L_overlay_start_1:
0x0: {  	(tag) =	ssettag $0x1  }
0x1: {  	s0 =	rddreg [dreg:$0x0]  }
0x2: {  	s3 =	rddreg [dreg:$0x2];
	s7 =	stileid.u32  }
0x3: {  	s1 =	srdreg.scid;
	s4 =	simm.s32 $0x0;
	s16 =	simm.s32 $0x100  }
0x4: {  	s17 =	simm.s32 $0x200;
	s18 =	simm.s32 $0x300;
	s19 =	simm.s32 $0x400  }
0x5: {  	s29 =	simm.s32 $0x2;
	s31 =	simm.s32 $0x3;
	s2 =	smul.u32 $0x1F40, s7  }
0x6: {  	s28 =	simm.s32 $0x18;
	s30 =	simm.s32 $0x19;
	s12 =	smul.u32 $0x50000, s7  }
0x7: {  	s1 =	sand.u32 $0x1, s1;
	[smem:$0x7FF] =	sst s4;
	s20 =	smul.u32 $0x2800, s7  }
0x8: {  	s13 =	sshll.u32 s7, $0x6;
	s5 =	smul.u32 $0x28000, s1;
	s1 =	ssub.s32 $0x2, s1  }
0x9: {  	_ =	strace $0x8000004A;
	s2 =	sadd.s32 s2, s0;
	s6 =	sshrl.u32 s1, $0x1  }
0xa: {  	s12 =	sshrl.u32 s12, $0x2;
	s0 =	sadd.s32 s5, s0;
	s1 =	ssub.s32 s1, s6  }
0xb: {  	s22 =	sadd.s32 $0xAC00, s2;
	s23 =	sadd.s32 $0xAC20, s2;
	s24 =	sadd.s32 $0xAC40, s2  }
0xc: {  	s25 =	sadd.s32 $0xAC60, s2;
	s26 =	sadd.s32 $0xAC80, s2;
	[dreg:$0x4] =	wrdreg s22  }
0xd: {  	s10 =	sadd.s32 $0xACA0, s2;
	s11 =	sadd.s32 $0xACC0, s2;
	[dreg:$0x5] =	wrdreg s23  }
0xe: {  	s15 =	sadd.s32 s12, s3;
	s12 =	sor.u32 $0x1C1C, s13;
	[dreg:$0x6] =	wrdreg s24  }
.Ltmp0:
0xf: {  	s2 =	sadd.s32 $0xACE0, s2;
	[dreg:$0x7] =	wrdreg s25;
	(pc) =	sbr.rel .LBB2_1-.Ltmp0, $4  }
0x10: {  	[dreg:$0x8] =	wrdreg s26;
	s13 =	sadd.s32 $0x2A000, s0;
	s0 =	sadd.s32 $0x7A000, s0  }
0x11: {  	s14 =	smax.u32 s1, $0x1;
	s22 =	sshrl.u32 s15, $0x3;
	s23 =	simm.s32 $0x1C  }
0x12: {  	s25 =	simm.s32 $0x1;
	s26 =	simm.s32 $0x28;
	s1 =	simm.s32 $0x4  }
0x13: {  	s24 =	sadd.s32 s20, s0;
	s20 =	simm.s32 $0x5;
	s0 =	simm.s32 $0x0  }
.LBB2_5:
0x14: {  	_ =	swait.ge [sflag:s28], $0x1400  }
0x15: {  	[sflag:s28] =	ssyncset.done $0x0  }
0x16: {  	[sflag:s28] =	ssyncadd.s32 $0xFFFFEC00  }
0x17: {  	_ =	swait.ge [sflag:s30], $0x1400  }
0x18: {  	s0 =	sadd.s32 $0x1, s0;
	[sflag:s30] =	ssyncset.done $0x0  }
0x19: {  	p0 =	sne.s32 s0, s14;
	[sflag:s30] =	ssyncadd.s32 $0xFFFFEC00  }
.Ltmp1:
0x1a: {  	[bflag:$0x0] =	sbarrier.arrive $0xFFFF;
	(pc) =	sbr.rel @!p0 .LBB2_6-.Ltmp1, $4  }
0x1b: {  	[hbm:s24], [sflag:s12] =	dma.local [spmem:s22], $0x2800  }
0x1c: {  	_ =	swait.ge [sflag:s23], $0x2800  }
0x1d: {  	[sflag:s23] =	ssyncset.done $0x0  }
0x1e: {  	[sflag:s23] =	ssyncadd.s32 $0xFFFFD800  }
.LBB2_1:
0x1f: {  	s5 =	rddreg [dreg:$0x4]  }
0x20: {  	[tilespmem:s4], [sflag:$0x1] =	stream.linear.gather [hbm4b:s5+s4], $0x100, $0x38;
	[tilespmem:$0x1FD00] =	vst v63  }
0x21: {  	s6 =	rddreg [dreg:$0x5]  }
0x22: {  	[tilespmem:s16], [sflag:$0x2] =	stream.linear.gather [hbm4b:s6+s4], $0x100, $0x38;
	[tilespmem:$0x1FD00] =	vst v63  }
0x23: {  	s7 =	rddreg [dreg:$0x6]  }
0x24: {  	[tilespmem:s17], [sflag:$0x3] =	stream.linear.gather [hbm4b:s7+s4], $0x100, $0x38;
	[tilespmem:$0x1FD00] =	vst v63  }
0x25: {  	s8 =	rddreg [dreg:$0x7]  }
0x26: {  	[tilespmem:s18], [sflag:$0x4] =	stream.linear.gather [hbm4b:s8+s4], $0x100, $0x38;
	[tilespmem:$0x1FD00] =	vst v63  }
0x27: {  	s9 =	rddreg [dreg:$0x8]  }
0x28: {  	[tilespmem:s19], [sflag:$0x5] =	stream.linear.gather [hbm4b:s9+s4], $0x100, $0x38;
	[tilespmem:$0x1FD00] =	vst v63  }
0x29: {  	s15 =	simm.s32 $0x500  }
0x2a: {  	[tilespmem:s15], [sflag:$0x6] =	stream.linear.gather [hbm4b:s10+s4], $0x100, $0x38;
	[tilespmem:$0x1FD00] =	vst v63  }
0x2b: {  	s21 =	simm.s32 $0x600;
	s6 =	rddreg [dreg:$0x1]  }
0x2c: {  	[tilespmem:s21], [sflag:$0x7] =	stream.linear.gather [hbm4b:s11+s4], $0x100, $0x38;
	[tilespmem:$0x1FD00] =	vst v63  }
0x2d: {  	[spmem:s22], [sflag:s12] =	dma.local [hbm:s6], $0x2800  }
0x2e: {  	_ =	swait.ge [sflag:s23], $0x2800  }
0x2f: {  	[sflag:s23] =	ssyncset.done $0x0  }
0x30: {  	[sflag:s23] =	ssyncadd.s32 $0xFFFFD800  }
0x31: {  	_ =	swait.ge [sflag:s25], $0x100  }
0x32: {  	[sflag:s25] =	ssyncset.done $0x0  }
0x33: {  	s7 =	simm.s32 $0x900;
	[sflag:s25] =	ssyncadd.s32 $0xFFFFFF00  }
0x34: {  	[tilespmem:s7], [sflag:$0xA] =	stream.indirect.gather [hbm4b:s13+s26], $0x80, s4, s26, $0xb8;
	[tilespmem:$0x1FD00] =	vst v63  }
0x35: {  	_ =	swait.ge [sflag:s29], $0x100  }
0x36: {  	[sflag:s29] =	ssyncset.done $0x0  }
0x37: {  	s8 =	simm.s32 $0x1D00;
	[sflag:s29] =	ssyncadd.s32 $0xFFFFFF00  }
0x38: {  	[tilespmem:s8], [sflag:$0xB] =	stream.indirect.gather [hbm4b:s13+s26], $0x80, s16, s26, $0xb8;
	[tilespmem:$0x1FD00] =	vst v63  }
0x39: {  	_ =	swait.ge [sflag:s31], $0x100  }
0x3a: {  	[sflag:s31] =	ssyncset.done $0x0  }
0x3b: {  	s9 =	simm.s32 $0x3100;
	[sflag:s31] =	ssyncadd.s32 $0xFFFFFF00  }
0x3c: {  	[tilespmem:s9], [sflag:$0xC] =	stream.indirect.gather [hbm4b:s13+s26], $0x80, s17, s26, $0xb8;
	[tilespmem:$0x1FD00] =	vst v63  }
0x3d: {  	_ =	swait.ge [sflag:s1], $0x100  }
0x3e: {  	[sflag:s1] =	ssyncset.done $0x0  }
0x3f: {  	s15 =	simm.s32 $0x4500;
	[sflag:s1] =	ssyncadd.s32 $0xFFFFFF00  }
0x40: {  	[tilespmem:s15], [sflag:$0xD] =	stream.indirect.gather [hbm4b:s13+s26], $0x80, s18, s26, $0xb8;
	[tilespmem:$0x1FD00] =	vst v63  }
0x41: {  	_ =	swait.ge [sflag:s20], $0x100  }
.Ltmp2:
0x42: {  	[sflag:s20] =	ssyncset.done $0x0;
	(pc) =	sbr.rel .LBB2_2-.Ltmp2, $4  }
0x43: {  	s21 =	simm.s32 $0x5900;
	[sflag:s20] =	ssyncadd.s32 $0xFFFFFF00  }
0x44: {  	[tilespmem:s21], [sflag:$0xE] =	stream.indirect.gather [hbm4b:s13+s26], $0x80, s19, s26, $0xb8;
	[tilespmem:$0x1FD00] =	vst v63  }
0x45: {  	[bflag:$0x0] =	sbarrier.arrive $0xFFFF  }
0x46: {  	s15 =	smov.u32 s2;
	s21 =	simm.s32 $0x0  }
.LBB2_4:
0x47: {  	s21 =	sadd.s32 $0x1, s21  }
0x48: {  	p0 =	sne.s32 s21, $0xFA  }
.Ltmp3:
0x49: {  	_ = 	snop;
	(pc) =	sbr.rel @!p0 .LBB2_5-.Ltmp3, $2  }
0x4a: {  	_ =	sdelay $0x2  }
0x4b: {  	s15 =	sadd.s32 $0x20, s15  }
.LBB2_2:
0x4c: {  	s5 =	smul.u32 $0x39, s21;
	_ =	sdelay $0x1  }
0x4d: {  	s5 =	sshrl.u32 s5, $0x9  }
0x4e: {  	s5 =	sand.u32 $0x7F, s5  }
0x4f: {  	p0 =	slt.u32 s21, $0x2;
	s5 =	smul.u32 $0x9, s5  }
0x50: {  	s7 =	sadd.s32 @!p0 $0x7, s21  }
0x51: {  	s9 =	sand.u32 @!p0 $0xFFFF, s7;
	s5 =	ssub.s32 s21, s5  }
0x52: {  	s9 =	smul.u32 @!p0 $0xE38F, s9;
	s5 =	sand.u32 $0xFF, s5  }
0x53: {  	s8 =	sadd.s32 $0xA, s5  }
0x54: {  	s9 =	sshrl.u32 @!p0 s9, $0x13;
	s6 =	smul.u32 $0x5000, s5;
	_ =	swait.ge [sflag:s8], $0x1400  }
0x55: {  	p1 =	sgt.u32 @!p0 s21, $0xF4;
	s9 =	smul.u32 @!p0 $0x9, s9;
	[sflag:s8] =	ssyncset.done $0x0  }
0x56: {  	s6 =	sshrl.u32 s6, $0x2;
	[sflag:s8] =	ssyncadd.s32 $0xFFFFEC00;
	s8 =	sshll.u32 s5, $0x8  }
0x57: {  	s6 =	sadd.s32 $0x900, s6;
	s5 =	sadd.s32 $0x13, s5;
	s8 =	sor.u32 $0x80, s8  }
0x58: {  	[spmem:s3] =	stream.indirect.scatter.add.f32 [tilespmem:s6], [sflag:s5], $0x80, s8, s26, $0xb8;
	[tilespmem:$0x1FD00] =	vst v63  }
0x59: {  	p1 =	por p0, !p1;
	s5 =	ssub.s32 @!p0 s7, s9  }
.Ltmp4:
0x5a: {  	s5 =	sand.u32 @!p0 $0xFFFF, s5;
	(pc) =	sbr.rel @!p1 .LBB2_4-.Ltmp4, $4  }
0x5b: {  	s5 =	sadd.s32 @!p0 $0x13, s5  }
0x5c: {  	_ =	swait.ge @!p0 [sflag:s5], $0x1400  }
0x5d: {  	[sflag:s5] =	ssyncset.done @!p0 $0x0  }
0x5e: {  	[sflag:s5] =	ssyncadd.s32 @!p0 $0xFFFFEC00  }
0x5f: {  	s5 =	sadd.s32 $0x5, s21  }
0x60: {  	s6 =	sand.u32 $0xFF, s5  }
0x61: {  	s6 =	smul.u32 $0x39, s6;
	_ =	sdelay $0x1  }
0x62: {  	s6 =	sshrl.u32 s6, $0x9  }
0x63: {  	s6 =	smul.u32 $0x9, s6;
	_ =	sdelay $0x1  }
0x64: {  	s5 =	ssub.s32 s5, s6  }
0x65: {  	p0 =	sgt.u32 s21, $0xF2;
	s5 =	sand.u32 $0xFF, s5  }
0x66: {  	s7 =	sadd.s32 @!p0 $0x7, s21;
	s6 =	sadd.s32 $0x1, s5;
	s9 =	smul.u32 $0x5000, s5  }
0x67: {  	s8 =	smul.u32 @!p0 $0x39, s7;
	_ =	swait.ge [sflag:s6], $0x100  }
0x68: {  	[sflag:s6] =	ssyncset.done $0x0;
	s9 =	sshrl.u32 s9, $0x2  }
0x69: {  	[sflag:s6] =	ssyncadd.s32 $0xFFFFFF00;
	s6 =	sshrl.u32 @!p0 s8, $0x9;
	s8 =	sshll.u32 s5, $0x8  }
0x6a: {  	s9 =	sadd.s32 $0x900, s9;
	s5 =	sadd.s32 $0xA, s5;
	s6 =	sand.u32 @!p0 $0x7F, s6  }
0x6b: {  	[tilespmem:s9], [sflag:s5] =	stream.indirect.gather [hbm4b:s13+s26], $0x80, s8, s26, $0xb8;
	[tilespmem:$0x1FD00] =	vst v63  }
0x6c: {  	s6 =	smul.u32 @!p0 $0x9, s6  }
.Ltmp5:
0x6d: {  	_ = 	snop;
	(pc) =	sbr.rel .LBB2_4-.Ltmp5, $4  }
0x6e: {  	s5 =	ssub.s32 @!p0 s7, s6  }
0x6f: {  	s5 =	sand.u32 @!p0 $0xFF, s5  }
0x70: {  	s7 =	simm.s32 @!p0 $0x0;
	s6 =	sshll.u32 @!p0 s5, $0x8;
	s5 =	sadd.s32 @!p0 $0x1, s5  }
0x71: {  	[tilespmem:s6], [sflag:s5] =	stream.linear.gather @!p0 [hbm4b:s15+s7], $0x100, $0x38;
	[tilespmem:$0x1FD00] =	vst v63  }
.LBB2_6:
0x72: {  	_ =	sfence.sel $0x180000  }
0x73: {  	[bflag:$0x0] =	sbarrier.arrive $0xFFFF  }
0x74: {  	_ =	strace $0x9000004A  }
0x75: {  	s0 =	stileid.u32;
	[bflag:$0x2] =	sbarrier.arrive $0xFFFF  }
0x76: {  	p0 =	sne.s32 s0, $0x0;
	s0 =	rddreg [dreg:$0x3]  }
0x77: {  	s0 =	sadd.s32 @!p0 $0x100000, s0  }
0x78: {  	[sflag:s0] =	ssyncadd.tile.s32 @!p0 $0x1;
	_ =	shalt  }
.Lfunc_end2:
_tile_overlayer_lowered:
.L_overlay_start_2:
0x79: {  	(tag) =	ssettag $0x2  }
0x7a: {  	s0 =	rddreg [dreg:$0x0];
	s2 =	stileid.u32  }
0x7b: {  	s1 =	rddreg [dreg:$0x1];
	p0 =	sne.s32 s2, $0x0  }
0x7c: {  	s3 =	rddreg [dreg:$0x2];
	[bflag:$0x3] =	sbarrier.arrive $0xFFFF;
	s2 =	simm.s32 @!p0 $0x1C1C  }
0x7d: {  	[timem:s3], [sflag:s2] =	dma.local @!p0 [hbm:s0], s1  }
0x7e: {  	s0 =	simm.s32 @!p0 $0x1C  }
0x7f: {  	_ =	swait.ge @!p0 [sflag:s0], s1  }
0x80: {  	s1 =	ssub.s32 @!p0 $0x0, s1;
	[sflag:s0] =	ssyncset.done @!p0 $0x0  }
0x81: {  	[sflag:s0] =	ssyncadd.s32 @!p0 s1  }
0x82: {  	[bflag:$0x3] =	sbarrier.arrive $0xFFFF  }
0x83: {  	_ =	shalt  }

// kernel: kernel.16.cloned.1.call-start
scs
__scs_entry_jumppad:
0x0: {  	(pc) =	sbr.rel $0x88, $3  }
0x1: {  	(tag) =	ssettag $0x0;
	lr =	simm.s32 $0x1  }
0x2: {  	[smem:$0x3F99] =	sst lr;
	_ =	strace $0xD0000000  }
0x3: {  	_ = 	snop  }
0x4: {  	_ = 	snop  }
0x5: {  	_ = 	snop  }
0x6: {  	_ = 	snop  }
0x7: {  	_ = 	snop  }
__scs_overlays_trampoline_lowered:
0x8: {  	[smem:$0x3FA8] =	sst s0  }
0x9: {  	[smem:$0x3FA9] =	sst s1  }
0xa: {  	[smem:$0x3FAA] =	sst s2  }
0xb: {  	[smem:$0x3FAB] =	sst s3  }
0xc: {  	[smem:$0x3FAC] =	sst s4  }
0xd: {  	[smem:$0x3FAD] =	sst s5  }
0xe: {  	[smem:$0x3FAE] =	sst s6  }
0xf: {  	[smem:$0x3FAF] =	sst s7  }
0x10: {  	[smem:$0x3FB0] =	sst s8  }
0x11: {  	[smem:$0x3FB1] =	sst s9;
	s0 =	simm.s32 @!p0 $0x0  }
0x12: {  	s1 =	sld [smem:$0x3F97];
	s0 =	simm.s32 @p0 $0x1  }
0x13: {  	[smem:$0x3FB2] =	sst s0;
	s0 =	simm.s32 @!p1 $0x0  }
0x14: {  	s2 =	sld [smem:$0x3F96];
	s0 =	simm.s32 @p1 $0x1  }
0x15: {  	[smem:$0x3FB3] =	sst s0;
	s0 =	simm.s32 @!p2 $0x0  }
0x16: {  	s3 =	sld [smem:$0x3FDB];
	s0 =	simm.s32 @p2 $0x1  }
0x17: {  	s4 =	simm.s32 $0x1BF5;
	[smem:$0x3FB5] =	sst s0  }
0x18: {  	s0 =	sld [smem:$0x3F98];
	_ =	swait.ge [sflag:s4], $0x0  }
0x19: {  	s7 =	sld [smem:$0x3F99]  }
0x1a: {  	s8 =	sadd.s32 $0xFFFFE003, lr  }
0x1b: {  	s9 =	sadd.s32 $0xFFFFFEF7, lr;
	s5 =	simm.s32 $0xFFFFFFFF;
	p2 =	slt.u32 s8, $0xFFFFF086  }
0x1c: {  	p1 =	slt.u32 s9, $0xF7A;
	s5 =	simm.s32 @!p2 $0x0  }
0x1d: {  	s5 =	simm.s32 @p1 $0x1;
	p0 =	seq.s32 s7, s2  }
0x1e: {  	s7 =	smul.u32 @!p0 $0xF7A, s2;
	p2 =	seq.s32 @!p0 s5, $0x0  }
0x1f: {  	s9 =	smul.u32 $0xF7A, s1;
	s8 =	simm.s32 @!p0 $0x1BF5;
	p2 =	por !p2, p0  }
0x20: {  	[sflag:s8] =	ssyncset.s32 @!p0 $0xFFFFF086;
	s6 =	sadd.s32 @!p0 s3, s7;
	s7 =	simm.s32 @!p0 $0x108  }
0x21: {  	s3 =	sadd.s32 s3, s9;
	s6 =	sadd.s32 @!p0 $0x88, s6;
	s7 =	simm.s32 @p2 $0x1082  }
0x22: {  	[simem:s7], [sflag:s8] =	dma.local @!p0 [hbm:s6], $0xF7A  }
0x23: {  	s9 =	sor.u32 $0xD0000000, s2;
	s6 =	simm.s32 $0x108;
	_ =	swait.ge @!p0 [sflag:s8], $0x0  }
0x24: {  	s3 =	sadd.s32 $0x88, s3;
	s6 =	simm.s32 @!p1 $0x1082;
	[sflag:s4] =	ssyncset.s32 $0xFFFFF086  }
0x25: {  	[simem:s6], [sflag:s4] =	dma.local [hbm:s3], $0xF7A  }
0x26: {  	[smem:$0x3F99] =	sst s1;
	(tag) =	ssettag s2;
	_ =	strace s9  }
0x27: {  	s1 =	sld [smem:$0x3FA9]  }
0x28: {  	s2 =	sld [smem:$0x3FAA]  }
0x29: {  	s4 =	sld [smem:$0x3FAC]  }
0x2a: {  	p0 =	seq.s32 s5, $0x0;
	s5 =	sld [smem:$0x3FAD]  }
0x2b: {  	s6 =	sld [smem:$0x3FAE]  }
0x2c: {  	s7 =	sld [smem:$0x3FAF]  }
0x2d: {  	s3 =	simm.s32 $0x108;
	s8 =	sld [smem:$0x3FB0]  }
0x2e: {  	s3 =	simm.s32 @!p0 $0x1082;
	s9 =	sld [smem:$0x3FB1]  }
0x2f: {  	lr =	sadd.s32 s0, s3;
	s0 =	sld [smem:$0x3FA8]  }
0x30: {  	s3 =	sld [smem:$0x3FAB]  }
0x31: {  	[smem:$0x3FB4] =	sst s10  }
0x32: {  	s10 =	sld [smem:$0x3FB2];
	_ =	sdelay $0x3  }
0x33: {  	p0 =	seq.s32 s10, $0x1;
	s10 =	sld [smem:$0x3FB4];
	_ =	sdelay $0x3  }
0x34: {  	[smem:$0x3FB4] =	sst s10  }
0x35: {  	s10 =	sld [smem:$0x3FB3];
	_ =	sdelay $0x3  }
0x36: {  	p1 =	seq.s32 s10, $0x1;
	s10 =	sld [smem:$0x3FB4];
	_ =	sdelay $0x3  }
0x37: {  	[smem:$0x3FB4] =	sst s10  }
0x38: {  	s10 =	sld [smem:$0x3FB5]  }
0x39: {  	_ = 	snop;
	(pc) =	sbr.ind lr, $3  }
0x3a: {  	_ = 	snop  }
0x3b: {  	_ = 	snop  }
0x3c: {  	p2 =	seq.s32 s10, $0x1;
	s10 =	sld [smem:$0x3FB4]  }
0x3d: {  	_ =	shalt  }
0x3e: {  	_ =	shalt  }
0x3f: {  	_ =	shalt  }
0x40: {  	_ =	shalt  }
0x41: {  	_ =	shalt  }
0x42: {  	_ =	shalt  }
0x43: {  	_ =	shalt  }
0x44: {  	_ =	shalt  }
0x45: {  	_ =	shalt  }
0x46: {  	_ =	shalt  }
0x47: {  	_ =	shalt  }
0x48: {  	_ =	shalt  }
0x49: {  	_ =	shalt  }
0x4a: {  	_ =	shalt  }
0x4b: {  	_ =	shalt  }
0x4c: {  	_ =	shalt  }
0x4d: {  	_ =	shalt  }
0x4e: {  	_ =	shalt  }
0x4f: {  	_ =	shalt  }
0x50: {  	_ =	shalt  }
0x51: {  	_ =	shalt  }
0x52: {  	_ =	shalt  }
0x53: {  	_ =	shalt  }
0x54: {  	_ =	shalt  }
0x55: {  	_ =	shalt  }
0x56: {  	_ =	shalt  }
0x57: {  	_ =	shalt  }
0x58: {  	_ =	shalt  }
0x59: {  	_ =	shalt  }
0x5a: {  	_ =	shalt  }
0x5b: {  	_ =	shalt  }
0x5c: {  	_ =	shalt  }
0x5d: {  	_ =	shalt  }
0x5e: {  	_ =	shalt  }
0x5f: {  	_ =	shalt  }
0x60: {  	_ =	shalt  }
0x61: {  	_ =	shalt  }
0x62: {  	_ =	shalt  }
0x63: {  	_ =	shalt  }
0x64: {  	_ =	shalt  }
0x65: {  	_ =	shalt  }
0x66: {  	_ =	shalt  }
0x67: {  	_ =	shalt  }
0x68: {  	_ =	shalt  }
0x69: {  	_ =	shalt  }
0x6a: {  	_ =	shalt  }
0x6b: {  	_ =	shalt  }
0x6c: {  	_ =	shalt  }
0x6d: {  	_ =	shalt  }
0x6e: {  	_ =	shalt  }
0x6f: {  	_ =	shalt  }
0x70: {  	_ =	shalt  }
0x71: {  	_ =	shalt  }
0x72: {  	_ =	shalt  }
0x73: {  	_ =	shalt  }
0x74: {  	_ =	shalt  }
0x75: {  	_ =	shalt  }
0x76: {  	_ =	shalt  }
0x77: {  	_ =	shalt  }
0x78: {  	_ =	shalt  }
0x79: {  	_ =	shalt  }
0x7a: {  	_ =	shalt  }
0x7b: {  	_ =	shalt  }
0x7c: {  	_ =	shalt  }
0x7d: {  	_ =	shalt  }
0x7e: {  	_ =	shalt  }
0x7f: {  	_ =	shalt  }
0x80: {  	_ =	shalt  }
0x81: {  	_ =	shalt  }
0x82: {  	_ =	shalt  }
0x83: {  	_ =	shalt  }
0x84: {  	_ =	shalt  }
0x85: {  	_ =	shalt  }
0x86: {  	_ =	shalt  }
0x87: {  	_ =	shalt  }
.Lfunc_end0:
.L_simem_size_0:
called_computation.2_lowered:
.L_overlay_start_0:
0x88: {  	s2 =	sld [smem:$0x3FD9]  }
0x89: {  	s3 =	sld [smem:$0x3FFE];
	_ =	sdelay $0x1  }
0x8a: {  	s1 =	srdreg.scid  }
0x8b: {  	s0 =	sand.u32 $0x1, s1  }
0x8c: {  	s17 =	sshll.u32 s0, $0xA;
	s2 =	sadd.s32 s3, s2  }
0x8d: {  	s2 =	sadd.s32 s2, s17  }
0x8e: {  	[smem:$0x3FC0] =	sst s2  }
0x8f: {  	_ = 	snop  }
0x90: {  	s2 =	sld [smem:$0x3FD0];
	(tm) =	ssettm $0x1  }
0x91: {  	s18 =	sld [smem:$0x3FFB];
	_ =	sdelay $0x3  }
0x92: {  	_ =	strace s18  }
0x93: {  	s3 =	sld [smem:$0x3FFC];
	_ =	sdelay $0x3  }
0x94: {  	_ =	strace s3  }
0x95: {  	s3 =	sld [smem:$0x3FFD];
	_ =	sdelay $0x3  }
0x96: {  	_ =	strace s3  }
0x97: {  	_ =	strace $0x8FFFFFFF  }
0x98: {  	s19 =	sld [smem:$0x3FDB];
	_ =	sdelay $0x1  }
0x99: {  	s4 =	simm.s32 $_scs_section_size  }
0x9a: {  	s5 =	simm.s32 $_size__tile_overlayer_lowered;
	s6 =	simm.s32 $_tile_overlayer_lowered  }
0x9b: {  	s22 =	simm.s32 $0x1BFF;
	s21 =	sshll.u32 s6, $0x1;
	s3 =	sadd.s32 s4, s19  }
0x9c: {  	s7 =	simm.s32 $0x0;
	s20 =	sshll.u32 s5, $0x1;
	s5 =	sadd.s32 s21, s3  }
0x9d: {  	[timem:s7], [sflag:s22] =	dma.local [hbm:s5], s20  }
0x9e: {  	_ =	swait.ge [sflag:s22], s20  }
0x9f: {  	s4 =	ssub.s32 $0x0, s20;
	[sflag:s22] =	ssyncset.done $0x0  }
0xa0: {  	[sflag:s22] =	ssyncadd.s32 s4;
	_ =	sdelay $0x1  }
0xa1: {  	s23 =	simm.s32 $0x1B8B  }
0xa2: {  	_ =	swait.ge [sflag:s23], $0x1  }
0xa3: {  	[sflag:s23] =	ssyncset.done $0x0  }
0xa4: {  	s25 =	simm.s32 $0x1B8E;
	s24 =	sld [smem:$0x3FFE];
	[sflag:s23] =	ssyncadd.s32 $0xFFFFFFFF  }
0xa5: {  	s26 =	simm.s32 $execute0_lowered;
	[smem:$0x3FD2] =	sst s25  }
0xa6: {  	s5 =	sshll.u32 s26, $0x1;
	_ =	strace $0x8000004C;
	[dreg:$0x1] =	wrdreg $0xFFFFFFFF  }
0xa7: {  	s28 =	simm.s32 $_size_execute0_lowered;
	s3 =	sadd.s32 s3, s5;
	[dreg:$0x0] =	wrdreg $0x0  }
0xa8: {  	s5 =	sshll.u32 s28, $0x1;
	[dreg:$0x2] =	wrdreg s3  }
0xa9: {  	[dreg:$0x3] =	wrdreg s5  }
0xaa: {  	[dreg:$0x4] =	wrdreg $0xC0  }
0xab: {  	_ =	task [dreg:s7], $0x5FFFF  }
0xac: {  	[dreg:$0x1] =	wrdreg $0xFFFFFFFF  }
0xad: {  	[dreg:$0x0] =	wrdreg $0x60  }
0xae: {  	[dreg:$0x2] =	wrdreg s24  }
0xaf: {  	[dreg:$0x3] =	wrdreg s2  }
0xb0: {  	[dreg:$0x4] =	wrdreg $0xBD000  }
0xb1: {  	[dreg:$0x5] =	wrdreg $0x9  }
0xb2: {  	_ =	task.clear_ibuf [dreg:s7], $0x6FFFF;
	_ =	strace $0x9000004C  }
0xb3: {  	s29 =	simm.s32 $0x9;
	_ =	strace $0x8000004E  }
0xb4: {  	_ =	swait.ge [sflag:s29], $0x1  }
0xb5: {  	[sflag:s29] =	ssyncadd.s32 $0xFFFFFFFF  }
0xb6: {  	_ =	strace $0x9000004E  }
0xb7: {  	_ =	sfence  }
0xb8: {  	s30 =	sld [smem:$0x0];
	_ =	sdelay $0x2  }
0xb9: {  	s31 =	sshll.u32 s1, $0xD;
	s1 =	sshrl.u32 s1, $0x2  }
0xba: {  	s3 =	sand.u32 $0x4000, s31;
	s1 =	sadd.s32 s1, s30  }
0xbb: {  	s0 =	sor.u32 s3, s0;
	s1 =	sshll.u32 s1, $0x11  }
0xbc: {  	s0 =	sor.u32 s1, s0  }
0xbd: {  	s0 =	sadd.s32 $0x8F2B, s0  }
0xbe: {  	[sflag:s0] =	ssyncadd.remote.s32 $0x1  }
0xbf: {  	_ =	sfence.sel $0xFFFF  }
0xc0: {  	[dreg:$0x0] =	wrdreg $0xFFFFFFFF;
	(pc) =	sbr.abs _section_cstart, $3  }
0xc1: {  	[dreg:$0x1] =	wrdreg $0xFFFFFFFF  }
0xc2: {  	_ =	task.clear_ibuf [dreg:s7], $0x2FFFF;
	_ =	strace $0x9FFFFFFF  }
0xc3: {  	(tm) =	ssettm $0x7FFFFFFF  }
tec
execute0_lowered:
.L_overlay_start_1:
0x0: {  	(tag) =	ssettag $0x1  }
0x1: {  	s0 =	rddreg [dreg:$0x0]  }
0x2: {  	s3 =	rddreg [dreg:$0x2];
	s4 =	simm.s32 $0x0  }
0x3: {  	s7 =	stileid.u32;
	s1 =	srdreg.scid;
	s18 =	simm.s32 $0x100  }
0x4: {  	s28 =	simm.s32 $0x1;
	s29 =	simm.s32 $0x28;
	s31 =	simm.s32 $0x2  }
0x5: {  	s30 =	simm.s32 $0x0;
	[smem:$0x7FF] =	sst s4;
	s2 =	smul.u32 $0x1F40, s7  }
0x6: {  	s1 =	sand.u32 $0x1, s1;
	s12 =	sadd.s32 $0x2A000, s0;
	s11 =	smul.u32 $0x50000, s7  }
0x7: {  	s24 =	sshll.u32 s7, $0x6;
	_ =	strace $0x8000004D;
	s15 =	smul.u32 $0x28000, s1  }
0x8: {  	s5 =	ssub.s32 $0x2, s1;
	s1 =	smul.u32 $0x140000, s1;
	s2 =	sadd.s32 s2, s0  }
0x9: {  	s6 =	sshrl.u32 s5, $0x1;
	s0 =	sadd.s32 $0xCA000, s0;
	s13 =	sshrl.u32 s11, $0x2  }
0xa: {  	s16 =	ssub.s32 s5, s6;
	s19 =	sadd.s32 $0xAC00, s2;
	s20 =	sadd.s32 $0xAC20, s2  }
0xb: {  	s21 =	sadd.s32 $0xAC40, s2;
	s22 =	sadd.s32 $0xAC60, s2;
	s9 =	sadd.s32 $0xAC80, s2  }
0xc: {  	s10 =	sadd.s32 $0xACA0, s2;
	s11 =	sadd.s32 $0xACC0, s2;
	[dreg:$0x4] =	wrdreg s19  }
0xd: {  	s23 =	sadd.s32 s13, s3;
	s13 =	sor.u32 $0x1C1C, s24;
	[dreg:$0x5] =	wrdreg s20  }
0xe: {  	s14 =	sadd.s32 s12, s15;
	s1 =	sshrl.u32 s1, $0x3;
	[dreg:$0x6] =	wrdreg s21  }
0xf: {  	s17 =	sadd.s32 $0xACE0, s2;
	s24 =	simm.s32 $0x19;
	[dreg:$0x7] =	wrdreg s22  }
0x10: {  	[dreg:$0x8] =	wrdreg s23;
	s22 =	sadd.s32 s0, s15;
	s23 =	smul.u32 $0x2800, s7  }
0x11: {  	s1 =	sadd.s32 $0x50000, s1;
	s25 =	smax.u32 s16, $0x1;
	s19 =	simm.s32 $0x200  }
.Ltmp0:
0x12: {  	s20 =	simm.s32 $0x300;
	s21 =	simm.s32 $0x400;
	(pc) =	sbr.rel .LBB2_1-.Ltmp0, $4  }
0x13: {  	s15 =	sadd.s32 s12, s1;
	s0 =	sadd.s32 s0, s1;
	[dreg:$0x9] =	wrdreg s25  }
0x14: {  	s1 =	simm.s32 $0x3;
	s12 =	simm.s32 $0x4;
	s26 =	sadd.s32 s23, s22  }
0x15: {  	s0 =	sadd.s32 s23, s0;
	s22 =	simm.s32 $0x5;
	[dreg:$0xa] =	wrdreg s26  }
0x16: {  	s23 =	simm.s32 $0x18;
	[dreg:$0xb] =	wrdreg s0;
	s26 =	simm.s32 $0x1C  }
.LBB2_9:
0x17: {  	_ =	swait.ge [sflag:s23], $0x1400  }
0x18: {  	[sflag:s23] =	ssyncset.done $0x0  }
0x19: {  	[sflag:s23] =	ssyncadd.s32 $0xFFFFEC00  }
0x1a: {  	_ =	swait.ge [sflag:s24], $0x1400  }
0x1b: {  	[sflag:s24] =	ssyncset.done $0x0  }
0x1c: {  	[sflag:s24] =	ssyncadd.s32 $0xFFFFEC00  }
0x1d: {  	[bflag:$0x0] =	sbarrier.arrive $0xFFFF  }
0x1e: {  	s2 =	rddreg [dreg:$0xb]  }
0x1f: {  	[hbm:s2], [sflag:s13] =	dma.local [spmem:s0], $0x2800  }
0x20: {  	_ =	swait.ge [sflag:s26], $0x2800  }
0x21: {  	s30 =	sadd.s32 $0x1, s30;
	s25 =	rddreg [dreg:$0x9]  }
0x22: {  	p0 =	sne.s32 s30, s25  }
.Ltmp1:
0x23: {  	_ = 	snop;
	(pc) =	sbr.rel @!p0 .LBB2_10-.Ltmp1, $3  }
0x24: {  	_ =	sdelay $0x1  }
0x25: {  	[sflag:s26] =	ssyncset.done $0x0  }
0x26: {  	[sflag:s26] =	ssyncadd.s32 $0xFFFFD800  }
.LBB2_1:
0x27: {  	s0 =	rddreg [dreg:$0x4]  }
0x28: {  	[tilespmem:s4], [sflag:$0x1] =	stream.linear.gather [hbm4b:s0+s4], $0x100, $0x38;
	[tilespmem:$0x1FD00] =	vst v63  }
0x29: {  	s7 =	rddreg [dreg:$0x5]  }
0x2a: {  	[tilespmem:s18], [sflag:$0x2] =	stream.linear.gather [hbm4b:s7+s4], $0x100, $0x38;
	[tilespmem:$0x1FD00] =	vst v63  }
0x2b: {  	s8 =	rddreg [dreg:$0x6]  }
0x2c: {  	[tilespmem:s19], [sflag:$0x3] =	stream.linear.gather [hbm4b:s8+s4], $0x100, $0x38;
	[tilespmem:$0x1FD00] =	vst v63  }
0x2d: {  	s16 =	rddreg [dreg:$0x7]  }
0x2e: {  	[tilespmem:s20], [sflag:$0x4] =	stream.linear.gather [hbm4b:s16+s4], $0x100, $0x38;
	[tilespmem:$0x1FD00] =	vst v63  }
0x2f: {  	_ = 	snop  }
0x30: {  	[tilespmem:s21], [sflag:$0x5] =	stream.linear.gather [hbm4b:s9+s4], $0x100, $0x38;
	[tilespmem:$0x1FD00] =	vst v63  }
0x31: {  	s25 =	simm.s32 $0x500  }
0x32: {  	[tilespmem:s25], [sflag:$0x6] =	stream.linear.gather [hbm4b:s10+s4], $0x100, $0x38;
	[tilespmem:$0x1FD00] =	vst v63  }
0x33: {  	s2 =	simm.s32 $0x600;
	s5 =	rddreg [dreg:$0x8]  }
0x34: {  	[tilespmem:s2], [sflag:$0x7] =	stream.linear.gather [hbm4b:s11+s4], $0x100, $0x38;
	[tilespmem:$0x1FD00] =	vst v63  }
0x35: {  	s0 =	sshrl.u32 s5, $0x3;
	s2 =	rddreg [dreg:$0x1]  }
0x36: {  	[spmem:s0], [sflag:s13] =	dma.local [hbm:s2], $0x2800  }
0x37: {  	_ =	swait.ge [sflag:s26], $0x2800  }
0x38: {  	[sflag:s26] =	ssyncset.done $0x0  }
0x39: {  	[sflag:s26] =	ssyncadd.s32 $0xFFFFD800  }
0x3a: {  	_ =	swait.ge [sflag:s28], $0x100  }
0x3b: {  	[sflag:s28] =	ssyncset.done $0x0  }
0x3c: {  	s6 =	simm.s32 $0x900;
	[sflag:s28] =	ssyncadd.s32 $0xFFFFFF00  }
0x3d: {  	[tilespmem:s6], [sflag:$0xA] =	stream.indirect.gather [hbm4b:s14+s29], $0x80, s4, s29, $0xb8;
	[tilespmem:$0x1FD00] =	vst v63  }
0x3e: {  	_ =	swait.ge [sflag:s31], $0x100  }
0x3f: {  	[sflag:s31] =	ssyncset.done $0x0  }
0x40: {  	s7 =	simm.s32 $0x1D00;
	[sflag:s31] =	ssyncadd.s32 $0xFFFFFF00  }
0x41: {  	[tilespmem:s7], [sflag:$0xB] =	stream.indirect.gather [hbm4b:s14+s29], $0x80, s18, s29, $0xb8;
	[tilespmem:$0x1FD00] =	vst v63  }
0x42: {  	_ =	swait.ge [sflag:s1], $0x100  }
0x43: {  	[sflag:s1] =	ssyncset.done $0x0  }
0x44: {  	s8 =	simm.s32 $0x3100;
	[sflag:s1] =	ssyncadd.s32 $0xFFFFFF00  }
0x45: {  	[tilespmem:s8], [sflag:$0xC] =	stream.indirect.gather [hbm4b:s14+s29], $0x80, s19, s29, $0xb8;
	[tilespmem:$0x1FD00] =	vst v63  }
0x46: {  	_ =	swait.ge [sflag:s12], $0x100  }
0x47: {  	[sflag:s12] =	ssyncset.done $0x0  }
0x48: {  	s16 =	simm.s32 $0x4500;
	[sflag:s12] =	ssyncadd.s32 $0xFFFFFF00  }
0x49: {  	[tilespmem:s16], [sflag:$0xD] =	stream.indirect.gather [hbm4b:s14+s29], $0x80, s20, s29, $0xb8;
	[tilespmem:$0x1FD00] =	vst v63  }
0x4a: {  	_ =	swait.ge [sflag:s22], $0x100  }
.Ltmp2:
0x4b: {  	[sflag:s22] =	ssyncset.done $0x0;
	(pc) =	sbr.rel .LBB2_2-.Ltmp2, $4  }
0x4c: {  	s25 =	simm.s32 $0x5900;
	[sflag:s22] =	ssyncadd.s32 $0xFFFFFF00  }
0x4d: {  	[tilespmem:s25], [sflag:$0xE] =	stream.indirect.gather [hbm4b:s14+s29], $0x80, s21, s29, $0xb8;
	[tilespmem:$0x1FD00] =	vst v63  }
0x4e: {  	[bflag:$0x0] =	sbarrier.arrive $0xFFFF  }
0x4f: {  	s2 =	smov.u32 s17;
	s16 =	simm.s32 $0x0  }
.LBB2_4:
0x50: {  	s16 =	sadd.s32 $0x1, s16  }
0x51: {  	p0 =	sne.s32 s16, $0xFA  }
.Ltmp3:
0x52: {  	_ = 	snop;
	(pc) =	sbr.rel @!p0 .LBB2_5-.Ltmp3, $2  }
0x53: {  	_ =	sdelay $0x2  }
0x54: {  	s2 =	sadd.s32 $0x20, s2  }
.LBB2_2:
0x55: {  	s25 =	smul.u32 $0x39, s16;
	_ =	sdelay $0x1  }
0x56: {  	s25 =	sshrl.u32 s25, $0x9  }
0x57: {  	s25 =	sand.u32 $0x7F, s25  }
0x58: {  	p0 =	slt.u32 s16, $0x2;
	s25 =	smul.u32 $0x9, s25  }
0x59: {  	s6 =	sadd.s32 @!p0 $0x7, s16  }
0x5a: {  	s8 =	sand.u32 @!p0 $0xFFFF, s6;
	s25 =	ssub.s32 s16, s25  }
0x5b: {  	s8 =	smul.u32 @!p0 $0xE38F, s8;
	s25 =	sand.u32 $0xFF, s25  }
0x5c: {  	s7 =	sadd.s32 $0xA, s25  }
0x5d: {  	s8 =	sshrl.u32 @!p0 s8, $0x13;
	s5 =	smul.u32 $0x5000, s25;
	_ =	swait.ge [sflag:s7], $0x1400  }
0x5e: {  	p1 =	sgt.u32 @!p0 s16, $0xF4;
	s8 =	smul.u32 @!p0 $0x9, s8;
	[sflag:s7] =	ssyncset.done $0x0  }
0x5f: {  	s5 =	sshrl.u32 s5, $0x2;
	[sflag:s7] =	ssyncadd.s32 $0xFFFFEC00;
	s7 =	sshll.u32 s25, $0x8  }
0x60: {  	s5 =	sadd.s32 $0x900, s5;
	s25 =	sadd.s32 $0x13, s25;
	s7 =	sor.u32 $0x80, s7  }
0x61: {  	[spmem:s3] =	stream.indirect.scatter.add.f32 [tilespmem:s5], [sflag:s25], $0x80, s7, s29, $0xb8;
	[tilespmem:$0x1FD00] =	vst v63  }
0x62: {  	p1 =	por p0, !p1;
	s5 =	ssub.s32 @!p0 s6, s8  }
.Ltmp4:
0x63: {  	s5 =	sand.u32 @!p0 $0xFFFF, s5;
	(pc) =	sbr.rel @!p1 .LBB2_4-.Ltmp4, $4  }
0x64: {  	s5 =	sadd.s32 @!p0 $0x13, s5  }
0x65: {  	_ =	swait.ge @!p0 [sflag:s5], $0x1400  }
0x66: {  	[sflag:s5] =	ssyncset.done @!p0 $0x0  }
0x67: {  	[sflag:s5] =	ssyncadd.s32 @!p0 $0xFFFFEC00  }
0x68: {  	s5 =	sadd.s32 $0x5, s16  }
0x69: {  	s6 =	sand.u32 $0xFF, s5  }
0x6a: {  	s6 =	smul.u32 $0x39, s6;
	_ =	sdelay $0x1  }
0x6b: {  	s6 =	sshrl.u32 s6, $0x9  }
0x6c: {  	s6 =	smul.u32 $0x9, s6;
	_ =	sdelay $0x1  }
0x6d: {  	s5 =	ssub.s32 s5, s6  }
0x6e: {  	p0 =	sgt.u32 s16, $0xF2;
	s5 =	sand.u32 $0xFF, s5  }
0x6f: {  	s7 =	sadd.s32 @!p0 $0x7, s16;
	s6 =	sadd.s32 $0x1, s5;
	s25 =	smul.u32 $0x5000, s5  }
0x70: {  	s8 =	smul.u32 @!p0 $0x39, s7;
	_ =	swait.ge [sflag:s6], $0x100  }
0x71: {  	[sflag:s6] =	ssyncset.done $0x0;
	s25 =	sshrl.u32 s25, $0x2  }
0x72: {  	[sflag:s6] =	ssyncadd.s32 $0xFFFFFF00;
	s6 =	sshrl.u32 @!p0 s8, $0x9;
	s8 =	sshll.u32 s5, $0x8  }
0x73: {  	s25 =	sadd.s32 $0x900, s25;
	s5 =	sadd.s32 $0xA, s5;
	s6 =	sand.u32 @!p0 $0x7F, s6  }
0x74: {  	[tilespmem:s25], [sflag:s5] =	stream.indirect.gather [hbm4b:s14+s29], $0x80, s8, s29, $0xb8;
	[tilespmem:$0x1FD00] =	vst v63  }
0x75: {  	s6 =	smul.u32 @!p0 $0x9, s6  }
.Ltmp5:
0x76: {  	_ = 	snop;
	(pc) =	sbr.rel .LBB2_4-.Ltmp5, $4  }
0x77: {  	s5 =	ssub.s32 @!p0 s7, s6  }
0x78: {  	s5 =	sand.u32 @!p0 $0xFF, s5  }
0x79: {  	s7 =	simm.s32 @!p0 $0x0;
	s6 =	sshll.u32 @!p0 s5, $0x8;
	s5 =	sadd.s32 @!p0 $0x1, s5  }
0x7a: {  	[tilespmem:s6], [sflag:s5] =	stream.linear.gather @!p0 [hbm4b:s2+s7], $0x100, $0x38;
	[tilespmem:$0x1FD00] =	vst v63  }
.LBB2_5:
0x7b: {  	_ =	swait.ge [sflag:s23], $0x1400  }
0x7c: {  	[sflag:s23] =	ssyncset.done $0x0  }
0x7d: {  	[sflag:s23] =	ssyncadd.s32 $0xFFFFEC00  }
0x7e: {  	_ =	swait.ge [sflag:s24], $0x1400  }
0x7f: {  	[sflag:s24] =	ssyncset.done $0x0  }
0x80: {  	[sflag:s24] =	ssyncadd.s32 $0xFFFFEC00  }
0x81: {  	[bflag:$0x0] =	sbarrier.arrive $0xFFFF  }
0x82: {  	s2 =	rddreg [dreg:$0xa]  }
0x83: {  	[hbm:s2], [sflag:s13] =	dma.local [spmem:s0], $0x2800  }
0x84: {  	_ =	swait.ge [sflag:s26], $0x2800  }
0x85: {  	[sflag:s26] =	ssyncset.done $0x0  }
0x86: {  	[sflag:s26] =	ssyncadd.s32 $0xFFFFD800  }
0x87: {  	[bflag:$0x0] =	sbarrier.arrive $0xFFFF  }
0x88: {  	s2 =	simm.s32 $0x0;
	s5 =	rddreg [dreg:$0x4]  }
0x89: {  	[tilespmem:s2], [sflag:$0x1] =	stream.linear.gather [hbm4b:s5+s2], $0x100, $0x38;
	[tilespmem:$0x1FD00] =	vst v63  }
0x8a: {  	s25 =	rddreg [dreg:$0x5]  }
0x8b: {  	[tilespmem:s18], [sflag:$0x2] =	stream.linear.gather [hbm4b:s25+s2], $0x100, $0x38;
	[tilespmem:$0x1FD00] =	vst v63  }
0x8c: {  	s6 =	rddreg [dreg:$0x6]  }
0x8d: {  	[tilespmem:s19], [sflag:$0x3] =	stream.linear.gather [hbm4b:s6+s2], $0x100, $0x38;
	[tilespmem:$0x1FD00] =	vst v63  }
0x8e: {  	s7 =	rddreg [dreg:$0x7]  }
0x8f: {  	[tilespmem:s20], [sflag:$0x4] =	stream.linear.gather [hbm4b:s7+s2], $0x100, $0x38;
	[tilespmem:$0x1FD00] =	vst v63  }
0x90: {  	_ = 	snop  }
0x91: {  	[tilespmem:s21], [sflag:$0x5] =	stream.linear.gather [hbm4b:s9+s2], $0x100, $0x38;
	[tilespmem:$0x1FD00] =	vst v63  }
0x92: {  	s8 =	simm.s32 $0x500  }
0x93: {  	[tilespmem:s8], [sflag:$0x6] =	stream.linear.gather [hbm4b:s10+s2], $0x100, $0x38;
	[tilespmem:$0x1FD00] =	vst v63  }
0x94: {  	s16 =	simm.s32 $0x600;
	s25 =	rddreg [dreg:$0x1]  }
0x95: {  	[tilespmem:s16], [sflag:$0x7] =	stream.linear.gather [hbm4b:s11+s2], $0x100, $0x38;
	[tilespmem:$0x1FD00] =	vst v63  }
0x96: {  	[spmem:s0], [sflag:s13] =	dma.local [hbm:s25], $0x2800  }
0x97: {  	_ =	swait.ge [sflag:s26], $0x2800  }
0x98: {  	[sflag:s26] =	ssyncset.done $0x0  }
0x99: {  	[sflag:s26] =	ssyncadd.s32 $0xFFFFD800  }
0x9a: {  	_ =	swait.ge [sflag:s28], $0x100  }
0x9b: {  	[sflag:s28] =	ssyncset.done $0x0  }
0x9c: {  	s6 =	simm.s32 $0x900;
	[sflag:s28] =	ssyncadd.s32 $0xFFFFFF00  }
0x9d: {  	[tilespmem:s6], [sflag:$0xA] =	stream.indirect.gather [hbm4b:s15+s29], $0x80, s2, s29, $0xb8;
	[tilespmem:$0x1FD00] =	vst v63  }
0x9e: {  	_ =	swait.ge [sflag:s31], $0x100  }
0x9f: {  	[sflag:s31] =	ssyncset.done $0x0  }
0xa0: {  	s7 =	simm.s32 $0x1D00;
	[sflag:s31] =	ssyncadd.s32 $0xFFFFFF00  }
0xa1: {  	[tilespmem:s7], [sflag:$0xB] =	stream.indirect.gather [hbm4b:s15+s29], $0x80, s18, s29, $0xb8;
	[tilespmem:$0x1FD00] =	vst v63  }
0xa2: {  	_ =	swait.ge [sflag:s1], $0x100  }
0xa3: {  	[sflag:s1] =	ssyncset.done $0x0  }
0xa4: {  	s8 =	simm.s32 $0x3100;
	[sflag:s1] =	ssyncadd.s32 $0xFFFFFF00  }
0xa5: {  	[tilespmem:s8], [sflag:$0xC] =	stream.indirect.gather [hbm4b:s15+s29], $0x80, s19, s29, $0xb8;
	[tilespmem:$0x1FD00] =	vst v63  }
0xa6: {  	_ =	swait.ge [sflag:s12], $0x100  }
0xa7: {  	[sflag:s12] =	ssyncset.done $0x0  }
0xa8: {  	s16 =	simm.s32 $0x4500;
	[sflag:s12] =	ssyncadd.s32 $0xFFFFFF00  }
0xa9: {  	[tilespmem:s16], [sflag:$0xD] =	stream.indirect.gather [hbm4b:s15+s29], $0x80, s20, s29, $0xb8;
	[tilespmem:$0x1FD00] =	vst v63  }
0xaa: {  	_ =	swait.ge [sflag:s22], $0x100  }
.Ltmp6:
0xab: {  	[sflag:s22] =	ssyncset.done $0x0;
	(pc) =	sbr.rel .LBB2_6-.Ltmp6, $4  }
0xac: {  	s25 =	simm.s32 $0x5900;
	[sflag:s22] =	ssyncadd.s32 $0xFFFFFF00  }
0xad: {  	[tilespmem:s25], [sflag:$0xE] =	stream.indirect.gather [hbm4b:s15+s29], $0x80, s21, s29, $0xb8;
	[tilespmem:$0x1FD00] =	vst v63  }
0xae: {  	[bflag:$0x0] =	sbarrier.arrive $0xFFFF  }
0xaf: {  	s16 =	smov.u32 s17  }
.LBB2_8:
0xb0: {  	s2 =	sadd.s32 $0x1, s2  }
0xb1: {  	p0 =	sne.s32 s2, $0xFA  }
.Ltmp7:
0xb2: {  	_ = 	snop;
	(pc) =	sbr.rel @!p0 .LBB2_9-.Ltmp7, $2  }
0xb3: {  	_ =	sdelay $0x2  }
0xb4: {  	s16 =	sadd.s32 $0x20, s16  }
.LBB2_6:
0xb5: {  	s5 =	smul.u32 $0x39, s2;
	_ =	sdelay $0x1  }
0xb6: {  	s5 =	sshrl.u32 s5, $0x9  }
0xb7: {  	s5 =	sand.u32 $0x7F, s5  }
0xb8: {  	p0 =	slt.u32 s2, $0x2;
	s5 =	smul.u32 $0x9, s5  }
0xb9: {  	s7 =	sadd.s32 @!p0 $0x7, s2  }
0xba: {  	s25 =	sand.u32 @!p0 $0xFFFF, s7;
	s5 =	ssub.s32 s2, s5  }
0xbb: {  	s25 =	smul.u32 @!p0 $0xE38F, s25;
	s5 =	sand.u32 $0xFF, s5  }
0xbc: {  	s8 =	sadd.s32 $0xA, s5  }
0xbd: {  	s25 =	sshrl.u32 @!p0 s25, $0x13;
	s6 =	smul.u32 $0x5000, s5;
	_ =	swait.ge [sflag:s8], $0x1400  }
0xbe: {  	p1 =	sgt.u32 @!p0 s2, $0xF4;
	s25 =	smul.u32 @!p0 $0x9, s25;
	[sflag:s8] =	ssyncset.done $0x0  }
0xbf: {  	s6 =	sshrl.u32 s6, $0x2;
	[sflag:s8] =	ssyncadd.s32 $0xFFFFEC00;
	s8 =	sshll.u32 s5, $0x8  }
0xc0: {  	s6 =	sadd.s32 $0x900, s6;
	s5 =	sadd.s32 $0x13, s5;
	s8 =	sor.u32 $0x80, s8  }
0xc1: {  	[spmem:s3] =	stream.indirect.scatter.add.f32 [tilespmem:s6], [sflag:s5], $0x80, s8, s29, $0xb8;
	[tilespmem:$0x1FD00] =	vst v63  }
0xc2: {  	p1 =	por p0, !p1;
	s5 =	ssub.s32 @!p0 s7, s25  }
.Ltmp8:
0xc3: {  	s5 =	sand.u32 @!p0 $0xFFFF, s5;
	(pc) =	sbr.rel @!p1 .LBB2_8-.Ltmp8, $4  }
0xc4: {  	s5 =	sadd.s32 @!p0 $0x13, s5  }
0xc5: {  	_ =	swait.ge @!p0 [sflag:s5], $0x1400  }
0xc6: {  	[sflag:s5] =	ssyncset.done @!p0 $0x0  }
0xc7: {  	[sflag:s5] =	ssyncadd.s32 @!p0 $0xFFFFEC00  }
0xc8: {  	s5 =	sadd.s32 $0x5, s2  }
0xc9: {  	s6 =	sand.u32 $0xFF, s5  }
0xca: {  	s6 =	smul.u32 $0x39, s6;
	_ =	sdelay $0x1  }
0xcb: {  	s6 =	sshrl.u32 s6, $0x9  }
0xcc: {  	s6 =	smul.u32 $0x9, s6;
	_ =	sdelay $0x1  }
0xcd: {  	s5 =	ssub.s32 s5, s6  }
0xce: {  	p0 =	sgt.u32 s2, $0xF2;
	s5 =	sand.u32 $0xFF, s5  }
0xcf: {  	s7 =	sadd.s32 @!p0 $0x7, s2;
	s6 =	sadd.s32 $0x1, s5;
	s25 =	smul.u32 $0x5000, s5  }
0xd0: {  	s8 =	smul.u32 @!p0 $0x39, s7;
	_ =	swait.ge [sflag:s6], $0x100  }
0xd1: {  	[sflag:s6] =	ssyncset.done $0x0;
	s25 =	sshrl.u32 s25, $0x2  }
0xd2: {  	[sflag:s6] =	ssyncadd.s32 $0xFFFFFF00;
	s6 =	sshrl.u32 @!p0 s8, $0x9;
	s8 =	sshll.u32 s5, $0x8  }
0xd3: {  	s25 =	sadd.s32 $0x900, s25;
	s5 =	sadd.s32 $0xA, s5;
	s6 =	sand.u32 @!p0 $0x7F, s6  }
0xd4: {  	[tilespmem:s25], [sflag:s5] =	stream.indirect.gather [hbm4b:s15+s29], $0x80, s8, s29, $0xb8;
	[tilespmem:$0x1FD00] =	vst v63  }
0xd5: {  	s6 =	smul.u32 @!p0 $0x9, s6  }
.Ltmp9:
0xd6: {  	_ = 	snop;
	(pc) =	sbr.rel .LBB2_8-.Ltmp9, $4  }
0xd7: {  	s5 =	ssub.s32 @!p0 s7, s6  }
0xd8: {  	s5 =	sand.u32 @!p0 $0xFF, s5  }
0xd9: {  	s7 =	simm.s32 @!p0 $0x0;
	s6 =	sshll.u32 @!p0 s5, $0x8;
	s5 =	sadd.s32 @!p0 $0x1, s5  }
0xda: {  	[tilespmem:s6], [sflag:s5] =	stream.linear.gather @!p0 [hbm4b:s16+s7], $0x100, $0x38;
	[tilespmem:$0x1FD00] =	vst v63  }
.LBB2_10:
0xdb: {  	_ =	sfence.sel $0x180000  }
0xdc: {  	[bflag:$0x0] =	sbarrier.arrive $0xFFFF  }
0xdd: {  	_ =	strace $0x9000004D  }
0xde: {  	s0 =	stileid.u32;
	[bflag:$0x2] =	sbarrier.arrive $0xFFFF  }
0xdf: {  	p0 =	sne.s32 s0, $0x0;
	s0 =	rddreg [dreg:$0x3]  }
0xe0: {  	s0 =	sadd.s32 @!p0 $0x100000, s0  }
0xe1: {  	[sflag:s0] =	ssyncadd.tile.s32 @!p0 $0x1;
	_ =	shalt  }
.Lfunc_end2:
_tile_overlayer_lowered:
.L_overlay_start_2:
0xe2: {  	(tag) =	ssettag $0x2  }
0xe3: {  	s0 =	rddreg [dreg:$0x0];
	s2 =	stileid.u32  }
0xe4: {  	s1 =	rddreg [dreg:$0x1];
	p0 =	sne.s32 s2, $0x0  }
0xe5: {  	s3 =	rddreg [dreg:$0x2];
	[bflag:$0x3] =	sbarrier.arrive $0xFFFF;
	s2 =	simm.s32 @!p0 $0x1C1C  }
0xe6: {  	[timem:s3], [sflag:s2] =	dma.local @!p0 [hbm:s0], s1  }
0xe7: {  	s0 =	simm.s32 @!p0 $0x1C  }
0xe8: {  	_ =	swait.ge @!p0 [sflag:s0], s1  }
0xe9: {  	s1 =	ssub.s32 @!p0 $0x0, s1;
	[sflag:s0] =	ssyncset.done @!p0 $0x0  }
0xea: {  	[sflag:s0] =	ssyncadd.s32 @!p0 s1  }
0xeb: {  	[bflag:$0x3] =	sbarrier.arrive $0xFFFF  }
0xec: {  	_ =	shalt  }

// kernel: kernel.19.cloned.1.call-start
scs
__scs_entry_jumppad:
0x0: {  	(pc) =	sbr.rel $0x88, $3  }
0x1: {  	(tag) =	ssettag $0x0;
	lr =	simm.s32 $0x1  }
0x2: {  	[smem:$0x3F99] =	sst lr;
	_ =	strace $0xD0000000  }
0x3: {  	_ = 	snop  }
0x4: {  	_ = 	snop  }
0x5: {  	_ = 	snop  }
0x6: {  	_ = 	snop  }
0x7: {  	_ = 	snop  }
__scs_overlays_trampoline_lowered:
0x8: {  	[smem:$0x3FA8] =	sst s0  }
0x9: {  	[smem:$0x3FA9] =	sst s1  }
0xa: {  	[smem:$0x3FAA] =	sst s2  }
0xb: {  	[smem:$0x3FAB] =	sst s3  }
0xc: {  	[smem:$0x3FAC] =	sst s4  }
0xd: {  	[smem:$0x3FAD] =	sst s5  }
0xe: {  	[smem:$0x3FAE] =	sst s6  }
0xf: {  	[smem:$0x3FAF] =	sst s7  }
0x10: {  	[smem:$0x3FB0] =	sst s8  }
0x11: {  	[smem:$0x3FB1] =	sst s9;
	s0 =	simm.s32 @!p0 $0x0  }
0x12: {  	s1 =	sld [smem:$0x3F97];
	s0 =	simm.s32 @p0 $0x1  }
0x13: {  	[smem:$0x3FB2] =	sst s0;
	s0 =	simm.s32 @!p1 $0x0  }
0x14: {  	s2 =	sld [smem:$0x3F96];
	s0 =	simm.s32 @p1 $0x1  }
0x15: {  	[smem:$0x3FB3] =	sst s0;
	s0 =	simm.s32 @!p2 $0x0  }
0x16: {  	s3 =	sld [smem:$0x3FDB];
	s0 =	simm.s32 @p2 $0x1  }
0x17: {  	s4 =	simm.s32 $0x1BF5;
	[smem:$0x3FB5] =	sst s0  }
0x18: {  	s0 =	sld [smem:$0x3F98];
	_ =	swait.ge [sflag:s4], $0x0  }
0x19: {  	s7 =	sld [smem:$0x3F99]  }
0x1a: {  	s8 =	sadd.s32 $0xFFFFE003, lr  }
0x1b: {  	s9 =	sadd.s32 $0xFFFFFEF7, lr;
	s5 =	simm.s32 $0xFFFFFFFF;
	p2 =	slt.u32 s8, $0xFFFFF086  }
0x1c: {  	p1 =	slt.u32 s9, $0xF7A;
	s5 =	simm.s32 @!p2 $0x0  }
0x1d: {  	s5 =	simm.s32 @p1 $0x1;
	p0 =	seq.s32 s7, s2  }
0x1e: {  	s7 =	smul.u32 @!p0 $0xF7A, s2;
	p2 =	seq.s32 @!p0 s5, $0x0  }
0x1f: {  	s9 =	smul.u32 $0xF7A, s1;
	s8 =	simm.s32 @!p0 $0x1BF5;
	p2 =	por !p2, p0  }
0x20: {  	[sflag:s8] =	ssyncset.s32 @!p0 $0xFFFFF086;
	s6 =	sadd.s32 @!p0 s3, s7;
	s7 =	simm.s32 @!p0 $0x108  }
0x21: {  	s3 =	sadd.s32 s3, s9;
	s6 =	sadd.s32 @!p0 $0x88, s6;
	s7 =	simm.s32 @p2 $0x1082  }
0x22: {  	[simem:s7], [sflag:s8] =	dma.local @!p0 [hbm:s6], $0xF7A  }
0x23: {  	s9 =	sor.u32 $0xD0000000, s2;
	s6 =	simm.s32 $0x108;
	_ =	swait.ge @!p0 [sflag:s8], $0x0  }
0x24: {  	s3 =	sadd.s32 $0x88, s3;
	s6 =	simm.s32 @!p1 $0x1082;
	[sflag:s4] =	ssyncset.s32 $0xFFFFF086  }
0x25: {  	[simem:s6], [sflag:s4] =	dma.local [hbm:s3], $0xF7A  }
0x26: {  	[smem:$0x3F99] =	sst s1;
	(tag) =	ssettag s2;
	_ =	strace s9  }
0x27: {  	s1 =	sld [smem:$0x3FA9]  }
0x28: {  	s2 =	sld [smem:$0x3FAA]  }
0x29: {  	s4 =	sld [smem:$0x3FAC]  }
0x2a: {  	p0 =	seq.s32 s5, $0x0;
	s5 =	sld [smem:$0x3FAD]  }
0x2b: {  	s6 =	sld [smem:$0x3FAE]  }
0x2c: {  	s7 =	sld [smem:$0x3FAF]  }
0x2d: {  	s3 =	simm.s32 $0x108;
	s8 =	sld [smem:$0x3FB0]  }
0x2e: {  	s3 =	simm.s32 @!p0 $0x1082;
	s9 =	sld [smem:$0x3FB1]  }
0x2f: {  	lr =	sadd.s32 s0, s3;
	s0 =	sld [smem:$0x3FA8]  }
0x30: {  	s3 =	sld [smem:$0x3FAB]  }
0x31: {  	[smem:$0x3FB4] =	sst s10  }
0x32: {  	s10 =	sld [smem:$0x3FB2];
	_ =	sdelay $0x3  }
0x33: {  	p0 =	seq.s32 s10, $0x1;
	s10 =	sld [smem:$0x3FB4];
	_ =	sdelay $0x3  }
0x34: {  	[smem:$0x3FB4] =	sst s10  }
0x35: {  	s10 =	sld [smem:$0x3FB3];
	_ =	sdelay $0x3  }
0x36: {  	p1 =	seq.s32 s10, $0x1;
	s10 =	sld [smem:$0x3FB4];
	_ =	sdelay $0x3  }
0x37: {  	[smem:$0x3FB4] =	sst s10  }
0x38: {  	s10 =	sld [smem:$0x3FB5]  }
0x39: {  	_ = 	snop;
	(pc) =	sbr.ind lr, $3  }
0x3a: {  	_ = 	snop  }
0x3b: {  	_ = 	snop  }
0x3c: {  	p2 =	seq.s32 s10, $0x1;
	s10 =	sld [smem:$0x3FB4]  }
0x3d: {  	_ =	shalt  }
0x3e: {  	_ =	shalt  }
0x3f: {  	_ =	shalt  }
0x40: {  	_ =	shalt  }
0x41: {  	_ =	shalt  }
0x42: {  	_ =	shalt  }
0x43: {  	_ =	shalt  }
0x44: {  	_ =	shalt  }
0x45: {  	_ =	shalt  }
0x46: {  	_ =	shalt  }
0x47: {  	_ =	shalt  }
0x48: {  	_ =	shalt  }
0x49: {  	_ =	shalt  }
0x4a: {  	_ =	shalt  }
0x4b: {  	_ =	shalt  }
0x4c: {  	_ =	shalt  }
0x4d: {  	_ =	shalt  }
0x4e: {  	_ =	shalt  }
0x4f: {  	_ =	shalt  }
0x50: {  	_ =	shalt  }
0x51: {  	_ =	shalt  }
0x52: {  	_ =	shalt  }
0x53: {  	_ =	shalt  }
0x54: {  	_ =	shalt  }
0x55: {  	_ =	shalt  }
0x56: {  	_ =	shalt  }
0x57: {  	_ =	shalt  }
0x58: {  	_ =	shalt  }
0x59: {  	_ =	shalt  }
0x5a: {  	_ =	shalt  }
0x5b: {  	_ =	shalt  }
0x5c: {  	_ =	shalt  }
0x5d: {  	_ =	shalt  }
0x5e: {  	_ =	shalt  }
0x5f: {  	_ =	shalt  }
0x60: {  	_ =	shalt  }
0x61: {  	_ =	shalt  }
0x62: {  	_ =	shalt  }
0x63: {  	_ =	shalt  }
0x64: {  	_ =	shalt  }
0x65: {  	_ =	shalt  }
0x66: {  	_ =	shalt  }
0x67: {  	_ =	shalt  }
0x68: {  	_ =	shalt  }
0x69: {  	_ =	shalt  }
0x6a: {  	_ =	shalt  }
0x6b: {  	_ =	shalt  }
0x6c: {  	_ =	shalt  }
0x6d: {  	_ =	shalt  }
0x6e: {  	_ =	shalt  }
0x6f: {  	_ =	shalt  }
0x70: {  	_ =	shalt  }
0x71: {  	_ =	shalt  }
0x72: {  	_ =	shalt  }
0x73: {  	_ =	shalt  }
0x74: {  	_ =	shalt  }
0x75: {  	_ =	shalt  }
0x76: {  	_ =	shalt  }
0x77: {  	_ =	shalt  }
0x78: {  	_ =	shalt  }
0x79: {  	_ =	shalt  }
0x7a: {  	_ =	shalt  }
0x7b: {  	_ =	shalt  }
0x7c: {  	_ =	shalt  }
0x7d: {  	_ =	shalt  }
0x7e: {  	_ =	shalt  }
0x7f: {  	_ =	shalt  }
0x80: {  	_ =	shalt  }
0x81: {  	_ =	shalt  }
0x82: {  	_ =	shalt  }
0x83: {  	_ =	shalt  }
0x84: {  	_ =	shalt  }
0x85: {  	_ =	shalt  }
0x86: {  	_ =	shalt  }
0x87: {  	_ =	shalt  }
.Lfunc_end0:
.L_simem_size_0:
called_computation.3_lowered:
.L_overlay_start_0:
0x88: {  	s2 =	sld [smem:$0x3FD9]  }
0x89: {  	s3 =	sld [smem:$0x3FFE];
	_ =	sdelay $0x1  }
0x8a: {  	s1 =	srdreg.scid  }
0x8b: {  	s0 =	sand.u32 $0x1, s1  }
0x8c: {  	s17 =	sshll.u32 s0, $0xA;
	s2 =	sadd.s32 s3, s2  }
0x8d: {  	s2 =	sadd.s32 s2, s17  }
0x8e: {  	[smem:$0x3FC0] =	sst s2  }
0x8f: {  	_ = 	snop  }
0x90: {  	s2 =	sld [smem:$0x3FD0];
	(tm) =	ssettm $0x1  }
0x91: {  	s18 =	sld [smem:$0x3FFB];
	_ =	sdelay $0x3  }
0x92: {  	_ =	strace s18  }
0x93: {  	s3 =	sld [smem:$0x3FFC];
	_ =	sdelay $0x3  }
0x94: {  	_ =	strace s3  }
0x95: {  	s3 =	sld [smem:$0x3FFD];
	_ =	sdelay $0x3  }
0x96: {  	_ =	strace s3  }
0x97: {  	_ =	strace $0x8FFFFFFF  }
0x98: {  	s19 =	sld [smem:$0x3FDB];
	_ =	sdelay $0x1  }
0x99: {  	s4 =	simm.s32 $_scs_section_size  }
0x9a: {  	s5 =	simm.s32 $_size__tile_overlayer_lowered;
	s6 =	simm.s32 $_tile_overlayer_lowered  }
0x9b: {  	s22 =	simm.s32 $0x1BFF;
	s21 =	sshll.u32 s6, $0x1;
	s3 =	sadd.s32 s4, s19  }
0x9c: {  	s7 =	simm.s32 $0x0;
	s20 =	sshll.u32 s5, $0x1;
	s5 =	sadd.s32 s21, s3  }
0x9d: {  	[timem:s7], [sflag:s22] =	dma.local [hbm:s5], s20  }
0x9e: {  	_ =	swait.ge [sflag:s22], s20  }
0x9f: {  	s4 =	ssub.s32 $0x0, s20;
	[sflag:s22] =	ssyncset.done $0x0  }
0xa0: {  	[sflag:s22] =	ssyncadd.s32 s4;
	_ =	sdelay $0x1  }
0xa1: {  	s23 =	simm.s32 $0x1B8B  }
0xa2: {  	_ =	swait.ge [sflag:s23], $0x1  }
0xa3: {  	[sflag:s23] =	ssyncset.done $0x0  }
0xa4: {  	s25 =	simm.s32 $0x1B8E;
	s24 =	sld [smem:$0x3FFE];
	[sflag:s23] =	ssyncadd.s32 $0xFFFFFFFF  }
0xa5: {  	s26 =	simm.s32 $execute0_lowered;
	[smem:$0x3FD2] =	sst s25  }
0xa6: {  	s5 =	sshll.u32 s26, $0x1;
	_ =	strace $0x8000004F;
	[dreg:$0x1] =	wrdreg $0xFFFFFFFF  }
0xa7: {  	s28 =	simm.s32 $_size_execute0_lowered;
	s3 =	sadd.s32 s3, s5;
	[dreg:$0x0] =	wrdreg $0x0  }
0xa8: {  	s5 =	sshll.u32 s28, $0x1;
	[dreg:$0x2] =	wrdreg s3  }
0xa9: {  	[dreg:$0x3] =	wrdreg s5  }
0xaa: {  	[dreg:$0x4] =	wrdreg $0xC0  }
0xab: {  	_ =	task [dreg:s7], $0x5FFFF  }
0xac: {  	[dreg:$0x1] =	wrdreg $0xFFFFFFFF  }
0xad: {  	[dreg:$0x0] =	wrdreg $0x60  }
0xae: {  	[dreg:$0x2] =	wrdreg s24  }
0xaf: {  	[dreg:$0x3] =	wrdreg s2  }
0xb0: {  	[dreg:$0x4] =	wrdreg $0xBD000  }
0xb1: {  	[dreg:$0x5] =	wrdreg $0x9  }
0xb2: {  	_ =	task.clear_ibuf [dreg:s7], $0x6FFFF;
	_ =	strace $0x9000004F  }
0xb3: {  	s29 =	simm.s32 $0x9;
	_ =	strace $0x80000051  }
0xb4: {  	_ =	swait.ge [sflag:s29], $0x1  }
0xb5: {  	[sflag:s29] =	ssyncadd.s32 $0xFFFFFFFF  }
0xb6: {  	_ =	strace $0x90000051  }
0xb7: {  	_ =	sfence  }
0xb8: {  	s30 =	sld [smem:$0x0];
	_ =	sdelay $0x2  }
0xb9: {  	s31 =	sshll.u32 s1, $0xD;
	s1 =	sshrl.u32 s1, $0x2  }
0xba: {  	s3 =	sand.u32 $0x4000, s31;
	s1 =	sadd.s32 s1, s30  }
0xbb: {  	s0 =	sor.u32 s3, s0;
	s1 =	sshll.u32 s1, $0x11  }
0xbc: {  	s0 =	sor.u32 s1, s0  }
0xbd: {  	s0 =	sadd.s32 $0x8F2B, s0  }
0xbe: {  	[sflag:s0] =	ssyncadd.remote.s32 $0x1  }
0xbf: {  	_ =	sfence.sel $0xFFFF  }
0xc0: {  	[dreg:$0x0] =	wrdreg $0xFFFFFFFF;
	(pc) =	sbr.abs _section_cstart, $3  }
0xc1: {  	[dreg:$0x1] =	wrdreg $0xFFFFFFFF  }
0xc2: {  	_ =	task.clear_ibuf [dreg:s7], $0x2FFFF;
	_ =	strace $0x9FFFFFFF  }
0xc3: {  	(tm) =	ssettm $0x7FFFFFFF  }
tec
execute0_lowered:
.L_overlay_start_1:
0x0: {  	(tag) =	ssettag $0x1  }
0x1: {  	s0 =	rddreg [dreg:$0x0]  }
0x2: {  	s2 =	rddreg [dreg:$0x2]  }
0x3: {  	s1 =	srdreg.scid;
	s4 =	simm.s32 $0x0;
	s8 =	stileid.u32  }
0x4: {  	s16 =	simm.s32 $0x100;
	s17 =	simm.s32 $0x200;
	s18 =	simm.s32 $0x300  }
0x5: {  	s19 =	simm.s32 $0x400;
	s29 =	simm.s32 $0x2;
	s6 =	smul.u32 $0xFA0, s8  }
0x6: {  	s31 =	simm.s32 $0x3;
	s28 =	simm.s32 $0x19;
	s12 =	smul.u32 $0x50000, s8  }
0x7: {  	s30 =	simm.s32 $0x1A;
	s1 =	sand.u32 $0x1, s1;
	s20 =	smul.u32 $0x2800, s8  }
0x8: {  	[smem:$0x7FF] =	sst s4;
	s5 =	sadd.s32 $0x2000, s0;
	s3 =	smul.u32 $0xFA00, s1  }
0x9: {  	s14 =	sshll.u32 s8, $0x6;
	s7 =	smul.u32 $0x28000, s1;
	s1 =	ssub.s32 $0x2, s1  }
0xa: {  	_ =	strace $0x80000050;
	s9 =	sshrl.u32 s1, $0x1;
	s13 =	sshrl.u32 s12, $0x2  }
0xb: {  	s3 =	sadd.s32 s3, s0;
	s0 =	sadd.s32 s7, s0;
	s1 =	ssub.s32 s1, s9  }
0xc: {  	s15 =	sadd.s32 s13, s2;
	s13 =	sor.u32 $0x1C1C, s14;
	s3 =	sadd.s32 s6, s3  }
0xd: {  	s0 =	sadd.s32 $0x2A000, s0;
	s14 =	smax.u32 s1, $0x1;
	s6 =	sadd.s32 $0x16A020, s3  }
0xe: {  	s22 =	sshrl.u32 s15, $0x3;
	s23 =	sadd.s32 $0x16A000, s3;
	[dreg:$0x4] =	wrdreg s6  }
0xf: {  	s24 =	sadd.s32 $0x16A040, s3;
	s25 =	sadd.s32 $0x16A060, s3;
	[dreg:$0x5] =	wrdreg s23  }
.Ltmp0:
0x10: {  	s26 =	sadd.s32 $0x16A080, s3;
	[dreg:$0x6] =	wrdreg s24;
	(pc) =	sbr.rel .LBB2_1-.Ltmp0, $4  }
0x11: {  	s11 =	sadd.s32 $0x16A0A0, s3;
	s12 =	sadd.s32 $0x16A0C0, s3;
	[dreg:$0x7] =	wrdreg s25  }
0x12: {  	s1 =	sadd.s32 $0x16A0E0, s3;
	s3 =	simm.s32 $0x4;
	[dreg:$0x8] =	wrdreg s26  }
0x13: {  	s23 =	simm.s32 $0x1C;
	s24 =	sadd.s32 s20, s0;
	s25 =	simm.s32 $0x1  }
0x14: {  	s26 =	simm.s32 $0x28;
	s20 =	simm.s32 $0x5;
	s0 =	simm.s32 $0x0  }
.LBB2_5:
0x15: {  	_ =	swait.ge [sflag:s28], $0x1400  }
0x16: {  	[sflag:s28] =	ssyncset.done $0x0  }
0x17: {  	[sflag:s28] =	ssyncadd.s32 $0xFFFFEC00  }
0x18: {  	_ =	swait.ge [sflag:s30], $0x1400  }
0x19: {  	s0 =	sadd.s32 $0x1, s0;
	[sflag:s30] =	ssyncset.done $0x0  }
0x1a: {  	p0 =	sne.s32 s0, s14;
	[sflag:s30] =	ssyncadd.s32 $0xFFFFEC00  }
.Ltmp1:
0x1b: {  	[bflag:$0x0] =	sbarrier.arrive $0xFFFF;
	(pc) =	sbr.rel @!p0 .LBB2_6-.Ltmp1, $4  }
0x1c: {  	[hbm:s24], [sflag:s13] =	dma.local [spmem:s22], $0x2800  }
0x1d: {  	_ =	swait.ge [sflag:s23], $0x2800  }
0x1e: {  	[sflag:s23] =	ssyncset.done $0x0  }
0x1f: {  	[sflag:s23] =	ssyncadd.s32 $0xFFFFD800  }
.LBB2_1:
0x20: {  	s6 =	rddreg [dreg:$0x5]  }
0x21: {  	[tilespmem:s4], [sflag:$0x1] =	stream.linear.gather [hbm4b:s6+s4], $0x100, $0x38;
	[tilespmem:$0x1FD00] =	vst v63  }
0x22: {  	s7 =	rddreg [dreg:$0x4]  }
0x23: {  	[tilespmem:s16], [sflag:$0x2] =	stream.linear.gather [hbm4b:s7+s4], $0x100, $0x38;
	[tilespmem:$0x1FD00] =	vst v63  }
0x24: {  	s8 =	rddreg [dreg:$0x6]  }
0x25: {  	[tilespmem:s17], [sflag:$0x3] =	stream.linear.gather [hbm4b:s8+s4], $0x100, $0x38;
	[tilespmem:$0x1FD00] =	vst v63  }
0x26: {  	s9 =	rddreg [dreg:$0x7]  }
0x27: {  	[tilespmem:s18], [sflag:$0x4] =	stream.linear.gather [hbm4b:s9+s4], $0x100, $0x38;
	[tilespmem:$0x1FD00] =	vst v63  }
0x28: {  	s10 =	rddreg [dreg:$0x8]  }
0x29: {  	[tilespmem:s19], [sflag:$0x5] =	stream.linear.gather [hbm4b:s10+s4], $0x100, $0x38;
	[tilespmem:$0x1FD00] =	vst v63  }
0x2a: {  	s15 =	simm.s32 $0x500  }
0x2b: {  	[tilespmem:s15], [sflag:$0x6] =	stream.linear.gather [hbm4b:s11+s4], $0x100, $0x38;
	[tilespmem:$0x1FD00] =	vst v63  }
0x2c: {  	s21 =	simm.s32 $0x600;
	s7 =	rddreg [dreg:$0x1]  }
0x2d: {  	[tilespmem:s21], [sflag:$0x7] =	stream.linear.gather [hbm4b:s12+s4], $0x100, $0x38;
	[tilespmem:$0x1FD00] =	vst v63  }
0x2e: {  	[spmem:s22], [sflag:s13] =	dma.local [hbm:s7], $0x2800  }
0x2f: {  	_ =	swait.ge [sflag:s23], $0x2800  }
0x30: {  	[sflag:s23] =	ssyncset.done $0x0  }
0x31: {  	[sflag:s23] =	ssyncadd.s32 $0xFFFFD800  }
0x32: {  	_ =	swait.ge [sflag:s25], $0x100  }
0x33: {  	[sflag:s25] =	ssyncset.done $0x0  }
0x34: {  	s8 =	simm.s32 $0x900;
	[sflag:s25] =	ssyncadd.s32 $0xFFFFFF00  }
0x35: {  	[tilespmem:s8], [sflag:$0xA] =	stream.indirect.gather [hbm4b:s5+s26], $0x80, s4, s26, $0xb8;
	[tilespmem:$0x1FD00] =	vst v63  }
0x36: {  	_ =	swait.ge [sflag:s29], $0x100  }
0x37: {  	[sflag:s29] =	ssyncset.done $0x0  }
0x38: {  	s9 =	simm.s32 $0x1D00;
	[sflag:s29] =	ssyncadd.s32 $0xFFFFFF00  }
0x39: {  	[tilespmem:s9], [sflag:$0xB] =	stream.indirect.gather [hbm4b:s5+s26], $0x80, s16, s26, $0xb8;
	[tilespmem:$0x1FD00] =	vst v63  }
0x3a: {  	_ =	swait.ge [sflag:s31], $0x100  }
0x3b: {  	[sflag:s31] =	ssyncset.done $0x0  }
0x3c: {  	s10 =	simm.s32 $0x3100;
	[sflag:s31] =	ssyncadd.s32 $0xFFFFFF00  }
0x3d: {  	[tilespmem:s10], [sflag:$0xC] =	stream.indirect.gather [hbm4b:s5+s26], $0x80, s17, s26, $0xb8;
	[tilespmem:$0x1FD00] =	vst v63  }
0x3e: {  	_ =	swait.ge [sflag:s3], $0x100  }
0x3f: {  	[sflag:s3] =	ssyncset.done $0x0  }
0x40: {  	s15 =	simm.s32 $0x4500;
	[sflag:s3] =	ssyncadd.s32 $0xFFFFFF00  }
0x41: {  	[tilespmem:s15], [sflag:$0xD] =	stream.indirect.gather [hbm4b:s5+s26], $0x80, s18, s26, $0xb8;
	[tilespmem:$0x1FD00] =	vst v63  }
0x42: {  	_ =	swait.ge [sflag:s20], $0x100  }
.Ltmp2:
0x43: {  	[sflag:s20] =	ssyncset.done $0x0;
	(pc) =	sbr.rel .LBB2_2-.Ltmp2, $4  }
0x44: {  	s21 =	simm.s32 $0x5900;
	[sflag:s20] =	ssyncadd.s32 $0xFFFFFF00  }
0x45: {  	[tilespmem:s21], [sflag:$0xE] =	stream.indirect.gather [hbm4b:s5+s26], $0x80, s19, s26, $0xb8;
	[tilespmem:$0x1FD00] =	vst v63  }
0x46: {  	[bflag:$0x0] =	sbarrier.arrive $0xFFFF  }
0x47: {  	s15 =	smov.u32 s1;
	s21 =	simm.s32 $0x0  }
.LBB2_4:
0x48: {  	s21 =	sadd.s32 $0x1, s21  }
0x49: {  	p0 =	sne.s32 s21, $0x7D  }
.Ltmp3:
0x4a: {  	_ = 	snop;
	(pc) =	sbr.rel @!p0 .LBB2_5-.Ltmp3, $2  }
0x4b: {  	_ =	sdelay $0x2  }
0x4c: {  	s15 =	sadd.s32 $0x20, s15  }
.LBB2_2:
0x4d: {  	s6 =	smul.u32 $0x39, s21;
	_ =	sdelay $0x1  }
0x4e: {  	s6 =	sshrl.u32 s6, $0x9  }
0x4f: {  	s6 =	sand.u32 $0x7F, s6  }
0x50: {  	p0 =	slt.u32 s21, $0x2;
	s6 =	smul.u32 $0x9, s6  }
0x51: {  	s8 =	sadd.s32 @!p0 $0x7, s21  }
0x52: {  	s10 =	sand.u32 @!p0 $0xFF, s8;
	s6 =	ssub.s32 s21, s6  }
0x53: {  	s10 =	smul.u32 @!p0 $0x39, s10;
	s6 =	sand.u32 $0xFF, s6  }
0x54: {  	s9 =	sadd.s32 $0xA, s6  }
0x55: {  	s10 =	sshrl.u32 @!p0 s10, $0x9;
	s7 =	smul.u32 $0x5000, s6;
	_ =	swait.ge [sflag:s9], $0x1400  }
0x56: {  	p1 =	sgt.u32 @!p0 s21, $0x77;
	s10 =	smul.u32 @!p0 $0x9, s10;
	[sflag:s9] =	ssyncset.done $0x0  }
0x57: {  	s7 =	sshrl.u32 s7, $0x2;
	[sflag:s9] =	ssyncadd.s32 $0xFFFFEC00;
	s9 =	sshll.u32 s6, $0x8  }
0x58: {  	s7 =	sadd.s32 $0x900, s7;
	s6 =	sadd.s32 $0x13, s6;
	s9 =	sor.u32 $0x80, s9  }
0x59: {  	[spmem:s2] =	stream.indirect.scatter.add.f32 [tilespmem:s7], [sflag:s6], $0x80, s9, s26, $0xb8;
	[tilespmem:$0x1FD00] =	vst v63  }
0x5a: {  	p1 =	por p0, !p1;
	s6 =	ssub.s32 @!p0 s8, s10  }
.Ltmp4:
0x5b: {  	s6 =	sand.u32 @!p0 $0xFF, s6;
	(pc) =	sbr.rel @!p1 .LBB2_4-.Ltmp4, $4  }
0x5c: {  	s6 =	sadd.s32 @!p0 $0x13, s6  }
0x5d: {  	_ =	swait.ge @!p0 [sflag:s6], $0x1400  }
0x5e: {  	[sflag:s6] =	ssyncset.done @!p0 $0x0  }
0x5f: {  	[sflag:s6] =	ssyncadd.s32 @!p0 $0xFFFFEC00  }
0x60: {  	s6 =	sadd.s32 $0x5, s21  }
0x61: {  	s7 =	sand.u32 $0xFF, s6  }
0x62: {  	s7 =	smul.u32 $0x39, s7;
	_ =	sdelay $0x1  }
0x63: {  	s7 =	sshrl.u32 s7, $0x9  }
0x64: {  	s7 =	smul.u32 $0x9, s7;
	_ =	sdelay $0x1  }
0x65: {  	s6 =	ssub.s32 s6, s7  }
0x66: {  	p0 =	sgt.u32 s21, $0x75;
	s6 =	sand.u32 $0xFF, s6  }
0x67: {  	s8 =	sadd.s32 @!p0 $0x7, s21;
	s7 =	sadd.s32 $0x1, s6;
	s10 =	smul.u32 $0x5000, s6  }
0x68: {  	s9 =	smul.u32 @!p0 $0x39, s8;
	_ =	swait.ge [sflag:s7], $0x100  }
0x69: {  	[sflag:s7] =	ssyncset.done $0x0;
	s10 =	sshrl.u32 s10, $0x2  }
0x6a: {  	[sflag:s7] =	ssyncadd.s32 $0xFFFFFF00;
	s7 =	sshrl.u32 @!p0 s9, $0x9;
	s9 =	sshll.u32 s6, $0x8  }
0x6b: {  	s10 =	sadd.s32 $0x900, s10;
	s6 =	sadd.s32 $0xA, s6;
	s7 =	sand.u32 @!p0 $0x7F, s7  }
0x6c: {  	[tilespmem:s10], [sflag:s6] =	stream.indirect.gather [hbm4b:s5+s26], $0x80, s9, s26, $0xb8;
	[tilespmem:$0x1FD00] =	vst v63  }
0x6d: {  	s7 =	smul.u32 @!p0 $0x9, s7  }
.Ltmp5:
0x6e: {  	_ = 	snop;
	(pc) =	sbr.rel .LBB2_4-.Ltmp5, $4  }
0x6f: {  	s6 =	ssub.s32 @!p0 s8, s7  }
0x70: {  	s6 =	sand.u32 @!p0 $0xFF, s6  }
0x71: {  	s8 =	simm.s32 @!p0 $0x0;
	s7 =	sshll.u32 @!p0 s6, $0x8;
	s6 =	sadd.s32 @!p0 $0x1, s6  }
0x72: {  	[tilespmem:s7], [sflag:s6] =	stream.linear.gather @!p0 [hbm4b:s15+s8], $0x100, $0x38;
	[tilespmem:$0x1FD00] =	vst v63  }
.LBB2_6:
0x73: {  	_ =	sfence.sel $0x180000  }
0x74: {  	[bflag:$0x0] =	sbarrier.arrive $0xFFFF  }
0x75: {  	_ =	strace $0x90000050  }
0x76: {  	s0 =	stileid.u32;
	[bflag:$0x2] =	sbarrier.arrive $0xFFFF  }
0x77: {  	p0 =	sne.s32 s0, $0x0;
	s0 =	rddreg [dreg:$0x3]  }
0x78: {  	s0 =	sadd.s32 @!p0 $0x100000, s0  }
0x79: {  	[sflag:s0] =	ssyncadd.tile.s32 @!p0 $0x1;
	_ =	shalt  }
.Lfunc_end2:
_tile_overlayer_lowered:
.L_overlay_start_2:
0x7a: {  	(tag) =	ssettag $0x2  }
0x7b: {  	s0 =	rddreg [dreg:$0x0];
	s2 =	stileid.u32  }
0x7c: {  	s1 =	rddreg [dreg:$0x1];
	p0 =	sne.s32 s2, $0x0  }
0x7d: {  	s3 =	rddreg [dreg:$0x2];
	[bflag:$0x3] =	sbarrier.arrive $0xFFFF;
	s2 =	simm.s32 @!p0 $0x1C1C  }
0x7e: {  	[timem:s3], [sflag:s2] =	dma.local @!p0 [hbm:s0], s1  }
0x7f: {  	s0 =	simm.s32 @!p0 $0x1C  }
0x80: {  	_ =	swait.ge @!p0 [sflag:s0], s1  }
0x81: {  	s1 =	ssub.s32 @!p0 $0x0, s1;
	[sflag:s0] =	ssyncset.done @!p0 $0x0  }
0x82: {  	[sflag:s0] =	ssyncadd.s32 @!p0 s1  }
0x83: {  	[bflag:$0x3] =	sbarrier.arrive $0xFFFF  }
0x84: {  	_ =	shalt  }

</sc_bundles>
